<compile_context>
chip_gen: v7x
topology: tpu7x:2x2x1
jax: 0.10.2.dev20260603
libtpu: 0.0.44.dev20260713+nightly
codegen_flags: <defaults>
</compile_context>

<pallas_src>
import functools

import jax
import jax.numpy as jnp
from jax import lax
from jax.experimental import pallas as pl
from jax.experimental.pallas import tpu as pltpu
from jax.experimental.pallas import tpu_sc as plsc

N = 10000
E = 320000
D = 128
R = 2

NC = 2
NS = 16
NW = NC * NS
EPW = E // NW
CH = 80
NCH = EPW // CH
STRIPE = 632

_mesh = plsc.VectorSubcoreMesh(core_axis_name="c", subcore_axis_name="s")


def _make_sc_dual(rel_b: bool):

    scratch = [
        pltpu.VMEM((EPW,), jnp.int32),
        pltpu.VMEM((NCH, CH), jnp.int32),
        pltpu.VMEM((CH, D), jnp.float32),
        pltpu.VMEM((CH, D), jnp.float32),
        pltpu.VMEM_SHARED((N, D), jnp.float32),
        pltpu.SemaphoreType.DMA,
        pltpu.SemaphoreType.DMA,
        pltpu.SemaphoreType.DMA,
    ]

    def body(*refs):
        if rel_b:
            (tab_a, src_a, dst_a, tab_b, src_b, et_b, dst_b, zero_h, out_h,
             gi_v, dst2d, rows_0, rows_1, acc,
             sem_bulk, sem_g0, sem_g1) = refs
        else:
            (tab_a, src_a, dst_a, tab_b, src_b, dst_b, zero_h, out_h,
             gi_v, dst2d, rows_0, rows_1, acc,
             sem_bulk, sem_g0, sem_g1) = refs
        cid = lax.axis_index("c")
        sid = lax.axis_index("s")

        def prologue(src_h, et_h, dst_h, blk):
            base = pl.multiple_of(blk * EPW, 8)
            pltpu.async_copy(src_h.at[pl.ds(base, EPW)], gi_v, sem_bulk).wait()
            if et_h is not None:
                pltpu.sync_copy(et_h.at[blk], dst2d)

                @pl.loop(0, NCH)
                def _(r):
                    for c in range(CH // 16):
                        sl = pl.ds(pl.multiple_of(r * CH + c * 16, 16), 16)
                        gi_v[sl] = gi_v[sl] + dst2d[r, pl.ds(c * 16, 16)] * jnp.int32(N)

            pltpu.sync_copy(dst_h.at[blk], dst2d)

        def main_loop(tab):
            def gather(j, rows, sem):
                off = pl.multiple_of(j * CH, 8)
                pltpu.async_copy(tab.at[gi_v.at[pl.ds(off, CH)]], rows, sem)

            def gwait(rows, sem):
                pltpu.make_async_copy(tab.at[gi_v.at[pl.ds(0, CH)]], rows, sem).wait()

            def scatter(rows, j):
                pltpu.sync_copy(rows, acc.at[dst2d.at[j]], add=True)

            gather(0, rows_0, sem_g0)

            @pl.loop(0, NCH - 1, step=2)
            def _(j):
                gather(j + 1, rows_1, sem_g1)
                gwait(rows_0, sem_g0)
                scatter(rows_0, j)
                gather(j + 2, rows_0, sem_g0)
                gwait(rows_1, sem_g1)
                scatter(rows_1, j + 1)

            gwait(rows_0, sem_g0)
            scatter(rows_0, NCH - 1)

        def run(tab, src_h, et_h, dst_h, first: bool):
            if not first:
                prologue(src_h, et_h, dst_h, sid * 2)
            main_loop(tab)
            prologue(src_h, et_h, dst_h, sid * 2 + 1)
            main_loop(tab)

        eb = et_b if rel_b else None

        @pl.when(cid == 0)
        def _():
            prologue(src_a, None, dst_a, sid * 2)

        @pl.when(cid == 1)
        def _():
            prologue(src_b, eb, dst_b, sid * 2)

        @pl.when(sid < NS - 1)
        def _():
            r0 = pl.multiple_of(sid * STRIPE, 8)
            pltpu.sync_copy(zero_h.at[pl.ds(r0, STRIPE)],
                            acc.at[pl.ds(r0, STRIPE)])

        @pl.when(sid == NS - 1)
        def _():
            r0 = (NS - 1) * STRIPE
            pltpu.sync_copy(zero_h.at[pl.ds(r0, N - r0)],
                            acc.at[pl.ds(r0, N - r0)])

        plsc.subcore_barrier()

        @pl.when(cid == 0)
        def _():
            run(tab_a, src_a, None, dst_a, first=True)

        @pl.when(cid == 1)
        def _():
            run(tab_b, src_b, eb, dst_b, first=True)

        plsc.subcore_barrier()

        @pl.when(sid < NS - 1)
        def _():
            r0 = pl.multiple_of(sid * STRIPE, 8)
            pltpu.sync_copy(acc.at[pl.ds(r0, STRIPE)],
                            out_h.at[cid].at[pl.ds(r0, STRIPE)])

        @pl.when(sid == NS - 1)
        def _():
            r0 = (NS - 1) * STRIPE
            pltpu.sync_copy(acc.at[pl.ds(r0, N - r0)],
                            out_h.at[cid].at[pl.ds(r0, N - r0)])

    return functools.partial(
        pl.kernel, mesh=_mesh,
        out_type=jax.ShapeDtypeStruct((NC, N, D), jnp.float32),
        scratch_types=scratch,
    )(body)


_sc_dual = _make_sc_dual(rel_b=False)
_sc_dual_rel = _make_sc_dual(rel_b=True)



def _dot(a, b):
    return lax.dot_general(a, b, (((1,), (0,)), ((), ())),
                           preferred_element_type=jnp.float32,
                           precision=lax.Precision.DEFAULT)


BN = 2000
_GRID = (N // BN,)

_b_rows = pl.BlockSpec((BN, D), lambda i: (i, 0))
_b_parts = pl.BlockSpec((NC, BN, D), lambda i: (0, i, 0))
_b_w = pl.BlockSpec((D, D), lambda i: (0, 0))
_b_wr = pl.BlockSpec((R, D, D), lambda i: (0, 0, 0))
_b_bias = pl.BlockSpec((1, D), lambda i: (0, 0))
_b_trows = pl.BlockSpec((R, BN, D), lambda i: (0, i, 0))


def _b_part(k):
    return pl.BlockSpec((1, BN, D), lambda i: (k, i, 0))


def _tc_mm_tanh(parts, k, W, b):
    def body(p_ref, w_ref, b_ref, o_ref):
        o_ref[...] = jnp.tanh(_dot(p_ref[0], w_ref[...]) + b_ref[...])
    return pl.pallas_call(
        body, grid=_GRID,
        in_specs=[_b_part(k), _b_w, _b_bias],
        out_specs=_b_rows,
        out_shape=jax.ShapeDtypeStruct((N, D), jnp.float32),
    )(parts, W, b.reshape(1, D))


def _tc_rgcn_mid(parts, S1, b_r1, W_rel2, W_self2):
    def body(p_ref, s1_ref, br_ref, wr_ref, ws_ref, t_ref, s2_ref):
        r = jnp.tanh(p_ref[0] + s1_ref[...] + br_ref[...])
        t_ref[0] = _dot(r, wr_ref[0])
        t_ref[1] = _dot(r, wr_ref[1])
        s2_ref[...] = _dot(r, ws_ref[...])
    return pl.pallas_call(
        body, grid=_GRID,
        in_specs=[_b_part(1), _b_rows, _b_bias, _b_wr, _b_w],
        out_specs=(_b_trows, _b_rows),
        out_shape=(jax.ShapeDtypeStruct((R, N, D), jnp.float32),
                   jax.ShapeDtypeStruct((N, D), jnp.float32)),
    )(parts, S1, b_r1.reshape(1, D), W_rel2, W_self2)


def _tc_add_tanh(parts, S2, b_r2):
    def body(p_ref, s2_ref, br_ref, o_ref):
        o_ref[...] = jnp.tanh(p_ref[0] + s2_ref[...] + br_ref[...])
    return pl.pallas_call(
        body, grid=_GRID,
        in_specs=[_b_part(1), _b_rows, _b_bias],
        out_specs=_b_rows,
        out_shape=jax.ShapeDtypeStruct((N, D), jnp.float32),
    )(parts, S2, b_r2.reshape(1, D))


def _tc_rgcn_prep(x, W_rel, W_self):
    def body(x_ref, wr_ref, ws_ref, t_ref, s_ref):
        xv = x_ref[...]
        t_ref[0] = _dot(xv, wr_ref[0])
        t_ref[1] = _dot(xv, wr_ref[1])
        s_ref[...] = _dot(xv, ws_ref[...])
    return pl.pallas_call(
        body, grid=_GRID,
        in_specs=[_b_rows, _b_wr, _b_w],
        out_specs=(_b_trows, _b_rows),
        out_shape=(jax.ShapeDtypeStruct((R, N, D), jnp.float32),
                   jax.ShapeDtypeStruct((N, D), jnp.float32)),
    )(x, W_rel, W_self)


def kernel(node_ids, edge_index_l, edge_index_bi, etypes, edge_index_h,
           emb_table, W_g1, b_g1, W_g2, b_g2,
           W_rel1, W_self1, b_r1, W_rel2, W_self2, b_r2,
           W_h1, b_h1, W_h2, b_h2):
    emb = emb_table
    zeros = jnp.zeros((N, D), jnp.float32)
    src_l, dst_l = edge_index_l[0], edge_index_l[1].reshape(NW, NCH, CH)
    src_b, dst_b = edge_index_bi[0], edge_index_bi[1].reshape(NW, NCH, CH)
    src_h, dst_h = edge_index_h[0], edge_index_h[1].reshape(NW, NCH, CH)
    et3 = etypes.reshape(NW, NCH, CH)

    o1 = _sc_dual(emb, src_l, dst_l, emb, src_h, dst_h, zeros)
    T1, S1 = _tc_rgcn_prep(emb, W_rel1, W_self1)
    h1 = _tc_mm_tanh(o1, 0, W_g1, b_g1)

    o2 = _sc_dual_rel(h1, src_l, dst_l, T1.reshape(R * N, D),
                      src_b, et3, dst_b, zeros)
    g1 = _tc_mm_tanh(o1, 1, W_h1, b_h1)
    T2, S2 = _tc_rgcn_mid(o2, S1, b_r1, W_rel2, W_self2)

    o3 = _sc_dual_rel(g1, src_h, dst_h, T2.reshape(R * N, D),
                      src_b, et3, dst_b, zeros)
    hcf = _tc_mm_tanh(o2, 0, W_g2, b_g2)
    hs = _tc_mm_tanh(o3, 0, W_h2, b_h2)
    hc = _tc_add_tanh(o3, S2, b_r2)
    return (hcf, hc, hs)

# --- scband reference (transcript-rebuilt; emitter-appended) ---
"""Pipeline reference for scband-csnet-model-3418793968216 (READ-ONLY COPY).

The authoritative reference and input builder live on the scoring server;
editing this copy changes nothing except your own understanding.
"""

import jax, jax.numpy as jnp
import numpy as np

N = 10000
E = 320000
D_IN = 128
D_HID = 128
D_OUT = 128
R = 2  # len(rel_names) * 2 = 2 etypes


def setup_inputs(seed: int = 0) -> dict:
    key = jax.random.key(seed)
    ks = jax.random.split(key, 24)
    inp = {}
    # graph structure / indices (int constants)
    inp["node_ids"] = jnp.arange(N, dtype=jnp.int32)
    inp["edge_index_l"] = jax.random.randint(ks[0], (2, E), 0, N, dtype=jnp.int32)
    inp["edge_index_bi"] = jax.random.randint(ks[1], (2, E), 0, N, dtype=jnp.int32)
    inp["etypes"] = jax.random.randint(ks[2], (E,), 0, R, dtype=jnp.int32)
    inp["edge_index_h"] = jax.random.randint(ks[3], (2, E), 0, N, dtype=jnp.int32)
    # learned params
    s = 1.0 / np.sqrt(D_IN)
    inp["emb_table"] = jax.random.normal(ks[4], (N, D_IN), dtype=jnp.float32)
    # GCN branch (lmfg)
    inp["W_g1"] = jax.random.normal(ks[5], (D_IN, D_HID), dtype=jnp.float32) * s
    inp["b_g1"] = jnp.zeros((D_HID,), dtype=jnp.float32)
    inp["W_g2"] = jax.random.normal(ks[6], (D_HID, D_OUT), dtype=jnp.float32) * s
    inp["b_g2"] = jnp.zeros((D_OUT,), dtype=jnp.float32)
    # RGCN branch (bimfg)
    inp["W_rel1"] = jax.random.normal(ks[7], (R, D_IN, D_HID), dtype=jnp.float32) * s
    inp["W_self1"] = jax.random.normal(ks[8], (D_IN, D_HID), dtype=jnp.float32) * s
    inp["b_r1"] = jnp.zeros((D_HID,), dtype=jnp.float32)
    inp["W_rel2"] = jax.random.normal(ks[9], (R, D_HID, D_OUT), dtype=jnp.float32) * s
    inp["W_self2"] = jax.random.normal(ks[10], (D_HID, D_OUT), dtype=jnp.float32) * s
    inp["b_r2"] = jnp.zeros((D_OUT,), dtype=jnp.float32)
    # Hetero branch (mfg, single rel 'comp', aggregate='mean' over 1 rel = identity)
    inp["W_h1"] = jax.random.normal(ks[11], (D_IN, D_HID), dtype=jnp.float32) * s
    inp["b_h1"] = jnp.zeros((D_HID,), dtype=jnp.float32)
    inp["W_h2"] = jax.random.normal(ks[12], (D_HID, D_OUT), dtype=jnp.float32) * s
    inp["b_h2"] = jnp.zeros((D_OUT,), dtype=jnp.float32)
    return inp


def _gconv(x, ei, W, b):
    # DGL GraphConv with norm='none': h_dst = tanh(sum_{src->dst} x_src @ W + b)
    agg = jax.ops.segment_sum(x[ei[0]], ei[1], num_segments=N)
    return jnp.tanh(agg @ W + b)


def _rgconv(x, ei, et, W_rel, W_self, b):
    # DGL RelGraphConv (eval mode, dropout inactive):
    # h_dst = tanh(sum_{src->dst} x_src @ W[etype] + x_dst @ W_self + b)
    xW = jnp.einsum('nd,rdh->nrh', x, W_rel)
    msg = xW[ei[0], et]
    agg = jax.ops.segment_sum(msg, ei[1], num_segments=N)
    return jnp.tanh(agg + x @ W_self + b)


def reference(node_ids, edge_index_l, edge_index_bi, etypes, edge_index_h,
              emb_table, W_g1, b_g1, W_g2, b_g2,
              W_rel1, W_self1, b_r1, W_rel2, W_self2, b_r2,
              W_h1, b_h1, W_h2, b_h2):
    emb = jax.lax.stop_gradient(emb_table[node_ids])  # .detach()
    # GCN branch (hcf)
    h = _gconv(emb, edge_index_l, W_g1, b_g1)
    hcf = _gconv(h, edge_index_l, W_g2, b_g2)
    # RGCN branch (hc)
    h = _rgconv(emb, edge_index_bi, etypes, W_rel1, W_self1, b_r1)
    hc = _rgconv(h, edge_index_bi, etypes, W_rel2, W_self2, b_r2)
    # Hetero branch (hs): single relation 'comp', mean over 1 relation = GraphConv
    h = _gconv(emb, edge_index_h, W_h1, b_h1)
    hs = _gconv(h, edge_index_h, W_h2, b_h2)
    return (hcf, hc, hs)

if __name__ == "__main__":
    import jax
    _d = setup_inputs()
    print(jax.jit(kernel)(*tuple(_d.values())))

</pallas_src>

<mosaic_0001>
#map = affine_map<(d0, d1) -> (0, 0)>
#map1 = affine_map<(d0, d1) -> (0)>
#map2 = affine_map<(d0, d1) -> (0, 0, 0)>
module attributes {stable_mosaic.version = 14 : i64} {
  func.func @body(%arg0: i32, %arg1: i32, %arg2: memref<10000x128xf32, #tpu.memory_space<hbm>>, %arg3: memref<320000xi32, #tpu.memory_space<hbm>>, %arg4: memref<32x125x80xi32, #tpu.memory_space<hbm>>, %arg5: memref<20000x128xf32, #tpu.memory_space<hbm>>, %arg6: memref<320000xi32, #tpu.memory_space<hbm>>, %arg7: memref<32x125x80xi32, #tpu.memory_space<hbm>>, %arg8: memref<32x125x80xi32, #tpu.memory_space<hbm>>, %arg9: memref<10000x128xf32, #tpu.memory_space<hbm>>, %arg10: memref<2x10000x128xf32, #tpu.memory_space<hbm>>, %arg11: memref<10000xi32, #tpu.memory_space<vmem>>, %arg12: memref<125x80xi32, #tpu.memory_space<vmem>>, %arg13: memref<80x128xf32, #tpu.memory_space<vmem>>, %arg14: memref<80x128xf32, #tpu.memory_space<vmem>>, %arg15: memref<10000x128xf32, #tpu.memory_space<vmem_shared>>, %arg16: memref<!tpu.dma_semaphore, #tpu.memory_space<semaphore_mem>>, %arg17: memref<!tpu.dma_semaphore, #tpu.memory_space<semaphore_mem>>, %arg18: memref<!tpu.dma_semaphore, #tpu.memory_space<semaphore_mem>>) attributes {dimension_semantics = [#tpu.dimension_semantics<core_parallel>, #tpu.dimension_semantics<subcore_parallel>], iteration_bounds = array<i64: 2, 16>, scalar_prefetch = 0 : i64, scratch_operands = 8 : i64, tpu.core_type = #tpu.core_type<sc_vector_subcore>, window_params = [{transform_indices = #map}, {transform_indices = #map1}, {transform_indices = #map2}, {transform_indices = #map}, {transform_indices = #map1}, {transform_indices = #map2}, {transform_indices = #map2}, {transform_indices = #map}, {transform_indices = #map2}]} {
    %eq3A = arith.constant 0 : i32
    %eq3A_0 = arith.cmpi eq, %arg0, %eq3A : i32
    %convert_element_type3A = arith.extui %eq3A_0 : i1 to i32
    %cond3A = arith.constant 0 : i32
    %cond3A_1 = arith.cmpi ne, %convert_element_type3A, %cond3A : i32
    scf.if %cond3A_1 {
      %mul3A = arith.constant 2 : i32
      %mul3A_37 = arith.muli %arg1, %mul3A : i32
      %mul3A_38 = arith.constant 10000 : i32
      %mul3A_39 = arith.muli %mul3A_37, %mul3A_38 : i32
      %multiple_of3A = tpu.assume_multiple %mul3A_39, 8 : i32
      %dma_start3A = tpu.memref_slice %arg3[%multiple_of3A] : memref<320000xi32, #tpu.memory_space<hbm>> -> memref<10000xi32, #tpu.memory_space<hbm>>
      %dma_start3A_40 = tpu.memref_slice %arg3[%multiple_of3A] : memref<320000xi32, #tpu.memory_space<hbm>> -> memref<10000xi32, #tpu.memory_space<hbm>>
      tpu.enqueue_dma source(%dma_start3A_40 : memref<10000xi32, #tpu.memory_space<hbm>>) target(%arg11 : memref<10000xi32, #tpu.memory_space<vmem>>) target_semaphore(%arg16 : memref<!tpu.dma_semaphore, #tpu.memory_space<semaphore_mem>>)
      %dma_wait3A = tpu.memref_slice %arg3[%multiple_of3A] : memref<320000xi32, #tpu.memory_space<hbm>> -> memref<10000xi32, #tpu.memory_space<hbm>>
      %dma_wait3A_41 = tpu.memref_slice %arg3[%multiple_of3A] : memref<320000xi32, #tpu.memory_space<hbm>> -> memref<10000xi32, #tpu.memory_space<hbm>>
      tpu.wait_dma2 semaphore(%arg16 : memref<!tpu.dma_semaphore, #tpu.memory_space<semaphore_mem>>) src(%dma_wait3A_41 : memref<10000xi32, #tpu.memory_space<hbm>>) dst(%arg11 : memref<10000xi32, #tpu.memory_space<vmem>>)
      "tpu.region"() ({
        %run_scoped3A = tpu.sem_alloc : memref<!tpu.dma_semaphore, #tpu.memory_space<semaphore_mem>>
        %dma_start3A_42 = arith.constant 0 : i32
        %dma_start3A_43 = arith.constant 0 : i32
        %dma_start3A_44 = tpu.memref_slice %arg4[%mul3A_37, %dma_start3A_42, %dma_start3A_43] : memref<32x125x80xi32, #tpu.memory_space<hbm>> -> memref<1x125x80xi32, #tpu.memory_space<hbm>>
        %dma_start3A_45 = tpu.memref_squeeze %dma_start3A_44 : memref<1x125x80xi32, #tpu.memory_space<hbm>> -> memref<125x80xi32, #tpu.memory_space<hbm>>
        %dma_start3A_46 = arith.constant 0 : i32
        %dma_start3A_47 = arith.constant 0 : i32
        %dma_start3A_48 = tpu.memref_slice %arg4[%mul3A_37, %dma_start3A_46, %dma_start3A_47] : memref<32x125x80xi32, #tpu.memory_space<hbm>> -> memref<1x125x80xi32, #tpu.memory_space<hbm>>
        %dma_start3A_49 = tpu.memref_squeeze %dma_start3A_48 : memref<1x125x80xi32, #tpu.memory_space<hbm>> -> memref<125x80xi32, #tpu.memory_space<hbm>>
        tpu.enqueue_dma source(%dma_start3A_49 : memref<125x80xi32, #tpu.memory_space<hbm>>) target(%arg12 : memref<125x80xi32, #tpu.memory_space<vmem>>) target_semaphore(%run_scoped3A : memref<!tpu.dma_semaphore, #tpu.memory_space<semaphore_mem>>)
        %dma_wait3A_50 = arith.constant 0 : i32
        %dma_wait3A_51 = arith.constant 0 : i32
        %dma_wait3A_52 = tpu.memref_slice %arg4[%mul3A_37, %dma_wait3A_50, %dma_wait3A_51] : memref<32x125x80xi32, #tpu.memory_space<hbm>> -> memref<1x125x80xi32, #tpu.memory_space<hbm>>
        %dma_wait3A_53 = tpu.memref_squeeze %dma_wait3A_52 : memref<1x125x80xi32, #tpu.memory_space<hbm>> -> memref<125x80xi32, #tpu.memory_space<hbm>>
        %dma_wait3A_54 = arith.constant 0 : i32
        %dma_wait3A_55 = arith.constant 0 : i32
        %dma_wait3A_56 = tpu.memref_slice %arg4[%mul3A_37, %dma_wait3A_54, %dma_wait3A_55] : memref<32x125x80xi32, #tpu.memory_space<hbm>> -> memref<1x125x80xi32, #tpu.memory_space<hbm>>
        %dma_wait3A_57 = tpu.memref_squeeze %dma_wait3A_56 : memref<1x125x80xi32, #tpu.memory_space<hbm>> -> memref<125x80xi32, #tpu.memory_space<hbm>>
        tpu.wait_dma2 semaphore(%run_scoped3A : memref<!tpu.dma_semaphore, #tpu.memory_space<semaphore_mem>>) src(%dma_wait3A_57 : memref<125x80xi32, #tpu.memory_space<hbm>>) dst(%arg12 : memref<125x80xi32, #tpu.memory_space<vmem>>)
        tpu.yield
      }) : () -> ()
    } else {
    }
    %eq3A_2 = arith.constant 1 : i32
    %eq3A_3 = arith.cmpi eq, %arg0, %eq3A_2 : i32
    %convert_element_type3A_4 = arith.extui %eq3A_3 : i1 to i32
    %cond3A_5 = arith.constant 0 : i32
    %cond3A_6 = arith.cmpi ne, %convert_element_type3A_4, %cond3A_5 : i32
    scf.if %cond3A_6 {
      %mul3A = arith.constant 2 : i32
      %mul3A_37 = arith.muli %arg1, %mul3A : i32
      %mul3A_38 = arith.constant 10000 : i32
      %mul3A_39 = arith.muli %mul3A_37, %mul3A_38 : i32
      %multiple_of3A = tpu.assume_multiple %mul3A_39, 8 : i32
      %dma_start3A = tpu.memref_slice %arg6[%multiple_of3A] : memref<320000xi32, #tpu.memory_space<hbm>> -> memref<10000xi32, #tpu.memory_space<hbm>>
      %dma_start3A_40 = tpu.memref_slice %arg6[%multiple_of3A] : memref<320000xi32, #tpu.memory_space<hbm>> -> memref<10000xi32, #tpu.memory_space<hbm>>
      tpu.enqueue_dma source(%dma_start3A_40 : memref<10000xi32, #tpu.memory_space<hbm>>) target(%arg11 : memref<10000xi32, #tpu.memory_space<vmem>>) target_semaphore(%arg16 : memref<!tpu.dma_semaphore, #tpu.memory_space<semaphore_mem>>)
      %dma_wait3A = tpu.memref_slice %arg6[%multiple_of3A] : memref<320000xi32, #tpu.memory_space<hbm>> -> memref<10000xi32, #tpu.memory_space<hbm>>
      %dma_wait3A_41 = tpu.memref_slice %arg6[%multiple_of3A] : memref<320000xi32, #tpu.memory_space<hbm>> -> memref<10000xi32, #tpu.memory_space<hbm>>
      tpu.wait_dma2 semaphore(%arg16 : memref<!tpu.dma_semaphore, #tpu.memory_space<semaphore_mem>>) src(%dma_wait3A_41 : memref<10000xi32, #tpu.memory_space<hbm>>) dst(%arg11 : memref<10000xi32, #tpu.memory_space<vmem>>)
      "tpu.region"() ({
        %run_scoped3A = tpu.sem_alloc : memref<!tpu.dma_semaphore, #tpu.memory_space<semaphore_mem>>
        %dma_start3A_46 = arith.constant 0 : i32
        %dma_start3A_47 = arith.constant 0 : i32
        %dma_start3A_48 = tpu.memref_slice %arg7[%mul3A_37, %dma_start3A_46, %dma_start3A_47] : memref<32x125x80xi32, #tpu.memory_space<hbm>> -> memref<1x125x80xi32, #tpu.memory_space<hbm>>
        %dma_start3A_49 = tpu.memref_squeeze %dma_start3A_48 : memref<1x125x80xi32, #tpu.memory_space<hbm>> -> memref<125x80xi32, #tpu.memory_space<hbm>>
        %dma_start3A_50 = arith.constant 0 : i32
        %dma_start3A_51 = arith.constant 0 : i32
        %dma_start3A_52 = tpu.memref_slice %arg7[%mul3A_37, %dma_start3A_50, %dma_start3A_51] : memref<32x125x80xi32, #tpu.memory_space<hbm>> -> memref<1x125x80xi32, #tpu.memory_space<hbm>>
        %dma_start3A_53 = tpu.memref_squeeze %dma_start3A_52 : memref<1x125x80xi32, #tpu.memory_space<hbm>> -> memref<125x80xi32, #tpu.memory_space<hbm>>
        tpu.enqueue_dma source(%dma_start3A_53 : memref<125x80xi32, #tpu.memory_space<hbm>>) target(%arg12 : memref<125x80xi32, #tpu.memory_space<vmem>>) target_semaphore(%run_scoped3A : memref<!tpu.dma_semaphore, #tpu.memory_space<semaphore_mem>>)
        %dma_wait3A_54 = arith.constant 0 : i32
        %dma_wait3A_55 = arith.constant 0 : i32
        %dma_wait3A_56 = tpu.memref_slice %arg7[%mul3A_37, %dma_wait3A_54, %dma_wait3A_55] : memref<32x125x80xi32, #tpu.memory_space<hbm>> -> memref<1x125x80xi32, #tpu.memory_space<hbm>>
        %dma_wait3A_57 = tpu.memref_squeeze %dma_wait3A_56 : memref<1x125x80xi32, #tpu.memory_space<hbm>> -> memref<125x80xi32, #tpu.memory_space<hbm>>
        %dma_wait3A_58 = arith.constant 0 : i32
        %dma_wait3A_59 = arith.constant 0 : i32
        %dma_wait3A_60 = tpu.memref_slice %arg7[%mul3A_37, %dma_wait3A_58, %dma_wait3A_59] : memref<32x125x80xi32, #tpu.memory_space<hbm>> -> memref<1x125x80xi32, #tpu.memory_space<hbm>>
        %dma_wait3A_61 = tpu.memref_squeeze %dma_wait3A_60 : memref<1x125x80xi32, #tpu.memory_space<hbm>> -> memref<125x80xi32, #tpu.memory_space<hbm>>
        tpu.wait_dma2 semaphore(%run_scoped3A : memref<!tpu.dma_semaphore, #tpu.memory_space<semaphore_mem>>) src(%dma_wait3A_61 : memref<125x80xi32, #tpu.memory_space<hbm>>) dst(%arg12 : memref<125x80xi32, #tpu.memory_space<vmem>>)
        tpu.yield
      }) : () -> ()
      %scan3A = arith.constant 0 : i32
      %scan3A_42 = arith.constant 125 : i32
      %scan3A_43 = arith.addi %scan3A, %scan3A_42 : i32
      %scan3A_44 = arith.constant 1 : i32
      scf.for %scan3A_46 = %scan3A to %scan3A_43 step %scan3A_44  : i32 {
        %mul3A_47 = arith.constant 1 : i32
        %mul3A_48 = arith.muli %scan3A_46, %mul3A_47 : i32
        %add3A = arith.constant 0 : i32
        %add3A_49 = arith.addi %add3A, %mul3A_48 : i32
        %mul3A_50 = arith.constant 80 : i32
        %mul3A_51 = arith.muli %add3A_49, %mul3A_50 : i32
        %add3A_52 = arith.constant 0 : i32
        %add3A_53 = arith.addi %mul3A_51, %add3A_52 : i32
        %multiple_of3A_54 = tpu.assume_multiple %add3A_53, 16 : i32
        %get3A = arith.index_cast %multiple_of3A_54 : i32 to index
        %get3A_55 = tpu.vector_load %arg11[%get3A] {strides = array<i32>} : memref<10000xi32, #tpu.memory_space<vmem>>, vector<16xi32>,
        %get3A_56 = vector.shape_cast %get3A_55 : vector<16xi32> to vector<16xi32>
        %get3A_57 = arith.index_cast %add3A_49 : i32 to index
        %get3A_58 = arith.constant 0 : index
        %get3A_59 = tpu.vector_load %arg12[%get3A_57, %get3A_58] {strides = array<i32>} : memref<125x80xi32, #tpu.memory_space<vmem>>, vector<1x16xi32>,
        %get3A_60 = vector.shape_cast %get3A_59 : vector<1x16xi32> to vector<16xi32>
        %mul3A_61 = arith.constant 10000 : i32
        %mul3A_62 = vector.broadcast %mul3A_61 : i32 to vector<16xi32>
        %mul3A_63 = arith.muli %get3A_60, %mul3A_62 : vector<16xi32>
        %add3A_64 = arith.addi %get3A_56, %mul3A_63 : vector<16xi32>
        %swap3A = arith.index_cast %multiple_of3A_54 : i32 to index
        %swap3A_65 = tpu.vector_load %arg11[%swap3A] {strides = array<i32>} : memref<10000xi32, #tpu.memory_space<vmem>>, vector<16xi32>,
        %swap3A_66 = vector.shape_cast %swap3A_65 : vector<16xi32> to vector<16xi32>
        %swap3A_67 = vector.shape_cast %add3A_64 : vector<16xi32> to vector<16xi32>
        tpu.vector_store %arg11[%swap3A], %swap3A_67 {strides = array<i32>} : memref<10000xi32, #tpu.memory_space<vmem>>, vector<16xi32>,
        %mul3A_68 = arith.constant 80 : i32
        %mul3A_69 = arith.muli %add3A_49, %mul3A_68 : i32
        %add3A_70 = arith.constant 16 : i32
        %add3A_71 = arith.addi %mul3A_69, %add3A_70 : i32
        %multiple_of3A_72 = tpu.assume_multiple %add3A_71, 16 : i32
        %get3A_73 = arith.index_cast %multiple_of3A_72 : i32 to index
        %get3A_74 = tpu.vector_load %arg11[%get3A_73] {strides = array<i32>} : memref<10000xi32, #tpu.memory_space<vmem>>, vector<16xi32>,
        %get3A_75 = vector.shape_cast %get3A_74 : vector<16xi32> to vector<16xi32>
        %get3A_76 = arith.index_cast %add3A_49 : i32 to index
        %get3A_77 = arith.constant 16 : index
        %get3A_78 = tpu.vector_load %arg12[%get3A_76, %get3A_77] {strides = array<i32>} : memref<125x80xi32, #tpu.memory_space<vmem>>, vector<1x16xi32>,
        %get3A_79 = vector.shape_cast %get3A_78 : vector<1x16xi32> to vector<16xi32>
        %mul3A_80 = arith.constant 10000 : i32
        %mul3A_81 = vector.broadcast %mul3A_80 : i32 to vector<16xi32>
        %mul3A_82 = arith.muli %get3A_79, %mul3A_81 : vector<16xi32>
        %add3A_83 = arith.addi %get3A_75, %mul3A_82 : vector<16xi32>
        %swap3A_84 = arith.index_cast %multiple_of3A_72 : i32 to index
        %swap3A_85 = tpu.vector_load %arg11[%swap3A_84] {strides = array<i32>} : memref<10000xi32, #tpu.memory_space<vmem>>, vector<16xi32>,
        %swap3A_86 = vector.shape_cast %swap3A_85 : vector<16xi32> to vector<16xi32>
        %swap3A_87 = vector.shape_cast %add3A_83 : vector<16xi32> to vector<16xi32>
        tpu.vector_store %arg11[%swap3A_84], %swap3A_87 {strides = array<i32>} : memref<10000xi32, #tpu.memory_space<vmem>>, vector<16xi32>,
        %mul3A_88 = arith.constant 80 : i32
        %mul3A_89 = arith.muli %add3A_49, %mul3A_88 : i32
        %add3A_90 = arith.constant 32 : i32
        %add3A_91 = arith.addi %mul3A_89, %add3A_90 : i32
        %multiple_of3A_92 = tpu.assume_multiple %add3A_91, 16 : i32
        %get3A_93 = arith.index_cast %multiple_of3A_92 : i32 to index
        %get3A_94 = tpu.vector_load %arg11[%get3A_93] {strides = array<i32>} : memref<10000xi32, #tpu.memory_space<vmem>>, vector<16xi32>,
        %get3A_95 = vector.shape_cast %get3A_94 : vector<16xi32> to vector<16xi32>
        %get3A_96 = arith.index_cast %add3A_49 : i32 to index
        %get3A_97 = arith.constant 32 : index
        %get3A_98 = tpu.vector_load %arg12[%get3A_96, %get3A_97] {strides = array<i32>} : memref<125x80xi32, #tpu.memory_space<vmem>>, vector<1x16xi32>,
        %get3A_99 = vector.shape_cast %get3A_98 : vector<1x16xi32> to vector<16xi32>
        %mul3A_100 = arith.constant 10000 : i32
        %mul3A_101 = vector.broadcast %mul3A_100 : i32 to vector<16xi32>
        %mul3A_102 = arith.muli %get3A_99, %mul3A_101 : vector<16xi32>
        %add3A_103 = arith.addi %get3A_95, %mul3A_102 : vector<16xi32>
        %swap3A_104 = arith.index_cast %multiple_of3A_92 : i32 to index
        %swap3A_105 = tpu.vector_load %arg11[%swap3A_104] {strides = array<i32>} : memref<10000xi32, #tpu.memory_space<vmem>>, vector<16xi32>,
        %swap3A_106 = vector.shape_cast %swap3A_105 : vector<16xi32> to vector<16xi32>
        %swap3A_107 = vector.shape_cast %add3A_103 : vector<16xi32> to vector<16xi32>
        tpu.vector_store %arg11[%swap3A_104], %swap3A_107 {strides = array<i32>} : memref<10000xi32, #tpu.memory_space<vmem>>, vector<16xi32>,
        %mul3A_108 = arith.constant 80 : i32
        %mul3A_109 = arith.muli %add3A_49, %mul3A_108 : i32
        %add3A_110 = arith.constant 48 : i32
        %add3A_111 = arith.addi %mul3A_109, %add3A_110 : i32
        %multiple_of3A_112 = tpu.assume_multiple %add3A_111, 16 : i32
        %get3A_113 = arith.index_cast %multiple_of3A_112 : i32 to index
        %get3A_114 = tpu.vector_load %arg11[%get3A_113] {strides = array<i32>} : memref<10000xi32, #tpu.memory_space<vmem>>, vector<16xi32>,
        %get3A_115 = vector.shape_cast %get3A_114 : vector<16xi32> to vector<16xi32>
        %get3A_116 = arith.index_cast %add3A_49 : i32 to index
        %get3A_117 = arith.constant 48 : index
        %get3A_118 = tpu.vector_load %arg12[%get3A_116, %get3A_117] {strides = array<i32>} : memref<125x80xi32, #tpu.memory_space<vmem>>, vector<1x16xi32>,
        %get3A_119 = vector.shape_cast %get3A_118 : vector<1x16xi32> to vector<16xi32>
        %mul3A_120 = arith.constant 10000 : i32
        %mul3A_121 = vector.broadcast %mul3A_120 : i32 to vector<16xi32>
        %mul3A_122 = arith.muli %get3A_119, %mul3A_121 : vector<16xi32>
        %add3A_123 = arith.addi %get3A_115, %mul3A_122 : vector<16xi32>
        %swap3A_124 = arith.index_cast %multiple_of3A_112 : i32 to index
        %swap3A_125 = tpu.vector_load %arg11[%swap3A_124] {strides = array<i32>} : memref<10000xi32, #tpu.memory_space<vmem>>, vector<16xi32>,
        %swap3A_126 = vector.shape_cast %swap3A_125 : vector<16xi32> to vector<16xi32>
        %swap3A_127 = vector.shape_cast %add3A_123 : vector<16xi32> to vector<16xi32>
        tpu.vector_store %arg11[%swap3A_124], %swap3A_127 {strides = array<i32>} : memref<10000xi32, #tpu.memory_space<vmem>>, vector<16xi32>,
        %mul3A_128 = arith.constant 80 : i32
        %mul3A_129 = arith.muli %add3A_49, %mul3A_128 : i32
        %add3A_130 = arith.constant 64 : i32
        %add3A_131 = arith.addi %mul3A_129, %add3A_130 : i32
        %multiple_of3A_132 = tpu.assume_multiple %add3A_131, 16 : i32
        %get3A_133 = arith.index_cast %multiple_of3A_132 : i32 to index
        %get3A_134 = tpu.vector_load %arg11[%get3A_133] {strides = array<i32>} : memref<10000xi32, #tpu.memory_space<vmem>>, vector<16xi32>,
        %get3A_135 = vector.shape_cast %get3A_134 : vector<16xi32> to vector<16xi32>
        %get3A_136 = arith.index_cast %add3A_49 : i32 to index
        %get3A_137 = arith.constant 64 : index
        %get3A_138 = tpu.vector_load %arg12[%get3A_136, %get3A_137] {strides = array<i32>} : memref<125x80xi32, #tpu.memory_space<vmem>>, vector<1x16xi32>,
        %get3A_139 = vector.shape_cast %get3A_138 : vector<1x16xi32> to vector<16xi32>
        %mul3A_140 = arith.constant 10000 : i32
        %mul3A_141 = vector.broadcast %mul3A_140 : i32 to vector<16xi32>
        %mul3A_142 = arith.muli %get3A_139, %mul3A_141 : vector<16xi32>
        %add3A_143 = arith.addi %get3A_135, %mul3A_142 : vector<16xi32>
        %swap3A_144 = arith.index_cast %multiple_of3A_132 : i32 to index
        %swap3A_145 = tpu.vector_load %arg11[%swap3A_144] {strides = array<i32>} : memref<10000xi32, #tpu.memory_space<vmem>>, vector<16xi32>,
        %swap3A_146 = vector.shape_cast %swap3A_145 : vector<16xi32> to vector<16xi32>
        %swap3A_147 = vector.shape_cast %add3A_143 : vector<16xi32> to vector<16xi32>
        tpu.vector_store %arg11[%swap3A_144], %swap3A_147 {strides = array<i32>} : memref<10000xi32, #tpu.memory_space<vmem>>, vector<16xi32>,
      }
      %scan3A_45 = arith.constant 125 : i32
      "tpu.region"() ({
        %run_scoped3A = tpu.sem_alloc : memref<!tpu.dma_semaphore, #tpu.memory_space<semaphore_mem>>
        %dma_start3A_46 = arith.constant 0 : i32
        %dma_start3A_47 = arith.constant 0 : i32
        %dma_start3A_48 = tpu.memref_slice %arg8[%mul3A_37, %dma_start3A_46, %dma_start3A_47] : memref<32x125x80xi32, #tpu.memory_space<hbm>> -> memref<1x125x80xi32, #tpu.memory_space<hbm>>
        %dma_start3A_49 = tpu.memref_squeeze %dma_start3A_48 : memref<1x125x80xi32, #tpu.memory_space<hbm>> -> memref<125x80xi32, #tpu.memory_space<hbm>>
        %dma_start3A_50 = arith.constant 0 : i32
        %dma_start3A_51 = arith.constant 0 : i32
        %dma_start3A_52 = tpu.memref_slice %arg8[%mul3A_37, %dma_start3A_50, %dma_start3A_51] : memref<32x125x80xi32, #tpu.memory_space<hbm>> -> memref<1x125x80xi32, #tpu.memory_space<hbm>>
        %dma_start3A_53 = tpu.memref_squeeze %dma_start3A_52 : memref<1x125x80xi32, #tpu.memory_space<hbm>> -> memref<125x80xi32, #tpu.memory_space<hbm>>
        tpu.enqueue_dma source(%dma_start3A_53 : memref<125x80xi32, #tpu.memory_space<hbm>>) target(%arg12 : memref<125x80xi32, #tpu.memory_space<vmem>>) target_semaphore(%run_scoped3A : memref<!tpu.dma_semaphore, #tpu.memory_space<semaphore_mem>>)
        %dma_wait3A_54 = arith.constant 0 : i32
        %dma_wait3A_55 = arith.constant 0 : i32
        %dma_wait3A_56 = tpu.memref_slice %arg8[%mul3A_37, %dma_wait3A_54, %dma_wait3A_55] : memref<32x125x80xi32, #tpu.memory_space<hbm>> -> memref<1x125x80xi32, #tpu.memory_space<hbm>>
        %dma_wait3A_57 = tpu.memref_squeeze %dma_wait3A_56 : memref<1x125x80xi32, #tpu.memory_space<hbm>> -> memref<125x80xi32, #tpu.memory_space<hbm>>
        %dma_wait3A_58 = arith.constant 0 : i32
        %dma_wait3A_59 = arith.constant 0 : i32
        %dma_wait3A_60 = tpu.memref_slice %arg8[%mul3A_37, %dma_wait3A_58, %dma_wait3A_59] : memref<32x125x80xi32, #tpu.memory_space<hbm>> -> memref<1x125x80xi32, #tpu.memory_space<hbm>>
        %dma_wait3A_61 = tpu.memref_squeeze %dma_wait3A_60 : memref<1x125x80xi32, #tpu.memory_space<hbm>> -> memref<125x80xi32, #tpu.memory_space<hbm>>
        tpu.wait_dma2 semaphore(%run_scoped3A : memref<!tpu.dma_semaphore, #tpu.memory_space<semaphore_mem>>) src(%dma_wait3A_61 : memref<125x80xi32, #tpu.memory_space<hbm>>) dst(%arg12 : memref<125x80xi32, #tpu.memory_space<vmem>>)
        tpu.yield
      }) : () -> ()
    } else {
    }
    %lt3A = arith.constant 15 : i32
    %lt3A_7 = arith.cmpi slt, %arg1, %lt3A : i32
    %convert_element_type3A_8 = arith.extui %lt3A_7 : i1 to i32
    %cond3A_9 = arith.constant 0 : i32
    %cond3A_10 = arith.cmpi ne, %convert_element_type3A_8, %cond3A_9 : i32
    scf.if %cond3A_10 {
      %mul3A = arith.constant 632 : i32
      %mul3A_37 = arith.muli %arg1, %mul3A : i32
      %multiple_of3A = tpu.assume_multiple %mul3A_37, 8 : i32
      "tpu.region"() ({
        %run_scoped3A = tpu.sem_alloc : memref<!tpu.dma_semaphore, #tpu.memory_space<semaphore_mem>>
        %dma_start3A = arith.constant 0 : i32
        %dma_start3A_38 = tpu.memref_slice %arg15[%multiple_of3A, %dma_start3A] : memref<10000x128xf32, #tpu.memory_space<vmem_shared>> -> memref<632x128xf32, #tpu.memory_space<vmem_shared>>
        %dma_start3A_39 = arith.constant 0 : i32
        %dma_start3A_40 = tpu.memref_slice %arg9[%multiple_of3A, %dma_start3A_39] : memref<10000x128xf32, #tpu.memory_space<hbm>> -> memref<632x128xf32, #tpu.memory_space<hbm>>
        tpu.enqueue_dma source(%dma_start3A_40 : memref<632x128xf32, #tpu.memory_space<hbm>>) target(%dma_start3A_38 : memref<632x128xf32, #tpu.memory_space<vmem_shared>>) target_semaphore(%run_scoped3A : memref<!tpu.dma_semaphore, #tpu.memory_space<semaphore_mem>>)
        %dma_wait3A = arith.constant 0 : i32
        %dma_wait3A_41 = tpu.memref_slice %arg15[%multiple_of3A, %dma_wait3A] : memref<10000x128xf32, #tpu.memory_space<vmem_shared>> -> memref<632x128xf32, #tpu.memory_space<vmem_shared>>
        %dma_wait3A_42 = arith.constant 0 : i32
        %dma_wait3A_43 = tpu.memref_slice %arg9[%multiple_of3A, %dma_wait3A_42] : memref<10000x128xf32, #tpu.memory_space<hbm>> -> memref<632x128xf32, #tpu.memory_space<hbm>>
        tpu.wait_dma2 semaphore(%run_scoped3A : memref<!tpu.dma_semaphore, #tpu.memory_space<semaphore_mem>>) src(%dma_wait3A_43 : memref<632x128xf32, #tpu.memory_space<hbm>>) dst(%dma_wait3A_41 : memref<632x128xf32, #tpu.memory_space<vmem_shared>>)
        tpu.yield
      }) : () -> ()
    } else {
    }
    %eq3A_11 = arith.constant 15 : i32
    %eq3A_12 = arith.cmpi eq, %arg1, %eq3A_11 : i32
    %convert_element_type3A_13 = arith.extui %eq3A_12 : i1 to i32
    %cond3A_14 = arith.constant 0 : i32
    %cond3A_15 = arith.cmpi ne, %convert_element_type3A_13, %cond3A_14 : i32
    scf.if %cond3A_15 {
      "tpu.region"() ({
        %run_scoped3A = tpu.sem_alloc : memref<!tpu.dma_semaphore, #tpu.memory_space<semaphore_mem>>
        %dma_start3A = arith.constant 9480 : i32
        %dma_start3A_37 = arith.constant 0 : i32
        %dma_start3A_38 = tpu.memref_slice %arg15[%dma_start3A, %dma_start3A_37] : memref<10000x128xf32, #tpu.memory_space<vmem_shared>> -> memref<520x128xf32, #tpu.memory_space<vmem_shared>>
        %dma_start3A_39 = arith.constant 9480 : i32
        %dma_start3A_40 = arith.constant 0 : i32
        %dma_start3A_41 = tpu.memref_slice %arg9[%dma_start3A_39, %dma_start3A_40] : memref<10000x128xf32, #tpu.memory_space<hbm>> -> memref<520x128xf32, #tpu.memory_space<hbm>>
        tpu.enqueue_dma source(%dma_start3A_41 : memref<520x128xf32, #tpu.memory_space<hbm>>) target(%dma_start3A_38 : memref<520x128xf32, #tpu.memory_space<vmem_shared>>) target_semaphore(%run_scoped3A : memref<!tpu.dma_semaphore, #tpu.memory_space<semaphore_mem>>)
        %dma_wait3A = arith.constant 9480 : i32
        %dma_wait3A_42 = arith.constant 0 : i32
        %dma_wait3A_43 = tpu.memref_slice %arg15[%dma_wait3A, %dma_wait3A_42] : memref<10000x128xf32, #tpu.memory_space<vmem_shared>> -> memref<520x128xf32, #tpu.memory_space<vmem_shared>>
        %dma_wait3A_44 = arith.constant 9480 : i32
        %dma_wait3A_45 = arith.constant 0 : i32
        %dma_wait3A_46 = tpu.memref_slice %arg9[%dma_wait3A_44, %dma_wait3A_45] : memref<10000x128xf32, #tpu.memory_space<hbm>> -> memref<520x128xf32, #tpu.memory_space<hbm>>
        tpu.wait_dma2 semaphore(%run_scoped3A : memref<!tpu.dma_semaphore, #tpu.memory_space<semaphore_mem>>) src(%dma_wait3A_46 : memref<520x128xf32, #tpu.memory_space<hbm>>) dst(%dma_wait3A_43 : memref<520x128xf32, #tpu.memory_space<vmem_shared>>)
        tpu.yield
      }) : () -> ()
    } else {
    }
    %barrier3A = arith.constant 0 : index
    tpu.barrier barrier_id(%barrier3A)
    %eq3A_16 = arith.constant 0 : i32
    %eq3A_17 = arith.cmpi eq, %arg0, %eq3A_16 : i32
    %convert_element_type3A_18 = arith.extui %eq3A_17 : i1 to i32
    %cond3A_19 = arith.constant 0 : i32
    %cond3A_20 = arith.cmpi ne, %convert_element_type3A_18, %cond3A_19 : i32
    scf.if %cond3A_20 {
      %multiple_of3A = arith.constant 0 : i32
      %multiple_of3A_37 = tpu.assume_multiple %multiple_of3A, 8 : i32
      %dma_start3A = tpu.memref_slice %arg11[%multiple_of3A_37] : memref<10000xi32, #tpu.memory_space<vmem>> -> memref<80xi32, #tpu.memory_space<vmem>>
      %dma_start3A_38 = arith.constant 0 : i32
      %dma_start3A_39 = arith.constant 0 : i32
      %dma_start3A_40 = tpu.memref_slice %arg2[%dma_start3A_38, %dma_start3A_39] : memref<10000x128xf32, #tpu.memory_space<hbm>> -> memref<10000x128xf32, #tpu.memory_space<hbm>>
      tpu.enqueue_indirect_dma source(%dma_start3A_40 : memref<10000x128xf32, #tpu.memory_space<hbm>>) target(%arg13 : memref<80x128xf32, #tpu.memory_space<vmem>>) offsets(%dma_start3A : memref<80xi32, #tpu.memory_space<vmem>>) semaphore(%arg17 : memref<!tpu.dma_semaphore, #tpu.memory_space<semaphore_mem>>)
      %scan3A = arith.constant 0 : i32
      %scan3A_41 = arith.constant 62 : i32
      %scan3A_42 = arith.addi %scan3A, %scan3A_41 : i32
      %scan3A_43 = arith.constant 1 : i32
      scf.for %scan3A_75 = %scan3A to %scan3A_42 step %scan3A_43  : i32 {
        %mul3A_76 = arith.constant 2 : i32
        %mul3A_77 = arith.muli %scan3A_75, %mul3A_76 : i32
        %add3A_78 = arith.constant 0 : i32
        %add3A_79 = arith.addi %add3A_78, %mul3A_77 : i32
        %add3A_80 = arith.constant 1 : i32
        %add3A_81 = arith.addi %add3A_79, %add3A_80 : i32
        %mul3A_82 = arith.constant 80 : i32
        %mul3A_83 = arith.muli %add3A_81, %mul3A_82 : i32
        %multiple_of3A_84 = tpu.assume_multiple %mul3A_83, 8 : i32
        %dma_start3A_85 = tpu.memref_slice %arg11[%multiple_of3A_84] : memref<10000xi32, #tpu.memory_space<vmem>> -> memref<80xi32, #tpu.memory_space<vmem>>
        %dma_start3A_86 = arith.constant 0 : i32
        %dma_start3A_87 = arith.constant 0 : i32
        %dma_start3A_88 = tpu.memref_slice %arg2[%dma_start3A_86, %dma_start3A_87] : memref<10000x128xf32, #tpu.memory_space<hbm>> -> memref<10000x128xf32, #tpu.memory_space<hbm>>
        tpu.enqueue_indirect_dma source(%dma_start3A_88 : memref<10000x128xf32, #tpu.memory_space<hbm>>) target(%arg14 : memref<80x128xf32, #tpu.memory_space<vmem>>) offsets(%dma_start3A_85 : memref<80xi32, #tpu.memory_space<vmem>>) semaphore(%arg18 : memref<!tpu.dma_semaphore, #tpu.memory_space<semaphore_mem>>)
        %dma_wait3A_89 = arith.constant 0 : i32
        %dma_wait3A_90 = tpu.memref_slice %arg11[%dma_wait3A_89] : memref<10000xi32, #tpu.memory_space<vmem>> -> memref<80xi32, #tpu.memory_space<vmem>>
        %dma_wait3A_91 = arith.constant 0 : i32
        %dma_wait3A_92 = arith.constant 0 : i32
        %dma_wait3A_93 = tpu.memref_slice %arg2[%dma_wait3A_91, %dma_wait3A_92] : memref<10000x128xf32, #tpu.memory_space<hbm>> -> memref<10000x128xf32, #tpu.memory_space<hbm>>
        tpu.wait_indirect_dma semaphore(%arg17 : memref<!tpu.dma_semaphore, #tpu.memory_space<semaphore_mem>>) src(%dma_wait3A_93 : memref<10000x128xf32, #tpu.memory_space<hbm>>) dst(%arg13 : memref<80x128xf32, #tpu.memory_space<vmem>>)
        "tpu.region"() ({
          %run_scoped3A_110 = tpu.sem_alloc : memref<!tpu.dma_semaphore, #tpu.memory_space<semaphore_mem>>
          %dma_start3A_111 = arith.constant 0 : i32
          %dma_start3A_112 = tpu.memref_slice %arg12[%add3A_79, %dma_start3A_111] : memref<125x80xi32, #tpu.memory_space<vmem>> -> memref<1x80xi32, #tpu.memory_space<vmem>>
          %dma_start3A_113 = tpu.memref_squeeze %dma_start3A_112 : memref<1x80xi32, #tpu.memory_space<vmem>> -> memref<80xi32, #tpu.memory_space<vmem>>
          %dma_start3A_114 = arith.constant 0 : i32
          %dma_start3A_115 = arith.constant 0 : i32
          %dma_start3A_116 = tpu.memref_slice %arg15[%dma_start3A_114, %dma_start3A_115] : memref<10000x128xf32, #tpu.memory_space<vmem_shared>> -> memref<10000x128xf32, #tpu.memory_space<vmem_shared>>
          tpu.enqueue_indirect_dma source(%arg13 : memref<80x128xf32, #tpu.memory_space<vmem>>) target(%dma_start3A_116 : memref<10000x128xf32, #tpu.memory_space<vmem_shared>>) offsets(%dma_start3A_113 : memref<80xi32, #tpu.memory_space<vmem>>) semaphore(%run_scoped3A_110 : memref<!tpu.dma_semaphore, #tpu.memory_space<semaphore_mem>>) {add = true}
          %dma_wait3A_117 = arith.constant 0 : i32
          %dma_wait3A_118 = tpu.memref_slice %arg12[%add3A_79, %dma_wait3A_117] : memref<125x80xi32, #tpu.memory_space<vmem>> -> memref<1x80xi32, #tpu.memory_space<vmem>>
          %dma_wait3A_119 = tpu.memref_squeeze %dma_wait3A_118 : memref<1x80xi32, #tpu.memory_space<vmem>> -> memref<80xi32, #tpu.memory_space<vmem>>
          %dma_wait3A_120 = arith.constant 0 : i32
          %dma_wait3A_121 = arith.constant 0 : i32
          %dma_wait3A_122 = tpu.memref_slice %arg15[%dma_wait3A_120, %dma_wait3A_121] : memref<10000x128xf32, #tpu.memory_space<vmem_shared>> -> memref<10000x128xf32, #tpu.memory_space<vmem_shared>>
          tpu.wait_indirect_dma semaphore(%run_scoped3A_110 : memref<!tpu.dma_semaphore, #tpu.memory_space<semaphore_mem>>) src(%arg13 : memref<80x128xf32, #tpu.memory_space<vmem>>) dst(%dma_wait3A_122 : memref<10000x128xf32, #tpu.memory_space<vmem_shared>>)
          tpu.yield
        }) : () -> ()
        %add3A_94 = arith.constant 2 : i32
        %add3A_95 = arith.addi %add3A_79, %add3A_94 : i32
        %mul3A_96 = arith.constant 80 : i32
        %mul3A_97 = arith.muli %add3A_95, %mul3A_96 : i32
        %multiple_of3A_98 = tpu.assume_multiple %mul3A_97, 8 : i32
        %dma_start3A_99 = tpu.memref_slice %arg11[%multiple_of3A_98] : memref<10000xi32, #tpu.memory_space<vmem>> -> memref<80xi32, #tpu.memory_space<vmem>>
        %dma_start3A_100 = arith.constant 0 : i32
        %dma_start3A_101 = arith.constant 0 : i32
        %dma_start3A_102 = tpu.memref_slice %arg2[%dma_start3A_100, %dma_start3A_101] : memref<10000x128xf32, #tpu.memory_space<hbm>> -> memref<10000x128xf32, #tpu.memory_space<hbm>>
        tpu.enqueue_indirect_dma source(%dma_start3A_102 : memref<10000x128xf32, #tpu.memory_space<hbm>>) target(%arg13 : memref<80x128xf32, #tpu.memory_space<vmem>>) offsets(%dma_start3A_99 : memref<80xi32, #tpu.memory_space<vmem>>) semaphore(%arg17 : memref<!tpu.dma_semaphore, #tpu.memory_space<semaphore_mem>>)
        %dma_wait3A_103 = arith.constant 0 : i32
        %dma_wait3A_104 = tpu.memref_slice %arg11[%dma_wait3A_103] : memref<10000xi32, #tpu.memory_space<vmem>> -> memref<80xi32, #tpu.memory_space<vmem>>
        %dma_wait3A_105 = arith.constant 0 : i32
        %dma_wait3A_106 = arith.constant 0 : i32
        %dma_wait3A_107 = tpu.memref_slice %arg2[%dma_wait3A_105, %dma_wait3A_106] : memref<10000x128xf32, #tpu.memory_space<hbm>> -> memref<10000x128xf32, #tpu.memory_space<hbm>>
        tpu.wait_indirect_dma semaphore(%arg18 : memref<!tpu.dma_semaphore, #tpu.memory_space<semaphore_mem>>) src(%dma_wait3A_107 : memref<10000x128xf32, #tpu.memory_space<hbm>>) dst(%arg14 : memref<80x128xf32, #tpu.memory_space<vmem>>)
        %add3A_108 = arith.constant 1 : i32
        %add3A_109 = arith.addi %add3A_79, %add3A_108 : i32
        "tpu.region"() ({
          %run_scoped3A_110 = tpu.sem_alloc : memref<!tpu.dma_semaphore, #tpu.memory_space<semaphore_mem>>
          %dma_start3A_111 = arith.constant 0 : i32
          %dma_start3A_112 = tpu.memref_slice %arg12[%add3A_109, %dma_start3A_111] : memref<125x80xi32, #tpu.memory_space<vmem>> -> memref<1x80xi32, #tpu.memory_space<vmem>>
          %dma_start3A_113 = tpu.memref_squeeze %dma_start3A_112 : memref<1x80xi32, #tpu.memory_space<vmem>> -> memref<80xi32, #tpu.memory_space<vmem>>
          %dma_start3A_114 = arith.constant 0 : i32
          %dma_start3A_115 = arith.constant 0 : i32
          %dma_start3A_116 = tpu.memref_slice %arg15[%dma_start3A_114, %dma_start3A_115] : memref<10000x128xf32, #tpu.memory_space<vmem_shared>> -> memref<10000x128xf32, #tpu.memory_space<vmem_shared>>
          tpu.enqueue_indirect_dma source(%arg14 : memref<80x128xf32, #tpu.memory_space<vmem>>) target(%dma_start3A_116 : memref<10000x128xf32, #tpu.memory_space<vmem_shared>>) offsets(%dma_start3A_113 : memref<80xi32, #tpu.memory_space<vmem>>) semaphore(%run_scoped3A_110 : memref<!tpu.dma_semaphore, #tpu.memory_space<semaphore_mem>>) {add = true}
          %dma_wait3A_117 = arith.constant 0 : i32
          %dma_wait3A_118 = tpu.memref_slice %arg12[%add3A_109, %dma_wait3A_117] : memref<125x80xi32, #tpu.memory_space<vmem>> -> memref<1x80xi32, #tpu.memory_space<vmem>>
          %dma_wait3A_119 = tpu.memref_squeeze %dma_wait3A_118 : memref<1x80xi32, #tpu.memory_space<vmem>> -> memref<80xi32, #tpu.memory_space<vmem>>
          %dma_wait3A_120 = arith.constant 0 : i32
          %dma_wait3A_121 = arith.constant 0 : i32
          %dma_wait3A_122 = tpu.memref_slice %arg15[%dma_wait3A_120, %dma_wait3A_121] : memref<10000x128xf32, #tpu.memory_space<vmem_shared>> -> memref<10000x128xf32, #tpu.memory_space<vmem_shared>>
          tpu.wait_indirect_dma semaphore(%run_scoped3A_110 : memref<!tpu.dma_semaphore, #tpu.memory_space<semaphore_mem>>) src(%arg14 : memref<80x128xf32, #tpu.memory_space<vmem>>) dst(%dma_wait3A_122 : memref<10000x128xf32, #tpu.memory_space<vmem_shared>>)
          tpu.yield
        }) : () -> ()
      }
      %scan3A_44 = arith.constant 62 : i32
      %dma_wait3A = arith.constant 0 : i32
      %dma_wait3A_45 = tpu.memref_slice %arg11[%dma_wait3A] : memref<10000xi32, #tpu.memory_space<vmem>> -> memref<80xi32, #tpu.memory_space<vmem>>
      %dma_wait3A_46 = arith.constant 0 : i32
      %dma_wait3A_47 = arith.constant 0 : i32
      %dma_wait3A_48 = tpu.memref_slice %arg2[%dma_wait3A_46, %dma_wait3A_47] : memref<10000x128xf32, #tpu.memory_space<hbm>> -> memref<10000x128xf32, #tpu.memory_space<hbm>>
      tpu.wait_indirect_dma semaphore(%arg17 : memref<!tpu.dma_semaphore, #tpu.memory_space<semaphore_mem>>) src(%dma_wait3A_48 : memref<10000x128xf32, #tpu.memory_space<hbm>>) dst(%arg13 : memref<80x128xf32, #tpu.memory_space<vmem>>)
      %run_scoped3A = arith.constant 124 : i32
      "tpu.region"() ({
        %run_scoped3A_75 = tpu.sem_alloc : memref<!tpu.dma_semaphore, #tpu.memory_space<semaphore_mem>>
        %dma_start3A_76 = arith.constant 0 : i32
        %dma_start3A_77 = tpu.memref_slice %arg12[%run_scoped3A, %dma_start3A_76] : memref<125x80xi32, #tpu.memory_space<vmem>> -> memref<1x80xi32, #tpu.memory_space<vmem>>
        %dma_start3A_78 = tpu.memref_squeeze %dma_start3A_77 : memref<1x80xi32, #tpu.memory_space<vmem>> -> memref<80xi32, #tpu.memory_space<vmem>>
        %dma_start3A_79 = arith.constant 0 : i32
        %dma_start3A_80 = arith.constant 0 : i32
        %dma_start3A_81 = tpu.memref_slice %arg15[%dma_start3A_79, %dma_start3A_80] : memref<10000x128xf32, #tpu.memory_space<vmem_shared>> -> memref<10000x128xf32, #tpu.memory_space<vmem_shared>>
        tpu.enqueue_indirect_dma source(%arg13 : memref<80x128xf32, #tpu.memory_space<vmem>>) target(%dma_start3A_81 : memref<10000x128xf32, #tpu.memory_space<vmem_shared>>) offsets(%dma_start3A_78 : memref<80xi32, #tpu.memory_space<vmem>>) semaphore(%run_scoped3A_75 : memref<!tpu.dma_semaphore, #tpu.memory_space<semaphore_mem>>) {add = true}
        %dma_wait3A_82 = arith.constant 0 : i32
        %dma_wait3A_83 = tpu.memref_slice %arg12[%run_scoped3A, %dma_wait3A_82] : memref<125x80xi32, #tpu.memory_space<vmem>> -> memref<1x80xi32, #tpu.memory_space<vmem>>
        %dma_wait3A_84 = tpu.memref_squeeze %dma_wait3A_83 : memref<1x80xi32, #tpu.memory_space<vmem>> -> memref<80xi32, #tpu.memory_space<vmem>>
        %dma_wait3A_85 = arith.constant 0 : i32
        %dma_wait3A_86 = arith.constant 0 : i32
        %dma_wait3A_87 = tpu.memref_slice %arg15[%dma_wait3A_85, %dma_wait3A_86] : memref<10000x128xf32, #tpu.memory_space<vmem_shared>> -> memref<10000x128xf32, #tpu.memory_space<vmem_shared>>
        tpu.wait_indirect_dma semaphore(%run_scoped3A_75 : memref<!tpu.dma_semaphore, #tpu.memory_space<semaphore_mem>>) src(%arg13 : memref<80x128xf32, #tpu.memory_space<vmem>>) dst(%dma_wait3A_87 : memref<10000x128xf32, #tpu.memory_space<vmem_shared>>)
        tpu.yield
      }) : () -> ()
      %mul3A = arith.constant 2 : i32
      %mul3A_49 = arith.muli %arg1, %mul3A : i32
      %add3A = arith.constant 1 : i32
      %add3A_50 = arith.addi %mul3A_49, %add3A : i32
      %mul3A_51 = arith.constant 10000 : i32
      %mul3A_52 = arith.muli %add3A_50, %mul3A_51 : i32
      %multiple_of3A_53 = tpu.assume_multiple %mul3A_52, 8 : i32
      %dma_start3A_54 = tpu.memref_slice %arg3[%multiple_of3A_53] : memref<320000xi32, #tpu.memory_space<hbm>> -> memref<10000xi32, #tpu.memory_space<hbm>>
      %dma_start3A_55 = tpu.memref_slice %arg3[%multiple_of3A_53] : memref<320000xi32, #tpu.memory_space<hbm>> -> memref<10000xi32, #tpu.memory_space<hbm>>
      tpu.enqueue_dma source(%dma_start3A_55 : memref<10000xi32, #tpu.memory_space<hbm>>) target(%arg11 : memref<10000xi32, #tpu.memory_space<vmem>>) target_semaphore(%arg16 : memref<!tpu.dma_semaphore, #tpu.memory_space<semaphore_mem>>)
      %dma_wait3A_56 = tpu.memref_slice %arg3[%multiple_of3A_53] : memref<320000xi32, #tpu.memory_space<hbm>> -> memref<10000xi32, #tpu.memory_space<hbm>>
      %dma_wait3A_57 = tpu.memref_slice %arg3[%multiple_of3A_53] : memref<320000xi32, #tpu.memory_space<hbm>> -> memref<10000xi32, #tpu.memory_space<hbm>>
      tpu.wait_dma2 semaphore(%arg16 : memref<!tpu.dma_semaphore, #tpu.memory_space<semaphore_mem>>) src(%dma_wait3A_57 : memref<10000xi32, #tpu.memory_space<hbm>>) dst(%arg11 : memref<10000xi32, #tpu.memory_space<vmem>>)
      "tpu.region"() ({
        %run_scoped3A_75 = tpu.sem_alloc : memref<!tpu.dma_semaphore, #tpu.memory_space<semaphore_mem>>
        %dma_start3A_76 = arith.constant 0 : i32
        %dma_start3A_77 = arith.constant 0 : i32
        %dma_start3A_78 = tpu.memref_slice %arg4[%add3A_50, %dma_start3A_76, %dma_start3A_77] : memref<32x125x80xi32, #tpu.memory_space<hbm>> -> memref<1x125x80xi32, #tpu.memory_space<hbm>>
        %dma_start3A_79 = tpu.memref_squeeze %dma_start3A_78 : memref<1x125x80xi32, #tpu.memory_space<hbm>> -> memref<125x80xi32, #tpu.memory_space<hbm>>
        %dma_start3A_80 = arith.constant 0 : i32
        %dma_start3A_81 = arith.constant 0 : i32
        %dma_start3A_82 = tpu.memref_slice %arg4[%add3A_50, %dma_start3A_80, %dma_start3A_81] : memref<32x125x80xi32, #tpu.memory_space<hbm>> -> memref<1x125x80xi32, #tpu.memory_space<hbm>>
        %dma_start3A_83 = tpu.memref_squeeze %dma_start3A_82 : memref<1x125x80xi32, #tpu.memory_space<hbm>> -> memref<125x80xi32, #tpu.memory_space<hbm>>
        tpu.enqueue_dma source(%dma_start3A_83 : memref<125x80xi32, #tpu.memory_space<hbm>>) target(%arg12 : memref<125x80xi32, #tpu.memory_space<vmem>>) target_semaphore(%run_scoped3A_75 : memref<!tpu.dma_semaphore, #tpu.memory_space<semaphore_mem>>)
        %dma_wait3A_84 = arith.constant 0 : i32
        %dma_wait3A_85 = arith.constant 0 : i32
        %dma_wait3A_86 = tpu.memref_slice %arg4[%add3A_50, %dma_wait3A_84, %dma_wait3A_85] : memref<32x125x80xi32, #tpu.memory_space<hbm>> -> memref<1x125x80xi32, #tpu.memory_space<hbm>>
        %dma_wait3A_87 = tpu.memref_squeeze %dma_wait3A_86 : memref<1x125x80xi32, #tpu.memory_space<hbm>> -> memref<125x80xi32, #tpu.memory_space<hbm>>
        %dma_wait3A_88 = arith.constant 0 : i32
        %dma_wait3A_89 = arith.constant 0 : i32
        %dma_wait3A_90 = tpu.memref_slice %arg4[%add3A_50, %dma_wait3A_88, %dma_wait3A_89] : memref<32x125x80xi32, #tpu.memory_space<hbm>> -> memref<1x125x80xi32, #tpu.memory_space<hbm>>
        %dma_wait3A_91 = tpu.memref_squeeze %dma_wait3A_90 : memref<1x125x80xi32, #tpu.memory_space<hbm>> -> memref<125x80xi32, #tpu.memory_space<hbm>>
        tpu.wait_dma2 semaphore(%run_scoped3A_75 : memref<!tpu.dma_semaphore, #tpu.memory_space<semaphore_mem>>) src(%dma_wait3A_91 : memref<125x80xi32, #tpu.memory_space<hbm>>) dst(%arg12 : memref<125x80xi32, #tpu.memory_space<vmem>>)
        tpu.yield
      }) : () -> ()
      %multiple_of3A_58 = arith.constant 0 : i32
      %multiple_of3A_59 = tpu.assume_multiple %multiple_of3A_58, 8 : i32
      %dma_start3A_60 = tpu.memref_slice %arg11[%multiple_of3A_59] : memref<10000xi32, #tpu.memory_space<vmem>> -> memref<80xi32, #tpu.memory_space<vmem>>
      %dma_start3A_61 = arith.constant 0 : i32
      %dma_start3A_62 = arith.constant 0 : i32
      %dma_start3A_63 = tpu.memref_slice %arg2[%dma_start3A_61, %dma_start3A_62] : memref<10000x128xf32, #tpu.memory_space<hbm>> -> memref<10000x128xf32, #tpu.memory_space<hbm>>
      tpu.enqueue_indirect_dma source(%dma_start3A_63 : memref<10000x128xf32, #tpu.memory_space<hbm>>) target(%arg13 : memref<80x128xf32, #tpu.memory_space<vmem>>) offsets(%dma_start3A_60 : memref<80xi32, #tpu.memory_space<vmem>>) semaphore(%arg17 : memref<!tpu.dma_semaphore, #tpu.memory_space<semaphore_mem>>)
      %scan3A_64 = arith.constant 0 : i32
      %scan3A_65 = arith.constant 62 : i32
      %scan3A_66 = arith.addi %scan3A_64, %scan3A_65 : i32
      %scan3A_67 = arith.constant 1 : i32
      scf.for %scan3A_75 = %scan3A_64 to %scan3A_66 step %scan3A_67  : i32 {
        %mul3A_76 = arith.constant 2 : i32
        %mul3A_77 = arith.muli %scan3A_75, %mul3A_76 : i32
        %add3A_78 = arith.constant 0 : i32
        %add3A_79 = arith.addi %add3A_78, %mul3A_77 : i32
        %add3A_80 = arith.constant 1 : i32
        %add3A_81 = arith.addi %add3A_79, %add3A_80 : i32
        %mul3A_82 = arith.constant 80 : i32
        %mul3A_83 = arith.muli %add3A_81, %mul3A_82 : i32
        %multiple_of3A_84 = tpu.assume_multiple %mul3A_83, 8 : i32
        %dma_start3A_85 = tpu.memref_slice %arg11[%multiple_of3A_84] : memref<10000xi32, #tpu.memory_space<vmem>> -> memref<80xi32, #tpu.memory_space<vmem>>
        %dma_start3A_86 = arith.constant 0 : i32
        %dma_start3A_87 = arith.constant 0 : i32
        %dma_start3A_88 = tpu.memref_slice %arg2[%dma_start3A_86, %dma_start3A_87] : memref<10000x128xf32, #tpu.memory_space<hbm>> -> memref<10000x128xf32, #tpu.memory_space<hbm>>
        tpu.enqueue_indirect_dma source(%dma_start3A_88 : memref<10000x128xf32, #tpu.memory_space<hbm>>) target(%arg14 : memref<80x128xf32, #tpu.memory_space<vmem>>) offsets(%dma_start3A_85 : memref<80xi32, #tpu.memory_space<vmem>>) semaphore(%arg18 : memref<!tpu.dma_semaphore, #tpu.memory_space<semaphore_mem>>)
        %dma_wait3A_89 = arith.constant 0 : i32
        %dma_wait3A_90 = tpu.memref_slice %arg11[%dma_wait3A_89] : memref<10000xi32, #tpu.memory_space<vmem>> -> memref<80xi32, #tpu.memory_space<vmem>>
        %dma_wait3A_91 = arith.constant 0 : i32
        %dma_wait3A_92 = arith.constant 0 : i32
        %dma_wait3A_93 = tpu.memref_slice %arg2[%dma_wait3A_91, %dma_wait3A_92] : memref<10000x128xf32, #tpu.memory_space<hbm>> -> memref<10000x128xf32, #tpu.memory_space<hbm>>
        tpu.wait_indirect_dma semaphore(%arg17 : memref<!tpu.dma_semaphore, #tpu.memory_space<semaphore_mem>>) src(%dma_wait3A_93 : memref<10000x128xf32, #tpu.memory_space<hbm>>) dst(%arg13 : memref<80x128xf32, #tpu.memory_space<vmem>>)
        "tpu.region"() ({
          %run_scoped3A_110 = tpu.sem_alloc : memref<!tpu.dma_semaphore, #tpu.memory_space<semaphore_mem>>
          %dma_start3A_111 = arith.constant 0 : i32
          %dma_start3A_112 = tpu.memref_slice %arg12[%add3A_79, %dma_start3A_111] : memref<125x80xi32, #tpu.memory_space<vmem>> -> memref<1x80xi32, #tpu.memory_space<vmem>>
          %dma_start3A_113 = tpu.memref_squeeze %dma_start3A_112 : memref<1x80xi32, #tpu.memory_space<vmem>> -> memref<80xi32, #tpu.memory_space<vmem>>
          %dma_start3A_114 = arith.constant 0 : i32
          %dma_start3A_115 = arith.constant 0 : i32
          %dma_start3A_116 = tpu.memref_slice %arg15[%dma_start3A_114, %dma_start3A_115] : memref<10000x128xf32, #tpu.memory_space<vmem_shared>> -> memref<10000x128xf32, #tpu.memory_space<vmem_shared>>
          tpu.enqueue_indirect_dma source(%arg13 : memref<80x128xf32, #tpu.memory_space<vmem>>) target(%dma_start3A_116 : memref<10000x128xf32, #tpu.memory_space<vmem_shared>>) offsets(%dma_start3A_113 : memref<80xi32, #tpu.memory_space<vmem>>) semaphore(%run_scoped3A_110 : memref<!tpu.dma_semaphore, #tpu.memory_space<semaphore_mem>>) {add = true}
          %dma_wait3A_117 = arith.constant 0 : i32
          %dma_wait3A_118 = tpu.memref_slice %arg12[%add3A_79, %dma_wait3A_117] : memref<125x80xi32, #tpu.memory_space<vmem>> -> memref<1x80xi32, #tpu.memory_space<vmem>>
          %dma_wait3A_119 = tpu.memref_squeeze %dma_wait3A_118 : memref<1x80xi32, #tpu.memory_space<vmem>> -> memref<80xi32, #tpu.memory_space<vmem>>
          %dma_wait3A_120 = arith.constant 0 : i32
          %dma_wait3A_121 = arith.constant 0 : i32
          %dma_wait3A_122 = tpu.memref_slice %arg15[%dma_wait3A_120, %dma_wait3A_121] : memref<10000x128xf32, #tpu.memory_space<vmem_shared>> -> memref<10000x128xf32, #tpu.memory_space<vmem_shared>>
          tpu.wait_indirect_dma semaphore(%run_scoped3A_110 : memref<!tpu.dma_semaphore, #tpu.memory_space<semaphore_mem>>) src(%arg13 : memref<80x128xf32, #tpu.memory_space<vmem>>) dst(%dma_wait3A_122 : memref<10000x128xf32, #tpu.memory_space<vmem_shared>>)
          tpu.yield
        }) : () -> ()
        %add3A_94 = arith.constant 2 : i32
        %add3A_95 = arith.addi %add3A_79, %add3A_94 : i32
        %mul3A_96 = arith.constant 80 : i32
        %mul3A_97 = arith.muli %add3A_95, %mul3A_96 : i32
        %multiple_of3A_98 = tpu.assume_multiple %mul3A_97, 8 : i32
        %dma_start3A_99 = tpu.memref_slice %arg11[%multiple_of3A_98] : memref<10000xi32, #tpu.memory_space<vmem>> -> memref<80xi32, #tpu.memory_space<vmem>>
        %dma_start3A_100 = arith.constant 0 : i32
        %dma_start3A_101 = arith.constant 0 : i32
        %dma_start3A_102 = tpu.memref_slice %arg2[%dma_start3A_100, %dma_start3A_101] : memref<10000x128xf32, #tpu.memory_space<hbm>> -> memref<10000x128xf32, #tpu.memory_space<hbm>>
        tpu.enqueue_indirect_dma source(%dma_start3A_102 : memref<10000x128xf32, #tpu.memory_space<hbm>>) target(%arg13 : memref<80x128xf32, #tpu.memory_space<vmem>>) offsets(%dma_start3A_99 : memref<80xi32, #tpu.memory_space<vmem>>) semaphore(%arg17 : memref<!tpu.dma_semaphore, #tpu.memory_space<semaphore_mem>>)
        %dma_wait3A_103 = arith.constant 0 : i32
        %dma_wait3A_104 = tpu.memref_slice %arg11[%dma_wait3A_103] : memref<10000xi32, #tpu.memory_space<vmem>> -> memref<80xi32, #tpu.memory_space<vmem>>
        %dma_wait3A_105 = arith.constant 0 : i32
        %dma_wait3A_106 = arith.constant 0 : i32
        %dma_wait3A_107 = tpu.memref_slice %arg2[%dma_wait3A_105, %dma_wait3A_106] : memref<10000x128xf32, #tpu.memory_space<hbm>> -> memref<10000x128xf32, #tpu.memory_space<hbm>>
        tpu.wait_indirect_dma semaphore(%arg18 : memref<!tpu.dma_semaphore, #tpu.memory_space<semaphore_mem>>) src(%dma_wait3A_107 : memref<10000x128xf32, #tpu.memory_space<hbm>>) dst(%arg14 : memref<80x128xf32, #tpu.memory_space<vmem>>)
        %add3A_108 = arith.constant 1 : i32
        %add3A_109 = arith.addi %add3A_79, %add3A_108 : i32
        "tpu.region"() ({
          %run_scoped3A_110 = tpu.sem_alloc : memref<!tpu.dma_semaphore, #tpu.memory_space<semaphore_mem>>
          %dma_start3A_111 = arith.constant 0 : i32
          %dma_start3A_112 = tpu.memref_slice %arg12[%add3A_109, %dma_start3A_111] : memref<125x80xi32, #tpu.memory_space<vmem>> -> memref<1x80xi32, #tpu.memory_space<vmem>>
          %dma_start3A_113 = tpu.memref_squeeze %dma_start3A_112 : memref<1x80xi32, #tpu.memory_space<vmem>> -> memref<80xi32, #tpu.memory_space<vmem>>
          %dma_start3A_114 = arith.constant 0 : i32
          %dma_start3A_115 = arith.constant 0 : i32
          %dma_start3A_116 = tpu.memref_slice %arg15[%dma_start3A_114, %dma_start3A_115] : memref<10000x128xf32, #tpu.memory_space<vmem_shared>> -> memref<10000x128xf32, #tpu.memory_space<vmem_shared>>
          tpu.enqueue_indirect_dma source(%arg14 : memref<80x128xf32, #tpu.memory_space<vmem>>) target(%dma_start3A_116 : memref<10000x128xf32, #tpu.memory_space<vmem_shared>>) offsets(%dma_start3A_113 : memref<80xi32, #tpu.memory_space<vmem>>) semaphore(%run_scoped3A_110 : memref<!tpu.dma_semaphore, #tpu.memory_space<semaphore_mem>>) {add = true}
          %dma_wait3A_117 = arith.constant 0 : i32
          %dma_wait3A_118 = tpu.memref_slice %arg12[%add3A_109, %dma_wait3A_117] : memref<125x80xi32, #tpu.memory_space<vmem>> -> memref<1x80xi32, #tpu.memory_space<vmem>>
          %dma_wait3A_119 = tpu.memref_squeeze %dma_wait3A_118 : memref<1x80xi32, #tpu.memory_space<vmem>> -> memref<80xi32, #tpu.memory_space<vmem>>
          %dma_wait3A_120 = arith.constant 0 : i32
          %dma_wait3A_121 = arith.constant 0 : i32
          %dma_wait3A_122 = tpu.memref_slice %arg15[%dma_wait3A_120, %dma_wait3A_121] : memref<10000x128xf32, #tpu.memory_space<vmem_shared>> -> memref<10000x128xf32, #tpu.memory_space<vmem_shared>>
          tpu.wait_indirect_dma semaphore(%run_scoped3A_110 : memref<!tpu.dma_semaphore, #tpu.memory_space<semaphore_mem>>) src(%arg14 : memref<80x128xf32, #tpu.memory_space<vmem>>) dst(%dma_wait3A_122 : memref<10000x128xf32, #tpu.memory_space<vmem_shared>>)
          tpu.yield
        }) : () -> ()
      }
      %scan3A_68 = arith.constant 62 : i32
      %dma_wait3A_69 = arith.constant 0 : i32
      %dma_wait3A_70 = tpu.memref_slice %arg11[%dma_wait3A_69] : memref<10000xi32, #tpu.memory_space<vmem>> -> memref<80xi32, #tpu.memory_space<vmem>>
      %dma_wait3A_71 = arith.constant 0 : i32
      %dma_wait3A_72 = arith.constant 0 : i32
      %dma_wait3A_73 = tpu.memref_slice %arg2[%dma_wait3A_71, %dma_wait3A_72] : memref<10000x128xf32, #tpu.memory_space<hbm>> -> memref<10000x128xf32, #tpu.memory_space<hbm>>
      tpu.wait_indirect_dma semaphore(%arg17 : memref<!tpu.dma_semaphore, #tpu.memory_space<semaphore_mem>>) src(%dma_wait3A_73 : memref<10000x128xf32, #tpu.memory_space<hbm>>) dst(%arg13 : memref<80x128xf32, #tpu.memory_space<vmem>>)
      %run_scoped3A_74 = arith.constant 124 : i32
      "tpu.region"() ({
        %run_scoped3A_75 = tpu.sem_alloc : memref<!tpu.dma_semaphore, #tpu.memory_space<semaphore_mem>>
        %dma_start3A_76 = arith.constant 0 : i32
        %dma_start3A_77 = tpu.memref_slice %arg12[%run_scoped3A_74, %dma_start3A_76] : memref<125x80xi32, #tpu.memory_space<vmem>> -> memref<1x80xi32, #tpu.memory_space<vmem>>
        %dma_start3A_78 = tpu.memref_squeeze %dma_start3A_77 : memref<1x80xi32, #tpu.memory_space<vmem>> -> memref<80xi32, #tpu.memory_space<vmem>>
        %dma_start3A_79 = arith.constant 0 : i32
        %dma_start3A_80 = arith.constant 0 : i32
        %dma_start3A_81 = tpu.memref_slice %arg15[%dma_start3A_79, %dma_start3A_80] : memref<10000x128xf32, #tpu.memory_space<vmem_shared>> -> memref<10000x128xf32, #tpu.memory_space<vmem_shared>>
        tpu.enqueue_indirect_dma source(%arg13 : memref<80x128xf32, #tpu.memory_space<vmem>>) target(%dma_start3A_81 : memref<10000x128xf32, #tpu.memory_space<vmem_shared>>) offsets(%dma_start3A_78 : memref<80xi32, #tpu.memory_space<vmem>>) semaphore(%run_scoped3A_75 : memref<!tpu.dma_semaphore, #tpu.memory_space<semaphore_mem>>) {add = true}
        %dma_wait3A_82 = arith.constant 0 : i32
        %dma_wait3A_83 = tpu.memref_slice %arg12[%run_scoped3A_74, %dma_wait3A_82] : memref<125x80xi32, #tpu.memory_space<vmem>> -> memref<1x80xi32, #tpu.memory_space<vmem>>
        %dma_wait3A_84 = tpu.memref_squeeze %dma_wait3A_83 : memref<1x80xi32, #tpu.memory_space<vmem>> -> memref<80xi32, #tpu.memory_space<vmem>>
        %dma_wait3A_85 = arith.constant 0 : i32
        %dma_wait3A_86 = arith.constant 0 : i32
        %dma_wait3A_87 = tpu.memref_slice %arg15[%dma_wait3A_85, %dma_wait3A_86] : memref<10000x128xf32, #tpu.memory_space<vmem_shared>> -> memref<10000x128xf32, #tpu.memory_space<vmem_shared>>
        tpu.wait_indirect_dma semaphore(%run_scoped3A_75 : memref<!tpu.dma_semaphore, #tpu.memory_space<semaphore_mem>>) src(%arg13 : memref<80x128xf32, #tpu.memory_space<vmem>>) dst(%dma_wait3A_87 : memref<10000x128xf32, #tpu.memory_space<vmem_shared>>)
        tpu.yield
      }) : () -> ()
    } else {
    }
    %eq3A_21 = arith.constant 1 : i32
    %eq3A_22 = arith.cmpi eq, %arg0, %eq3A_21 : i32
    %convert_element_type3A_23 = arith.extui %eq3A_22 : i1 to i32
    %cond3A_24 = arith.constant 0 : i32
    %cond3A_25 = arith.cmpi ne, %convert_element_type3A_23, %cond3A_24 : i32
    scf.if %cond3A_25 {
      %multiple_of3A = arith.constant 0 : i32
      %multiple_of3A_37 = tpu.assume_multiple %multiple_of3A, 8 : i32
      %dma_start3A = tpu.memref_slice %arg11[%multiple_of3A_37] : memref<10000xi32, #tpu.memory_space<vmem>> -> memref<80xi32, #tpu.memory_space<vmem>>
      %dma_start3A_38 = arith.constant 0 : i32
      %dma_start3A_39 = arith.constant 0 : i32
      %dma_start3A_40 = tpu.memref_slice %arg5[%dma_start3A_38, %dma_start3A_39] : memref<20000x128xf32, #tpu.memory_space<hbm>> -> memref<20000x128xf32, #tpu.memory_space<hbm>>
      tpu.enqueue_indirect_dma source(%dma_start3A_40 : memref<20000x128xf32, #tpu.memory_space<hbm>>) target(%arg13 : memref<80x128xf32, #tpu.memory_space<vmem>>) offsets(%dma_start3A : memref<80xi32, #tpu.memory_space<vmem>>) semaphore(%arg17 : memref<!tpu.dma_semaphore, #tpu.memory_space<semaphore_mem>>)
      %scan3A = arith.constant 0 : i32
      %scan3A_41 = arith.constant 62 : i32
      %scan3A_42 = arith.addi %scan3A, %scan3A_41 : i32
      %scan3A_43 = arith.constant 1 : i32
      scf.for %scan3A_80 = %scan3A to %scan3A_42 step %scan3A_43  : i32 {
        %mul3A_81 = arith.constant 2 : i32
        %mul3A_82 = arith.muli %scan3A_80, %mul3A_81 : i32
        %add3A_83 = arith.constant 0 : i32
        %add3A_84 = arith.addi %add3A_83, %mul3A_82 : i32
        %add3A_85 = arith.constant 1 : i32
        %add3A_86 = arith.addi %add3A_84, %add3A_85 : i32
        %mul3A_87 = arith.constant 80 : i32
        %mul3A_88 = arith.muli %add3A_86, %mul3A_87 : i32
        %multiple_of3A_89 = tpu.assume_multiple %mul3A_88, 8 : i32
        %dma_start3A_90 = tpu.memref_slice %arg11[%multiple_of3A_89] : memref<10000xi32, #tpu.memory_space<vmem>> -> memref<80xi32, #tpu.memory_space<vmem>>
        %dma_start3A_91 = arith.constant 0 : i32
        %dma_start3A_92 = arith.constant 0 : i32
        %dma_start3A_93 = tpu.memref_slice %arg5[%dma_start3A_91, %dma_start3A_92] : memref<20000x128xf32, #tpu.memory_space<hbm>> -> memref<20000x128xf32, #tpu.memory_space<hbm>>
        tpu.enqueue_indirect_dma source(%dma_start3A_93 : memref<20000x128xf32, #tpu.memory_space<hbm>>) target(%arg14 : memref<80x128xf32, #tpu.memory_space<vmem>>) offsets(%dma_start3A_90 : memref<80xi32, #tpu.memory_space<vmem>>) semaphore(%arg18 : memref<!tpu.dma_semaphore, #tpu.memory_space<semaphore_mem>>)
        %dma_wait3A_94 = arith.constant 0 : i32
        %dma_wait3A_95 = tpu.memref_slice %arg11[%dma_wait3A_94] : memref<10000xi32, #tpu.memory_space<vmem>> -> memref<80xi32, #tpu.memory_space<vmem>>
        %dma_wait3A_96 = arith.constant 0 : i32
        %dma_wait3A_97 = arith.constant 0 : i32
        %dma_wait3A_98 = tpu.memref_slice %arg5[%dma_wait3A_96, %dma_wait3A_97] : memref<20000x128xf32, #tpu.memory_space<hbm>> -> memref<20000x128xf32, #tpu.memory_space<hbm>>
        tpu.wait_indirect_dma semaphore(%arg17 : memref<!tpu.dma_semaphore, #tpu.memory_space<semaphore_mem>>) src(%dma_wait3A_98 : memref<20000x128xf32, #tpu.memory_space<hbm>>) dst(%arg13 : memref<80x128xf32, #tpu.memory_space<vmem>>)
        "tpu.region"() ({
          %run_scoped3A_115 = tpu.sem_alloc : memref<!tpu.dma_semaphore, #tpu.memory_space<semaphore_mem>>
          %dma_start3A_116 = arith.constant 0 : i32
          %dma_start3A_117 = tpu.memref_slice %arg12[%add3A_84, %dma_start3A_116] : memref<125x80xi32, #tpu.memory_space<vmem>> -> memref<1x80xi32, #tpu.memory_space<vmem>>
          %dma_start3A_118 = tpu.memref_squeeze %dma_start3A_117 : memref<1x80xi32, #tpu.memory_space<vmem>> -> memref<80xi32, #tpu.memory_space<vmem>>
          %dma_start3A_119 = arith.constant 0 : i32
          %dma_start3A_120 = arith.constant 0 : i32
          %dma_start3A_121 = tpu.memref_slice %arg15[%dma_start3A_119, %dma_start3A_120] : memref<10000x128xf32, #tpu.memory_space<vmem_shared>> -> memref<10000x128xf32, #tpu.memory_space<vmem_shared>>
          tpu.enqueue_indirect_dma source(%arg13 : memref<80x128xf32, #tpu.memory_space<vmem>>) target(%dma_start3A_121 : memref<10000x128xf32, #tpu.memory_space<vmem_shared>>) offsets(%dma_start3A_118 : memref<80xi32, #tpu.memory_space<vmem>>) semaphore(%run_scoped3A_115 : memref<!tpu.dma_semaphore, #tpu.memory_space<semaphore_mem>>) {add = true}
          %dma_wait3A_122 = arith.constant 0 : i32
          %dma_wait3A_123 = tpu.memref_slice %arg12[%add3A_84, %dma_wait3A_122] : memref<125x80xi32, #tpu.memory_space<vmem>> -> memref<1x80xi32, #tpu.memory_space<vmem>>
          %dma_wait3A_124 = tpu.memref_squeeze %dma_wait3A_123 : memref<1x80xi32, #tpu.memory_space<vmem>> -> memref<80xi32, #tpu.memory_space<vmem>>
          %dma_wait3A_125 = arith.constant 0 : i32
          %dma_wait3A_126 = arith.constant 0 : i32
          %dma_wait3A_127 = tpu.memref_slice %arg15[%dma_wait3A_125, %dma_wait3A_126] : memref<10000x128xf32, #tpu.memory_space<vmem_shared>> -> memref<10000x128xf32, #tpu.memory_space<vmem_shared>>
          tpu.wait_indirect_dma semaphore(%run_scoped3A_115 : memref<!tpu.dma_semaphore, #tpu.memory_space<semaphore_mem>>) src(%arg13 : memref<80x128xf32, #tpu.memory_space<vmem>>) dst(%dma_wait3A_127 : memref<10000x128xf32, #tpu.memory_space<vmem_shared>>)
          tpu.yield
        }) : () -> ()
        %add3A_99 = arith.constant 2 : i32
        %add3A_100 = arith.addi %add3A_84, %add3A_99 : i32
        %mul3A_101 = arith.constant 80 : i32
        %mul3A_102 = arith.muli %add3A_100, %mul3A_101 : i32
        %multiple_of3A_103 = tpu.assume_multiple %mul3A_102, 8 : i32
        %dma_start3A_104 = tpu.memref_slice %arg11[%multiple_of3A_103] : memref<10000xi32, #tpu.memory_space<vmem>> -> memref<80xi32, #tpu.memory_space<vmem>>
        %dma_start3A_105 = arith.constant 0 : i32
        %dma_start3A_106 = arith.constant 0 : i32
        %dma_start3A_107 = tpu.memref_slice %arg5[%dma_start3A_105, %dma_start3A_106] : memref<20000x128xf32, #tpu.memory_space<hbm>> -> memref<20000x128xf32, #tpu.memory_space<hbm>>
        tpu.enqueue_indirect_dma source(%dma_start3A_107 : memref<20000x128xf32, #tpu.memory_space<hbm>>) target(%arg13 : memref<80x128xf32, #tpu.memory_space<vmem>>) offsets(%dma_start3A_104 : memref<80xi32, #tpu.memory_space<vmem>>) semaphore(%arg17 : memref<!tpu.dma_semaphore, #tpu.memory_space<semaphore_mem>>)
        %dma_wait3A_108 = arith.constant 0 : i32
        %dma_wait3A_109 = tpu.memref_slice %arg11[%dma_wait3A_108] : memref<10000xi32, #tpu.memory_space<vmem>> -> memref<80xi32, #tpu.memory_space<vmem>>
        %dma_wait3A_110 = arith.constant 0 : i32
        %dma_wait3A_111 = arith.constant 0 : i32
        %dma_wait3A_112 = tpu.memref_slice %arg5[%dma_wait3A_110, %dma_wait3A_111] : memref<20000x128xf32, #tpu.memory_space<hbm>> -> memref<20000x128xf32, #tpu.memory_space<hbm>>
        tpu.wait_indirect_dma semaphore(%arg18 : memref<!tpu.dma_semaphore, #tpu.memory_space<semaphore_mem>>) src(%dma_wait3A_112 : memref<20000x128xf32, #tpu.memory_space<hbm>>) dst(%arg14 : memref<80x128xf32, #tpu.memory_space<vmem>>)
        %add3A_113 = arith.constant 1 : i32
        %add3A_114 = arith.addi %add3A_84, %add3A_113 : i32
        "tpu.region"() ({
          %run_scoped3A_115 = tpu.sem_alloc : memref<!tpu.dma_semaphore, #tpu.memory_space<semaphore_mem>>
          %dma_start3A_116 = arith.constant 0 : i32
          %dma_start3A_117 = tpu.memref_slice %arg12[%add3A_114, %dma_start3A_116] : memref<125x80xi32, #tpu.memory_space<vmem>> -> memref<1x80xi32, #tpu.memory_space<vmem>>
          %dma_start3A_118 = tpu.memref_squeeze %dma_start3A_117 : memref<1x80xi32, #tpu.memory_space<vmem>> -> memref<80xi32, #tpu.memory_space<vmem>>
          %dma_start3A_119 = arith.constant 0 : i32
          %dma_start3A_120 = arith.constant 0 : i32
          %dma_start3A_121 = tpu.memref_slice %arg15[%dma_start3A_119, %dma_start3A_120] : memref<10000x128xf32, #tpu.memory_space<vmem_shared>> -> memref<10000x128xf32, #tpu.memory_space<vmem_shared>>
          tpu.enqueue_indirect_dma source(%arg14 : memref<80x128xf32, #tpu.memory_space<vmem>>) target(%dma_start3A_121 : memref<10000x128xf32, #tpu.memory_space<vmem_shared>>) offsets(%dma_start3A_118 : memref<80xi32, #tpu.memory_space<vmem>>) semaphore(%run_scoped3A_115 : memref<!tpu.dma_semaphore, #tpu.memory_space<semaphore_mem>>) {add = true}
          %dma_wait3A_122 = arith.constant 0 : i32
          %dma_wait3A_123 = tpu.memref_slice %arg12[%add3A_114, %dma_wait3A_122] : memref<125x80xi32, #tpu.memory_space<vmem>> -> memref<1x80xi32, #tpu.memory_space<vmem>>
          %dma_wait3A_124 = tpu.memref_squeeze %dma_wait3A_123 : memref<1x80xi32, #tpu.memory_space<vmem>> -> memref<80xi32, #tpu.memory_space<vmem>>
          %dma_wait3A_125 = arith.constant 0 : i32
          %dma_wait3A_126 = arith.constant 0 : i32
          %dma_wait3A_127 = tpu.memref_slice %arg15[%dma_wait3A_125, %dma_wait3A_126] : memref<10000x128xf32, #tpu.memory_space<vmem_shared>> -> memref<10000x128xf32, #tpu.memory_space<vmem_shared>>
          tpu.wait_indirect_dma semaphore(%run_scoped3A_115 : memref<!tpu.dma_semaphore, #tpu.memory_space<semaphore_mem>>) src(%arg14 : memref<80x128xf32, #tpu.memory_space<vmem>>) dst(%dma_wait3A_127 : memref<10000x128xf32, #tpu.memory_space<vmem_shared>>)
          tpu.yield
        }) : () -> ()
      }
      %scan3A_44 = arith.constant 62 : i32
      %dma_wait3A = arith.constant 0 : i32
      %dma_wait3A_45 = tpu.memref_slice %arg11[%dma_wait3A] : memref<10000xi32, #tpu.memory_space<vmem>> -> memref<80xi32, #tpu.memory_space<vmem>>
      %dma_wait3A_46 = arith.constant 0 : i32
      %dma_wait3A_47 = arith.constant 0 : i32
      %dma_wait3A_48 = tpu.memref_slice %arg5[%dma_wait3A_46, %dma_wait3A_47] : memref<20000x128xf32, #tpu.memory_space<hbm>> -> memref<20000x128xf32, #tpu.memory_space<hbm>>
      tpu.wait_indirect_dma semaphore(%arg17 : memref<!tpu.dma_semaphore, #tpu.memory_space<semaphore_mem>>) src(%dma_wait3A_48 : memref<20000x128xf32, #tpu.memory_space<hbm>>) dst(%arg13 : memref<80x128xf32, #tpu.memory_space<vmem>>)
      %run_scoped3A = arith.constant 124 : i32
      "tpu.region"() ({
        %run_scoped3A_80 = tpu.sem_alloc : memref<!tpu.dma_semaphore, #tpu.memory_space<semaphore_mem>>
        %dma_start3A_81 = arith.constant 0 : i32
        %dma_start3A_82 = tpu.memref_slice %arg12[%run_scoped3A, %dma_start3A_81] : memref<125x80xi32, #tpu.memory_space<vmem>> -> memref<1x80xi32, #tpu.memory_space<vmem>>
        %dma_start3A_83 = tpu.memref_squeeze %dma_start3A_82 : memref<1x80xi32, #tpu.memory_space<vmem>> -> memref<80xi32, #tpu.memory_space<vmem>>
        %dma_start3A_84 = arith.constant 0 : i32
        %dma_start3A_85 = arith.constant 0 : i32
        %dma_start3A_86 = tpu.memref_slice %arg15[%dma_start3A_84, %dma_start3A_85] : memref<10000x128xf32, #tpu.memory_space<vmem_shared>> -> memref<10000x128xf32, #tpu.memory_space<vmem_shared>>
        tpu.enqueue_indirect_dma source(%arg13 : memref<80x128xf32, #tpu.memory_space<vmem>>) target(%dma_start3A_86 : memref<10000x128xf32, #tpu.memory_space<vmem_shared>>) offsets(%dma_start3A_83 : memref<80xi32, #tpu.memory_space<vmem>>) semaphore(%run_scoped3A_80 : memref<!tpu.dma_semaphore, #tpu.memory_space<semaphore_mem>>) {add = true}
        %dma_wait3A_87 = arith.constant 0 : i32
        %dma_wait3A_88 = tpu.memref_slice %arg12[%run_scoped3A, %dma_wait3A_87] : memref<125x80xi32, #tpu.memory_space<vmem>> -> memref<1x80xi32, #tpu.memory_space<vmem>>
        %dma_wait3A_89 = tpu.memref_squeeze %dma_wait3A_88 : memref<1x80xi32, #tpu.memory_space<vmem>> -> memref<80xi32, #tpu.memory_space<vmem>>
        %dma_wait3A_90 = arith.constant 0 : i32
        %dma_wait3A_91 = arith.constant 0 : i32
        %dma_wait3A_92 = tpu.memref_slice %arg15[%dma_wait3A_90, %dma_wait3A_91] : memref<10000x128xf32, #tpu.memory_space<vmem_shared>> -> memref<10000x128xf32, #tpu.memory_space<vmem_shared>>
        tpu.wait_indirect_dma semaphore(%run_scoped3A_80 : memref<!tpu.dma_semaphore, #tpu.memory_space<semaphore_mem>>) src(%arg13 : memref<80x128xf32, #tpu.memory_space<vmem>>) dst(%dma_wait3A_92 : memref<10000x128xf32, #tpu.memory_space<vmem_shared>>)
        tpu.yield
      }) : () -> ()
      %mul3A = arith.constant 2 : i32
      %mul3A_49 = arith.muli %arg1, %mul3A : i32
      %add3A = arith.constant 1 : i32
      %add3A_50 = arith.addi %mul3A_49, %add3A : i32
      %mul3A_51 = arith.constant 10000 : i32
      %mul3A_52 = arith.muli %add3A_50, %mul3A_51 : i32
      %multiple_of3A_53 = tpu.assume_multiple %mul3A_52, 8 : i32
      %dma_start3A_54 = tpu.memref_slice %arg6[%multiple_of3A_53] : memref<320000xi32, #tpu.memory_space<hbm>> -> memref<10000xi32, #tpu.memory_space<hbm>>
      %dma_start3A_55 = tpu.memref_slice %arg6[%multiple_of3A_53] : memref<320000xi32, #tpu.memory_space<hbm>> -> memref<10000xi32, #tpu.memory_space<hbm>>
      tpu.enqueue_dma source(%dma_start3A_55 : memref<10000xi32, #tpu.memory_space<hbm>>) target(%arg11 : memref<10000xi32, #tpu.memory_space<vmem>>) target_semaphore(%arg16 : memref<!tpu.dma_semaphore, #tpu.memory_space<semaphore_mem>>)
      %dma_wait3A_56 = tpu.memref_slice %arg6[%multiple_of3A_53] : memref<320000xi32, #tpu.memory_space<hbm>> -> memref<10000xi32, #tpu.memory_space<hbm>>
      %dma_wait3A_57 = tpu.memref_slice %arg6[%multiple_of3A_53] : memref<320000xi32, #tpu.memory_space<hbm>> -> memref<10000xi32, #tpu.memory_space<hbm>>
      tpu.wait_dma2 semaphore(%arg16 : memref<!tpu.dma_semaphore, #tpu.memory_space<semaphore_mem>>) src(%dma_wait3A_57 : memref<10000xi32, #tpu.memory_space<hbm>>) dst(%arg11 : memref<10000xi32, #tpu.memory_space<vmem>>)
      "tpu.region"() ({
        %run_scoped3A_80 = tpu.sem_alloc : memref<!tpu.dma_semaphore, #tpu.memory_space<semaphore_mem>>
        %dma_start3A_81 = arith.constant 0 : i32
        %dma_start3A_82 = arith.constant 0 : i32
        %dma_start3A_83 = tpu.memref_slice %arg7[%add3A_50, %dma_start3A_81, %dma_start3A_82] : memref<32x125x80xi32, #tpu.memory_space<hbm>> -> memref<1x125x80xi32, #tpu.memory_space<hbm>>
        %dma_start3A_84 = tpu.memref_squeeze %dma_start3A_83 : memref<1x125x80xi32, #tpu.memory_space<hbm>> -> memref<125x80xi32, #tpu.memory_space<hbm>>
        %dma_start3A_85 = arith.constant 0 : i32
        %dma_start3A_86 = arith.constant 0 : i32
        %dma_start3A_87 = tpu.memref_slice %arg7[%add3A_50, %dma_start3A_85, %dma_start3A_86] : memref<32x125x80xi32, #tpu.memory_space<hbm>> -> memref<1x125x80xi32, #tpu.memory_space<hbm>>
        %dma_start3A_88 = tpu.memref_squeeze %dma_start3A_87 : memref<1x125x80xi32, #tpu.memory_space<hbm>> -> memref<125x80xi32, #tpu.memory_space<hbm>>
        tpu.enqueue_dma source(%dma_start3A_88 : memref<125x80xi32, #tpu.memory_space<hbm>>) target(%arg12 : memref<125x80xi32, #tpu.memory_space<vmem>>) target_semaphore(%run_scoped3A_80 : memref<!tpu.dma_semaphore, #tpu.memory_space<semaphore_mem>>)
        %dma_wait3A_89 = arith.constant 0 : i32
        %dma_wait3A_90 = arith.constant 0 : i32
        %dma_wait3A_91 = tpu.memref_slice %arg7[%add3A_50, %dma_wait3A_89, %dma_wait3A_90] : memref<32x125x80xi32, #tpu.memory_space<hbm>> -> memref<1x125x80xi32, #tpu.memory_space<hbm>>
        %dma_wait3A_92 = tpu.memref_squeeze %dma_wait3A_91 : memref<1x125x80xi32, #tpu.memory_space<hbm>> -> memref<125x80xi32, #tpu.memory_space<hbm>>
        %dma_wait3A_93 = arith.constant 0 : i32
        %dma_wait3A_94 = arith.constant 0 : i32
        %dma_wait3A_95 = tpu.memref_slice %arg7[%add3A_50, %dma_wait3A_93, %dma_wait3A_94] : memref<32x125x80xi32, #tpu.memory_space<hbm>> -> memref<1x125x80xi32, #tpu.memory_space<hbm>>
        %dma_wait3A_96 = tpu.memref_squeeze %dma_wait3A_95 : memref<1x125x80xi32, #tpu.memory_space<hbm>> -> memref<125x80xi32, #tpu.memory_space<hbm>>
        tpu.wait_dma2 semaphore(%run_scoped3A_80 : memref<!tpu.dma_semaphore, #tpu.memory_space<semaphore_mem>>) src(%dma_wait3A_96 : memref<125x80xi32, #tpu.memory_space<hbm>>) dst(%arg12 : memref<125x80xi32, #tpu.memory_space<vmem>>)
        tpu.yield
      }) : () -> ()
      %scan3A_58 = arith.constant 0 : i32
      %scan3A_59 = arith.constant 125 : i32
      %scan3A_60 = arith.addi %scan3A_58, %scan3A_59 : i32
      %scan3A_61 = arith.constant 1 : i32
      scf.for %scan3A_80 = %scan3A_58 to %scan3A_60 step %scan3A_61  : i32 {
        %mul3A_81 = arith.constant 1 : i32
        %mul3A_82 = arith.muli %scan3A_80, %mul3A_81 : i32
        %add3A_83 = arith.constant 0 : i32
        %add3A_84 = arith.addi %add3A_83, %mul3A_82 : i32
        %mul3A_85 = arith.constant 80 : i32
        %mul3A_86 = arith.muli %add3A_84, %mul3A_85 : i32
        %add3A_87 = arith.constant 0 : i32
        %add3A_88 = arith.addi %mul3A_86, %add3A_87 : i32
        %multiple_of3A_89 = tpu.assume_multiple %add3A_88, 16 : i32
        %get3A = arith.index_cast %multiple_of3A_89 : i32 to index
        %get3A_90 = tpu.vector_load %arg11[%get3A] {strides = array<i32>} : memref<10000xi32, #tpu.memory_space<vmem>>, vector<16xi32>,
        %get3A_91 = vector.shape_cast %get3A_90 : vector<16xi32> to vector<16xi32>
        %get3A_92 = arith.index_cast %add3A_84 : i32 to index
        %get3A_93 = arith.constant 0 : index
        %get3A_94 = tpu.vector_load %arg12[%get3A_92, %get3A_93] {strides = array<i32>} : memref<125x80xi32, #tpu.memory_space<vmem>>, vector<1x16xi32>,
        %get3A_95 = vector.shape_cast %get3A_94 : vector<1x16xi32> to vector<16xi32>
        %mul3A_96 = arith.constant 10000 : i32
        %mul3A_97 = vector.broadcast %mul3A_96 : i32 to vector<16xi32>
        %mul3A_98 = arith.muli %get3A_95, %mul3A_97 : vector<16xi32>
        %add3A_99 = arith.addi %get3A_91, %mul3A_98 : vector<16xi32>
        %swap3A = arith.index_cast %multiple_of3A_89 : i32 to index
        %swap3A_100 = tpu.vector_load %arg11[%swap3A] {strides = array<i32>} : memref<10000xi32, #tpu.memory_space<vmem>>, vector<16xi32>,
        %swap3A_101 = vector.shape_cast %swap3A_100 : vector<16xi32> to vector<16xi32>
        %swap3A_102 = vector.shape_cast %add3A_99 : vector<16xi32> to vector<16xi32>
        tpu.vector_store %arg11[%swap3A], %swap3A_102 {strides = array<i32>} : memref<10000xi32, #tpu.memory_space<vmem>>, vector<16xi32>,
        %mul3A_103 = arith.constant 80 : i32
        %mul3A_104 = arith.muli %add3A_84, %mul3A_103 : i32
        %add3A_105 = arith.constant 16 : i32
        %add3A_106 = arith.addi %mul3A_104, %add3A_105 : i32
        %multiple_of3A_107 = tpu.assume_multiple %add3A_106, 16 : i32
        %get3A_108 = arith.index_cast %multiple_of3A_107 : i32 to index
        %get3A_109 = tpu.vector_load %arg11[%get3A_108] {strides = array<i32>} : memref<10000xi32, #tpu.memory_space<vmem>>, vector<16xi32>,
        %get3A_110 = vector.shape_cast %get3A_109 : vector<16xi32> to vector<16xi32>
        %get3A_111 = arith.index_cast %add3A_84 : i32 to index
        %get3A_112 = arith.constant 16 : index
        %get3A_113 = tpu.vector_load %arg12[%get3A_111, %get3A_112] {strides = array<i32>} : memref<125x80xi32, #tpu.memory_space<vmem>>, vector<1x16xi32>,
        %get3A_114 = vector.shape_cast %get3A_113 : vector<1x16xi32> to vector<16xi32>
        %mul3A_115 = arith.constant 10000 : i32
        %mul3A_116 = vector.broadcast %mul3A_115 : i32 to vector<16xi32>
        %mul3A_117 = arith.muli %get3A_114, %mul3A_116 : vector<16xi32>
        %add3A_118 = arith.addi %get3A_110, %mul3A_117 : vector<16xi32>
        %swap3A_119 = arith.index_cast %multiple_of3A_107 : i32 to index
        %swap3A_120 = tpu.vector_load %arg11[%swap3A_119] {strides = array<i32>} : memref<10000xi32, #tpu.memory_space<vmem>>, vector<16xi32>,
        %swap3A_121 = vector.shape_cast %swap3A_120 : vector<16xi32> to vector<16xi32>
        %swap3A_122 = vector.shape_cast %add3A_118 : vector<16xi32> to vector<16xi32>
        tpu.vector_store %arg11[%swap3A_119], %swap3A_122 {strides = array<i32>} : memref<10000xi32, #tpu.memory_space<vmem>>, vector<16xi32>,
        %mul3A_123 = arith.constant 80 : i32
        %mul3A_124 = arith.muli %add3A_84, %mul3A_123 : i32
        %add3A_125 = arith.constant 32 : i32
        %add3A_126 = arith.addi %mul3A_124, %add3A_125 : i32
        %multiple_of3A_127 = tpu.assume_multiple %add3A_126, 16 : i32
        %get3A_128 = arith.index_cast %multiple_of3A_127 : i32 to index
        %get3A_129 = tpu.vector_load %arg11[%get3A_128] {strides = array<i32>} : memref<10000xi32, #tpu.memory_space<vmem>>, vector<16xi32>,
        %get3A_130 = vector.shape_cast %get3A_129 : vector<16xi32> to vector<16xi32>
        %get3A_131 = arith.index_cast %add3A_84 : i32 to index
        %get3A_132 = arith.constant 32 : index
        %get3A_133 = tpu.vector_load %arg12[%get3A_131, %get3A_132] {strides = array<i32>} : memref<125x80xi32, #tpu.memory_space<vmem>>, vector<1x16xi32>,
        %get3A_134 = vector.shape_cast %get3A_133 : vector<1x16xi32> to vector<16xi32>
        %mul3A_135 = arith.constant 10000 : i32
        %mul3A_136 = vector.broadcast %mul3A_135 : i32 to vector<16xi32>
        %mul3A_137 = arith.muli %get3A_134, %mul3A_136 : vector<16xi32>
        %add3A_138 = arith.addi %get3A_130, %mul3A_137 : vector<16xi32>
        %swap3A_139 = arith.index_cast %multiple_of3A_127 : i32 to index
        %swap3A_140 = tpu.vector_load %arg11[%swap3A_139] {strides = array<i32>} : memref<10000xi32, #tpu.memory_space<vmem>>, vector<16xi32>,
        %swap3A_141 = vector.shape_cast %swap3A_140 : vector<16xi32> to vector<16xi32>
        %swap3A_142 = vector.shape_cast %add3A_138 : vector<16xi32> to vector<16xi32>
        tpu.vector_store %arg11[%swap3A_139], %swap3A_142 {strides = array<i32>} : memref<10000xi32, #tpu.memory_space<vmem>>, vector<16xi32>,
        %mul3A_143 = arith.constant 80 : i32
        %mul3A_144 = arith.muli %add3A_84, %mul3A_143 : i32
        %add3A_145 = arith.constant 48 : i32
        %add3A_146 = arith.addi %mul3A_144, %add3A_145 : i32
        %multiple_of3A_147 = tpu.assume_multiple %add3A_146, 16 : i32
        %get3A_148 = arith.index_cast %multiple_of3A_147 : i32 to index
        %get3A_149 = tpu.vector_load %arg11[%get3A_148] {strides = array<i32>} : memref<10000xi32, #tpu.memory_space<vmem>>, vector<16xi32>,
        %get3A_150 = vector.shape_cast %get3A_149 : vector<16xi32> to vector<16xi32>
        %get3A_151 = arith.index_cast %add3A_84 : i32 to index
        %get3A_152 = arith.constant 48 : index
        %get3A_153 = tpu.vector_load %arg12[%get3A_151, %get3A_152] {strides = array<i32>} : memref<125x80xi32, #tpu.memory_space<vmem>>, vector<1x16xi32>,
        %get3A_154 = vector.shape_cast %get3A_153 : vector<1x16xi32> to vector<16xi32>
        %mul3A_155 = arith.constant 10000 : i32
        %mul3A_156 = vector.broadcast %mul3A_155 : i32 to vector<16xi32>
        %mul3A_157 = arith.muli %get3A_154, %mul3A_156 : vector<16xi32>
        %add3A_158 = arith.addi %get3A_150, %mul3A_157 : vector<16xi32>
        %swap3A_159 = arith.index_cast %multiple_of3A_147 : i32 to index
        %swap3A_160 = tpu.vector_load %arg11[%swap3A_159] {strides = array<i32>} : memref<10000xi32, #tpu.memory_space<vmem>>, vector<16xi32>,
        %swap3A_161 = vector.shape_cast %swap3A_160 : vector<16xi32> to vector<16xi32>
        %swap3A_162 = vector.shape_cast %add3A_158 : vector<16xi32> to vector<16xi32>
        tpu.vector_store %arg11[%swap3A_159], %swap3A_162 {strides = array<i32>} : memref<10000xi32, #tpu.memory_space<vmem>>, vector<16xi32>,
        %mul3A_163 = arith.constant 80 : i32
        %mul3A_164 = arith.muli %add3A_84, %mul3A_163 : i32
        %add3A_165 = arith.constant 64 : i32
        %add3A_166 = arith.addi %mul3A_164, %add3A_165 : i32
        %multiple_of3A_167 = tpu.assume_multiple %add3A_166, 16 : i32
        %get3A_168 = arith.index_cast %multiple_of3A_167 : i32 to index
        %get3A_169 = tpu.vector_load %arg11[%get3A_168] {strides = array<i32>} : memref<10000xi32, #tpu.memory_space<vmem>>, vector<16xi32>,
        %get3A_170 = vector.shape_cast %get3A_169 : vector<16xi32> to vector<16xi32>
        %get3A_171 = arith.index_cast %add3A_84 : i32 to index
        %get3A_172 = arith.constant 64 : index
        %get3A_173 = tpu.vector_load %arg12[%get3A_171, %get3A_172] {strides = array<i32>} : memref<125x80xi32, #tpu.memory_space<vmem>>, vector<1x16xi32>,
        %get3A_174 = vector.shape_cast %get3A_173 : vector<1x16xi32> to vector<16xi32>
        %mul3A_175 = arith.constant 10000 : i32
        %mul3A_176 = vector.broadcast %mul3A_175 : i32 to vector<16xi32>
        %mul3A_177 = arith.muli %get3A_174, %mul3A_176 : vector<16xi32>
        %add3A_178 = arith.addi %get3A_170, %mul3A_177 : vector<16xi32>
        %swap3A_179 = arith.index_cast %multiple_of3A_167 : i32 to index
        %swap3A_180 = tpu.vector_load %arg11[%swap3A_179] {strides = array<i32>} : memref<10000xi32, #tpu.memory_space<vmem>>, vector<16xi32>,
        %swap3A_181 = vector.shape_cast %swap3A_180 : vector<16xi32> to vector<16xi32>
        %swap3A_182 = vector.shape_cast %add3A_178 : vector<16xi32> to vector<16xi32>
        tpu.vector_store %arg11[%swap3A_179], %swap3A_182 {strides = array<i32>} : memref<10000xi32, #tpu.memory_space<vmem>>, vector<16xi32>,
      }
      %scan3A_62 = arith.constant 125 : i32
      "tpu.region"() ({
        %run_scoped3A_80 = tpu.sem_alloc : memref<!tpu.dma_semaphore, #tpu.memory_space<semaphore_mem>>
        %dma_start3A_81 = arith.constant 0 : i32
        %dma_start3A_82 = arith.constant 0 : i32
        %dma_start3A_83 = tpu.memref_slice %arg8[%add3A_50, %dma_start3A_81, %dma_start3A_82] : memref<32x125x80xi32, #tpu.memory_space<hbm>> -> memref<1x125x80xi32, #tpu.memory_space<hbm>>
        %dma_start3A_84 = tpu.memref_squeeze %dma_start3A_83 : memref<1x125x80xi32, #tpu.memory_space<hbm>> -> memref<125x80xi32, #tpu.memory_space<hbm>>
        %dma_start3A_85 = arith.constant 0 : i32
        %dma_start3A_86 = arith.constant 0 : i32
        %dma_start3A_87 = tpu.memref_slice %arg8[%add3A_50, %dma_start3A_85, %dma_start3A_86] : memref<32x125x80xi32, #tpu.memory_space<hbm>> -> memref<1x125x80xi32, #tpu.memory_space<hbm>>
        %dma_start3A_88 = tpu.memref_squeeze %dma_start3A_87 : memref<1x125x80xi32, #tpu.memory_space<hbm>> -> memref<125x80xi32, #tpu.memory_space<hbm>>
        tpu.enqueue_dma source(%dma_start3A_88 : memref<125x80xi32, #tpu.memory_space<hbm>>) target(%arg12 : memref<125x80xi32, #tpu.memory_space<vmem>>) target_semaphore(%run_scoped3A_80 : memref<!tpu.dma_semaphore, #tpu.memory_space<semaphore_mem>>)
        %dma_wait3A_89 = arith.constant 0 : i32
        %dma_wait3A_90 = arith.constant 0 : i32
        %dma_wait3A_91 = tpu.memref_slice %arg8[%add3A_50, %dma_wait3A_89, %dma_wait3A_90] : memref<32x125x80xi32, #tpu.memory_space<hbm>> -> memref<1x125x80xi32, #tpu.memory_space<hbm>>
        %dma_wait3A_92 = tpu.memref_squeeze %dma_wait3A_91 : memref<1x125x80xi32, #tpu.memory_space<hbm>> -> memref<125x80xi32, #tpu.memory_space<hbm>>
        %dma_wait3A_93 = arith.constant 0 : i32
        %dma_wait3A_94 = arith.constant 0 : i32
        %dma_wait3A_95 = tpu.memref_slice %arg8[%add3A_50, %dma_wait3A_93, %dma_wait3A_94] : memref<32x125x80xi32, #tpu.memory_space<hbm>> -> memref<1x125x80xi32, #tpu.memory_space<hbm>>
        %dma_wait3A_96 = tpu.memref_squeeze %dma_wait3A_95 : memref<1x125x80xi32, #tpu.memory_space<hbm>> -> memref<125x80xi32, #tpu.memory_space<hbm>>
        tpu.wait_dma2 semaphore(%run_scoped3A_80 : memref<!tpu.dma_semaphore, #tpu.memory_space<semaphore_mem>>) src(%dma_wait3A_96 : memref<125x80xi32, #tpu.memory_space<hbm>>) dst(%arg12 : memref<125x80xi32, #tpu.memory_space<vmem>>)
        tpu.yield
      }) : () -> ()
      %multiple_of3A_63 = arith.constant 0 : i32
      %multiple_of3A_64 = tpu.assume_multiple %multiple_of3A_63, 8 : i32
      %dma_start3A_65 = tpu.memref_slice %arg11[%multiple_of3A_64] : memref<10000xi32, #tpu.memory_space<vmem>> -> memref<80xi32, #tpu.memory_space<vmem>>
      %dma_start3A_66 = arith.constant 0 : i32
      %dma_start3A_67 = arith.constant 0 : i32
      %dma_start3A_68 = tpu.memref_slice %arg5[%dma_start3A_66, %dma_start3A_67] : memref<20000x128xf32, #tpu.memory_space<hbm>> -> memref<20000x128xf32, #tpu.memory_space<hbm>>
      tpu.enqueue_indirect_dma source(%dma_start3A_68 : memref<20000x128xf32, #tpu.memory_space<hbm>>) target(%arg13 : memref<80x128xf32, #tpu.memory_space<vmem>>) offsets(%dma_start3A_65 : memref<80xi32, #tpu.memory_space<vmem>>) semaphore(%arg17 : memref<!tpu.dma_semaphore, #tpu.memory_space<semaphore_mem>>)
      %scan3A_69 = arith.constant 0 : i32
      %scan3A_70 = arith.constant 62 : i32
      %scan3A_71 = arith.addi %scan3A_69, %scan3A_70 : i32
      %scan3A_72 = arith.constant 1 : i32
      scf.for %scan3A_80 = %scan3A_69 to %scan3A_71 step %scan3A_72  : i32 {
        %mul3A_81 = arith.constant 2 : i32
        %mul3A_82 = arith.muli %scan3A_80, %mul3A_81 : i32
        %add3A_83 = arith.constant 0 : i32
        %add3A_84 = arith.addi %add3A_83, %mul3A_82 : i32
        %add3A_85 = arith.constant 1 : i32
        %add3A_86 = arith.addi %add3A_84, %add3A_85 : i32
        %mul3A_87 = arith.constant 80 : i32
        %mul3A_88 = arith.muli %add3A_86, %mul3A_87 : i32
        %multiple_of3A_89 = tpu.assume_multiple %mul3A_88, 8 : i32
        %dma_start3A_90 = tpu.memref_slice %arg11[%multiple_of3A_89] : memref<10000xi32, #tpu.memory_space<vmem>> -> memref<80xi32, #tpu.memory_space<vmem>>
        %dma_start3A_91 = arith.constant 0 : i32
        %dma_start3A_92 = arith.constant 0 : i32
        %dma_start3A_93 = tpu.memref_slice %arg5[%dma_start3A_91, %dma_start3A_92] : memref<20000x128xf32, #tpu.memory_space<hbm>> -> memref<20000x128xf32, #tpu.memory_space<hbm>>
        tpu.enqueue_indirect_dma source(%dma_start3A_93 : memref<20000x128xf32, #tpu.memory_space<hbm>>) target(%arg14 : memref<80x128xf32, #tpu.memory_space<vmem>>) offsets(%dma_start3A_90 : memref<80xi32, #tpu.memory_space<vmem>>) semaphore(%arg18 : memref<!tpu.dma_semaphore, #tpu.memory_space<semaphore_mem>>)
        %dma_wait3A_94 = arith.constant 0 : i32
        %dma_wait3A_95 = tpu.memref_slice %arg11[%dma_wait3A_94] : memref<10000xi32, #tpu.memory_space<vmem>> -> memref<80xi32, #tpu.memory_space<vmem>>
        %dma_wait3A_96 = arith.constant 0 : i32
        %dma_wait3A_97 = arith.constant 0 : i32
        %dma_wait3A_98 = tpu.memref_slice %arg5[%dma_wait3A_96, %dma_wait3A_97] : memref<20000x128xf32, #tpu.memory_space<hbm>> -> memref<20000x128xf32, #tpu.memory_space<hbm>>
        tpu.wait_indirect_dma semaphore(%arg17 : memref<!tpu.dma_semaphore, #tpu.memory_space<semaphore_mem>>) src(%dma_wait3A_98 : memref<20000x128xf32, #tpu.memory_space<hbm>>) dst(%arg13 : memref<80x128xf32, #tpu.memory_space<vmem>>)
        "tpu.region"() ({
          %run_scoped3A_115 = tpu.sem_alloc : memref<!tpu.dma_semaphore, #tpu.memory_space<semaphore_mem>>
          %dma_start3A_116 = arith.constant 0 : i32
          %dma_start3A_117 = tpu.memref_slice %arg12[%add3A_84, %dma_start3A_116] : memref<125x80xi32, #tpu.memory_space<vmem>> -> memref<1x80xi32, #tpu.memory_space<vmem>>
          %dma_start3A_118 = tpu.memref_squeeze %dma_start3A_117 : memref<1x80xi32, #tpu.memory_space<vmem>> -> memref<80xi32, #tpu.memory_space<vmem>>
          %dma_start3A_119 = arith.constant 0 : i32
          %dma_start3A_120 = arith.constant 0 : i32
          %dma_start3A_121 = tpu.memref_slice %arg15[%dma_start3A_119, %dma_start3A_120] : memref<10000x128xf32, #tpu.memory_space<vmem_shared>> -> memref<10000x128xf32, #tpu.memory_space<vmem_shared>>
          tpu.enqueue_indirect_dma source(%arg13 : memref<80x128xf32, #tpu.memory_space<vmem>>) target(%dma_start3A_121 : memref<10000x128xf32, #tpu.memory_space<vmem_shared>>) offsets(%dma_start3A_118 : memref<80xi32, #tpu.memory_space<vmem>>) semaphore(%run_scoped3A_115 : memref<!tpu.dma_semaphore, #tpu.memory_space<semaphore_mem>>) {add = true}
          %dma_wait3A_122 = arith.constant 0 : i32
          %dma_wait3A_123 = tpu.memref_slice %arg12[%add3A_84, %dma_wait3A_122] : memref<125x80xi32, #tpu.memory_space<vmem>> -> memref<1x80xi32, #tpu.memory_space<vmem>>
          %dma_wait3A_124 = tpu.memref_squeeze %dma_wait3A_123 : memref<1x80xi32, #tpu.memory_space<vmem>> -> memref<80xi32, #tpu.memory_space<vmem>>
          %dma_wait3A_125 = arith.constant 0 : i32
          %dma_wait3A_126 = arith.constant 0 : i32
          %dma_wait3A_127 = tpu.memref_slice %arg15[%dma_wait3A_125, %dma_wait3A_126] : memref<10000x128xf32, #tpu.memory_space<vmem_shared>> -> memref<10000x128xf32, #tpu.memory_space<vmem_shared>>
          tpu.wait_indirect_dma semaphore(%run_scoped3A_115 : memref<!tpu.dma_semaphore, #tpu.memory_space<semaphore_mem>>) src(%arg13 : memref<80x128xf32, #tpu.memory_space<vmem>>) dst(%dma_wait3A_127 : memref<10000x128xf32, #tpu.memory_space<vmem_shared>>)
          tpu.yield
        }) : () -> ()
        %add3A_99 = arith.constant 2 : i32
        %add3A_100 = arith.addi %add3A_84, %add3A_99 : i32
        %mul3A_101 = arith.constant 80 : i32
        %mul3A_102 = arith.muli %add3A_100, %mul3A_101 : i32
        %multiple_of3A_103 = tpu.assume_multiple %mul3A_102, 8 : i32
        %dma_start3A_104 = tpu.memref_slice %arg11[%multiple_of3A_103] : memref<10000xi32, #tpu.memory_space<vmem>> -> memref<80xi32, #tpu.memory_space<vmem>>
        %dma_start3A_105 = arith.constant 0 : i32
        %dma_start3A_106 = arith.constant 0 : i32
        %dma_start3A_107 = tpu.memref_slice %arg5[%dma_start3A_105, %dma_start3A_106] : memref<20000x128xf32, #tpu.memory_space<hbm>> -> memref<20000x128xf32, #tpu.memory_space<hbm>>
        tpu.enqueue_indirect_dma source(%dma_start3A_107 : memref<20000x128xf32, #tpu.memory_space<hbm>>) target(%arg13 : memref<80x128xf32, #tpu.memory_space<vmem>>) offsets(%dma_start3A_104 : memref<80xi32, #tpu.memory_space<vmem>>) semaphore(%arg17 : memref<!tpu.dma_semaphore, #tpu.memory_space<semaphore_mem>>)
        %dma_wait3A_108 = arith.constant 0 : i32
        %dma_wait3A_109 = tpu.memref_slice %arg11[%dma_wait3A_108] : memref<10000xi32, #tpu.memory_space<vmem>> -> memref<80xi32, #tpu.memory_space<vmem>>
        %dma_wait3A_110 = arith.constant 0 : i32
        %dma_wait3A_111 = arith.constant 0 : i32
        %dma_wait3A_112 = tpu.memref_slice %arg5[%dma_wait3A_110, %dma_wait3A_111] : memref<20000x128xf32, #tpu.memory_space<hbm>> -> memref<20000x128xf32, #tpu.memory_space<hbm>>
        tpu.wait_indirect_dma semaphore(%arg18 : memref<!tpu.dma_semaphore, #tpu.memory_space<semaphore_mem>>) src(%dma_wait3A_112 : memref<20000x128xf32, #tpu.memory_space<hbm>>) dst(%arg14 : memref<80x128xf32, #tpu.memory_space<vmem>>)
        %add3A_113 = arith.constant 1 : i32
        %add3A_114 = arith.addi %add3A_84, %add3A_113 : i32
        "tpu.region"() ({
          %run_scoped3A_115 = tpu.sem_alloc : memref<!tpu.dma_semaphore, #tpu.memory_space<semaphore_mem>>
          %dma_start3A_116 = arith.constant 0 : i32
          %dma_start3A_117 = tpu.memref_slice %arg12[%add3A_114, %dma_start3A_116] : memref<125x80xi32, #tpu.memory_space<vmem>> -> memref<1x80xi32, #tpu.memory_space<vmem>>
          %dma_start3A_118 = tpu.memref_squeeze %dma_start3A_117 : memref<1x80xi32, #tpu.memory_space<vmem>> -> memref<80xi32, #tpu.memory_space<vmem>>
          %dma_start3A_119 = arith.constant 0 : i32
          %dma_start3A_120 = arith.constant 0 : i32
          %dma_start3A_121 = tpu.memref_slice %arg15[%dma_start3A_119, %dma_start3A_120] : memref<10000x128xf32, #tpu.memory_space<vmem_shared>> -> memref<10000x128xf32, #tpu.memory_space<vmem_shared>>
          tpu.enqueue_indirect_dma source(%arg14 : memref<80x128xf32, #tpu.memory_space<vmem>>) target(%dma_start3A_121 : memref<10000x128xf32, #tpu.memory_space<vmem_shared>>) offsets(%dma_start3A_118 : memref<80xi32, #tpu.memory_space<vmem>>) semaphore(%run_scoped3A_115 : memref<!tpu.dma_semaphore, #tpu.memory_space<semaphore_mem>>) {add = true}
          %dma_wait3A_122 = arith.constant 0 : i32
          %dma_wait3A_123 = tpu.memref_slice %arg12[%add3A_114, %dma_wait3A_122] : memref<125x80xi32, #tpu.memory_space<vmem>> -> memref<1x80xi32, #tpu.memory_space<vmem>>
          %dma_wait3A_124 = tpu.memref_squeeze %dma_wait3A_123 : memref<1x80xi32, #tpu.memory_space<vmem>> -> memref<80xi32, #tpu.memory_space<vmem>>
          %dma_wait3A_125 = arith.constant 0 : i32
          %dma_wait3A_126 = arith.constant 0 : i32
          %dma_wait3A_127 = tpu.memref_slice %arg15[%dma_wait3A_125, %dma_wait3A_126] : memref<10000x128xf32, #tpu.memory_space<vmem_shared>> -> memref<10000x128xf32, #tpu.memory_space<vmem_shared>>
          tpu.wait_indirect_dma semaphore(%run_scoped3A_115 : memref<!tpu.dma_semaphore, #tpu.memory_space<semaphore_mem>>) src(%arg14 : memref<80x128xf32, #tpu.memory_space<vmem>>) dst(%dma_wait3A_127 : memref<10000x128xf32, #tpu.memory_space<vmem_shared>>)
          tpu.yield
        }) : () -> ()
      }
      %scan3A_73 = arith.constant 62 : i32
      %dma_wait3A_74 = arith.constant 0 : i32
      %dma_wait3A_75 = tpu.memref_slice %arg11[%dma_wait3A_74] : memref<10000xi32, #tpu.memory_space<vmem>> -> memref<80xi32, #tpu.memory_space<vmem>>
      %dma_wait3A_76 = arith.constant 0 : i32
      %dma_wait3A_77 = arith.constant 0 : i32
      %dma_wait3A_78 = tpu.memref_slice %arg5[%dma_wait3A_76, %dma_wait3A_77] : memref<20000x128xf32, #tpu.memory_space<hbm>> -> memref<20000x128xf32, #tpu.memory_space<hbm>>
      tpu.wait_indirect_dma semaphore(%arg17 : memref<!tpu.dma_semaphore, #tpu.memory_space<semaphore_mem>>) src(%dma_wait3A_78 : memref<20000x128xf32, #tpu.memory_space<hbm>>) dst(%arg13 : memref<80x128xf32, #tpu.memory_space<vmem>>)
      %run_scoped3A_79 = arith.constant 124 : i32
      "tpu.region"() ({
        %run_scoped3A_80 = tpu.sem_alloc : memref<!tpu.dma_semaphore, #tpu.memory_space<semaphore_mem>>
        %dma_start3A_81 = arith.constant 0 : i32
        %dma_start3A_82 = tpu.memref_slice %arg12[%run_scoped3A_79, %dma_start3A_81] : memref<125x80xi32, #tpu.memory_space<vmem>> -> memref<1x80xi32, #tpu.memory_space<vmem>>
        %dma_start3A_83 = tpu.memref_squeeze %dma_start3A_82 : memref<1x80xi32, #tpu.memory_space<vmem>> -> memref<80xi32, #tpu.memory_space<vmem>>
        %dma_start3A_84 = arith.constant 0 : i32
        %dma_start3A_85 = arith.constant 0 : i32
        %dma_start3A_86 = tpu.memref_slice %arg15[%dma_start3A_84, %dma_start3A_85] : memref<10000x128xf32, #tpu.memory_space<vmem_shared>> -> memref<10000x128xf32, #tpu.memory_space<vmem_shared>>
        tpu.enqueue_indirect_dma source(%arg13 : memref<80x128xf32, #tpu.memory_space<vmem>>) target(%dma_start3A_86 : memref<10000x128xf32, #tpu.memory_space<vmem_shared>>) offsets(%dma_start3A_83 : memref<80xi32, #tpu.memory_space<vmem>>) semaphore(%run_scoped3A_80 : memref<!tpu.dma_semaphore, #tpu.memory_space<semaphore_mem>>) {add = true}
        %dma_wait3A_87 = arith.constant 0 : i32
        %dma_wait3A_88 = tpu.memref_slice %arg12[%run_scoped3A_79, %dma_wait3A_87] : memref<125x80xi32, #tpu.memory_space<vmem>> -> memref<1x80xi32, #tpu.memory_space<vmem>>
        %dma_wait3A_89 = tpu.memref_squeeze %dma_wait3A_88 : memref<1x80xi32, #tpu.memory_space<vmem>> -> memref<80xi32, #tpu.memory_space<vmem>>
        %dma_wait3A_90 = arith.constant 0 : i32
        %dma_wait3A_91 = arith.constant 0 : i32
        %dma_wait3A_92 = tpu.memref_slice %arg15[%dma_wait3A_90, %dma_wait3A_91] : memref<10000x128xf32, #tpu.memory_space<vmem_shared>> -> memref<10000x128xf32, #tpu.memory_space<vmem_shared>>
        tpu.wait_indirect_dma semaphore(%run_scoped3A_80 : memref<!tpu.dma_semaphore, #tpu.memory_space<semaphore_mem>>) src(%arg13 : memref<80x128xf32, #tpu.memory_space<vmem>>) dst(%dma_wait3A_92 : memref<10000x128xf32, #tpu.memory_space<vmem_shared>>)
        tpu.yield
      }) : () -> ()
    } else {
    }
    %barrier3A_26 = arith.constant 0 : index
    tpu.barrier barrier_id(%barrier3A_26)
    %lt3A_27 = arith.constant 15 : i32
    %lt3A_28 = arith.cmpi slt, %arg1, %lt3A_27 : i32
    %convert_element_type3A_29 = arith.extui %lt3A_28 : i1 to i32
    %cond3A_30 = arith.constant 0 : i32
    %cond3A_31 = arith.cmpi ne, %convert_element_type3A_29, %cond3A_30 : i32
    scf.if %cond3A_31 {
      %mul3A = arith.constant 632 : i32
      %mul3A_37 = arith.muli %arg1, %mul3A : i32
      %multiple_of3A = tpu.assume_multiple %mul3A_37, 8 : i32
      "tpu.region"() ({
        %run_scoped3A = tpu.sem_alloc : memref<!tpu.dma_semaphore, #tpu.memory_space<semaphore_mem>>
        %dma_start3A = arith.constant 0 : i32
        %dma_start3A_38 = arith.constant 0 : i32
        %dma_start3A_39 = tpu.memref_slice %arg10[%arg0, %dma_start3A, %dma_start3A_38] : memref<2x10000x128xf32, #tpu.memory_space<hbm>> -> memref<1x10000x128xf32, #tpu.memory_space<hbm>>
        %dma_start3A_40 = tpu.memref_squeeze %dma_start3A_39 : memref<1x10000x128xf32, #tpu.memory_space<hbm>> -> memref<10000x128xf32, #tpu.memory_space<hbm>>
        %dma_start3A_41 = arith.constant 0 : i32
        %dma_start3A_42 = tpu.memref_slice %dma_start3A_40[%multiple_of3A, %dma_start3A_41] : memref<10000x128xf32, #tpu.memory_space<hbm>> -> memref<632x128xf32, #tpu.memory_space<hbm>>
        %dma_start3A_43 = arith.constant 0 : i32
        %dma_start3A_44 = tpu.memref_slice %arg15[%multiple_of3A, %dma_start3A_43] : memref<10000x128xf32, #tpu.memory_space<vmem_shared>> -> memref<632x128xf32, #tpu.memory_space<vmem_shared>>
        tpu.enqueue_dma source(%dma_start3A_44 : memref<632x128xf32, #tpu.memory_space<vmem_shared>>) target(%dma_start3A_42 : memref<632x128xf32, #tpu.memory_space<hbm>>) target_semaphore(%run_scoped3A : memref<!tpu.dma_semaphore, #tpu.memory_space<semaphore_mem>>)
        %dma_wait3A = arith.constant 0 : i32
        %dma_wait3A_45 = arith.constant 0 : i32
        %dma_wait3A_46 = tpu.memref_slice %arg10[%arg0, %dma_wait3A, %dma_wait3A_45] : memref<2x10000x128xf32, #tpu.memory_space<hbm>> -> memref<1x10000x128xf32, #tpu.memory_space<hbm>>
        %dma_wait3A_47 = tpu.memref_squeeze %dma_wait3A_46 : memref<1x10000x128xf32, #tpu.memory_space<hbm>> -> memref<10000x128xf32, #tpu.memory_space<hbm>>
        %dma_wait3A_48 = arith.constant 0 : i32
        %dma_wait3A_49 = tpu.memref_slice %dma_wait3A_47[%multiple_of3A, %dma_wait3A_48] : memref<10000x128xf32, #tpu.memory_space<hbm>> -> memref<632x128xf32, #tpu.memory_space<hbm>>
        %dma_wait3A_50 = arith.constant 0 : i32
        %dma_wait3A_51 = tpu.memref_slice %arg15[%multiple_of3A, %dma_wait3A_50] : memref<10000x128xf32, #tpu.memory_space<vmem_shared>> -> memref<632x128xf32, #tpu.memory_space<vmem_shared>>
        tpu.wait_dma2 semaphore(%run_scoped3A : memref<!tpu.dma_semaphore, #tpu.memory_space<semaphore_mem>>) src(%dma_wait3A_51 : memref<632x128xf32, #tpu.memory_space<vmem_shared>>) dst(%dma_wait3A_49 : memref<632x128xf32, #tpu.memory_space<hbm>>)
        tpu.yield
      }) : () -> ()
    } else {
    }
    %eq3A_32 = arith.constant 15 : i32
    %eq3A_33 = arith.cmpi eq, %arg1, %eq3A_32 : i32
    %convert_element_type3A_34 = arith.extui %eq3A_33 : i1 to i32
    %cond3A_35 = arith.constant 0 : i32
    %cond3A_36 = arith.cmpi ne, %convert_element_type3A_34, %cond3A_35 : i32
    scf.if %cond3A_36 {
      "tpu.region"() ({
        %run_scoped3A = tpu.sem_alloc : memref<!tpu.dma_semaphore, #tpu.memory_space<semaphore_mem>>
        %dma_start3A = arith.constant 0 : i32
        %dma_start3A_37 = arith.constant 0 : i32
        %dma_start3A_38 = tpu.memref_slice %arg10[%arg0, %dma_start3A, %dma_start3A_37] : memref<2x10000x128xf32, #tpu.memory_space<hbm>> -> memref<1x10000x128xf32, #tpu.memory_space<hbm>>
        %dma_start3A_39 = tpu.memref_squeeze %dma_start3A_38 : memref<1x10000x128xf32, #tpu.memory_space<hbm>> -> memref<10000x128xf32, #tpu.memory_space<hbm>>
        %dma_start3A_40 = arith.constant 9480 : i32
        %dma_start3A_41 = arith.constant 0 : i32
        %dma_start3A_42 = tpu.memref_slice %dma_start3A_39[%dma_start3A_40, %dma_start3A_41] : memref<10000x128xf32, #tpu.memory_space<hbm>> -> memref<520x128xf32, #tpu.memory_space<hbm>>
        %dma_start3A_43 = arith.constant 9480 : i32
        %dma_start3A_44 = arith.constant 0 : i32
        %dma_start3A_45 = tpu.memref_slice %arg15[%dma_start3A_43, %dma_start3A_44] : memref<10000x128xf32, #tpu.memory_space<vmem_shared>> -> memref<520x128xf32, #tpu.memory_space<vmem_shared>>
        tpu.enqueue_dma source(%dma_start3A_45 : memref<520x128xf32, #tpu.memory_space<vmem_shared>>) target(%dma_start3A_42 : memref<520x128xf32, #tpu.memory_space<hbm>>) target_semaphore(%run_scoped3A : memref<!tpu.dma_semaphore, #tpu.memory_space<semaphore_mem>>)
        %dma_wait3A = arith.constant 0 : i32
        %dma_wait3A_46 = arith.constant 0 : i32
        %dma_wait3A_47 = tpu.memref_slice %arg10[%arg0, %dma_wait3A, %dma_wait3A_46] : memref<2x10000x128xf32, #tpu.memory_space<hbm>> -> memref<1x10000x128xf32, #tpu.memory_space<hbm>>
        %dma_wait3A_48 = tpu.memref_squeeze %dma_wait3A_47 : memref<1x10000x128xf32, #tpu.memory_space<hbm>> -> memref<10000x128xf32, #tpu.memory_space<hbm>>
        %dma_wait3A_49 = arith.constant 9480 : i32
        %dma_wait3A_50 = arith.constant 0 : i32
        %dma_wait3A_51 = tpu.memref_slice %dma_wait3A_48[%dma_wait3A_49, %dma_wait3A_50] : memref<10000x128xf32, #tpu.memory_space<hbm>> -> memref<520x128xf32, #tpu.memory_space<hbm>>
        %dma_wait3A_52 = arith.constant 9480 : i32
        %dma_wait3A_53 = arith.constant 0 : i32
        %dma_wait3A_54 = tpu.memref_slice %arg15[%dma_wait3A_52, %dma_wait3A_53] : memref<10000x128xf32, #tpu.memory_space<vmem_shared>> -> memref<520x128xf32, #tpu.memory_space<vmem_shared>>
        tpu.wait_dma2 semaphore(%run_scoped3A : memref<!tpu.dma_semaphore, #tpu.memory_space<semaphore_mem>>) src(%dma_wait3A_54 : memref<520x128xf32, #tpu.memory_space<vmem_shared>>) dst(%dma_wait3A_51 : memref<520x128xf32, #tpu.memory_space<hbm>>)
        tpu.yield
      }) : () -> ()
    } else {
    }
    return
  }
}

#map = affine_map<(d0, d1) -> (0, 0)>
#map1 = affine_map<(d0, d1) -> (0)>
#map2 = affine_map<(d0, d1) -> (0, 0, 0)>
module attributes {stable_mosaic.version = 14 : i64} {
  func.func @body(%arg0: i32, %arg1: i32, %arg2: memref<10000x128xf32, #tpu.memory_space<hbm>>, %arg3: memref<320000xi32, #tpu.memory_space<hbm>>, %arg4: memref<32x125x80xi32, #tpu.memory_space<hbm>>, %arg5: memref<10000x128xf32, #tpu.memory_space<hbm>>, %arg6: memref<320000xi32, #tpu.memory_space<hbm>>, %arg7: memref<32x125x80xi32, #tpu.memory_space<hbm>>, %arg8: memref<10000x128xf32, #tpu.memory_space<hbm>>, %arg9: memref<2x10000x128xf32, #tpu.memory_space<hbm>>, %arg10: memref<10000xi32, #tpu.memory_space<vmem>>, %arg11: memref<125x80xi32, #tpu.memory_space<vmem>>, %arg12: memref<80x128xf32, #tpu.memory_space<vmem>>, %arg13: memref<80x128xf32, #tpu.memory_space<vmem>>, %arg14: memref<10000x128xf32, #tpu.memory_space<vmem_shared>>, %arg15: memref<!tpu.dma_semaphore, #tpu.memory_space<semaphore_mem>>, %arg16: memref<!tpu.dma_semaphore, #tpu.memory_space<semaphore_mem>>, %arg17: memref<!tpu.dma_semaphore, #tpu.memory_space<semaphore_mem>>) attributes {dimension_semantics = [#tpu.dimension_semantics<core_parallel>, #tpu.dimension_semantics<subcore_parallel>], iteration_bounds = array<i64: 2, 16>, scalar_prefetch = 0 : i64, scratch_operands = 8 : i64, tpu.core_type = #tpu.core_type<sc_vector_subcore>, window_params = [{transform_indices = #map}, {transform_indices = #map1}, {transform_indices = #map2}, {transform_indices = #map}, {transform_indices = #map1}, {transform_indices = #map2}, {transform_indices = #map}, {transform_indices = #map2}]} {
    %eq3A = arith.constant 0 : i32
    %eq3A_0 = arith.cmpi eq, %arg0, %eq3A : i32
    %convert_element_type3A = arith.extui %eq3A_0 : i1 to i32
    %cond3A = arith.constant 0 : i32
    %cond3A_1 = arith.cmpi ne, %convert_element_type3A, %cond3A : i32
    scf.if %cond3A_1 {
      %mul3A = arith.constant 2 : i32
      %mul3A_37 = arith.muli %arg1, %mul3A : i32
      %mul3A_38 = arith.constant 10000 : i32
      %mul3A_39 = arith.muli %mul3A_37, %mul3A_38 : i32
      %multiple_of3A = tpu.assume_multiple %mul3A_39, 8 : i32
      %dma_start3A = tpu.memref_slice %arg3[%multiple_of3A] : memref<320000xi32, #tpu.memory_space<hbm>> -> memref<10000xi32, #tpu.memory_space<hbm>>
      %dma_start3A_40 = tpu.memref_slice %arg3[%multiple_of3A] : memref<320000xi32, #tpu.memory_space<hbm>> -> memref<10000xi32, #tpu.memory_space<hbm>>
      tpu.enqueue_dma source(%dma_start3A_40 : memref<10000xi32, #tpu.memory_space<hbm>>) target(%arg10 : memref<10000xi32, #tpu.memory_space<vmem>>) target_semaphore(%arg15 : memref<!tpu.dma_semaphore, #tpu.memory_space<semaphore_mem>>)
      %dma_wait3A = tpu.memref_slice %arg3[%multiple_of3A] : memref<320000xi32, #tpu.memory_space<hbm>> -> memref<10000xi32, #tpu.memory_space<hbm>>
      %dma_wait3A_41 = tpu.memref_slice %arg3[%multiple_of3A] : memref<320000xi32, #tpu.memory_space<hbm>> -> memref<10000xi32, #tpu.memory_space<hbm>>
      tpu.wait_dma2 semaphore(%arg15 : memref<!tpu.dma_semaphore, #tpu.memory_space<semaphore_mem>>) src(%dma_wait3A_41 : memref<10000xi32, #tpu.memory_space<hbm>>) dst(%arg10 : memref<10000xi32, #tpu.memory_space<vmem>>)
      "tpu.region"() ({
        %run_scoped3A = tpu.sem_alloc : memref<!tpu.dma_semaphore, #tpu.memory_space<semaphore_mem>>
        %dma_start3A_42 = arith.constant 0 : i32
        %dma_start3A_43 = arith.constant 0 : i32
        %dma_start3A_44 = tpu.memref_slice %arg4[%mul3A_37, %dma_start3A_42, %dma_start3A_43] : memref<32x125x80xi32, #tpu.memory_space<hbm>> -> memref<1x125x80xi32, #tpu.memory_space<hbm>>
        %dma_start3A_45 = tpu.memref_squeeze %dma_start3A_44 : memref<1x125x80xi32, #tpu.memory_space<hbm>> -> memref<125x80xi32, #tpu.memory_space<hbm>>
        %dma_start3A_46 = arith.constant 0 : i32
        %dma_start3A_47 = arith.constant 0 : i32
        %dma_start3A_48 = tpu.memref_slice %arg4[%mul3A_37, %dma_start3A_46, %dma_start3A_47] : memref<32x125x80xi32, #tpu.memory_space<hbm>> -> memref<1x125x80xi32, #tpu.memory_space<hbm>>
        %dma_start3A_49 = tpu.memref_squeeze %dma_start3A_48 : memref<1x125x80xi32, #tpu.memory_space<hbm>> -> memref<125x80xi32, #tpu.memory_space<hbm>>
        tpu.enqueue_dma source(%dma_start3A_49 : memref<125x80xi32, #tpu.memory_space<hbm>>) target(%arg11 : memref<125x80xi32, #tpu.memory_space<vmem>>) target_semaphore(%run_scoped3A : memref<!tpu.dma_semaphore, #tpu.memory_space<semaphore_mem>>)
        %dma_wait3A_50 = arith.constant 0 : i32
        %dma_wait3A_51 = arith.constant 0 : i32
        %dma_wait3A_52 = tpu.memref_slice %arg4[%mul3A_37, %dma_wait3A_50, %dma_wait3A_51] : memref<32x125x80xi32, #tpu.memory_space<hbm>> -> memref<1x125x80xi32, #tpu.memory_space<hbm>>
        %dma_wait3A_53 = tpu.memref_squeeze %dma_wait3A_52 : memref<1x125x80xi32, #tpu.memory_space<hbm>> -> memref<125x80xi32, #tpu.memory_space<hbm>>
        %dma_wait3A_54 = arith.constant 0 : i32
        %dma_wait3A_55 = arith.constant 0 : i32
        %dma_wait3A_56 = tpu.memref_slice %arg4[%mul3A_37, %dma_wait3A_54, %dma_wait3A_55] : memref<32x125x80xi32, #tpu.memory_space<hbm>> -> memref<1x125x80xi32, #tpu.memory_space<hbm>>
        %dma_wait3A_57 = tpu.memref_squeeze %dma_wait3A_56 : memref<1x125x80xi32, #tpu.memory_space<hbm>> -> memref<125x80xi32, #tpu.memory_space<hbm>>
        tpu.wait_dma2 semaphore(%run_scoped3A : memref<!tpu.dma_semaphore, #tpu.memory_space<semaphore_mem>>) src(%dma_wait3A_57 : memref<125x80xi32, #tpu.memory_space<hbm>>) dst(%arg11 : memref<125x80xi32, #tpu.memory_space<vmem>>)
        tpu.yield
      }) : () -> ()
    } else {
    }
    %eq3A_2 = arith.constant 1 : i32
    %eq3A_3 = arith.cmpi eq, %arg0, %eq3A_2 : i32
    %convert_element_type3A_4 = arith.extui %eq3A_3 : i1 to i32
    %cond3A_5 = arith.constant 0 : i32
    %cond3A_6 = arith.cmpi ne, %convert_element_type3A_4, %cond3A_5 : i32
    scf.if %cond3A_6 {
      %mul3A = arith.constant 2 : i32
      %mul3A_37 = arith.muli %arg1, %mul3A : i32
      %mul3A_38 = arith.constant 10000 : i32
      %mul3A_39 = arith.muli %mul3A_37, %mul3A_38 : i32
      %multiple_of3A = tpu.assume_multiple %mul3A_39, 8 : i32
      %dma_start3A = tpu.memref_slice %arg6[%multiple_of3A] : memref<320000xi32, #tpu.memory_space<hbm>> -> memref<10000xi32, #tpu.memory_space<hbm>>
      %dma_start3A_40 = tpu.memref_slice %arg6[%multiple_of3A] : memref<320000xi32, #tpu.memory_space<hbm>> -> memref<10000xi32, #tpu.memory_space<hbm>>
      tpu.enqueue_dma source(%dma_start3A_40 : memref<10000xi32, #tpu.memory_space<hbm>>) target(%arg10 : memref<10000xi32, #tpu.memory_space<vmem>>) target_semaphore(%arg15 : memref<!tpu.dma_semaphore, #tpu.memory_space<semaphore_mem>>)
      %dma_wait3A = tpu.memref_slice %arg6[%multiple_of3A] : memref<320000xi32, #tpu.memory_space<hbm>> -> memref<10000xi32, #tpu.memory_space<hbm>>
      %dma_wait3A_41 = tpu.memref_slice %arg6[%multiple_of3A] : memref<320000xi32, #tpu.memory_space<hbm>> -> memref<10000xi32, #tpu.memory_space<hbm>>
      tpu.wait_dma2 semaphore(%arg15 : memref<!tpu.dma_semaphore, #tpu.memory_space<semaphore_mem>>) src(%dma_wait3A_41 : memref<10000xi32, #tpu.memory_space<hbm>>) dst(%arg10 : memref<10000xi32, #tpu.memory_space<vmem>>)
      "tpu.region"() ({
        %run_scoped3A = tpu.sem_alloc : memref<!tpu.dma_semaphore, #tpu.memory_space<semaphore_mem>>
        %dma_start3A_42 = arith.constant 0 : i32
        %dma_start3A_43 = arith.constant 0 : i32
        %dma_start3A_44 = tpu.memref_slice %arg7[%mul3A_37, %dma_start3A_42, %dma_start3A_43] : memref<32x125x80xi32, #tpu.memory_space<hbm>> -> memref<1x125x80xi32, #tpu.memory_space<hbm>>
        %dma_start3A_45 = tpu.memref_squeeze %dma_start3A_44 : memref<1x125x80xi32, #tpu.memory_space<hbm>> -> memref<125x80xi32, #tpu.memory_space<hbm>>
        %dma_start3A_46 = arith.constant 0 : i32
        %dma_start3A_47 = arith.constant 0 : i32
        %dma_start3A_48 = tpu.memref_slice %arg7[%mul3A_37, %dma_start3A_46, %dma_start3A_47] : memref<32x125x80xi32, #tpu.memory_space<hbm>> -> memref<1x125x80xi32, #tpu.memory_space<hbm>>
        %dma_start3A_49 = tpu.memref_squeeze %dma_start3A_48 : memref<1x125x80xi32, #tpu.memory_space<hbm>> -> memref<125x80xi32, #tpu.memory_space<hbm>>
        tpu.enqueue_dma source(%dma_start3A_49 : memref<125x80xi32, #tpu.memory_space<hbm>>) target(%arg11 : memref<125x80xi32, #tpu.memory_space<vmem>>) target_semaphore(%run_scoped3A : memref<!tpu.dma_semaphore, #tpu.memory_space<semaphore_mem>>)
        %dma_wait3A_50 = arith.constant 0 : i32
        %dma_wait3A_51 = arith.constant 0 : i32
        %dma_wait3A_52 = tpu.memref_slice %arg7[%mul3A_37, %dma_wait3A_50, %dma_wait3A_51] : memref<32x125x80xi32, #tpu.memory_space<hbm>> -> memref<1x125x80xi32, #tpu.memory_space<hbm>>
        %dma_wait3A_53 = tpu.memref_squeeze %dma_wait3A_52 : memref<1x125x80xi32, #tpu.memory_space<hbm>> -> memref<125x80xi32, #tpu.memory_space<hbm>>
        %dma_wait3A_54 = arith.constant 0 : i32
        %dma_wait3A_55 = arith.constant 0 : i32
        %dma_wait3A_56 = tpu.memref_slice %arg7[%mul3A_37, %dma_wait3A_54, %dma_wait3A_55] : memref<32x125x80xi32, #tpu.memory_space<hbm>> -> memref<1x125x80xi32, #tpu.memory_space<hbm>>
        %dma_wait3A_57 = tpu.memref_squeeze %dma_wait3A_56 : memref<1x125x80xi32, #tpu.memory_space<hbm>> -> memref<125x80xi32, #tpu.memory_space<hbm>>
        tpu.wait_dma2 semaphore(%run_scoped3A : memref<!tpu.dma_semaphore, #tpu.memory_space<semaphore_mem>>) src(%dma_wait3A_57 : memref<125x80xi32, #tpu.memory_space<hbm>>) dst(%arg11 : memref<125x80xi32, #tpu.memory_space<vmem>>)
        tpu.yield
      }) : () -> ()
    } else {
    }
    %lt3A = arith.constant 15 : i32
    %lt3A_7 = arith.cmpi slt, %arg1, %lt3A : i32
    %convert_element_type3A_8 = arith.extui %lt3A_7 : i1 to i32
    %cond3A_9 = arith.constant 0 : i32
    %cond3A_10 = arith.cmpi ne, %convert_element_type3A_8, %cond3A_9 : i32
    scf.if %cond3A_10 {
      %mul3A = arith.constant 632 : i32
      %mul3A_37 = arith.muli %arg1, %mul3A : i32
      %multiple_of3A = tpu.assume_multiple %mul3A_37, 8 : i32
      "tpu.region"() ({
        %run_scoped3A = tpu.sem_alloc : memref<!tpu.dma_semaphore, #tpu.memory_space<semaphore_mem>>
        %dma_start3A = arith.constant 0 : i32
        %dma_start3A_38 = tpu.memref_slice %arg14[%multiple_of3A, %dma_start3A] : memref<10000x128xf32, #tpu.memory_space<vmem_shared>> -> memref<632x128xf32, #tpu.memory_space<vmem_shared>>
        %dma_start3A_39 = arith.constant 0 : i32
        %dma_start3A_40 = tpu.memref_slice %arg8[%multiple_of3A, %dma_start3A_39] : memref<10000x128xf32, #tpu.memory_space<hbm>> -> memref<632x128xf32, #tpu.memory_space<hbm>>
        tpu.enqueue_dma source(%dma_start3A_40 : memref<632x128xf32, #tpu.memory_space<hbm>>) target(%dma_start3A_38 : memref<632x128xf32, #tpu.memory_space<vmem_shared>>) target_semaphore(%run_scoped3A : memref<!tpu.dma_semaphore, #tpu.memory_space<semaphore_mem>>)
        %dma_wait3A = arith.constant 0 : i32
        %dma_wait3A_41 = tpu.memref_slice %arg14[%multiple_of3A, %dma_wait3A] : memref<10000x128xf32, #tpu.memory_space<vmem_shared>> -> memref<632x128xf32, #tpu.memory_space<vmem_shared>>
        %dma_wait3A_42 = arith.constant 0 : i32
        %dma_wait3A_43 = tpu.memref_slice %arg8[%multiple_of3A, %dma_wait3A_42] : memref<10000x128xf32, #tpu.memory_space<hbm>> -> memref<632x128xf32, #tpu.memory_space<hbm>>
        tpu.wait_dma2 semaphore(%run_scoped3A : memref<!tpu.dma_semaphore, #tpu.memory_space<semaphore_mem>>) src(%dma_wait3A_43 : memref<632x128xf32, #tpu.memory_space<hbm>>) dst(%dma_wait3A_41 : memref<632x128xf32, #tpu.memory_space<vmem_shared>>)
        tpu.yield
      }) : () -> ()
    } else {
    }
    %eq3A_11 = arith.constant 15 : i32
    %eq3A_12 = arith.cmpi eq, %arg1, %eq3A_11 : i32
    %convert_element_type3A_13 = arith.extui %eq3A_12 : i1 to i32
    %cond3A_14 = arith.constant 0 : i32
    %cond3A_15 = arith.cmpi ne, %convert_element_type3A_13, %cond3A_14 : i32
    scf.if %cond3A_15 {
      "tpu.region"() ({
        %run_scoped3A = tpu.sem_alloc : memref<!tpu.dma_semaphore, #tpu.memory_space<semaphore_mem>>
        %dma_start3A = arith.constant 9480 : i32
        %dma_start3A_37 = arith.constant 0 : i32
        %dma_start3A_38 = tpu.memref_slice %arg14[%dma_start3A, %dma_start3A_37] : memref<10000x128xf32, #tpu.memory_space<vmem_shared>> -> memref<520x128xf32, #tpu.memory_space<vmem_shared>>
        %dma_start3A_39 = arith.constant 9480 : i32
        %dma_start3A_40 = arith.constant 0 : i32
        %dma_start3A_41 = tpu.memref_slice %arg8[%dma_start3A_39, %dma_start3A_40] : memref<10000x128xf32, #tpu.memory_space<hbm>> -> memref<520x128xf32, #tpu.memory_space<hbm>>
        tpu.enqueue_dma source(%dma_start3A_41 : memref<520x128xf32, #tpu.memory_space<hbm>>) target(%dma_start3A_38 : memref<520x128xf32, #tpu.memory_space<vmem_shared>>) target_semaphore(%run_scoped3A : memref<!tpu.dma_semaphore, #tpu.memory_space<semaphore_mem>>)
        %dma_wait3A = arith.constant 9480 : i32
        %dma_wait3A_42 = arith.constant 0 : i32
        %dma_wait3A_43 = tpu.memref_slice %arg14[%dma_wait3A, %dma_wait3A_42] : memref<10000x128xf32, #tpu.memory_space<vmem_shared>> -> memref<520x128xf32, #tpu.memory_space<vmem_shared>>
        %dma_wait3A_44 = arith.constant 9480 : i32
        %dma_wait3A_45 = arith.constant 0 : i32
        %dma_wait3A_46 = tpu.memref_slice %arg8[%dma_wait3A_44, %dma_wait3A_45] : memref<10000x128xf32, #tpu.memory_space<hbm>> -> memref<520x128xf32, #tpu.memory_space<hbm>>
        tpu.wait_dma2 semaphore(%run_scoped3A : memref<!tpu.dma_semaphore, #tpu.memory_space<semaphore_mem>>) src(%dma_wait3A_46 : memref<520x128xf32, #tpu.memory_space<hbm>>) dst(%dma_wait3A_43 : memref<520x128xf32, #tpu.memory_space<vmem_shared>>)
        tpu.yield
      }) : () -> ()
    } else {
    }
    %barrier3A = arith.constant 0 : index
    tpu.barrier barrier_id(%barrier3A)
    %eq3A_16 = arith.constant 0 : i32
    %eq3A_17 = arith.cmpi eq, %arg0, %eq3A_16 : i32
    %convert_element_type3A_18 = arith.extui %eq3A_17 : i1 to i32
    %cond3A_19 = arith.constant 0 : i32
    %cond3A_20 = arith.cmpi ne, %convert_element_type3A_18, %cond3A_19 : i32
    scf.if %cond3A_20 {
      %multiple_of3A = arith.constant 0 : i32
      %multiple_of3A_37 = tpu.assume_multiple %multiple_of3A, 8 : i32
      %dma_start3A = tpu.memref_slice %arg10[%multiple_of3A_37] : memref<10000xi32, #tpu.memory_space<vmem>> -> memref<80xi32, #tpu.memory_space<vmem>>
      %dma_start3A_38 = arith.constant 0 : i32
      %dma_start3A_39 = arith.constant 0 : i32
      %dma_start3A_40 = tpu.memref_slice %arg2[%dma_start3A_38, %dma_start3A_39] : memref<10000x128xf32, #tpu.memory_space<hbm>> -> memref<10000x128xf32, #tpu.memory_space<hbm>>
      tpu.enqueue_indirect_dma source(%dma_start3A_40 : memref<10000x128xf32, #tpu.memory_space<hbm>>) target(%arg12 : memref<80x128xf32, #tpu.memory_space<vmem>>) offsets(%dma_start3A : memref<80xi32, #tpu.memory_space<vmem>>) semaphore(%arg16 : memref<!tpu.dma_semaphore, #tpu.memory_space<semaphore_mem>>)
      %scan3A = arith.constant 0 : i32
      %scan3A_41 = arith.constant 62 : i32
      %scan3A_42 = arith.addi %scan3A, %scan3A_41 : i32
      %scan3A_43 = arith.constant 1 : i32
      scf.for %scan3A_75 = %scan3A to %scan3A_42 step %scan3A_43  : i32 {
        %mul3A_76 = arith.constant 2 : i32
        %mul3A_77 = arith.muli %scan3A_75, %mul3A_76 : i32
        %add3A_78 = arith.constant 0 : i32
        %add3A_79 = arith.addi %add3A_78, %mul3A_77 : i32
        %add3A_80 = arith.constant 1 : i32
        %add3A_81 = arith.addi %add3A_79, %add3A_80 : i32
        %mul3A_82 = arith.constant 80 : i32
        %mul3A_83 = arith.muli %add3A_81, %mul3A_82 : i32
        %multiple_of3A_84 = tpu.assume_multiple %mul3A_83, 8 : i32
        %dma_start3A_85 = tpu.memref_slice %arg10[%multiple_of3A_84] : memref<10000xi32, #tpu.memory_space<vmem>> -> memref<80xi32, #tpu.memory_space<vmem>>
        %dma_start3A_86 = arith.constant 0 : i32
        %dma_start3A_87 = arith.constant 0 : i32
        %dma_start3A_88 = tpu.memref_slice %arg2[%dma_start3A_86, %dma_start3A_87] : memref<10000x128xf32, #tpu.memory_space<hbm>> -> memref<10000x128xf32, #tpu.memory_space<hbm>>
        tpu.enqueue_indirect_dma source(%dma_start3A_88 : memref<10000x128xf32, #tpu.memory_space<hbm>>) target(%arg13 : memref<80x128xf32, #tpu.memory_space<vmem>>) offsets(%dma_start3A_85 : memref<80xi32, #tpu.memory_space<vmem>>) semaphore(%arg17 : memref<!tpu.dma_semaphore, #tpu.memory_space<semaphore_mem>>)
        %dma_wait3A_89 = arith.constant 0 : i32
        %dma_wait3A_90 = tpu.memref_slice %arg10[%dma_wait3A_89] : memref<10000xi32, #tpu.memory_space<vmem>> -> memref<80xi32, #tpu.memory_space<vmem>>
        %dma_wait3A_91 = arith.constant 0 : i32
        %dma_wait3A_92 = arith.constant 0 : i32
        %dma_wait3A_93 = tpu.memref_slice %arg2[%dma_wait3A_91, %dma_wait3A_92] : memref<10000x128xf32, #tpu.memory_space<hbm>> -> memref<10000x128xf32, #tpu.memory_space<hbm>>
        tpu.wait_indirect_dma semaphore(%arg16 : memref<!tpu.dma_semaphore, #tpu.memory_space<semaphore_mem>>) src(%dma_wait3A_93 : memref<10000x128xf32, #tpu.memory_space<hbm>>) dst(%arg12 : memref<80x128xf32, #tpu.memory_space<vmem>>)
        "tpu.region"() ({
          %run_scoped3A_110 = tpu.sem_alloc : memref<!tpu.dma_semaphore, #tpu.memory_space<semaphore_mem>>
          %dma_start3A_111 = arith.constant 0 : i32
          %dma_start3A_112 = tpu.memref_slice %arg11[%add3A_79, %dma_start3A_111] : memref<125x80xi32, #tpu.memory_space<vmem>> -> memref<1x80xi32, #tpu.memory_space<vmem>>
          %dma_start3A_113 = tpu.memref_squeeze %dma_start3A_112 : memref<1x80xi32, #tpu.memory_space<vmem>> -> memref<80xi32, #tpu.memory_space<vmem>>
          %dma_start3A_114 = arith.constant 0 : i32
          %dma_start3A_115 = arith.constant 0 : i32
          %dma_start3A_116 = tpu.memref_slice %arg14[%dma_start3A_114, %dma_start3A_115] : memref<10000x128xf32, #tpu.memory_space<vmem_shared>> -> memref<10000x128xf32, #tpu.memory_space<vmem_shared>>
          tpu.enqueue_indirect_dma source(%arg12 : memref<80x128xf32, #tpu.memory_space<vmem>>) target(%dma_start3A_116 : memref<10000x128xf32, #tpu.memory_space<vmem_shared>>) offsets(%dma_start3A_113 : memref<80xi32, #tpu.memory_space<vmem>>) semaphore(%run_scoped3A_110 : memref<!tpu.dma_semaphore, #tpu.memory_space<semaphore_mem>>) {add = true}
          %dma_wait3A_117 = arith.constant 0 : i32
          %dma_wait3A_118 = tpu.memref_slice %arg11[%add3A_79, %dma_wait3A_117] : memref<125x80xi32, #tpu.memory_space<vmem>> -> memref<1x80xi32, #tpu.memory_space<vmem>>
          %dma_wait3A_119 = tpu.memref_squeeze %dma_wait3A_118 : memref<1x80xi32, #tpu.memory_space<vmem>> -> memref<80xi32, #tpu.memory_space<vmem>>
          %dma_wait3A_120 = arith.constant 0 : i32
          %dma_wait3A_121 = arith.constant 0 : i32
          %dma_wait3A_122 = tpu.memref_slice %arg14[%dma_wait3A_120, %dma_wait3A_121] : memref<10000x128xf32, #tpu.memory_space<vmem_shared>> -> memref<10000x128xf32, #tpu.memory_space<vmem_shared>>
          tpu.wait_indirect_dma semaphore(%run_scoped3A_110 : memref<!tpu.dma_semaphore, #tpu.memory_space<semaphore_mem>>) src(%arg12 : memref<80x128xf32, #tpu.memory_space<vmem>>) dst(%dma_wait3A_122 : memref<10000x128xf32, #tpu.memory_space<vmem_shared>>)
          tpu.yield
        }) : () -> ()
        %add3A_94 = arith.constant 2 : i32
        %add3A_95 = arith.addi %add3A_79, %add3A_94 : i32
        %mul3A_96 = arith.constant 80 : i32
        %mul3A_97 = arith.muli %add3A_95, %mul3A_96 : i32
        %multiple_of3A_98 = tpu.assume_multiple %mul3A_97, 8 : i32
        %dma_start3A_99 = tpu.memref_slice %arg10[%multiple_of3A_98] : memref<10000xi32, #tpu.memory_space<vmem>> -> memref<80xi32, #tpu.memory_space<vmem>>
        %dma_start3A_100 = arith.constant 0 : i32
        %dma_start3A_101 = arith.constant 0 : i32
        %dma_start3A_102 = tpu.memref_slice %arg2[%dma_start3A_100, %dma_start3A_101] : memref<10000x128xf32, #tpu.memory_space<hbm>> -> memref<10000x128xf32, #tpu.memory_space<hbm>>
        tpu.enqueue_indirect_dma source(%dma_start3A_102 : memref<10000x128xf32, #tpu.memory_space<hbm>>) target(%arg12 : memref<80x128xf32, #tpu.memory_space<vmem>>) offsets(%dma_start3A_99 : memref<80xi32, #tpu.memory_space<vmem>>) semaphore(%arg16 : memref<!tpu.dma_semaphore, #tpu.memory_space<semaphore_mem>>)
        %dma_wait3A_103 = arith.constant 0 : i32
        %dma_wait3A_104 = tpu.memref_slice %arg10[%dma_wait3A_103] : memref<10000xi32, #tpu.memory_space<vmem>> -> memref<80xi32, #tpu.memory_space<vmem>>
        %dma_wait3A_105 = arith.constant 0 : i32
        %dma_wait3A_106 = arith.constant 0 : i32
        %dma_wait3A_107 = tpu.memref_slice %arg2[%dma_wait3A_105, %dma_wait3A_106] : memref<10000x128xf32, #tpu.memory_space<hbm>> -> memref<10000x128xf32, #tpu.memory_space<hbm>>
        tpu.wait_indirect_dma semaphore(%arg17 : memref<!tpu.dma_semaphore, #tpu.memory_space<semaphore_mem>>) src(%dma_wait3A_107 : memref<10000x128xf32, #tpu.memory_space<hbm>>) dst(%arg13 : memref<80x128xf32, #tpu.memory_space<vmem>>)
        %add3A_108 = arith.constant 1 : i32
        %add3A_109 = arith.addi %add3A_79, %add3A_108 : i32
        "tpu.region"() ({
          %run_scoped3A_110 = tpu.sem_alloc : memref<!tpu.dma_semaphore, #tpu.memory_space<semaphore_mem>>
          %dma_start3A_111 = arith.constant 0 : i32
          %dma_start3A_112 = tpu.memref_slice %arg11[%add3A_109, %dma_start3A_111] : memref<125x80xi32, #tpu.memory_space<vmem>> -> memref<1x80xi32, #tpu.memory_space<vmem>>
          %dma_start3A_113 = tpu.memref_squeeze %dma_start3A_112 : memref<1x80xi32, #tpu.memory_space<vmem>> -> memref<80xi32, #tpu.memory_space<vmem>>
          %dma_start3A_114 = arith.constant 0 : i32
          %dma_start3A_115 = arith.constant 0 : i32
          %dma_start3A_116 = tpu.memref_slice %arg14[%dma_start3A_114, %dma_start3A_115] : memref<10000x128xf32, #tpu.memory_space<vmem_shared>> -> memref<10000x128xf32, #tpu.memory_space<vmem_shared>>
          tpu.enqueue_indirect_dma source(%arg13 : memref<80x128xf32, #tpu.memory_space<vmem>>) target(%dma_start3A_116 : memref<10000x128xf32, #tpu.memory_space<vmem_shared>>) offsets(%dma_start3A_113 : memref<80xi32, #tpu.memory_space<vmem>>) semaphore(%run_scoped3A_110 : memref<!tpu.dma_semaphore, #tpu.memory_space<semaphore_mem>>) {add = true}
          %dma_wait3A_117 = arith.constant 0 : i32
          %dma_wait3A_118 = tpu.memref_slice %arg11[%add3A_109, %dma_wait3A_117] : memref<125x80xi32, #tpu.memory_space<vmem>> -> memref<1x80xi32, #tpu.memory_space<vmem>>
          %dma_wait3A_119 = tpu.memref_squeeze %dma_wait3A_118 : memref<1x80xi32, #tpu.memory_space<vmem>> -> memref<80xi32, #tpu.memory_space<vmem>>
          %dma_wait3A_120 = arith.constant 0 : i32
          %dma_wait3A_121 = arith.constant 0 : i32
          %dma_wait3A_122 = tpu.memref_slice %arg14[%dma_wait3A_120, %dma_wait3A_121] : memref<10000x128xf32, #tpu.memory_space<vmem_shared>> -> memref<10000x128xf32, #tpu.memory_space<vmem_shared>>
          tpu.wait_indirect_dma semaphore(%run_scoped3A_110 : memref<!tpu.dma_semaphore, #tpu.memory_space<semaphore_mem>>) src(%arg13 : memref<80x128xf32, #tpu.memory_space<vmem>>) dst(%dma_wait3A_122 : memref<10000x128xf32, #tpu.memory_space<vmem_shared>>)
          tpu.yield
        }) : () -> ()
      }
      %scan3A_44 = arith.constant 62 : i32
      %dma_wait3A = arith.constant 0 : i32
      %dma_wait3A_45 = tpu.memref_slice %arg10[%dma_wait3A] : memref<10000xi32, #tpu.memory_space<vmem>> -> memref<80xi32, #tpu.memory_space<vmem>>
      %dma_wait3A_46 = arith.constant 0 : i32
      %dma_wait3A_47 = arith.constant 0 : i32
      %dma_wait3A_48 = tpu.memref_slice %arg2[%dma_wait3A_46, %dma_wait3A_47] : memref<10000x128xf32, #tpu.memory_space<hbm>> -> memref<10000x128xf32, #tpu.memory_space<hbm>>
      tpu.wait_indirect_dma semaphore(%arg16 : memref<!tpu.dma_semaphore, #tpu.memory_space<semaphore_mem>>) src(%dma_wait3A_48 : memref<10000x128xf32, #tpu.memory_space<hbm>>) dst(%arg12 : memref<80x128xf32, #tpu.memory_space<vmem>>)
      %run_scoped3A = arith.constant 124 : i32
      "tpu.region"() ({
        %run_scoped3A_75 = tpu.sem_alloc : memref<!tpu.dma_semaphore, #tpu.memory_space<semaphore_mem>>
        %dma_start3A_76 = arith.constant 0 : i32
        %dma_start3A_77 = tpu.memref_slice %arg11[%run_scoped3A, %dma_start3A_76] : memref<125x80xi32, #tpu.memory_space<vmem>> -> memref<1x80xi32, #tpu.memory_space<vmem>>
        %dma_start3A_78 = tpu.memref_squeeze %dma_start3A_77 : memref<1x80xi32, #tpu.memory_space<vmem>> -> memref<80xi32, #tpu.memory_space<vmem>>
        %dma_start3A_79 = arith.constant 0 : i32
        %dma_start3A_80 = arith.constant 0 : i32
        %dma_start3A_81 = tpu.memref_slice %arg14[%dma_start3A_79, %dma_start3A_80] : memref<10000x128xf32, #tpu.memory_space<vmem_shared>> -> memref<10000x128xf32, #tpu.memory_space<vmem_shared>>
        tpu.enqueue_indirect_dma source(%arg12 : memref<80x128xf32, #tpu.memory_space<vmem>>) target(%dma_start3A_81 : memref<10000x128xf32, #tpu.memory_space<vmem_shared>>) offsets(%dma_start3A_78 : memref<80xi32, #tpu.memory_space<vmem>>) semaphore(%run_scoped3A_75 : memref<!tpu.dma_semaphore, #tpu.memory_space<semaphore_mem>>) {add = true}
        %dma_wait3A_82 = arith.constant 0 : i32
        %dma_wait3A_83 = tpu.memref_slice %arg11[%run_scoped3A, %dma_wait3A_82] : memref<125x80xi32, #tpu.memory_space<vmem>> -> memref<1x80xi32, #tpu.memory_space<vmem>>
        %dma_wait3A_84 = tpu.memref_squeeze %dma_wait3A_83 : memref<1x80xi32, #tpu.memory_space<vmem>> -> memref<80xi32, #tpu.memory_space<vmem>>
        %dma_wait3A_85 = arith.constant 0 : i32
        %dma_wait3A_86 = arith.constant 0 : i32
        %dma_wait3A_87 = tpu.memref_slice %arg14[%dma_wait3A_85, %dma_wait3A_86] : memref<10000x128xf32, #tpu.memory_space<vmem_shared>> -> memref<10000x128xf32, #tpu.memory_space<vmem_shared>>
        tpu.wait_indirect_dma semaphore(%run_scoped3A_75 : memref<!tpu.dma_semaphore, #tpu.memory_space<semaphore_mem>>) src(%arg12 : memref<80x128xf32, #tpu.memory_space<vmem>>) dst(%dma_wait3A_87 : memref<10000x128xf32, #tpu.memory_space<vmem_shared>>)
        tpu.yield
      }) : () -> ()
      %mul3A = arith.constant 2 : i32
      %mul3A_49 = arith.muli %arg1, %mul3A : i32
      %add3A = arith.constant 1 : i32
      %add3A_50 = arith.addi %mul3A_49, %add3A : i32
      %mul3A_51 = arith.constant 10000 : i32
      %mul3A_52 = arith.muli %add3A_50, %mul3A_51 : i32
      %multiple_of3A_53 = tpu.assume_multiple %mul3A_52, 8 : i32
      %dma_start3A_54 = tpu.memref_slice %arg3[%multiple_of3A_53] : memref<320000xi32, #tpu.memory_space<hbm>> -> memref<10000xi32, #tpu.memory_space<hbm>>
      %dma_start3A_55 = tpu.memref_slice %arg3[%multiple_of3A_53] : memref<320000xi32, #tpu.memory_space<hbm>> -> memref<10000xi32, #tpu.memory_space<hbm>>
      tpu.enqueue_dma source(%dma_start3A_55 : memref<10000xi32, #tpu.memory_space<hbm>>) target(%arg10 : memref<10000xi32, #tpu.memory_space<vmem>>) target_semaphore(%arg15 : memref<!tpu.dma_semaphore, #tpu.memory_space<semaphore_mem>>)
      %dma_wait3A_56 = tpu.memref_slice %arg3[%multiple_of3A_53] : memref<320000xi32, #tpu.memory_space<hbm>> -> memref<10000xi32, #tpu.memory_space<hbm>>
      %dma_wait3A_57 = tpu.memref_slice %arg3[%multiple_of3A_53] : memref<320000xi32, #tpu.memory_space<hbm>> -> memref<10000xi32, #tpu.memory_space<hbm>>
      tpu.wait_dma2 semaphore(%arg15 : memref<!tpu.dma_semaphore, #tpu.memory_space<semaphore_mem>>) src(%dma_wait3A_57 : memref<10000xi32, #tpu.memory_space<hbm>>) dst(%arg10 : memref<10000xi32, #tpu.memory_space<vmem>>)
      "tpu.region"() ({
        %run_scoped3A_75 = tpu.sem_alloc : memref<!tpu.dma_semaphore, #tpu.memory_space<semaphore_mem>>
        %dma_start3A_76 = arith.constant 0 : i32
        %dma_start3A_77 = arith.constant 0 : i32
        %dma_start3A_78 = tpu.memref_slice %arg4[%add3A_50, %dma_start3A_76, %dma_start3A_77] : memref<32x125x80xi32, #tpu.memory_space<hbm>> -> memref<1x125x80xi32, #tpu.memory_space<hbm>>
        %dma_start3A_79 = tpu.memref_squeeze %dma_start3A_78 : memref<1x125x80xi32, #tpu.memory_space<hbm>> -> memref<125x80xi32, #tpu.memory_space<hbm>>
        %dma_start3A_80 = arith.constant 0 : i32
        %dma_start3A_81 = arith.constant 0 : i32
        %dma_start3A_82 = tpu.memref_slice %arg4[%add3A_50, %dma_start3A_80, %dma_start3A_81] : memref<32x125x80xi32, #tpu.memory_space<hbm>> -> memref<1x125x80xi32, #tpu.memory_space<hbm>>
        %dma_start3A_83 = tpu.memref_squeeze %dma_start3A_82 : memref<1x125x80xi32, #tpu.memory_space<hbm>> -> memref<125x80xi32, #tpu.memory_space<hbm>>
        tpu.enqueue_dma source(%dma_start3A_83 : memref<125x80xi32, #tpu.memory_space<hbm>>) target(%arg11 : memref<125x80xi32, #tpu.memory_space<vmem>>) target_semaphore(%run_scoped3A_75 : memref<!tpu.dma_semaphore, #tpu.memory_space<semaphore_mem>>)
        %dma_wait3A_84 = arith.constant 0 : i32
        %dma_wait3A_85 = arith.constant 0 : i32
        %dma_wait3A_86 = tpu.memref_slice %arg4[%add3A_50, %dma_wait3A_84, %dma_wait3A_85] : memref<32x125x80xi32, #tpu.memory_space<hbm>> -> memref<1x125x80xi32, #tpu.memory_space<hbm>>
        %dma_wait3A_87 = tpu.memref_squeeze %dma_wait3A_86 : memref<1x125x80xi32, #tpu.memory_space<hbm>> -> memref<125x80xi32, #tpu.memory_space<hbm>>
        %dma_wait3A_88 = arith.constant 0 : i32
        %dma_wait3A_89 = arith.constant 0 : i32
        %dma_wait3A_90 = tpu.memref_slice %arg4[%add3A_50, %dma_wait3A_88, %dma_wait3A_89] : memref<32x125x80xi32, #tpu.memory_space<hbm>> -> memref<1x125x80xi32, #tpu.memory_space<hbm>>
        %dma_wait3A_91 = tpu.memref_squeeze %dma_wait3A_90 : memref<1x125x80xi32, #tpu.memory_space<hbm>> -> memref<125x80xi32, #tpu.memory_space<hbm>>
        tpu.wait_dma2 semaphore(%run_scoped3A_75 : memref<!tpu.dma_semaphore, #tpu.memory_space<semaphore_mem>>) src(%dma_wait3A_91 : memref<125x80xi32, #tpu.memory_space<hbm>>) dst(%arg11 : memref<125x80xi32, #tpu.memory_space<vmem>>)
        tpu.yield
      }) : () -> ()
      %multiple_of3A_58 = arith.constant 0 : i32
      %multiple_of3A_59 = tpu.assume_multiple %multiple_of3A_58, 8 : i32
      %dma_start3A_60 = tpu.memref_slice %arg10[%multiple_of3A_59] : memref<10000xi32, #tpu.memory_space<vmem>> -> memref<80xi32, #tpu.memory_space<vmem>>
      %dma_start3A_61 = arith.constant 0 : i32
      %dma_start3A_62 = arith.constant 0 : i32
      %dma_start3A_63 = tpu.memref_slice %arg2[%dma_start3A_61, %dma_start3A_62] : memref<10000x128xf32, #tpu.memory_space<hbm>> -> memref<10000x128xf32, #tpu.memory_space<hbm>>
      tpu.enqueue_indirect_dma source(%dma_start3A_63 : memref<10000x128xf32, #tpu.memory_space<hbm>>) target(%arg12 : memref<80x128xf32, #tpu.memory_space<vmem>>) offsets(%dma_start3A_60 : memref<80xi32, #tpu.memory_space<vmem>>) semaphore(%arg16 : memref<!tpu.dma_semaphore, #tpu.memory_space<semaphore_mem>>)
      %scan3A_64 = arith.constant 0 : i32
      %scan3A_65 = arith.constant 62 : i32
      %scan3A_66 = arith.addi %scan3A_64, %scan3A_65 : i32
      %scan3A_67 = arith.constant 1 : i32
      scf.for %scan3A_75 = %scan3A_64 to %scan3A_66 step %scan3A_67  : i32 {
        %mul3A_76 = arith.constant 2 : i32
        %mul3A_77 = arith.muli %scan3A_75, %mul3A_76 : i32
        %add3A_78 = arith.constant 0 : i32
        %add3A_79 = arith.addi %add3A_78, %mul3A_77 : i32
        %add3A_80 = arith.constant 1 : i32
        %add3A_81 = arith.addi %add3A_79, %add3A_80 : i32
        %mul3A_82 = arith.constant 80 : i32
        %mul3A_83 = arith.muli %add3A_81, %mul3A_82 : i32
        %multiple_of3A_84 = tpu.assume_multiple %mul3A_83, 8 : i32
        %dma_start3A_85 = tpu.memref_slice %arg10[%multiple_of3A_84] : memref<10000xi32, #tpu.memory_space<vmem>> -> memref<80xi32, #tpu.memory_space<vmem>>
        %dma_start3A_86 = arith.constant 0 : i32
        %dma_start3A_87 = arith.constant 0 : i32
        %dma_start3A_88 = tpu.memref_slice %arg2[%dma_start3A_86, %dma_start3A_87] : memref<10000x128xf32, #tpu.memory_space<hbm>> -> memref<10000x128xf32, #tpu.memory_space<hbm>>
        tpu.enqueue_indirect_dma source(%dma_start3A_88 : memref<10000x128xf32, #tpu.memory_space<hbm>>) target(%arg13 : memref<80x128xf32, #tpu.memory_space<vmem>>) offsets(%dma_start3A_85 : memref<80xi32, #tpu.memory_space<vmem>>) semaphore(%arg17 : memref<!tpu.dma_semaphore, #tpu.memory_space<semaphore_mem>>)
        %dma_wait3A_89 = arith.constant 0 : i32
        %dma_wait3A_90 = tpu.memref_slice %arg10[%dma_wait3A_89] : memref<10000xi32, #tpu.memory_space<vmem>> -> memref<80xi32, #tpu.memory_space<vmem>>
        %dma_wait3A_91 = arith.constant 0 : i32
        %dma_wait3A_92 = arith.constant 0 : i32
        %dma_wait3A_93 = tpu.memref_slice %arg2[%dma_wait3A_91, %dma_wait3A_92] : memref<10000x128xf32, #tpu.memory_space<hbm>> -> memref<10000x128xf32, #tpu.memory_space<hbm>>
        tpu.wait_indirect_dma semaphore(%arg16 : memref<!tpu.dma_semaphore, #tpu.memory_space<semaphore_mem>>) src(%dma_wait3A_93 : memref<10000x128xf32, #tpu.memory_space<hbm>>) dst(%arg12 : memref<80x128xf32, #tpu.memory_space<vmem>>)
        "tpu.region"() ({
          %run_scoped3A_110 = tpu.sem_alloc : memref<!tpu.dma_semaphore, #tpu.memory_space<semaphore_mem>>
          %dma_start3A_111 = arith.constant 0 : i32
          %dma_start3A_112 = tpu.memref_slice %arg11[%add3A_79, %dma_start3A_111] : memref<125x80xi32, #tpu.memory_space<vmem>> -> memref<1x80xi32, #tpu.memory_space<vmem>>
          %dma_start3A_113 = tpu.memref_squeeze %dma_start3A_112 : memref<1x80xi32, #tpu.memory_space<vmem>> -> memref<80xi32, #tpu.memory_space<vmem>>
          %dma_start3A_114 = arith.constant 0 : i32
          %dma_start3A_115 = arith.constant 0 : i32
          %dma_start3A_116 = tpu.memref_slice %arg14[%dma_start3A_114, %dma_start3A_115] : memref<10000x128xf32, #tpu.memory_space<vmem_shared>> -> memref<10000x128xf32, #tpu.memory_space<vmem_shared>>
          tpu.enqueue_indirect_dma source(%arg12 : memref<80x128xf32, #tpu.memory_space<vmem>>) target(%dma_start3A_116 : memref<10000x128xf32, #tpu.memory_space<vmem_shared>>) offsets(%dma_start3A_113 : memref<80xi32, #tpu.memory_space<vmem>>) semaphore(%run_scoped3A_110 : memref<!tpu.dma_semaphore, #tpu.memory_space<semaphore_mem>>) {add = true}
          %dma_wait3A_117 = arith.constant 0 : i32
          %dma_wait3A_118 = tpu.memref_slice %arg11[%add3A_79, %dma_wait3A_117] : memref<125x80xi32, #tpu.memory_space<vmem>> -> memref<1x80xi32, #tpu.memory_space<vmem>>
          %dma_wait3A_119 = tpu.memref_squeeze %dma_wait3A_118 : memref<1x80xi32, #tpu.memory_space<vmem>> -> memref<80xi32, #tpu.memory_space<vmem>>
          %dma_wait3A_120 = arith.constant 0 : i32
          %dma_wait3A_121 = arith.constant 0 : i32
          %dma_wait3A_122 = tpu.memref_slice %arg14[%dma_wait3A_120, %dma_wait3A_121] : memref<10000x128xf32, #tpu.memory_space<vmem_shared>> -> memref<10000x128xf32, #tpu.memory_space<vmem_shared>>
          tpu.wait_indirect_dma semaphore(%run_scoped3A_110 : memref<!tpu.dma_semaphore, #tpu.memory_space<semaphore_mem>>) src(%arg12 : memref<80x128xf32, #tpu.memory_space<vmem>>) dst(%dma_wait3A_122 : memref<10000x128xf32, #tpu.memory_space<vmem_shared>>)
          tpu.yield
        }) : () -> ()
        %add3A_94 = arith.constant 2 : i32
        %add3A_95 = arith.addi %add3A_79, %add3A_94 : i32
        %mul3A_96 = arith.constant 80 : i32
        %mul3A_97 = arith.muli %add3A_95, %mul3A_96 : i32
        %multiple_of3A_98 = tpu.assume_multiple %mul3A_97, 8 : i32
        %dma_start3A_99 = tpu.memref_slice %arg10[%multiple_of3A_98] : memref<10000xi32, #tpu.memory_space<vmem>> -> memref<80xi32, #tpu.memory_space<vmem>>
        %dma_start3A_100 = arith.constant 0 : i32
        %dma_start3A_101 = arith.constant 0 : i32
        %dma_start3A_102 = tpu.memref_slice %arg2[%dma_start3A_100, %dma_start3A_101] : memref<10000x128xf32, #tpu.memory_space<hbm>> -> memref<10000x128xf32, #tpu.memory_space<hbm>>
        tpu.enqueue_indirect_dma source(%dma_start3A_102 : memref<10000x128xf32, #tpu.memory_space<hbm>>) target(%arg12 : memref<80x128xf32, #tpu.memory_space<vmem>>) offsets(%dma_start3A_99 : memref<80xi32, #tpu.memory_space<vmem>>) semaphore(%arg16 : memref<!tpu.dma_semaphore, #tpu.memory_space<semaphore_mem>>)
        %dma_wait3A_103 = arith.constant 0 : i32
        %dma_wait3A_104 = tpu.memref_slice %arg10[%dma_wait3A_103] : memref<10000xi32, #tpu.memory_space<vmem>> -> memref<80xi32, #tpu.memory_space<vmem>>
        %dma_wait3A_105 = arith.constant 0 : i32
        %dma_wait3A_106 = arith.constant 0 : i32
        %dma_wait3A_107 = tpu.memref_slice %arg2[%dma_wait3A_105, %dma_wait3A_106] : memref<10000x128xf32, #tpu.memory_space<hbm>> -> memref<10000x128xf32, #tpu.memory_space<hbm>>
        tpu.wait_indirect_dma semaphore(%arg17 : memref<!tpu.dma_semaphore, #tpu.memory_space<semaphore_mem>>) src(%dma_wait3A_107 : memref<10000x128xf32, #tpu.memory_space<hbm>>) dst(%arg13 : memref<80x128xf32, #tpu.memory_space<vmem>>)
        %add3A_108 = arith.constant 1 : i32
        %add3A_109 = arith.addi %add3A_79, %add3A_108 : i32
        "tpu.region"() ({
          %run_scoped3A_110 = tpu.sem_alloc : memref<!tpu.dma_semaphore, #tpu.memory_space<semaphore_mem>>
          %dma_start3A_111 = arith.constant 0 : i32
          %dma_start3A_112 = tpu.memref_slice %arg11[%add3A_109, %dma_start3A_111] : memref<125x80xi32, #tpu.memory_space<vmem>> -> memref<1x80xi32, #tpu.memory_space<vmem>>
          %dma_start3A_113 = tpu.memref_squeeze %dma_start3A_112 : memref<1x80xi32, #tpu.memory_space<vmem>> -> memref<80xi32, #tpu.memory_space<vmem>>
          %dma_start3A_114 = arith.constant 0 : i32
          %dma_start3A_115 = arith.constant 0 : i32
          %dma_start3A_116 = tpu.memref_slice %arg14[%dma_start3A_114, %dma_start3A_115] : memref<10000x128xf32, #tpu.memory_space<vmem_shared>> -> memref<10000x128xf32, #tpu.memory_space<vmem_shared>>
          tpu.enqueue_indirect_dma source(%arg13 : memref<80x128xf32, #tpu.memory_space<vmem>>) target(%dma_start3A_116 : memref<10000x128xf32, #tpu.memory_space<vmem_shared>>) offsets(%dma_start3A_113 : memref<80xi32, #tpu.memory_space<vmem>>) semaphore(%run_scoped3A_110 : memref<!tpu.dma_semaphore, #tpu.memory_space<semaphore_mem>>) {add = true}
          %dma_wait3A_117 = arith.constant 0 : i32
          %dma_wait3A_118 = tpu.memref_slice %arg11[%add3A_109, %dma_wait3A_117] : memref<125x80xi32, #tpu.memory_space<vmem>> -> memref<1x80xi32, #tpu.memory_space<vmem>>
          %dma_wait3A_119 = tpu.memref_squeeze %dma_wait3A_118 : memref<1x80xi32, #tpu.memory_space<vmem>> -> memref<80xi32, #tpu.memory_space<vmem>>
          %dma_wait3A_120 = arith.constant 0 : i32
          %dma_wait3A_121 = arith.constant 0 : i32
          %dma_wait3A_122 = tpu.memref_slice %arg14[%dma_wait3A_120, %dma_wait3A_121] : memref<10000x128xf32, #tpu.memory_space<vmem_shared>> -> memref<10000x128xf32, #tpu.memory_space<vmem_shared>>
          tpu.wait_indirect_dma semaphore(%run_scoped3A_110 : memref<!tpu.dma_semaphore, #tpu.memory_space<semaphore_mem>>) src(%arg13 : memref<80x128xf32, #tpu.memory_space<vmem>>) dst(%dma_wait3A_122 : memref<10000x128xf32, #tpu.memory_space<vmem_shared>>)
          tpu.yield
        }) : () -> ()
      }
      %scan3A_68 = arith.constant 62 : i32
      %dma_wait3A_69 = arith.constant 0 : i32
      %dma_wait3A_70 = tpu.memref_slice %arg10[%dma_wait3A_69] : memref<10000xi32, #tpu.memory_space<vmem>> -> memref<80xi32, #tpu.memory_space<vmem>>
      %dma_wait3A_71 = arith.constant 0 : i32
      %dma_wait3A_72 = arith.constant 0 : i32
      %dma_wait3A_73 = tpu.memref_slice %arg2[%dma_wait3A_71, %dma_wait3A_72] : memref<10000x128xf32, #tpu.memory_space<hbm>> -> memref<10000x128xf32, #tpu.memory_space<hbm>>
      tpu.wait_indirect_dma semaphore(%arg16 : memref<!tpu.dma_semaphore, #tpu.memory_space<semaphore_mem>>) src(%dma_wait3A_73 : memref<10000x128xf32, #tpu.memory_space<hbm>>) dst(%arg12 : memref<80x128xf32, #tpu.memory_space<vmem>>)
      %run_scoped3A_74 = arith.constant 124 : i32
      "tpu.region"() ({
        %run_scoped3A_75 = tpu.sem_alloc : memref<!tpu.dma_semaphore, #tpu.memory_space<semaphore_mem>>
        %dma_start3A_76 = arith.constant 0 : i32
        %dma_start3A_77 = tpu.memref_slice %arg11[%run_scoped3A_74, %dma_start3A_76] : memref<125x80xi32, #tpu.memory_space<vmem>> -> memref<1x80xi32, #tpu.memory_space<vmem>>
        %dma_start3A_78 = tpu.memref_squeeze %dma_start3A_77 : memref<1x80xi32, #tpu.memory_space<vmem>> -> memref<80xi32, #tpu.memory_space<vmem>>
        %dma_start3A_79 = arith.constant 0 : i32
        %dma_start3A_80 = arith.constant 0 : i32
        %dma_start3A_81 = tpu.memref_slice %arg14[%dma_start3A_79, %dma_start3A_80] : memref<10000x128xf32, #tpu.memory_space<vmem_shared>> -> memref<10000x128xf32, #tpu.memory_space<vmem_shared>>
        tpu.enqueue_indirect_dma source(%arg12 : memref<80x128xf32, #tpu.memory_space<vmem>>) target(%dma_start3A_81 : memref<10000x128xf32, #tpu.memory_space<vmem_shared>>) offsets(%dma_start3A_78 : memref<80xi32, #tpu.memory_space<vmem>>) semaphore(%run_scoped3A_75 : memref<!tpu.dma_semaphore, #tpu.memory_space<semaphore_mem>>) {add = true}
        %dma_wait3A_82 = arith.constant 0 : i32
        %dma_wait3A_83 = tpu.memref_slice %arg11[%run_scoped3A_74, %dma_wait3A_82] : memref<125x80xi32, #tpu.memory_space<vmem>> -> memref<1x80xi32, #tpu.memory_space<vmem>>
        %dma_wait3A_84 = tpu.memref_squeeze %dma_wait3A_83 : memref<1x80xi32, #tpu.memory_space<vmem>> -> memref<80xi32, #tpu.memory_space<vmem>>
        %dma_wait3A_85 = arith.constant 0 : i32
        %dma_wait3A_86 = arith.constant 0 : i32
        %dma_wait3A_87 = tpu.memref_slice %arg14[%dma_wait3A_85, %dma_wait3A_86] : memref<10000x128xf32, #tpu.memory_space<vmem_shared>> -> memref<10000x128xf32, #tpu.memory_space<vmem_shared>>
        tpu.wait_indirect_dma semaphore(%run_scoped3A_75 : memref<!tpu.dma_semaphore, #tpu.memory_space<semaphore_mem>>) src(%arg12 : memref<80x128xf32, #tpu.memory_space<vmem>>) dst(%dma_wait3A_87 : memref<10000x128xf32, #tpu.memory_space<vmem_shared>>)
        tpu.yield
      }) : () -> ()
    } else {
    }
    %eq3A_21 = arith.constant 1 : i32
    %eq3A_22 = arith.cmpi eq, %arg0, %eq3A_21 : i32
    %convert_element_type3A_23 = arith.extui %eq3A_22 : i1 to i32
    %cond3A_24 = arith.constant 0 : i32
    %cond3A_25 = arith.cmpi ne, %convert_element_type3A_23, %cond3A_24 : i32
    scf.if %cond3A_25 {
      %multiple_of3A = arith.constant 0 : i32
      %multiple_of3A_37 = tpu.assume_multiple %multiple_of3A, 8 : i32
      %dma_start3A = tpu.memref_slice %arg10[%multiple_of3A_37] : memref<10000xi32, #tpu.memory_space<vmem>> -> memref<80xi32, #tpu.memory_space<vmem>>
      %dma_start3A_38 = arith.constant 0 : i32
      %dma_start3A_39 = arith.constant 0 : i32
      %dma_start3A_40 = tpu.memref_slice %arg5[%dma_start3A_38, %dma_start3A_39] : memref<10000x128xf32, #tpu.memory_space<hbm>> -> memref<10000x128xf32, #tpu.memory_space<hbm>>
      tpu.enqueue_indirect_dma source(%dma_start3A_40 : memref<10000x128xf32, #tpu.memory_space<hbm>>) target(%arg12 : memref<80x128xf32, #tpu.memory_space<vmem>>) offsets(%dma_start3A : memref<80xi32, #tpu.memory_space<vmem>>) semaphore(%arg16 : memref<!tpu.dma_semaphore, #tpu.memory_space<semaphore_mem>>)
      %scan3A = arith.constant 0 : i32
      %scan3A_41 = arith.constant 62 : i32
      %scan3A_42 = arith.addi %scan3A, %scan3A_41 : i32
      %scan3A_43 = arith.constant 1 : i32
      scf.for %scan3A_75 = %scan3A to %scan3A_42 step %scan3A_43  : i32 {
        %mul3A_76 = arith.constant 2 : i32
        %mul3A_77 = arith.muli %scan3A_75, %mul3A_76 : i32
        %add3A_78 = arith.constant 0 : i32
        %add3A_79 = arith.addi %add3A_78, %mul3A_77 : i32
        %add3A_80 = arith.constant 1 : i32
        %add3A_81 = arith.addi %add3A_79, %add3A_80 : i32
        %mul3A_82 = arith.constant 80 : i32
        %mul3A_83 = arith.muli %add3A_81, %mul3A_82 : i32
        %multiple_of3A_84 = tpu.assume_multiple %mul3A_83, 8 : i32
        %dma_start3A_85 = tpu.memref_slice %arg10[%multiple_of3A_84] : memref<10000xi32, #tpu.memory_space<vmem>> -> memref<80xi32, #tpu.memory_space<vmem>>
        %dma_start3A_86 = arith.constant 0 : i32
        %dma_start3A_87 = arith.constant 0 : i32
        %dma_start3A_88 = tpu.memref_slice %arg5[%dma_start3A_86, %dma_start3A_87] : memref<10000x128xf32, #tpu.memory_space<hbm>> -> memref<10000x128xf32, #tpu.memory_space<hbm>>
        tpu.enqueue_indirect_dma source(%dma_start3A_88 : memref<10000x128xf32, #tpu.memory_space<hbm>>) target(%arg13 : memref<80x128xf32, #tpu.memory_space<vmem>>) offsets(%dma_start3A_85 : memref<80xi32, #tpu.memory_space<vmem>>) semaphore(%arg17 : memref<!tpu.dma_semaphore, #tpu.memory_space<semaphore_mem>>)
        %dma_wait3A_89 = arith.constant 0 : i32
        %dma_wait3A_90 = tpu.memref_slice %arg10[%dma_wait3A_89] : memref<10000xi32, #tpu.memory_space<vmem>> -> memref<80xi32, #tpu.memory_space<vmem>>
        %dma_wait3A_91 = arith.constant 0 : i32
        %dma_wait3A_92 = arith.constant 0 : i32
        %dma_wait3A_93 = tpu.memref_slice %arg5[%dma_wait3A_91, %dma_wait3A_92] : memref<10000x128xf32, #tpu.memory_space<hbm>> -> memref<10000x128xf32, #tpu.memory_space<hbm>>
        tpu.wait_indirect_dma semaphore(%arg16 : memref<!tpu.dma_semaphore, #tpu.memory_space<semaphore_mem>>) src(%dma_wait3A_93 : memref<10000x128xf32, #tpu.memory_space<hbm>>) dst(%arg12 : memref<80x128xf32, #tpu.memory_space<vmem>>)
        "tpu.region"() ({
          %run_scoped3A_110 = tpu.sem_alloc : memref<!tpu.dma_semaphore, #tpu.memory_space<semaphore_mem>>
          %dma_start3A_111 = arith.constant 0 : i32
          %dma_start3A_112 = tpu.memref_slice %arg11[%add3A_79, %dma_start3A_111] : memref<125x80xi32, #tpu.memory_space<vmem>> -> memref<1x80xi32, #tpu.memory_space<vmem>>
          %dma_start3A_113 = tpu.memref_squeeze %dma_start3A_112 : memref<1x80xi32, #tpu.memory_space<vmem>> -> memref<80xi32, #tpu.memory_space<vmem>>
          %dma_start3A_114 = arith.constant 0 : i32
          %dma_start3A_115 = arith.constant 0 : i32
          %dma_start3A_116 = tpu.memref_slice %arg14[%dma_start3A_114, %dma_start3A_115] : memref<10000x128xf32, #tpu.memory_space<vmem_shared>> -> memref<10000x128xf32, #tpu.memory_space<vmem_shared>>
          tpu.enqueue_indirect_dma source(%arg12 : memref<80x128xf32, #tpu.memory_space<vmem>>) target(%dma_start3A_116 : memref<10000x128xf32, #tpu.memory_space<vmem_shared>>) offsets(%dma_start3A_113 : memref<80xi32, #tpu.memory_space<vmem>>) semaphore(%run_scoped3A_110 : memref<!tpu.dma_semaphore, #tpu.memory_space<semaphore_mem>>) {add = true}
          %dma_wait3A_117 = arith.constant 0 : i32
          %dma_wait3A_118 = tpu.memref_slice %arg11[%add3A_79, %dma_wait3A_117] : memref<125x80xi32, #tpu.memory_space<vmem>> -> memref<1x80xi32, #tpu.memory_space<vmem>>
          %dma_wait3A_119 = tpu.memref_squeeze %dma_wait3A_118 : memref<1x80xi32, #tpu.memory_space<vmem>> -> memref<80xi32, #tpu.memory_space<vmem>>
          %dma_wait3A_120 = arith.constant 0 : i32
          %dma_wait3A_121 = arith.constant 0 : i32
          %dma_wait3A_122 = tpu.memref_slice %arg14[%dma_wait3A_120, %dma_wait3A_121] : memref<10000x128xf32, #tpu.memory_space<vmem_shared>> -> memref<10000x128xf32, #tpu.memory_space<vmem_shared>>
          tpu.wait_indirect_dma semaphore(%run_scoped3A_110 : memref<!tpu.dma_semaphore, #tpu.memory_space<semaphore_mem>>) src(%arg12 : memref<80x128xf32, #tpu.memory_space<vmem>>) dst(%dma_wait3A_122 : memref<10000x128xf32, #tpu.memory_space<vmem_shared>>)
          tpu.yield
        }) : () -> ()
        %add3A_94 = arith.constant 2 : i32
        %add3A_95 = arith.addi %add3A_79, %add3A_94 : i32
        %mul3A_96 = arith.constant 80 : i32
        %mul3A_97 = arith.muli %add3A_95, %mul3A_96 : i32
        %multiple_of3A_98 = tpu.assume_multiple %mul3A_97, 8 : i32
        %dma_start3A_99 = tpu.memref_slice %arg10[%multiple_of3A_98] : memref<10000xi32, #tpu.memory_space<vmem>> -> memref<80xi32, #tpu.memory_space<vmem>>
        %dma_start3A_100 = arith.constant 0 : i32
        %dma_start3A_101 = arith.constant 0 : i32
        %dma_start3A_102 = tpu.memref_slice %arg5[%dma_start3A_100, %dma_start3A_101] : memref<10000x128xf32, #tpu.memory_space<hbm>> -> memref<10000x128xf32, #tpu.memory_space<hbm>>
        tpu.enqueue_indirect_dma source(%dma_start3A_102 : memref<10000x128xf32, #tpu.memory_space<hbm>>) target(%arg12 : memref<80x128xf32, #tpu.memory_space<vmem>>) offsets(%dma_start3A_99 : memref<80xi32, #tpu.memory_space<vmem>>) semaphore(%arg16 : memref<!tpu.dma_semaphore, #tpu.memory_space<semaphore_mem>>)
        %dma_wait3A_103 = arith.constant 0 : i32
        %dma_wait3A_104 = tpu.memref_slice %arg10[%dma_wait3A_103] : memref<10000xi32, #tpu.memory_space<vmem>> -> memref<80xi32, #tpu.memory_space<vmem>>
        %dma_wait3A_105 = arith.constant 0 : i32
        %dma_wait3A_106 = arith.constant 0 : i32
        %dma_wait3A_107 = tpu.memref_slice %arg5[%dma_wait3A_105, %dma_wait3A_106] : memref<10000x128xf32, #tpu.memory_space<hbm>> -> memref<10000x128xf32, #tpu.memory_space<hbm>>
        tpu.wait_indirect_dma semaphore(%arg17 : memref<!tpu.dma_semaphore, #tpu.memory_space<semaphore_mem>>) src(%dma_wait3A_107 : memref<10000x128xf32, #tpu.memory_space<hbm>>) dst(%arg13 : memref<80x128xf32, #tpu.memory_space<vmem>>)
        %add3A_108 = arith.constant 1 : i32
        %add3A_109 = arith.addi %add3A_79, %add3A_108 : i32
        "tpu.region"() ({
          %run_scoped3A_110 = tpu.sem_alloc : memref<!tpu.dma_semaphore, #tpu.memory_space<semaphore_mem>>
          %dma_start3A_111 = arith.constant 0 : i32
          %dma_start3A_112 = tpu.memref_slice %arg11[%add3A_109, %dma_start3A_111] : memref<125x80xi32, #tpu.memory_space<vmem>> -> memref<1x80xi32, #tpu.memory_space<vmem>>
          %dma_start3A_113 = tpu.memref_squeeze %dma_start3A_112 : memref<1x80xi32, #tpu.memory_space<vmem>> -> memref<80xi32, #tpu.memory_space<vmem>>
          %dma_start3A_114 = arith.constant 0 : i32
          %dma_start3A_115 = arith.constant 0 : i32
          %dma_start3A_116 = tpu.memref_slice %arg14[%dma_start3A_114, %dma_start3A_115] : memref<10000x128xf32, #tpu.memory_space<vmem_shared>> -> memref<10000x128xf32, #tpu.memory_space<vmem_shared>>
          tpu.enqueue_indirect_dma source(%arg13 : memref<80x128xf32, #tpu.memory_space<vmem>>) target(%dma_start3A_116 : memref<10000x128xf32, #tpu.memory_space<vmem_shared>>) offsets(%dma_start3A_113 : memref<80xi32, #tpu.memory_space<vmem>>) semaphore(%run_scoped3A_110 : memref<!tpu.dma_semaphore, #tpu.memory_space<semaphore_mem>>) {add = true}
          %dma_wait3A_117 = arith.constant 0 : i32
          %dma_wait3A_118 = tpu.memref_slice %arg11[%add3A_109, %dma_wait3A_117] : memref<125x80xi32, #tpu.memory_space<vmem>> -> memref<1x80xi32, #tpu.memory_space<vmem>>
          %dma_wait3A_119 = tpu.memref_squeeze %dma_wait3A_118 : memref<1x80xi32, #tpu.memory_space<vmem>> -> memref<80xi32, #tpu.memory_space<vmem>>
          %dma_wait3A_120 = arith.constant 0 : i32
          %dma_wait3A_121 = arith.constant 0 : i32
          %dma_wait3A_122 = tpu.memref_slice %arg14[%dma_wait3A_120, %dma_wait3A_121] : memref<10000x128xf32, #tpu.memory_space<vmem_shared>> -> memref<10000x128xf32, #tpu.memory_space<vmem_shared>>
          tpu.wait_indirect_dma semaphore(%run_scoped3A_110 : memref<!tpu.dma_semaphore, #tpu.memory_space<semaphore_mem>>) src(%arg13 : memref<80x128xf32, #tpu.memory_space<vmem>>) dst(%dma_wait3A_122 : memref<10000x128xf32, #tpu.memory_space<vmem_shared>>)
          tpu.yield
        }) : () -> ()
      }
      %scan3A_44 = arith.constant 62 : i32
      %dma_wait3A = arith.constant 0 : i32
      %dma_wait3A_45 = tpu.memref_slice %arg10[%dma_wait3A] : memref<10000xi32, #tpu.memory_space<vmem>> -> memref<80xi32, #tpu.memory_space<vmem>>
      %dma_wait3A_46 = arith.constant 0 : i32
      %dma_wait3A_47 = arith.constant 0 : i32
      %dma_wait3A_48 = tpu.memref_slice %arg5[%dma_wait3A_46, %dma_wait3A_47] : memref<10000x128xf32, #tpu.memory_space<hbm>> -> memref<10000x128xf32, #tpu.memory_space<hbm>>
      tpu.wait_indirect_dma semaphore(%arg16 : memref<!tpu.dma_semaphore, #tpu.memory_space<semaphore_mem>>) src(%dma_wait3A_48 : memref<10000x128xf32, #tpu.memory_space<hbm>>) dst(%arg12 : memref<80x128xf32, #tpu.memory_space<vmem>>)
      %run_scoped3A = arith.constant 124 : i32
      "tpu.region"() ({
        %run_scoped3A_75 = tpu.sem_alloc : memref<!tpu.dma_semaphore, #tpu.memory_space<semaphore_mem>>
        %dma_start3A_76 = arith.constant 0 : i32
        %dma_start3A_77 = tpu.memref_slice %arg11[%run_scoped3A, %dma_start3A_76] : memref<125x80xi32, #tpu.memory_space<vmem>> -> memref<1x80xi32, #tpu.memory_space<vmem>>
        %dma_start3A_78 = tpu.memref_squeeze %dma_start3A_77 : memref<1x80xi32, #tpu.memory_space<vmem>> -> memref<80xi32, #tpu.memory_space<vmem>>
        %dma_start3A_79 = arith.constant 0 : i32
        %dma_start3A_80 = arith.constant 0 : i32
        %dma_start3A_81 = tpu.memref_slice %arg14[%dma_start3A_79, %dma_start3A_80] : memref<10000x128xf32, #tpu.memory_space<vmem_shared>> -> memref<10000x128xf32, #tpu.memory_space<vmem_shared>>
        tpu.enqueue_indirect_dma source(%arg12 : memref<80x128xf32, #tpu.memory_space<vmem>>) target(%dma_start3A_81 : memref<10000x128xf32, #tpu.memory_space<vmem_shared>>) offsets(%dma_start3A_78 : memref<80xi32, #tpu.memory_space<vmem>>) semaphore(%run_scoped3A_75 : memref<!tpu.dma_semaphore, #tpu.memory_space<semaphore_mem>>) {add = true}
        %dma_wait3A_82 = arith.constant 0 : i32
        %dma_wait3A_83 = tpu.memref_slice %arg11[%run_scoped3A, %dma_wait3A_82] : memref<125x80xi32, #tpu.memory_space<vmem>> -> memref<1x80xi32, #tpu.memory_space<vmem>>
        %dma_wait3A_84 = tpu.memref_squeeze %dma_wait3A_83 : memref<1x80xi32, #tpu.memory_space<vmem>> -> memref<80xi32, #tpu.memory_space<vmem>>
        %dma_wait3A_85 = arith.constant 0 : i32
        %dma_wait3A_86 = arith.constant 0 : i32
        %dma_wait3A_87 = tpu.memref_slice %arg14[%dma_wait3A_85, %dma_wait3A_86] : memref<10000x128xf32, #tpu.memory_space<vmem_shared>> -> memref<10000x128xf32, #tpu.memory_space<vmem_shared>>
        tpu.wait_indirect_dma semaphore(%run_scoped3A_75 : memref<!tpu.dma_semaphore, #tpu.memory_space<semaphore_mem>>) src(%arg12 : memref<80x128xf32, #tpu.memory_space<vmem>>) dst(%dma_wait3A_87 : memref<10000x128xf32, #tpu.memory_space<vmem_shared>>)
        tpu.yield
      }) : () -> ()
      %mul3A = arith.constant 2 : i32
      %mul3A_49 = arith.muli %arg1, %mul3A : i32
      %add3A = arith.constant 1 : i32
      %add3A_50 = arith.addi %mul3A_49, %add3A : i32
      %mul3A_51 = arith.constant 10000 : i32
      %mul3A_52 = arith.muli %add3A_50, %mul3A_51 : i32
      %multiple_of3A_53 = tpu.assume_multiple %mul3A_52, 8 : i32
      %dma_start3A_54 = tpu.memref_slice %arg6[%multiple_of3A_53] : memref<320000xi32, #tpu.memory_space<hbm>> -> memref<10000xi32, #tpu.memory_space<hbm>>
      %dma_start3A_55 = tpu.memref_slice %arg6[%multiple_of3A_53] : memref<320000xi32, #tpu.memory_space<hbm>> -> memref<10000xi32, #tpu.memory_space<hbm>>
      tpu.enqueue_dma source(%dma_start3A_55 : memref<10000xi32, #tpu.memory_space<hbm>>) target(%arg10 : memref<10000xi32, #tpu.memory_space<vmem>>) target_semaphore(%arg15 : memref<!tpu.dma_semaphore, #tpu.memory_space<semaphore_mem>>)
      %dma_wait3A_56 = tpu.memref_slice %arg6[%multiple_of3A_53] : memref<320000xi32, #tpu.memory_space<hbm>> -> memref<10000xi32, #tpu.memory_space<hbm>>
      %dma_wait3A_57 = tpu.memref_slice %arg6[%multiple_of3A_53] : memref<320000xi32, #tpu.memory_space<hbm>> -> memref<10000xi32, #tpu.memory_space<hbm>>
      tpu.wait_dma2 semaphore(%arg15 : memref<!tpu.dma_semaphore, #tpu.memory_space<semaphore_mem>>) src(%dma_wait3A_57 : memref<10000xi32, #tpu.memory_space<hbm>>) dst(%arg10 : memref<10000xi32, #tpu.memory_space<vmem>>)
      "tpu.region"() ({
        %run_scoped3A_75 = tpu.sem_alloc : memref<!tpu.dma_semaphore, #tpu.memory_space<semaphore_mem>>
        %dma_start3A_76 = arith.constant 0 : i32
        %dma_start3A_77 = arith.constant 0 : i32
        %dma_start3A_78 = tpu.memref_slice %arg7[%add3A_50, %dma_start3A_76, %dma_start3A_77] : memref<32x125x80xi32, #tpu.memory_space<hbm>> -> memref<1x125x80xi32, #tpu.memory_space<hbm>>
        %dma_start3A_79 = tpu.memref_squeeze %dma_start3A_78 : memref<1x125x80xi32, #tpu.memory_space<hbm>> -> memref<125x80xi32, #tpu.memory_space<hbm>>
        %dma_start3A_80 = arith.constant 0 : i32
        %dma_start3A_81 = arith.constant 0 : i32
        %dma_start3A_82 = tpu.memref_slice %arg7[%add3A_50, %dma_start3A_80, %dma_start3A_81] : memref<32x125x80xi32, #tpu.memory_space<hbm>> -> memref<1x125x80xi32, #tpu.memory_space<hbm>>
        %dma_start3A_83 = tpu.memref_squeeze %dma_start3A_82 : memref<1x125x80xi32, #tpu.memory_space<hbm>> -> memref<125x80xi32, #tpu.memory_space<hbm>>
        tpu.enqueue_dma source(%dma_start3A_83 : memref<125x80xi32, #tpu.memory_space<hbm>>) target(%arg11 : memref<125x80xi32, #tpu.memory_space<vmem>>) target_semaphore(%run_scoped3A_75 : memref<!tpu.dma_semaphore, #tpu.memory_space<semaphore_mem>>)
        %dma_wait3A_84 = arith.constant 0 : i32
        %dma_wait3A_85 = arith.constant 0 : i32
        %dma_wait3A_86 = tpu.memref_slice %arg7[%add3A_50, %dma_wait3A_84, %dma_wait3A_85] : memref<32x125x80xi32, #tpu.memory_space<hbm>> -> memref<1x125x80xi32, #tpu.memory_space<hbm>>
        %dma_wait3A_87 = tpu.memref_squeeze %dma_wait3A_86 : memref<1x125x80xi32, #tpu.memory_space<hbm>> -> memref<125x80xi32, #tpu.memory_space<hbm>>
        %dma_wait3A_88 = arith.constant 0 : i32
        %dma_wait3A_89 = arith.constant 0 : i32
        %dma_wait3A_90 = tpu.memref_slice %arg7[%add3A_50, %dma_wait3A_88, %dma_wait3A_89] : memref<32x125x80xi32, #tpu.memory_space<hbm>> -> memref<1x125x80xi32, #tpu.memory_space<hbm>>
        %dma_wait3A_91 = tpu.memref_squeeze %dma_wait3A_90 : memref<1x125x80xi32, #tpu.memory_space<hbm>> -> memref<125x80xi32, #tpu.memory_space<hbm>>
        tpu.wait_dma2 semaphore(%run_scoped3A_75 : memref<!tpu.dma_semaphore, #tpu.memory_space<semaphore_mem>>) src(%dma_wait3A_91 : memref<125x80xi32, #tpu.memory_space<hbm>>) dst(%arg11 : memref<125x80xi32, #tpu.memory_space<vmem>>)
        tpu.yield
      }) : () -> ()
      %multiple_of3A_58 = arith.constant 0 : i32
      %multiple_of3A_59 = tpu.assume_multiple %multiple_of3A_58, 8 : i32
      %dma_start3A_60 = tpu.memref_slice %arg10[%multiple_of3A_59] : memref<10000xi32, #tpu.memory_space<vmem>> -> memref<80xi32, #tpu.memory_space<vmem>>
      %dma_start3A_61 = arith.constant 0 : i32
      %dma_start3A_62 = arith.constant 0 : i32
      %dma_start3A_63 = tpu.memref_slice %arg5[%dma_start3A_61, %dma_start3A_62] : memref<10000x128xf32, #tpu.memory_space<hbm>> -> memref<10000x128xf32, #tpu.memory_space<hbm>>
      tpu.enqueue_indirect_dma source(%dma_start3A_63 : memref<10000x128xf32, #tpu.memory_space<hbm>>) target(%arg12 : memref<80x128xf32, #tpu.memory_space<vmem>>) offsets(%dma_start3A_60 : memref<80xi32, #tpu.memory_space<vmem>>) semaphore(%arg16 : memref<!tpu.dma_semaphore, #tpu.memory_space<semaphore_mem>>)
      %scan3A_64 = arith.constant 0 : i32
      %scan3A_65 = arith.constant 62 : i32
      %scan3A_66 = arith.addi %scan3A_64, %scan3A_65 : i32
      %scan3A_67 = arith.constant 1 : i32
      scf.for %scan3A_75 = %scan3A_64 to %scan3A_66 step %scan3A_67  : i32 {
        %mul3A_76 = arith.constant 2 : i32
        %mul3A_77 = arith.muli %scan3A_75, %mul3A_76 : i32
        %add3A_78 = arith.constant 0 : i32
        %add3A_79 = arith.addi %add3A_78, %mul3A_77 : i32
        %add3A_80 = arith.constant 1 : i32
        %add3A_81 = arith.addi %add3A_79, %add3A_80 : i32
        %mul3A_82 = arith.constant 80 : i32
        %mul3A_83 = arith.muli %add3A_81, %mul3A_82 : i32
        %multiple_of3A_84 = tpu.assume_multiple %mul3A_83, 8 : i32
        %dma_start3A_85 = tpu.memref_slice %arg10[%multiple_of3A_84] : memref<10000xi32, #tpu.memory_space<vmem>> -> memref<80xi32, #tpu.memory_space<vmem>>
        %dma_start3A_86 = arith.constant 0 : i32
        %dma_start3A_87 = arith.constant 0 : i32
        %dma_start3A_88 = tpu.memref_slice %arg5[%dma_start3A_86, %dma_start3A_87] : memref<10000x128xf32, #tpu.memory_space<hbm>> -> memref<10000x128xf32, #tpu.memory_space<hbm>>
        tpu.enqueue_indirect_dma source(%dma_start3A_88 : memref<10000x128xf32, #tpu.memory_space<hbm>>) target(%arg13 : memref<80x128xf32, #tpu.memory_space<vmem>>) offsets(%dma_start3A_85 : memref<80xi32, #tpu.memory_space<vmem>>) semaphore(%arg17 : memref<!tpu.dma_semaphore, #tpu.memory_space<semaphore_mem>>)
        %dma_wait3A_89 = arith.constant 0 : i32
        %dma_wait3A_90 = tpu.memref_slice %arg10[%dma_wait3A_89] : memref<10000xi32, #tpu.memory_space<vmem>> -> memref<80xi32, #tpu.memory_space<vmem>>
        %dma_wait3A_91 = arith.constant 0 : i32
        %dma_wait3A_92 = arith.constant 0 : i32
        %dma_wait3A_93 = tpu.memref_slice %arg5[%dma_wait3A_91, %dma_wait3A_92] : memref<10000x128xf32, #tpu.memory_space<hbm>> -> memref<10000x128xf32, #tpu.memory_space<hbm>>
        tpu.wait_indirect_dma semaphore(%arg16 : memref<!tpu.dma_semaphore, #tpu.memory_space<semaphore_mem>>) src(%dma_wait3A_93 : memref<10000x128xf32, #tpu.memory_space<hbm>>) dst(%arg12 : memref<80x128xf32, #tpu.memory_space<vmem>>)
        "tpu.region"() ({
          %run_scoped3A_110 = tpu.sem_alloc : memref<!tpu.dma_semaphore, #tpu.memory_space<semaphore_mem>>
          %dma_start3A_111 = arith.constant 0 : i32
          %dma_start3A_112 = tpu.memref_slice %arg11[%add3A_79, %dma_start3A_111] : memref<125x80xi32, #tpu.memory_space<vmem>> -> memref<1x80xi32, #tpu.memory_space<vmem>>
          %dma_start3A_113 = tpu.memref_squeeze %dma_start3A_112 : memref<1x80xi32, #tpu.memory_space<vmem>> -> memref<80xi32, #tpu.memory_space<vmem>>
          %dma_start3A_114 = arith.constant 0 : i32
          %dma_start3A_115 = arith.constant 0 : i32
          %dma_start3A_116 = tpu.memref_slice %arg14[%dma_start3A_114, %dma_start3A_115] : memref<10000x128xf32, #tpu.memory_space<vmem_shared>> -> memref<10000x128xf32, #tpu.memory_space<vmem_shared>>
          tpu.enqueue_indirect_dma source(%arg12 : memref<80x128xf32, #tpu.memory_space<vmem>>) target(%dma_start3A_116 : memref<10000x128xf32, #tpu.memory_space<vmem_shared>>) offsets(%dma_start3A_113 : memref<80xi32, #tpu.memory_space<vmem>>) semaphore(%run_scoped3A_110 : memref<!tpu.dma_semaphore, #tpu.memory_space<semaphore_mem>>) {add = true}
          %dma_wait3A_117 = arith.constant 0 : i32
          %dma_wait3A_118 = tpu.memref_slice %arg11[%add3A_79, %dma_wait3A_117] : memref<125x80xi32, #tpu.memory_space<vmem>> -> memref<1x80xi32, #tpu.memory_space<vmem>>
          %dma_wait3A_119 = tpu.memref_squeeze %dma_wait3A_118 : memref<1x80xi32, #tpu.memory_space<vmem>> -> memref<80xi32, #tpu.memory_space<vmem>>
          %dma_wait3A_120 = arith.constant 0 : i32
          %dma_wait3A_121 = arith.constant 0 : i32
          %dma_wait3A_122 = tpu.memref_slice %arg14[%dma_wait3A_120, %dma_wait3A_121] : memref<10000x128xf32, #tpu.memory_space<vmem_shared>> -> memref<10000x128xf32, #tpu.memory_space<vmem_shared>>
          tpu.wait_indirect_dma semaphore(%run_scoped3A_110 : memref<!tpu.dma_semaphore, #tpu.memory_space<semaphore_mem>>) src(%arg12 : memref<80x128xf32, #tpu.memory_space<vmem>>) dst(%dma_wait3A_122 : memref<10000x128xf32, #tpu.memory_space<vmem_shared>>)
          tpu.yield
        }) : () -> ()
        %add3A_94 = arith.constant 2 : i32
        %add3A_95 = arith.addi %add3A_79, %add3A_94 : i32
        %mul3A_96 = arith.constant 80 : i32
        %mul3A_97 = arith.muli %add3A_95, %mul3A_96 : i32
        %multiple_of3A_98 = tpu.assume_multiple %mul3A_97, 8 : i32
        %dma_start3A_99 = tpu.memref_slice %arg10[%multiple_of3A_98] : memref<10000xi32, #tpu.memory_space<vmem>> -> memref<80xi32, #tpu.memory_space<vmem>>
        %dma_start3A_100 = arith.constant 0 : i32
        %dma_start3A_101 = arith.constant 0 : i32
        %dma_start3A_102 = tpu.memref_slice %arg5[%dma_start3A_100, %dma_start3A_101] : memref<10000x128xf32, #tpu.memory_space<hbm>> -> memref<10000x128xf32, #tpu.memory_space<hbm>>
        tpu.enqueue_indirect_dma source(%dma_start3A_102 : memref<10000x128xf32, #tpu.memory_space<hbm>>) target(%arg12 : memref<80x128xf32, #tpu.memory_space<vmem>>) offsets(%dma_start3A_99 : memref<80xi32, #tpu.memory_space<vmem>>) semaphore(%arg16 : memref<!tpu.dma_semaphore, #tpu.memory_space<semaphore_mem>>)
        %dma_wait3A_103 = arith.constant 0 : i32
        %dma_wait3A_104 = tpu.memref_slice %arg10[%dma_wait3A_103] : memref<10000xi32, #tpu.memory_space<vmem>> -> memref<80xi32, #tpu.memory_space<vmem>>
        %dma_wait3A_105 = arith.constant 0 : i32
        %dma_wait3A_106 = arith.constant 0 : i32
        %dma_wait3A_107 = tpu.memref_slice %arg5[%dma_wait3A_105, %dma_wait3A_106] : memref<10000x128xf32, #tpu.memory_space<hbm>> -> memref<10000x128xf32, #tpu.memory_space<hbm>>
        tpu.wait_indirect_dma semaphore(%arg17 : memref<!tpu.dma_semaphore, #tpu.memory_space<semaphore_mem>>) src(%dma_wait3A_107 : memref<10000x128xf32, #tpu.memory_space<hbm>>) dst(%arg13 : memref<80x128xf32, #tpu.memory_space<vmem>>)
        %add3A_108 = arith.constant 1 : i32
        %add3A_109 = arith.addi %add3A_79, %add3A_108 : i32
        "tpu.region"() ({
          %run_scoped3A_110 = tpu.sem_alloc : memref<!tpu.dma_semaphore, #tpu.memory_space<semaphore_mem>>
          %dma_start3A_111 = arith.constant 0 : i32
          %dma_start3A_112 = tpu.memref_slice %arg11[%add3A_109, %dma_start3A_111] : memref<125x80xi32, #tpu.memory_space<vmem>> -> memref<1x80xi32, #tpu.memory_space<vmem>>
          %dma_start3A_113 = tpu.memref_squeeze %dma_start3A_112 : memref<1x80xi32, #tpu.memory_space<vmem>> -> memref<80xi32, #tpu.memory_space<vmem>>
          %dma_start3A_114 = arith.constant 0 : i32
          %dma_start3A_115 = arith.constant 0 : i32
          %dma_start3A_116 = tpu.memref_slice %arg14[%dma_start3A_114, %dma_start3A_115] : memref<10000x128xf32, #tpu.memory_space<vmem_shared>> -> memref<10000x128xf32, #tpu.memory_space<vmem_shared>>
          tpu.enqueue_indirect_dma source(%arg13 : memref<80x128xf32, #tpu.memory_space<vmem>>) target(%dma_start3A_116 : memref<10000x128xf32, #tpu.memory_space<vmem_shared>>) offsets(%dma_start3A_113 : memref<80xi32, #tpu.memory_space<vmem>>) semaphore(%run_scoped3A_110 : memref<!tpu.dma_semaphore, #tpu.memory_space<semaphore_mem>>) {add = true}
          %dma_wait3A_117 = arith.constant 0 : i32
          %dma_wait3A_118 = tpu.memref_slice %arg11[%add3A_109, %dma_wait3A_117] : memref<125x80xi32, #tpu.memory_space<vmem>> -> memref<1x80xi32, #tpu.memory_space<vmem>>
          %dma_wait3A_119 = tpu.memref_squeeze %dma_wait3A_118 : memref<1x80xi32, #tpu.memory_space<vmem>> -> memref<80xi32, #tpu.memory_space<vmem>>
          %dma_wait3A_120 = arith.constant 0 : i32
          %dma_wait3A_121 = arith.constant 0 : i32
          %dma_wait3A_122 = tpu.memref_slice %arg14[%dma_wait3A_120, %dma_wait3A_121] : memref<10000x128xf32, #tpu.memory_space<vmem_shared>> -> memref<10000x128xf32, #tpu.memory_space<vmem_shared>>
          tpu.wait_indirect_dma semaphore(%run_scoped3A_110 : memref<!tpu.dma_semaphore, #tpu.memory_space<semaphore_mem>>) src(%arg13 : memref<80x128xf32, #tpu.memory_space<vmem>>) dst(%dma_wait3A_122 : memref<10000x128xf32, #tpu.memory_space<vmem_shared>>)
          tpu.yield
        }) : () -> ()
      }
      %scan3A_68 = arith.constant 62 : i32
      %dma_wait3A_69 = arith.constant 0 : i32
      %dma_wait3A_70 = tpu.memref_slice %arg10[%dma_wait3A_69] : memref<10000xi32, #tpu.memory_space<vmem>> -> memref<80xi32, #tpu.memory_space<vmem>>
      %dma_wait3A_71 = arith.constant 0 : i32
      %dma_wait3A_72 = arith.constant 0 : i32
      %dma_wait3A_73 = tpu.memref_slice %arg5[%dma_wait3A_71, %dma_wait3A_72] : memref<10000x128xf32, #tpu.memory_space<hbm>> -> memref<10000x128xf32, #tpu.memory_space<hbm>>
      tpu.wait_indirect_dma semaphore(%arg16 : memref<!tpu.dma_semaphore, #tpu.memory_space<semaphore_mem>>) src(%dma_wait3A_73 : memref<10000x128xf32, #tpu.memory_space<hbm>>) dst(%arg12 : memref<80x128xf32, #tpu.memory_space<vmem>>)
      %run_scoped3A_74 = arith.constant 124 : i32
      "tpu.region"() ({
        %run_scoped3A_75 = tpu.sem_alloc : memref<!tpu.dma_semaphore, #tpu.memory_space<semaphore_mem>>
        %dma_start3A_76 = arith.constant 0 : i32
        %dma_start3A_77 = tpu.memref_slice %arg11[%run_scoped3A_74, %dma_start3A_76] : memref<125x80xi32, #tpu.memory_space<vmem>> -> memref<1x80xi32, #tpu.memory_space<vmem>>
        %dma_start3A_78 = tpu.memref_squeeze %dma_start3A_77 : memref<1x80xi32, #tpu.memory_space<vmem>> -> memref<80xi32, #tpu.memory_space<vmem>>
        %dma_start3A_79 = arith.constant 0 : i32
        %dma_start3A_80 = arith.constant 0 : i32
        %dma_start3A_81 = tpu.memref_slice %arg14[%dma_start3A_79, %dma_start3A_80] : memref<10000x128xf32, #tpu.memory_space<vmem_shared>> -> memref<10000x128xf32, #tpu.memory_space<vmem_shared>>
        tpu.enqueue_indirect_dma source(%arg12 : memref<80x128xf32, #tpu.memory_space<vmem>>) target(%dma_start3A_81 : memref<10000x128xf32, #tpu.memory_space<vmem_shared>>) offsets(%dma_start3A_78 : memref<80xi32, #tpu.memory_space<vmem>>) semaphore(%run_scoped3A_75 : memref<!tpu.dma_semaphore, #tpu.memory_space<semaphore_mem>>) {add = true}
        %dma_wait3A_82 = arith.constant 0 : i32
        %dma_wait3A_83 = tpu.memref_slice %arg11[%run_scoped3A_74, %dma_wait3A_82] : memref<125x80xi32, #tpu.memory_space<vmem>> -> memref<1x80xi32, #tpu.memory_space<vmem>>
        %dma_wait3A_84 = tpu.memref_squeeze %dma_wait3A_83 : memref<1x80xi32, #tpu.memory_space<vmem>> -> memref<80xi32, #tpu.memory_space<vmem>>
        %dma_wait3A_85 = arith.constant 0 : i32
        %dma_wait3A_86 = arith.constant 0 : i32
        %dma_wait3A_87 = tpu.memref_slice %arg14[%dma_wait3A_85, %dma_wait3A_86] : memref<10000x128xf32, #tpu.memory_space<vmem_shared>> -> memref<10000x128xf32, #tpu.memory_space<vmem_shared>>
        tpu.wait_indirect_dma semaphore(%run_scoped3A_75 : memref<!tpu.dma_semaphore, #tpu.memory_space<semaphore_mem>>) src(%arg12 : memref<80x128xf32, #tpu.memory_space<vmem>>) dst(%dma_wait3A_87 : memref<10000x128xf32, #tpu.memory_space<vmem_shared>>)
        tpu.yield
      }) : () -> ()
    } else {
    }
    %barrier3A_26 = arith.constant 0 : index
    tpu.barrier barrier_id(%barrier3A_26)
    %lt3A_27 = arith.constant 15 : i32
    %lt3A_28 = arith.cmpi slt, %arg1, %lt3A_27 : i32
    %convert_element_type3A_29 = arith.extui %lt3A_28 : i1 to i32
    %cond3A_30 = arith.constant 0 : i32
    %cond3A_31 = arith.cmpi ne, %convert_element_type3A_29, %cond3A_30 : i32
    scf.if %cond3A_31 {
      %mul3A = arith.constant 632 : i32
      %mul3A_37 = arith.muli %arg1, %mul3A : i32
      %multiple_of3A = tpu.assume_multiple %mul3A_37, 8 : i32
      "tpu.region"() ({
        %run_scoped3A = tpu.sem_alloc : memref<!tpu.dma_semaphore, #tpu.memory_space<semaphore_mem>>
        %dma_start3A = arith.constant 0 : i32
        %dma_start3A_38 = arith.constant 0 : i32
        %dma_start3A_39 = tpu.memref_slice %arg9[%arg0, %dma_start3A, %dma_start3A_38] : memref<2x10000x128xf32, #tpu.memory_space<hbm>> -> memref<1x10000x128xf32, #tpu.memory_space<hbm>>
        %dma_start3A_40 = tpu.memref_squeeze %dma_start3A_39 : memref<1x10000x128xf32, #tpu.memory_space<hbm>> -> memref<10000x128xf32, #tpu.memory_space<hbm>>
        %dma_start3A_41 = arith.constant 0 : i32
        %dma_start3A_42 = tpu.memref_slice %dma_start3A_40[%multiple_of3A, %dma_start3A_41] : memref<10000x128xf32, #tpu.memory_space<hbm>> -> memref<632x128xf32, #tpu.memory_space<hbm>>
        %dma_start3A_43 = arith.constant 0 : i32
        %dma_start3A_44 = tpu.memref_slice %arg14[%multiple_of3A, %dma_start3A_43] : memref<10000x128xf32, #tpu.memory_space<vmem_shared>> -> memref<632x128xf32, #tpu.memory_space<vmem_shared>>
        tpu.enqueue_dma source(%dma_start3A_44 : memref<632x128xf32, #tpu.memory_space<vmem_shared>>) target(%dma_start3A_42 : memref<632x128xf32, #tpu.memory_space<hbm>>) target_semaphore(%run_scoped3A : memref<!tpu.dma_semaphore, #tpu.memory_space<semaphore_mem>>)
        %dma_wait3A = arith.constant 0 : i32
        %dma_wait3A_45 = arith.constant 0 : i32
        %dma_wait3A_46 = tpu.memref_slice %arg9[%arg0, %dma_wait3A, %dma_wait3A_45] : memref<2x10000x128xf32, #tpu.memory_space<hbm>> -> memref<1x10000x128xf32, #tpu.memory_space<hbm>>
        %dma_wait3A_47 = tpu.memref_squeeze %dma_wait3A_46 : memref<1x10000x128xf32, #tpu.memory_space<hbm>> -> memref<10000x128xf32, #tpu.memory_space<hbm>>
        %dma_wait3A_48 = arith.constant 0 : i32
        %dma_wait3A_49 = tpu.memref_slice %dma_wait3A_47[%multiple_of3A, %dma_wait3A_48] : memref<10000x128xf32, #tpu.memory_space<hbm>> -> memref<632x128xf32, #tpu.memory_space<hbm>>
        %dma_wait3A_50 = arith.constant 0 : i32
        %dma_wait3A_51 = tpu.memref_slice %arg14[%multiple_of3A, %dma_wait3A_50] : memref<10000x128xf32, #tpu.memory_space<vmem_shared>> -> memref<632x128xf32, #tpu.memory_space<vmem_shared>>
        tpu.wait_dma2 semaphore(%run_scoped3A : memref<!tpu.dma_semaphore, #tpu.memory_space<semaphore_mem>>) src(%dma_wait3A_51 : memref<632x128xf32, #tpu.memory_space<vmem_shared>>) dst(%dma_wait3A_49 : memref<632x128xf32, #tpu.memory_space<hbm>>)
        tpu.yield
      }) : () -> ()
    } else {
    }
    %eq3A_32 = arith.constant 15 : i32
    %eq3A_33 = arith.cmpi eq, %arg1, %eq3A_32 : i32
    %convert_element_type3A_34 = arith.extui %eq3A_33 : i1 to i32
    %cond3A_35 = arith.constant 0 : i32
    %cond3A_36 = arith.cmpi ne, %convert_element_type3A_34, %cond3A_35 : i32
    scf.if %cond3A_36 {
      "tpu.region"() ({
        %run_scoped3A = tpu.sem_alloc : memref<!tpu.dma_semaphore, #tpu.memory_space<semaphore_mem>>
        %dma_start3A = arith.constant 0 : i32
        %dma_start3A_37 = arith.constant 0 : i32
        %dma_start3A_38 = tpu.memref_slice %arg9[%arg0, %dma_start3A, %dma_start3A_37] : memref<2x10000x128xf32, #tpu.memory_space<hbm>> -> memref<1x10000x128xf32, #tpu.memory_space<hbm>>
        %dma_start3A_39 = tpu.memref_squeeze %dma_start3A_38 : memref<1x10000x128xf32, #tpu.memory_space<hbm>> -> memref<10000x128xf32, #tpu.memory_space<hbm>>
        %dma_start3A_40 = arith.constant 9480 : i32
        %dma_start3A_41 = arith.constant 0 : i32
        %dma_start3A_42 = tpu.memref_slice %dma_start3A_39[%dma_start3A_40, %dma_start3A_41] : memref<10000x128xf32, #tpu.memory_space<hbm>> -> memref<520x128xf32, #tpu.memory_space<hbm>>
        %dma_start3A_43 = arith.constant 9480 : i32
        %dma_start3A_44 = arith.constant 0 : i32
        %dma_start3A_45 = tpu.memref_slice %arg14[%dma_start3A_43, %dma_start3A_44] : memref<10000x128xf32, #tpu.memory_space<vmem_shared>> -> memref<520x128xf32, #tpu.memory_space<vmem_shared>>
        tpu.enqueue_dma source(%dma_start3A_45 : memref<520x128xf32, #tpu.memory_space<vmem_shared>>) target(%dma_start3A_42 : memref<520x128xf32, #tpu.memory_space<hbm>>) target_semaphore(%run_scoped3A : memref<!tpu.dma_semaphore, #tpu.memory_space<semaphore_mem>>)
        %dma_wait3A = arith.constant 0 : i32
        %dma_wait3A_46 = arith.constant 0 : i32
        %dma_wait3A_47 = tpu.memref_slice %arg9[%arg0, %dma_wait3A, %dma_wait3A_46] : memref<2x10000x128xf32, #tpu.memory_space<hbm>> -> memref<1x10000x128xf32, #tpu.memory_space<hbm>>
        %dma_wait3A_48 = tpu.memref_squeeze %dma_wait3A_47 : memref<1x10000x128xf32, #tpu.memory_space<hbm>> -> memref<10000x128xf32, #tpu.memory_space<hbm>>
        %dma_wait3A_49 = arith.constant 9480 : i32
        %dma_wait3A_50 = arith.constant 0 : i32
        %dma_wait3A_51 = tpu.memref_slice %dma_wait3A_48[%dma_wait3A_49, %dma_wait3A_50] : memref<10000x128xf32, #tpu.memory_space<hbm>> -> memref<520x128xf32, #tpu.memory_space<hbm>>
        %dma_wait3A_52 = arith.constant 9480 : i32
        %dma_wait3A_53 = arith.constant 0 : i32
        %dma_wait3A_54 = tpu.memref_slice %arg14[%dma_wait3A_52, %dma_wait3A_53] : memref<10000x128xf32, #tpu.memory_space<vmem_shared>> -> memref<520x128xf32, #tpu.memory_space<vmem_shared>>
        tpu.wait_dma2 semaphore(%run_scoped3A : memref<!tpu.dma_semaphore, #tpu.memory_space<semaphore_mem>>) src(%dma_wait3A_54 : memref<520x128xf32, #tpu.memory_space<vmem_shared>>) dst(%dma_wait3A_51 : memref<520x128xf32, #tpu.memory_space<hbm>>)
        tpu.yield
      }) : () -> ()
    } else {
    }
    return
  }
}

#map = affine_map<(d0, d1) -> (0, 0)>
#map1 = affine_map<(d0, d1) -> (0)>
#map2 = affine_map<(d0, d1) -> (0, 0, 0)>
module attributes {stable_mosaic.version = 14 : i64} {
  func.func @body(%arg0: i32, %arg1: i32, %arg2: memref<10000x128xf32, #tpu.memory_space<hbm>>, %arg3: memref<320000xi32, #tpu.memory_space<hbm>>, %arg4: memref<32x125x80xi32, #tpu.memory_space<hbm>>, %arg5: memref<20000x128xf32, #tpu.memory_space<hbm>>, %arg6: memref<320000xi32, #tpu.memory_space<hbm>>, %arg7: memref<32x125x80xi32, #tpu.memory_space<hbm>>, %arg8: memref<32x125x80xi32, #tpu.memory_space<hbm>>, %arg9: memref<10000x128xf32, #tpu.memory_space<hbm>>, %arg10: memref<2x10000x128xf32, #tpu.memory_space<hbm>>, %arg11: memref<10000xi32, #tpu.memory_space<vmem>>, %arg12: memref<125x80xi32, #tpu.memory_space<vmem>>, %arg13: memref<80x128xf32, #tpu.memory_space<vmem>>, %arg14: memref<80x128xf32, #tpu.memory_space<vmem>>, %arg15: memref<10000x128xf32, #tpu.memory_space<vmem_shared>>, %arg16: memref<!tpu.dma_semaphore, #tpu.memory_space<semaphore_mem>>, %arg17: memref<!tpu.dma_semaphore, #tpu.memory_space<semaphore_mem>>, %arg18: memref<!tpu.dma_semaphore, #tpu.memory_space<semaphore_mem>>) attributes {dimension_semantics = [#tpu.dimension_semantics<core_parallel>, #tpu.dimension_semantics<subcore_parallel>], iteration_bounds = array<i64: 2, 16>, scalar_prefetch = 0 : i64, scratch_operands = 8 : i64, tpu.core_type = #tpu.core_type<sc_vector_subcore>, window_params = [{transform_indices = #map}, {transform_indices = #map1}, {transform_indices = #map2}, {transform_indices = #map}, {transform_indices = #map1}, {transform_indices = #map2}, {transform_indices = #map2}, {transform_indices = #map}, {transform_indices = #map2}]} {
    %eq3A = arith.constant 0 : i32
    %eq3A_0 = arith.cmpi eq, %arg0, %eq3A : i32
    %convert_element_type3A = arith.extui %eq3A_0 : i1 to i32
    %cond3A = arith.constant 0 : i32
    %cond3A_1 = arith.cmpi ne, %convert_element_type3A, %cond3A : i32
    scf.if %cond3A_1 {
      %mul3A = arith.constant 2 : i32
      %mul3A_37 = arith.muli %arg1, %mul3A : i32
      %mul3A_38 = arith.constant 10000 : i32
      %mul3A_39 = arith.muli %mul3A_37, %mul3A_38 : i32
      %multiple_of3A = tpu.assume_multiple %mul3A_39, 8 : i32
      %dma_start3A = tpu.memref_slice %arg3[%multiple_of3A] : memref<320000xi32, #tpu.memory_space<hbm>> -> memref<10000xi32, #tpu.memory_space<hbm>>
      %dma_start3A_40 = tpu.memref_slice %arg3[%multiple_of3A] : memref<320000xi32, #tpu.memory_space<hbm>> -> memref<10000xi32, #tpu.memory_space<hbm>>
      tpu.enqueue_dma source(%dma_start3A_40 : memref<10000xi32, #tpu.memory_space<hbm>>) target(%arg11 : memref<10000xi32, #tpu.memory_space<vmem>>) target_semaphore(%arg16 : memref<!tpu.dma_semaphore, #tpu.memory_space<semaphore_mem>>)
      %dma_wait3A = tpu.memref_slice %arg3[%multiple_of3A] : memref<320000xi32, #tpu.memory_space<hbm>> -> memref<10000xi32, #tpu.memory_space<hbm>>
      %dma_wait3A_41 = tpu.memref_slice %arg3[%multiple_of3A] : memref<320000xi32, #tpu.memory_space<hbm>> -> memref<10000xi32, #tpu.memory_space<hbm>>
      tpu.wait_dma2 semaphore(%arg16 : memref<!tpu.dma_semaphore, #tpu.memory_space<semaphore_mem>>) src(%dma_wait3A_41 : memref<10000xi32, #tpu.memory_space<hbm>>) dst(%arg11 : memref<10000xi32, #tpu.memory_space<vmem>>)
      "tpu.region"() ({
        %run_scoped3A = tpu.sem_alloc : memref<!tpu.dma_semaphore, #tpu.memory_space<semaphore_mem>>
        %dma_start3A_42 = arith.constant 0 : i32
        %dma_start3A_43 = arith.constant 0 : i32
        %dma_start3A_44 = tpu.memref_slice %arg4[%mul3A_37, %dma_start3A_42, %dma_start3A_43] : memref<32x125x80xi32, #tpu.memory_space<hbm>> -> memref<1x125x80xi32, #tpu.memory_space<hbm>>
        %dma_start3A_45 = tpu.memref_squeeze %dma_start3A_44 : memref<1x125x80xi32, #tpu.memory_space<hbm>> -> memref<125x80xi32, #tpu.memory_space<hbm>>
        %dma_start3A_46 = arith.constant 0 : i32
        %dma_start3A_47 = arith.constant 0 : i32
        %dma_start3A_48 = tpu.memref_slice %arg4[%mul3A_37, %dma_start3A_46, %dma_start3A_47] : memref<32x125x80xi32, #tpu.memory_space<hbm>> -> memref<1x125x80xi32, #tpu.memory_space<hbm>>
        %dma_start3A_49 = tpu.memref_squeeze %dma_start3A_48 : memref<1x125x80xi32, #tpu.memory_space<hbm>> -> memref<125x80xi32, #tpu.memory_space<hbm>>
        tpu.enqueue_dma source(%dma_start3A_49 : memref<125x80xi32, #tpu.memory_space<hbm>>) target(%arg12 : memref<125x80xi32, #tpu.memory_space<vmem>>) target_semaphore(%run_scoped3A : memref<!tpu.dma_semaphore, #tpu.memory_space<semaphore_mem>>)
        %dma_wait3A_50 = arith.constant 0 : i32
        %dma_wait3A_51 = arith.constant 0 : i32
        %dma_wait3A_52 = tpu.memref_slice %arg4[%mul3A_37, %dma_wait3A_50, %dma_wait3A_51] : memref<32x125x80xi32, #tpu.memory_space<hbm>> -> memref<1x125x80xi32, #tpu.memory_space<hbm>>
        %dma_wait3A_53 = tpu.memref_squeeze %dma_wait3A_52 : memref<1x125x80xi32, #tpu.memory_space<hbm>> -> memref<125x80xi32, #tpu.memory_space<hbm>>
        %dma_wait3A_54 = arith.constant 0 : i32
        %dma_wait3A_55 = arith.constant 0 : i32
        %dma_wait3A_56 = tpu.memref_slice %arg4[%mul3A_37, %dma_wait3A_54, %dma_wait3A_55] : memref<32x125x80xi32, #tpu.memory_space<hbm>> -> memref<1x125x80xi32, #tpu.memory_space<hbm>>
        %dma_wait3A_57 = tpu.memref_squeeze %dma_wait3A_56 : memref<1x125x80xi32, #tpu.memory_space<hbm>> -> memref<125x80xi32, #tpu.memory_space<hbm>>
        tpu.wait_dma2 semaphore(%run_scoped3A : memref<!tpu.dma_semaphore, #tpu.memory_space<semaphore_mem>>) src(%dma_wait3A_57 : memref<125x80xi32, #tpu.memory_space<hbm>>) dst(%arg12 : memref<125x80xi32, #tpu.memory_space<vmem>>)
        tpu.yield
      }) : () -> ()
    } else {
    }
    %eq3A_2 = arith.constant 1 : i32
    %eq3A_3 = arith.cmpi eq, %arg0, %eq3A_2 : i32
    %convert_element_type3A_4 = arith.extui %eq3A_3 : i1 to i32
    %cond3A_5 = arith.constant 0 : i32
    %cond3A_6 = arith.cmpi ne, %convert_element_type3A_4, %cond3A_5 : i32
    scf.if %cond3A_6 {
      %mul3A = arith.constant 2 : i32
      %mul3A_37 = arith.muli %arg1, %mul3A : i32
      %mul3A_38 = arith.constant 10000 : i32
      %mul3A_39 = arith.muli %mul3A_37, %mul3A_38 : i32
      %multiple_of3A = tpu.assume_multiple %mul3A_39, 8 : i32
      %dma_start3A = tpu.memref_slice %arg6[%multiple_of3A] : memref<320000xi32, #tpu.memory_space<hbm>> -> memref<10000xi32, #tpu.memory_space<hbm>>
      %dma_start3A_40 = tpu.memref_slice %arg6[%multiple_of3A] : memref<320000xi32, #tpu.memory_space<hbm>> -> memref<10000xi32, #tpu.memory_space<hbm>>
      tpu.enqueue_dma source(%dma_start3A_40 : memref<10000xi32, #tpu.memory_space<hbm>>) target(%arg11 : memref<10000xi32, #tpu.memory_space<vmem>>) target_semaphore(%arg16 : memref<!tpu.dma_semaphore, #tpu.memory_space<semaphore_mem>>)
      %dma_wait3A = tpu.memref_slice %arg6[%multiple_of3A] : memref<320000xi32, #tpu.memory_space<hbm>> -> memref<10000xi32, #tpu.memory_space<hbm>>
      %dma_wait3A_41 = tpu.memref_slice %arg6[%multiple_of3A] : memref<320000xi32, #tpu.memory_space<hbm>> -> memref<10000xi32, #tpu.memory_space<hbm>>
      tpu.wait_dma2 semaphore(%arg16 : memref<!tpu.dma_semaphore, #tpu.memory_space<semaphore_mem>>) src(%dma_wait3A_41 : memref<10000xi32, #tpu.memory_space<hbm>>) dst(%arg11 : memref<10000xi32, #tpu.memory_space<vmem>>)
      "tpu.region"() ({
        %run_scoped3A = tpu.sem_alloc : memref<!tpu.dma_semaphore, #tpu.memory_space<semaphore_mem>>
        %dma_start3A_46 = arith.constant 0 : i32
        %dma_start3A_47 = arith.constant 0 : i32
        %dma_start3A_48 = tpu.memref_slice %arg7[%mul3A_37, %dma_start3A_46, %dma_start3A_47] : memref<32x125x80xi32, #tpu.memory_space<hbm>> -> memref<1x125x80xi32, #tpu.memory_space<hbm>>
        %dma_start3A_49 = tpu.memref_squeeze %dma_start3A_48 : memref<1x125x80xi32, #tpu.memory_space<hbm>> -> memref<125x80xi32, #tpu.memory_space<hbm>>
        %dma_start3A_50 = arith.constant 0 : i32
        %dma_start3A_51 = arith.constant 0 : i32
        %dma_start3A_52 = tpu.memref_slice %arg7[%mul3A_37, %dma_start3A_50, %dma_start3A_51] : memref<32x125x80xi32, #tpu.memory_space<hbm>> -> memref<1x125x80xi32, #tpu.memory_space<hbm>>
        %dma_start3A_53 = tpu.memref_squeeze %dma_start3A_52 : memref<1x125x80xi32, #tpu.memory_space<hbm>> -> memref<125x80xi32, #tpu.memory_space<hbm>>
        tpu.enqueue_dma source(%dma_start3A_53 : memref<125x80xi32, #tpu.memory_space<hbm>>) target(%arg12 : memref<125x80xi32, #tpu.memory_space<vmem>>) target_semaphore(%run_scoped3A : memref<!tpu.dma_semaphore, #tpu.memory_space<semaphore_mem>>)
        %dma_wait3A_54 = arith.constant 0 : i32
        %dma_wait3A_55 = arith.constant 0 : i32
        %dma_wait3A_56 = tpu.memref_slice %arg7[%mul3A_37, %dma_wait3A_54, %dma_wait3A_55] : memref<32x125x80xi32, #tpu.memory_space<hbm>> -> memref<1x125x80xi32, #tpu.memory_space<hbm>>
        %dma_wait3A_57 = tpu.memref_squeeze %dma_wait3A_56 : memref<1x125x80xi32, #tpu.memory_space<hbm>> -> memref<125x80xi32, #tpu.memory_space<hbm>>
        %dma_wait3A_58 = arith.constant 0 : i32
        %dma_wait3A_59 = arith.constant 0 : i32
        %dma_wait3A_60 = tpu.memref_slice %arg7[%mul3A_37, %dma_wait3A_58, %dma_wait3A_59] : memref<32x125x80xi32, #tpu.memory_space<hbm>> -> memref<1x125x80xi32, #tpu.memory_space<hbm>>
        %dma_wait3A_61 = tpu.memref_squeeze %dma_wait3A_60 : memref<1x125x80xi32, #tpu.memory_space<hbm>> -> memref<125x80xi32, #tpu.memory_space<hbm>>
        tpu.wait_dma2 semaphore(%run_scoped3A : memref<!tpu.dma_semaphore, #tpu.memory_space<semaphore_mem>>) src(%dma_wait3A_61 : memref<125x80xi32, #tpu.memory_space<hbm>>) dst(%arg12 : memref<125x80xi32, #tpu.memory_space<vmem>>)
        tpu.yield
      }) : () -> ()
      %scan3A = arith.constant 0 : i32
      %scan3A_42 = arith.constant 125 : i32
      %scan3A_43 = arith.addi %scan3A, %scan3A_42 : i32
      %scan3A_44 = arith.constant 1 : i32
      scf.for %scan3A_46 = %scan3A to %scan3A_43 step %scan3A_44  : i32 {
        %mul3A_47 = arith.constant 1 : i32
        %mul3A_48 = arith.muli %scan3A_46, %mul3A_47 : i32
        %add3A = arith.constant 0 : i32
        %add3A_49 = arith.addi %add3A, %mul3A_48 : i32
        %mul3A_50 = arith.constant 80 : i32
        %mul3A_51 = arith.muli %add3A_49, %mul3A_50 : i32
        %add3A_52 = arith.constant 0 : i32
        %add3A_53 = arith.addi %mul3A_51, %add3A_52 : i32
        %multiple_of3A_54 = tpu.assume_multiple %add3A_53, 16 : i32
        %get3A = arith.index_cast %multiple_of3A_54 : i32 to index
        %get3A_55 = tpu.vector_load %arg11[%get3A] {strides = array<i32>} : memref<10000xi32, #tpu.memory_space<vmem>>, vector<16xi32>,
        %get3A_56 = vector.shape_cast %get3A_55 : vector<16xi32> to vector<16xi32>
        %get3A_57 = arith.index_cast %add3A_49 : i32 to index
        %get3A_58 = arith.constant 0 : index
        %get3A_59 = tpu.vector_load %arg12[%get3A_57, %get3A_58] {strides = array<i32>} : memref<125x80xi32, #tpu.memory_space<vmem>>, vector<1x16xi32>,
        %get3A_60 = vector.shape_cast %get3A_59 : vector<1x16xi32> to vector<16xi32>
        %mul3A_61 = arith.constant 10000 : i32
        %mul3A_62 = vector.broadcast %mul3A_61 : i32 to vector<16xi32>
        %mul3A_63 = arith.muli %get3A_60, %mul3A_62 : vector<16xi32>
        %add3A_64 = arith.addi %get3A_56, %mul3A_63 : vector<16xi32>
        %swap3A = arith.index_cast %multiple_of3A_54 : i32 to index
        %swap3A_65 = tpu.vector_load %arg11[%swap3A] {strides = array<i32>} : memref<10000xi32, #tpu.memory_space<vmem>>, vector<16xi32>,
        %swap3A_66 = vector.shape_cast %swap3A_65 : vector<16xi32> to vector<16xi32>
        %swap3A_67 = vector.shape_cast %add3A_64 : vector<16xi32> to vector<16xi32>
        tpu.vector_store %arg11[%swap3A], %swap3A_67 {strides = array<i32>} : memref<10000xi32, #tpu.memory_space<vmem>>, vector<16xi32>,
        %mul3A_68 = arith.constant 80 : i32
        %mul3A_69 = arith.muli %add3A_49, %mul3A_68 : i32
        %add3A_70 = arith.constant 16 : i32
        %add3A_71 = arith.addi %mul3A_69, %add3A_70 : i32
        %multiple_of3A_72 = tpu.assume_multiple %add3A_71, 16 : i32
        %get3A_73 = arith.index_cast %multiple_of3A_72 : i32 to index
        %get3A_74 = tpu.vector_load %arg11[%get3A_73] {strides = array<i32>} : memref<10000xi32, #tpu.memory_space<vmem>>, vector<16xi32>,
        %get3A_75 = vector.shape_cast %get3A_74 : vector<16xi32> to vector<16xi32>
        %get3A_76 = arith.index_cast %add3A_49 : i32 to index
        %get3A_77 = arith.constant 16 : index
        %get3A_78 = tpu.vector_load %arg12[%get3A_76, %get3A_77] {strides = array<i32>} : memref<125x80xi32, #tpu.memory_space<vmem>>, vector<1x16xi32>,
        %get3A_79 = vector.shape_cast %get3A_78 : vector<1x16xi32> to vector<16xi32>
        %mul3A_80 = arith.constant 10000 : i32
        %mul3A_81 = vector.broadcast %mul3A_80 : i32 to vector<16xi32>
        %mul3A_82 = arith.muli %get3A_79, %mul3A_81 : vector<16xi32>
        %add3A_83 = arith.addi %get3A_75, %mul3A_82 : vector<16xi32>
        %swap3A_84 = arith.index_cast %multiple_of3A_72 : i32 to index
        %swap3A_85 = tpu.vector_load %arg11[%swap3A_84] {strides = array<i32>} : memref<10000xi32, #tpu.memory_space<vmem>>, vector<16xi32>,
        %swap3A_86 = vector.shape_cast %swap3A_85 : vector<16xi32> to vector<16xi32>
        %swap3A_87 = vector.shape_cast %add3A_83 : vector<16xi32> to vector<16xi32>
        tpu.vector_store %arg11[%swap3A_84], %swap3A_87 {strides = array<i32>} : memref<10000xi32, #tpu.memory_space<vmem>>, vector<16xi32>,
        %mul3A_88 = arith.constant 80 : i32
        %mul3A_89 = arith.muli %add3A_49, %mul3A_88 : i32
        %add3A_90 = arith.constant 32 : i32
        %add3A_91 = arith.addi %mul3A_89, %add3A_90 : i32
        %multiple_of3A_92 = tpu.assume_multiple %add3A_91, 16 : i32
        %get3A_93 = arith.index_cast %multiple_of3A_92 : i32 to index
        %get3A_94 = tpu.vector_load %arg11[%get3A_93] {strides = array<i32>} : memref<10000xi32, #tpu.memory_space<vmem>>, vector<16xi32>,
        %get3A_95 = vector.shape_cast %get3A_94 : vector<16xi32> to vector<16xi32>
        %get3A_96 = arith.index_cast %add3A_49 : i32 to index
        %get3A_97 = arith.constant 32 : index
        %get3A_98 = tpu.vector_load %arg12[%get3A_96, %get3A_97] {strides = array<i32>} : memref<125x80xi32, #tpu.memory_space<vmem>>, vector<1x16xi32>,
        %get3A_99 = vector.shape_cast %get3A_98 : vector<1x16xi32> to vector<16xi32>
        %mul3A_100 = arith.constant 10000 : i32
        %mul3A_101 = vector.broadcast %mul3A_100 : i32 to vector<16xi32>
        %mul3A_102 = arith.muli %get3A_99, %mul3A_101 : vector<16xi32>
        %add3A_103 = arith.addi %get3A_95, %mul3A_102 : vector<16xi32>
        %swap3A_104 = arith.index_cast %multiple_of3A_92 : i32 to index
        %swap3A_105 = tpu.vector_load %arg11[%swap3A_104] {strides = array<i32>} : memref<10000xi32, #tpu.memory_space<vmem>>, vector<16xi32>,
        %swap3A_106 = vector.shape_cast %swap3A_105 : vector<16xi32> to vector<16xi32>
        %swap3A_107 = vector.shape_cast %add3A_103 : vector<16xi32> to vector<16xi32>
        tpu.vector_store %arg11[%swap3A_104], %swap3A_107 {strides = array<i32>} : memref<10000xi32, #tpu.memory_space<vmem>>, vector<16xi32>,
        %mul3A_108 = arith.constant 80 : i32
        %mul3A_109 = arith.muli %add3A_49, %mul3A_108 : i32
        %add3A_110 = arith.constant 48 : i32
        %add3A_111 = arith.addi %mul3A_109, %add3A_110 : i32
        %multiple_of3A_112 = tpu.assume_multiple %add3A_111, 16 : i32
        %get3A_113 = arith.index_cast %multiple_of3A_112 : i32 to index
        %get3A_114 = tpu.vector_load %arg11[%get3A_113] {strides = array<i32>} : memref<10000xi32, #tpu.memory_space<vmem>>, vector<16xi32>,
        %get3A_115 = vector.shape_cast %get3A_114 : vector<16xi32> to vector<16xi32>
        %get3A_116 = arith.index_cast %add3A_49 : i32 to index
        %get3A_117 = arith.constant 48 : index
        %get3A_118 = tpu.vector_load %arg12[%get3A_116, %get3A_117] {strides = array<i32>} : memref<125x80xi32, #tpu.memory_space<vmem>>, vector<1x16xi32>,
        %get3A_119 = vector.shape_cast %get3A_118 : vector<1x16xi32> to vector<16xi32>
        %mul3A_120 = arith.constant 10000 : i32
        %mul3A_121 = vector.broadcast %mul3A_120 : i32 to vector<16xi32>
        %mul3A_122 = arith.muli %get3A_119, %mul3A_121 : vector<16xi32>
        %add3A_123 = arith.addi %get3A_115, %mul3A_122 : vector<16xi32>
        %swap3A_124 = arith.index_cast %multiple_of3A_112 : i32 to index
        %swap3A_125 = tpu.vector_load %arg11[%swap3A_124] {strides = array<i32>} : memref<10000xi32, #tpu.memory_space<vmem>>, vector<16xi32>,
        %swap3A_126 = vector.shape_cast %swap3A_125 : vector<16xi32> to vector<16xi32>
        %swap3A_127 = vector.shape_cast %add3A_123 : vector<16xi32> to vector<16xi32>
        tpu.vector_store %arg11[%swap3A_124], %swap3A_127 {strides = array<i32>} : memref<10000xi32, #tpu.memory_space<vmem>>, vector<16xi32>,
        %mul3A_128 = arith.constant 80 : i32
        %mul3A_129 = arith.muli %add3A_49, %mul3A_128 : i32
        %add3A_130 = arith.constant 64 : i32
        %add3A_131 = arith.addi %mul3A_129, %add3A_130 : i32
        %multiple_of3A_132 = tpu.assume_multiple %add3A_131, 16 : i32
        %get3A_133 = arith.index_cast %multiple_of3A_132 : i32 to index
        %get3A_134 = tpu.vector_load %arg11[%get3A_133] {strides = array<i32>} : memref<10000xi32, #tpu.memory_space<vmem>>, vector<16xi32>,
        %get3A_135 = vector.shape_cast %get3A_134 : vector<16xi32> to vector<16xi32>
        %get3A_136 = arith.index_cast %add3A_49 : i32 to index
        %get3A_137 = arith.constant 64 : index
        %get3A_138 = tpu.vector_load %arg12[%get3A_136, %get3A_137] {strides = array<i32>} : memref<125x80xi32, #tpu.memory_space<vmem>>, vector<1x16xi32>,
        %get3A_139 = vector.shape_cast %get3A_138 : vector<1x16xi32> to vector<16xi32>
        %mul3A_140 = arith.constant 10000 : i32
        %mul3A_141 = vector.broadcast %mul3A_140 : i32 to vector<16xi32>
        %mul3A_142 = arith.muli %get3A_139, %mul3A_141 : vector<16xi32>
        %add3A_143 = arith.addi %get3A_135, %mul3A_142 : vector<16xi32>
        %swap3A_144 = arith.index_cast %multiple_of3A_132 : i32 to index
        %swap3A_145 = tpu.vector_load %arg11[%swap3A_144] {strides = array<i32>} : memref<10000xi32, #tpu.memory_space<vmem>>, vector<16xi32>,
        %swap3A_146 = vector.shape_cast %swap3A_145 : vector<16xi32> to vector<16xi32>
        %swap3A_147 = vector.shape_cast %add3A_143 : vector<16xi32> to vector<16xi32>
        tpu.vector_store %arg11[%swap3A_144], %swap3A_147 {strides = array<i32>} : memref<10000xi32, #tpu.memory_space<vmem>>, vector<16xi32>,
      }
      %scan3A_45 = arith.constant 125 : i32
      "tpu.region"() ({
        %run_scoped3A = tpu.sem_alloc : memref<!tpu.dma_semaphore, #tpu.memory_space<semaphore_mem>>
        %dma_start3A_46 = arith.constant 0 : i32
        %dma_start3A_47 = arith.constant 0 : i32
        %dma_start3A_48 = tpu.memref_slice %arg8[%mul3A_37, %dma_start3A_46, %dma_start3A_47] : memref<32x125x80xi32, #tpu.memory_space<hbm>> -> memref<1x125x80xi32, #tpu.memory_space<hbm>>
        %dma_start3A_49 = tpu.memref_squeeze %dma_start3A_48 : memref<1x125x80xi32, #tpu.memory_space<hbm>> -> memref<125x80xi32, #tpu.memory_space<hbm>>
        %dma_start3A_50 = arith.constant 0 : i32
        %dma_start3A_51 = arith.constant 0 : i32
        %dma_start3A_52 = tpu.memref_slice %arg8[%mul3A_37, %dma_start3A_50, %dma_start3A_51] : memref<32x125x80xi32, #tpu.memory_space<hbm>> -> memref<1x125x80xi32, #tpu.memory_space<hbm>>
        %dma_start3A_53 = tpu.memref_squeeze %dma_start3A_52 : memref<1x125x80xi32, #tpu.memory_space<hbm>> -> memref<125x80xi32, #tpu.memory_space<hbm>>
        tpu.enqueue_dma source(%dma_start3A_53 : memref<125x80xi32, #tpu.memory_space<hbm>>) target(%arg12 : memref<125x80xi32, #tpu.memory_space<vmem>>) target_semaphore(%run_scoped3A : memref<!tpu.dma_semaphore, #tpu.memory_space<semaphore_mem>>)
        %dma_wait3A_54 = arith.constant 0 : i32
        %dma_wait3A_55 = arith.constant 0 : i32
        %dma_wait3A_56 = tpu.memref_slice %arg8[%mul3A_37, %dma_wait3A_54, %dma_wait3A_55] : memref<32x125x80xi32, #tpu.memory_space<hbm>> -> memref<1x125x80xi32, #tpu.memory_space<hbm>>
        %dma_wait3A_57 = tpu.memref_squeeze %dma_wait3A_56 : memref<1x125x80xi32, #tpu.memory_space<hbm>> -> memref<125x80xi32, #tpu.memory_space<hbm>>
        %dma_wait3A_58 = arith.constant 0 : i32
        %dma_wait3A_59 = arith.constant 0 : i32
        %dma_wait3A_60 = tpu.memref_slice %arg8[%mul3A_37, %dma_wait3A_58, %dma_wait3A_59] : memref<32x125x80xi32, #tpu.memory_space<hbm>> -> memref<1x125x80xi32, #tpu.memory_space<hbm>>
        %dma_wait3A_61 = tpu.memref_squeeze %dma_wait3A_60 : memref<1x125x80xi32, #tpu.memory_space<hbm>> -> memref<125x80xi32, #tpu.memory_space<hbm>>
        tpu.wait_dma2 semaphore(%run_scoped3A : memref<!tpu.dma_semaphore, #tpu.memory_space<semaphore_mem>>) src(%dma_wait3A_61 : memref<125x80xi32, #tpu.memory_space<hbm>>) dst(%arg12 : memref<125x80xi32, #tpu.memory_space<vmem>>)
        tpu.yield
      }) : () -> ()
    } else {
    }
    %lt3A = arith.constant 15 : i32
    %lt3A_7 = arith.cmpi slt, %arg1, %lt3A : i32
    %convert_element_type3A_8 = arith.extui %lt3A_7 : i1 to i32
    %cond3A_9 = arith.constant 0 : i32
    %cond3A_10 = arith.cmpi ne, %convert_element_type3A_8, %cond3A_9 : i32
    scf.if %cond3A_10 {
      %mul3A = arith.constant 632 : i32
      %mul3A_37 = arith.muli %arg1, %mul3A : i32
      %multiple_of3A = tpu.assume_multiple %mul3A_37, 8 : i32
      "tpu.region"() ({
        %run_scoped3A = tpu.sem_alloc : memref<!tpu.dma_semaphore, #tpu.memory_space<semaphore_mem>>
        %dma_start3A = arith.constant 0 : i32
        %dma_start3A_38 = tpu.memref_slice %arg15[%multiple_of3A, %dma_start3A] : memref<10000x128xf32, #tpu.memory_space<vmem_shared>> -> memref<632x128xf32, #tpu.memory_space<vmem_shared>>
        %dma_start3A_39 = arith.constant 0 : i32
        %dma_start3A_40 = tpu.memref_slice %arg9[%multiple_of3A, %dma_start3A_39] : memref<10000x128xf32, #tpu.memory_space<hbm>> -> memref<632x128xf32, #tpu.memory_space<hbm>>
        tpu.enqueue_dma source(%dma_start3A_40 : memref<632x128xf32, #tpu.memory_space<hbm>>) target(%dma_start3A_38 : memref<632x128xf32, #tpu.memory_space<vmem_shared>>) target_semaphore(%run_scoped3A : memref<!tpu.dma_semaphore, #tpu.memory_space<semaphore_mem>>)
        %dma_wait3A = arith.constant 0 : i32
        %dma_wait3A_41 = tpu.memref_slice %arg15[%multiple_of3A, %dma_wait3A] : memref<10000x128xf32, #tpu.memory_space<vmem_shared>> -> memref<632x128xf32, #tpu.memory_space<vmem_shared>>
        %dma_wait3A_42 = arith.constant 0 : i32
        %dma_wait3A_43 = tpu.memref_slice %arg9[%multiple_of3A, %dma_wait3A_42] : memref<10000x128xf32, #tpu.memory_space<hbm>> -> memref<632x128xf32, #tpu.memory_space<hbm>>
        tpu.wait_dma2 semaphore(%run_scoped3A : memref<!tpu.dma_semaphore, #tpu.memory_space<semaphore_mem>>) src(%dma_wait3A_43 : memref<632x128xf32, #tpu.memory_space<hbm>>) dst(%dma_wait3A_41 : memref<632x128xf32, #tpu.memory_space<vmem_shared>>)
        tpu.yield
      }) : () -> ()
    } else {
    }
    %eq3A_11 = arith.constant 15 : i32
    %eq3A_12 = arith.cmpi eq, %arg1, %eq3A_11 : i32
    %convert_element_type3A_13 = arith.extui %eq3A_12 : i1 to i32
    %cond3A_14 = arith.constant 0 : i32
    %cond3A_15 = arith.cmpi ne, %convert_element_type3A_13, %cond3A_14 : i32
    scf.if %cond3A_15 {
      "tpu.region"() ({
        %run_scoped3A = tpu.sem_alloc : memref<!tpu.dma_semaphore, #tpu.memory_space<semaphore_mem>>
        %dma_start3A = arith.constant 9480 : i32
        %dma_start3A_37 = arith.constant 0 : i32
        %dma_start3A_38 = tpu.memref_slice %arg15[%dma_start3A, %dma_start3A_37] : memref<10000x128xf32, #tpu.memory_space<vmem_shared>> -> memref<520x128xf32, #tpu.memory_space<vmem_shared>>
        %dma_start3A_39 = arith.constant 9480 : i32
        %dma_start3A_40 = arith.constant 0 : i32
        %dma_start3A_41 = tpu.memref_slice %arg9[%dma_start3A_39, %dma_start3A_40] : memref<10000x128xf32, #tpu.memory_space<hbm>> -> memref<520x128xf32, #tpu.memory_space<hbm>>
        tpu.enqueue_dma source(%dma_start3A_41 : memref<520x128xf32, #tpu.memory_space<hbm>>) target(%dma_start3A_38 : memref<520x128xf32, #tpu.memory_space<vmem_shared>>) target_semaphore(%run_scoped3A : memref<!tpu.dma_semaphore, #tpu.memory_space<semaphore_mem>>)
        %dma_wait3A = arith.constant 9480 : i32
        %dma_wait3A_42 = arith.constant 0 : i32
        %dma_wait3A_43 = tpu.memref_slice %arg15[%dma_wait3A, %dma_wait3A_42] : memref<10000x128xf32, #tpu.memory_space<vmem_shared>> -> memref<520x128xf32, #tpu.memory_space<vmem_shared>>
        %dma_wait3A_44 = arith.constant 9480 : i32
        %dma_wait3A_45 = arith.constant 0 : i32
        %dma_wait3A_46 = tpu.memref_slice %arg9[%dma_wait3A_44, %dma_wait3A_45] : memref<10000x128xf32, #tpu.memory_space<hbm>> -> memref<520x128xf32, #tpu.memory_space<hbm>>
        tpu.wait_dma2 semaphore(%run_scoped3A : memref<!tpu.dma_semaphore, #tpu.memory_space<semaphore_mem>>) src(%dma_wait3A_46 : memref<520x128xf32, #tpu.memory_space<hbm>>) dst(%dma_wait3A_43 : memref<520x128xf32, #tpu.memory_space<vmem_shared>>)
        tpu.yield
      }) : () -> ()
    } else {
    }
    %barrier3A = arith.constant 0 : index
    tpu.barrier barrier_id(%barrier3A)
    %eq3A_16 = arith.constant 0 : i32
    %eq3A_17 = arith.cmpi eq, %arg0, %eq3A_16 : i32
    %convert_element_type3A_18 = arith.extui %eq3A_17 : i1 to i32
    %cond3A_19 = arith.constant 0 : i32
    %cond3A_20 = arith.cmpi ne, %convert_element_type3A_18, %cond3A_19 : i32
    scf.if %cond3A_20 {
      %multiple_of3A = arith.constant 0 : i32
      %multiple_of3A_37 = tpu.assume_multiple %multiple_of3A, 8 : i32
      %dma_start3A = tpu.memref_slice %arg11[%multiple_of3A_37] : memref<10000xi32, #tpu.memory_space<vmem>> -> memref<80xi32, #tpu.memory_space<vmem>>
      %dma_start3A_38 = arith.constant 0 : i32
      %dma_start3A_39 = arith.constant 0 : i32
      %dma_start3A_40 = tpu.memref_slice %arg2[%dma_start3A_38, %dma_start3A_39] : memref<10000x128xf32, #tpu.memory_space<hbm>> -> memref<10000x128xf32, #tpu.memory_space<hbm>>
      tpu.enqueue_indirect_dma source(%dma_start3A_40 : memref<10000x128xf32, #tpu.memory_space<hbm>>) target(%arg13 : memref<80x128xf32, #tpu.memory_space<vmem>>) offsets(%dma_start3A : memref<80xi32, #tpu.memory_space<vmem>>) semaphore(%arg17 : memref<!tpu.dma_semaphore, #tpu.memory_space<semaphore_mem>>)
      %scan3A = arith.constant 0 : i32
      %scan3A_41 = arith.constant 62 : i32
      %scan3A_42 = arith.addi %scan3A, %scan3A_41 : i32
      %scan3A_43 = arith.constant 1 : i32
      scf.for %scan3A_75 = %scan3A to %scan3A_42 step %scan3A_43  : i32 {
        %mul3A_76 = arith.constant 2 : i32
        %mul3A_77 = arith.muli %scan3A_75, %mul3A_76 : i32
        %add3A_78 = arith.constant 0 : i32
        %add3A_79 = arith.addi %add3A_78, %mul3A_77 : i32
        %add3A_80 = arith.constant 1 : i32
        %add3A_81 = arith.addi %add3A_79, %add3A_80 : i32
        %mul3A_82 = arith.constant 80 : i32
        %mul3A_83 = arith.muli %add3A_81, %mul3A_82 : i32
        %multiple_of3A_84 = tpu.assume_multiple %mul3A_83, 8 : i32
        %dma_start3A_85 = tpu.memref_slice %arg11[%multiple_of3A_84] : memref<10000xi32, #tpu.memory_space<vmem>> -> memref<80xi32, #tpu.memory_space<vmem>>
        %dma_start3A_86 = arith.constant 0 : i32
        %dma_start3A_87 = arith.constant 0 : i32
        %dma_start3A_88 = tpu.memref_slice %arg2[%dma_start3A_86, %dma_start3A_87] : memref<10000x128xf32, #tpu.memory_space<hbm>> -> memref<10000x128xf32, #tpu.memory_space<hbm>>
        tpu.enqueue_indirect_dma source(%dma_start3A_88 : memref<10000x128xf32, #tpu.memory_space<hbm>>) target(%arg14 : memref<80x128xf32, #tpu.memory_space<vmem>>) offsets(%dma_start3A_85 : memref<80xi32, #tpu.memory_space<vmem>>) semaphore(%arg18 : memref<!tpu.dma_semaphore, #tpu.memory_space<semaphore_mem>>)
        %dma_wait3A_89 = arith.constant 0 : i32
        %dma_wait3A_90 = tpu.memref_slice %arg11[%dma_wait3A_89] : memref<10000xi32, #tpu.memory_space<vmem>> -> memref<80xi32, #tpu.memory_space<vmem>>
        %dma_wait3A_91 = arith.constant 0 : i32
        %dma_wait3A_92 = arith.constant 0 : i32
        %dma_wait3A_93 = tpu.memref_slice %arg2[%dma_wait3A_91, %dma_wait3A_92] : memref<10000x128xf32, #tpu.memory_space<hbm>> -> memref<10000x128xf32, #tpu.memory_space<hbm>>
        tpu.wait_indirect_dma semaphore(%arg17 : memref<!tpu.dma_semaphore, #tpu.memory_space<semaphore_mem>>) src(%dma_wait3A_93 : memref<10000x128xf32, #tpu.memory_space<hbm>>) dst(%arg13 : memref<80x128xf32, #tpu.memory_space<vmem>>)
        "tpu.region"() ({
          %run_scoped3A_110 = tpu.sem_alloc : memref<!tpu.dma_semaphore, #tpu.memory_space<semaphore_mem>>
          %dma_start3A_111 = arith.constant 0 : i32
          %dma_start3A_112 = tpu.memref_slice %arg12[%add3A_79, %dma_start3A_111] : memref<125x80xi32, #tpu.memory_space<vmem>> -> memref<1x80xi32, #tpu.memory_space<vmem>>
          %dma_start3A_113 = tpu.memref_squeeze %dma_start3A_112 : memref<1x80xi32, #tpu.memory_space<vmem>> -> memref<80xi32, #tpu.memory_space<vmem>>
          %dma_start3A_114 = arith.constant 0 : i32
          %dma_start3A_115 = arith.constant 0 : i32
          %dma_start3A_116 = tpu.memref_slice %arg15[%dma_start3A_114, %dma_start3A_115] : memref<10000x128xf32, #tpu.memory_space<vmem_shared>> -> memref<10000x128xf32, #tpu.memory_space<vmem_shared>>
          tpu.enqueue_indirect_dma source(%arg13 : memref<80x128xf32, #tpu.memory_space<vmem>>) target(%dma_start3A_116 : memref<10000x128xf32, #tpu.memory_space<vmem_shared>>) offsets(%dma_start3A_113 : memref<80xi32, #tpu.memory_space<vmem>>) semaphore(%run_scoped3A_110 : memref<!tpu.dma_semaphore, #tpu.memory_space<semaphore_mem>>) {add = true}
          %dma_wait3A_117 = arith.constant 0 : i32
          %dma_wait3A_118 = tpu.memref_slice %arg12[%add3A_79, %dma_wait3A_117] : memref<125x80xi32, #tpu.memory_space<vmem>> -> memref<1x80xi32, #tpu.memory_space<vmem>>
          %dma_wait3A_119 = tpu.memref_squeeze %dma_wait3A_118 : memref<1x80xi32, #tpu.memory_space<vmem>> -> memref<80xi32, #tpu.memory_space<vmem>>
          %dma_wait3A_120 = arith.constant 0 : i32
          %dma_wait3A_121 = arith.constant 0 : i32
          %dma_wait3A_122 = tpu.memref_slice %arg15[%dma_wait3A_120, %dma_wait3A_121] : memref<10000x128xf32, #tpu.memory_space<vmem_shared>> -> memref<10000x128xf32, #tpu.memory_space<vmem_shared>>
          tpu.wait_indirect_dma semaphore(%run_scoped3A_110 : memref<!tpu.dma_semaphore, #tpu.memory_space<semaphore_mem>>) src(%arg13 : memref<80x128xf32, #tpu.memory_space<vmem>>) dst(%dma_wait3A_122 : memref<10000x128xf32, #tpu.memory_space<vmem_shared>>)
          tpu.yield
        }) : () -> ()
        %add3A_94 = arith.constant 2 : i32
        %add3A_95 = arith.addi %add3A_79, %add3A_94 : i32
        %mul3A_96 = arith.constant 80 : i32
        %mul3A_97 = arith.muli %add3A_95, %mul3A_96 : i32
        %multiple_of3A_98 = tpu.assume_multiple %mul3A_97, 8 : i32
        %dma_start3A_99 = tpu.memref_slice %arg11[%multiple_of3A_98] : memref<10000xi32, #tpu.memory_space<vmem>> -> memref<80xi32, #tpu.memory_space<vmem>>
        %dma_start3A_100 = arith.constant 0 : i32
        %dma_start3A_101 = arith.constant 0 : i32
        %dma_start3A_102 = tpu.memref_slice %arg2[%dma_start3A_100, %dma_start3A_101] : memref<10000x128xf32, #tpu.memory_space<hbm>> -> memref<10000x128xf32, #tpu.memory_space<hbm>>
        tpu.enqueue_indirect_dma source(%dma_start3A_102 : memref<10000x128xf32, #tpu.memory_space<hbm>>) target(%arg13 : memref<80x128xf32, #tpu.memory_space<vmem>>) offsets(%dma_start3A_99 : memref<80xi32, #tpu.memory_space<vmem>>) semaphore(%arg17 : memref<!tpu.dma_semaphore, #tpu.memory_space<semaphore_mem>>)
        %dma_wait3A_103 = arith.constant 0 : i32
        %dma_wait3A_104 = tpu.memref_slice %arg11[%dma_wait3A_103] : memref<10000xi32, #tpu.memory_space<vmem>> -> memref<80xi32, #tpu.memory_space<vmem>>
        %dma_wait3A_105 = arith.constant 0 : i32
        %dma_wait3A_106 = arith.constant 0 : i32
        %dma_wait3A_107 = tpu.memref_slice %arg2[%dma_wait3A_105, %dma_wait3A_106] : memref<10000x128xf32, #tpu.memory_space<hbm>> -> memref<10000x128xf32, #tpu.memory_space<hbm>>
        tpu.wait_indirect_dma semaphore(%arg18 : memref<!tpu.dma_semaphore, #tpu.memory_space<semaphore_mem>>) src(%dma_wait3A_107 : memref<10000x128xf32, #tpu.memory_space<hbm>>) dst(%arg14 : memref<80x128xf32, #tpu.memory_space<vmem>>)
        %add3A_108 = arith.constant 1 : i32
        %add3A_109 = arith.addi %add3A_79, %add3A_108 : i32
        "tpu.region"() ({
          %run_scoped3A_110 = tpu.sem_alloc : memref<!tpu.dma_semaphore, #tpu.memory_space<semaphore_mem>>
          %dma_start3A_111 = arith.constant 0 : i32
          %dma_start3A_112 = tpu.memref_slice %arg12[%add3A_109, %dma_start3A_111] : memref<125x80xi32, #tpu.memory_space<vmem>> -> memref<1x80xi32, #tpu.memory_space<vmem>>
          %dma_start3A_113 = tpu.memref_squeeze %dma_start3A_112 : memref<1x80xi32, #tpu.memory_space<vmem>> -> memref<80xi32, #tpu.memory_space<vmem>>
          %dma_start3A_114 = arith.constant 0 : i32
          %dma_start3A_115 = arith.constant 0 : i32
          %dma_start3A_116 = tpu.memref_slice %arg15[%dma_start3A_114, %dma_start3A_115] : memref<10000x128xf32, #tpu.memory_space<vmem_shared>> -> memref<10000x128xf32, #tpu.memory_space<vmem_shared>>
          tpu.enqueue_indirect_dma source(%arg14 : memref<80x128xf32, #tpu.memory_space<vmem>>) target(%dma_start3A_116 : memref<10000x128xf32, #tpu.memory_space<vmem_shared>>) offsets(%dma_start3A_113 : memref<80xi32, #tpu.memory_space<vmem>>) semaphore(%run_scoped3A_110 : memref<!tpu.dma_semaphore, #tpu.memory_space<semaphore_mem>>) {add = true}
          %dma_wait3A_117 = arith.constant 0 : i32
          %dma_wait3A_118 = tpu.memref_slice %arg12[%add3A_109, %dma_wait3A_117] : memref<125x80xi32, #tpu.memory_space<vmem>> -> memref<1x80xi32, #tpu.memory_space<vmem>>
          %dma_wait3A_119 = tpu.memref_squeeze %dma_wait3A_118 : memref<1x80xi32, #tpu.memory_space<vmem>> -> memref<80xi32, #tpu.memory_space<vmem>>
          %dma_wait3A_120 = arith.constant 0 : i32
          %dma_wait3A_121 = arith.constant 0 : i32
          %dma_wait3A_122 = tpu.memref_slice %arg15[%dma_wait3A_120, %dma_wait3A_121] : memref<10000x128xf32, #tpu.memory_space<vmem_shared>> -> memref<10000x128xf32, #tpu.memory_space<vmem_shared>>
          tpu.wait_indirect_dma semaphore(%run_scoped3A_110 : memref<!tpu.dma_semaphore, #tpu.memory_space<semaphore_mem>>) src(%arg14 : memref<80x128xf32, #tpu.memory_space<vmem>>) dst(%dma_wait3A_122 : memref<10000x128xf32, #tpu.memory_space<vmem_shared>>)
          tpu.yield
        }) : () -> ()
      }
      %scan3A_44 = arith.constant 62 : i32
      %dma_wait3A = arith.constant 0 : i32
      %dma_wait3A_45 = tpu.memref_slice %arg11[%dma_wait3A] : memref<10000xi32, #tpu.memory_space<vmem>> -> memref<80xi32, #tpu.memory_space<vmem>>
      %dma_wait3A_46 = arith.constant 0 : i32
      %dma_wait3A_47 = arith.constant 0 : i32
      %dma_wait3A_48 = tpu.memref_slice %arg2[%dma_wait3A_46, %dma_wait3A_47] : memref<10000x128xf32, #tpu.memory_space<hbm>> -> memref<10000x128xf32, #tpu.memory_space<hbm>>
      tpu.wait_indirect_dma semaphore(%arg17 : memref<!tpu.dma_semaphore, #tpu.memory_space<semaphore_mem>>) src(%dma_wait3A_48 : memref<10000x128xf32, #tpu.memory_space<hbm>>) dst(%arg13 : memref<80x128xf32, #tpu.memory_space<vmem>>)
      %run_scoped3A = arith.constant 124 : i32
      "tpu.region"() ({
        %run_scoped3A_75 = tpu.sem_alloc : memref<!tpu.dma_semaphore, #tpu.memory_space<semaphore_mem>>
        %dma_start3A_76 = arith.constant 0 : i32
        %dma_start3A_77 = tpu.memref_slice %arg12[%run_scoped3A, %dma_start3A_76] : memref<125x80xi32, #tpu.memory_space<vmem>> -> memref<1x80xi32, #tpu.memory_space<vmem>>
        %dma_start3A_78 = tpu.memref_squeeze %dma_start3A_77 : memref<1x80xi32, #tpu.memory_space<vmem>> -> memref<80xi32, #tpu.memory_space<vmem>>
        %dma_start3A_79 = arith.constant 0 : i32
        %dma_start3A_80 = arith.constant 0 : i32
        %dma_start3A_81 = tpu.memref_slice %arg15[%dma_start3A_79, %dma_start3A_80] : memref<10000x128xf32, #tpu.memory_space<vmem_shared>> -> memref<10000x128xf32, #tpu.memory_space<vmem_shared>>
        tpu.enqueue_indirect_dma source(%arg13 : memref<80x128xf32, #tpu.memory_space<vmem>>) target(%dma_start3A_81 : memref<10000x128xf32, #tpu.memory_space<vmem_shared>>) offsets(%dma_start3A_78 : memref<80xi32, #tpu.memory_space<vmem>>) semaphore(%run_scoped3A_75 : memref<!tpu.dma_semaphore, #tpu.memory_space<semaphore_mem>>) {add = true}
        %dma_wait3A_82 = arith.constant 0 : i32
        %dma_wait3A_83 = tpu.memref_slice %arg12[%run_scoped3A, %dma_wait3A_82] : memref<125x80xi32, #tpu.memory_space<vmem>> -> memref<1x80xi32, #tpu.memory_space<vmem>>
        %dma_wait3A_84 = tpu.memref_squeeze %dma_wait3A_83 : memref<1x80xi32, #tpu.memory_space<vmem>> -> memref<80xi32, #tpu.memory_space<vmem>>
        %dma_wait3A_85 = arith.constant 0 : i32
        %dma_wait3A_86 = arith.constant 0 : i32
        %dma_wait3A_87 = tpu.memref_slice %arg15[%dma_wait3A_85, %dma_wait3A_86] : memref<10000x128xf32, #tpu.memory_space<vmem_shared>> -> memref<10000x128xf32, #tpu.memory_space<vmem_shared>>
        tpu.wait_indirect_dma semaphore(%run_scoped3A_75 : memref<!tpu.dma_semaphore, #tpu.memory_space<semaphore_mem>>) src(%arg13 : memref<80x128xf32, #tpu.memory_space<vmem>>) dst(%dma_wait3A_87 : memref<10000x128xf32, #tpu.memory_space<vmem_shared>>)
        tpu.yield
      }) : () -> ()
      %mul3A = arith.constant 2 : i32
      %mul3A_49 = arith.muli %arg1, %mul3A : i32
      %add3A = arith.constant 1 : i32
      %add3A_50 = arith.addi %mul3A_49, %add3A : i32
      %mul3A_51 = arith.constant 10000 : i32
      %mul3A_52 = arith.muli %add3A_50, %mul3A_51 : i32
      %multiple_of3A_53 = tpu.assume_multiple %mul3A_52, 8 : i32
      %dma_start3A_54 = tpu.memref_slice %arg3[%multiple_of3A_53] : memref<320000xi32, #tpu.memory_space<hbm>> -> memref<10000xi32, #tpu.memory_space<hbm>>
      %dma_start3A_55 = tpu.memref_slice %arg3[%multiple_of3A_53] : memref<320000xi32, #tpu.memory_space<hbm>> -> memref<10000xi32, #tpu.memory_space<hbm>>
      tpu.enqueue_dma source(%dma_start3A_55 : memref<10000xi32, #tpu.memory_space<hbm>>) target(%arg11 : memref<10000xi32, #tpu.memory_space<vmem>>) target_semaphore(%arg16 : memref<!tpu.dma_semaphore, #tpu.memory_space<semaphore_mem>>)
      %dma_wait3A_56 = tpu.memref_slice %arg3[%multiple_of3A_53] : memref<320000xi32, #tpu.memory_space<hbm>> -> memref<10000xi32, #tpu.memory_space<hbm>>
      %dma_wait3A_57 = tpu.memref_slice %arg3[%multiple_of3A_53] : memref<320000xi32, #tpu.memory_space<hbm>> -> memref<10000xi32, #tpu.memory_space<hbm>>
      tpu.wait_dma2 semaphore(%arg16 : memref<!tpu.dma_semaphore, #tpu.memory_space<semaphore_mem>>) src(%dma_wait3A_57 : memref<10000xi32, #tpu.memory_space<hbm>>) dst(%arg11 : memref<10000xi32, #tpu.memory_space<vmem>>)
      "tpu.region"() ({
        %run_scoped3A_75 = tpu.sem_alloc : memref<!tpu.dma_semaphore, #tpu.memory_space<semaphore_mem>>
        %dma_start3A_76 = arith.constant 0 : i32
        %dma_start3A_77 = arith.constant 0 : i32
        %dma_start3A_78 = tpu.memref_slice %arg4[%add3A_50, %dma_start3A_76, %dma_start3A_77] : memref<32x125x80xi32, #tpu.memory_space<hbm>> -> memref<1x125x80xi32, #tpu.memory_space<hbm>>
        %dma_start3A_79 = tpu.memref_squeeze %dma_start3A_78 : memref<1x125x80xi32, #tpu.memory_space<hbm>> -> memref<125x80xi32, #tpu.memory_space<hbm>>
        %dma_start3A_80 = arith.constant 0 : i32
        %dma_start3A_81 = arith.constant 0 : i32
        %dma_start3A_82 = tpu.memref_slice %arg4[%add3A_50, %dma_start3A_80, %dma_start3A_81] : memref<32x125x80xi32, #tpu.memory_space<hbm>> -> memref<1x125x80xi32, #tpu.memory_space<hbm>>
        %dma_start3A_83 = tpu.memref_squeeze %dma_start3A_82 : memref<1x125x80xi32, #tpu.memory_space<hbm>> -> memref<125x80xi32, #tpu.memory_space<hbm>>
        tpu.enqueue_dma source(%dma_start3A_83 : memref<125x80xi32, #tpu.memory_space<hbm>>) target(%arg12 : memref<125x80xi32, #tpu.memory_space<vmem>>) target_semaphore(%run_scoped3A_75 : memref<!tpu.dma_semaphore, #tpu.memory_space<semaphore_mem>>)
        %dma_wait3A_84 = arith.constant 0 : i32
        %dma_wait3A_85 = arith.constant 0 : i32
        %dma_wait3A_86 = tpu.memref_slice %arg4[%add3A_50, %dma_wait3A_84, %dma_wait3A_85] : memref<32x125x80xi32, #tpu.memory_space<hbm>> -> memref<1x125x80xi32, #tpu.memory_space<hbm>>
        %dma_wait3A_87 = tpu.memref_squeeze %dma_wait3A_86 : memref<1x125x80xi32, #tpu.memory_space<hbm>> -> memref<125x80xi32, #tpu.memory_space<hbm>>
        %dma_wait3A_88 = arith.constant 0 : i32
        %dma_wait3A_89 = arith.constant 0 : i32
        %dma_wait3A_90 = tpu.memref_slice %arg4[%add3A_50, %dma_wait3A_88, %dma_wait3A_89] : memref<32x125x80xi32, #tpu.memory_space<hbm>> -> memref<1x125x80xi32, #tpu.memory_space<hbm>>
        %dma_wait3A_91 = tpu.memref_squeeze %dma_wait3A_90 : memref<1x125x80xi32, #tpu.memory_space<hbm>> -> memref<125x80xi32, #tpu.memory_space<hbm>>
        tpu.wait_dma2 semaphore(%run_scoped3A_75 : memref<!tpu.dma_semaphore, #tpu.memory_space<semaphore_mem>>) src(%dma_wait3A_91 : memref<125x80xi32, #tpu.memory_space<hbm>>) dst(%arg12 : memref<125x80xi32, #tpu.memory_space<vmem>>)
        tpu.yield
      }) : () -> ()
      %multiple_of3A_58 = arith.constant 0 : i32
      %multiple_of3A_59 = tpu.assume_multiple %multiple_of3A_58, 8 : i32
      %dma_start3A_60 = tpu.memref_slice %arg11[%multiple_of3A_59] : memref<10000xi32, #tpu.memory_space<vmem>> -> memref<80xi32, #tpu.memory_space<vmem>>
      %dma_start3A_61 = arith.constant 0 : i32
      %dma_start3A_62 = arith.constant 0 : i32
      %dma_start3A_63 = tpu.memref_slice %arg2[%dma_start3A_61, %dma_start3A_62] : memref<10000x128xf32, #tpu.memory_space<hbm>> -> memref<10000x128xf32, #tpu.memory_space<hbm>>
      tpu.enqueue_indirect_dma source(%dma_start3A_63 : memref<10000x128xf32, #tpu.memory_space<hbm>>) target(%arg13 : memref<80x128xf32, #tpu.memory_space<vmem>>) offsets(%dma_start3A_60 : memref<80xi32, #tpu.memory_space<vmem>>) semaphore(%arg17 : memref<!tpu.dma_semaphore, #tpu.memory_space<semaphore_mem>>)
      %scan3A_64 = arith.constant 0 : i32
      %scan3A_65 = arith.constant 62 : i32
      %scan3A_66 = arith.addi %scan3A_64, %scan3A_65 : i32
      %scan3A_67 = arith.constant 1 : i32
      scf.for %scan3A_75 = %scan3A_64 to %scan3A_66 step %scan3A_67  : i32 {
        %mul3A_76 = arith.constant 2 : i32
        %mul3A_77 = arith.muli %scan3A_75, %mul3A_76 : i32
        %add3A_78 = arith.constant 0 : i32
        %add3A_79 = arith.addi %add3A_78, %mul3A_77 : i32
        %add3A_80 = arith.constant 1 : i32
        %add3A_81 = arith.addi %add3A_79, %add3A_80 : i32
        %mul3A_82 = arith.constant 80 : i32
        %mul3A_83 = arith.muli %add3A_81, %mul3A_82 : i32
        %multiple_of3A_84 = tpu.assume_multiple %mul3A_83, 8 : i32
        %dma_start3A_85 = tpu.memref_slice %arg11[%multiple_of3A_84] : memref<10000xi32, #tpu.memory_space<vmem>> -> memref<80xi32, #tpu.memory_space<vmem>>
        %dma_start3A_86 = arith.constant 0 : i32
        %dma_start3A_87 = arith.constant 0 : i32
        %dma_start3A_88 = tpu.memref_slice %arg2[%dma_start3A_86, %dma_start3A_87] : memref<10000x128xf32, #tpu.memory_space<hbm>> -> memref<10000x128xf32, #tpu.memory_space<hbm>>
        tpu.enqueue_indirect_dma source(%dma_start3A_88 : memref<10000x128xf32, #tpu.memory_space<hbm>>) target(%arg14 : memref<80x128xf32, #tpu.memory_space<vmem>>) offsets(%dma_start3A_85 : memref<80xi32, #tpu.memory_space<vmem>>) semaphore(%arg18 : memref<!tpu.dma_semaphore, #tpu.memory_space<semaphore_mem>>)
        %dma_wait3A_89 = arith.constant 0 : i32
        %dma_wait3A_90 = tpu.memref_slice %arg11[%dma_wait3A_89] : memref<10000xi32, #tpu.memory_space<vmem>> -> memref<80xi32, #tpu.memory_space<vmem>>
        %dma_wait3A_91 = arith.constant 0 : i32
        %dma_wait3A_92 = arith.constant 0 : i32
        %dma_wait3A_93 = tpu.memref_slice %arg2[%dma_wait3A_91, %dma_wait3A_92] : memref<10000x128xf32, #tpu.memory_space<hbm>> -> memref<10000x128xf32, #tpu.memory_space<hbm>>
        tpu.wait_indirect_dma semaphore(%arg17 : memref<!tpu.dma_semaphore, #tpu.memory_space<semaphore_mem>>) src(%dma_wait3A_93 : memref<10000x128xf32, #tpu.memory_space<hbm>>) dst(%arg13 : memref<80x128xf32, #tpu.memory_space<vmem>>)
        "tpu.region"() ({
          %run_scoped3A_110 = tpu.sem_alloc : memref<!tpu.dma_semaphore, #tpu.memory_space<semaphore_mem>>
          %dma_start3A_111 = arith.constant 0 : i32
          %dma_start3A_112 = tpu.memref_slice %arg12[%add3A_79, %dma_start3A_111] : memref<125x80xi32, #tpu.memory_space<vmem>> -> memref<1x80xi32, #tpu.memory_space<vmem>>
          %dma_start3A_113 = tpu.memref_squeeze %dma_start3A_112 : memref<1x80xi32, #tpu.memory_space<vmem>> -> memref<80xi32, #tpu.memory_space<vmem>>
          %dma_start3A_114 = arith.constant 0 : i32
          %dma_start3A_115 = arith.constant 0 : i32
          %dma_start3A_116 = tpu.memref_slice %arg15[%dma_start3A_114, %dma_start3A_115] : memref<10000x128xf32, #tpu.memory_space<vmem_shared>> -> memref<10000x128xf32, #tpu.memory_space<vmem_shared>>
          tpu.enqueue_indirect_dma source(%arg13 : memref<80x128xf32, #tpu.memory_space<vmem>>) target(%dma_start3A_116 : memref<10000x128xf32, #tpu.memory_space<vmem_shared>>) offsets(%dma_start3A_113 : memref<80xi32, #tpu.memory_space<vmem>>) semaphore(%run_scoped3A_110 : memref<!tpu.dma_semaphore, #tpu.memory_space<semaphore_mem>>) {add = true}
          %dma_wait3A_117 = arith.constant 0 : i32
          %dma_wait3A_118 = tpu.memref_slice %arg12[%add3A_79, %dma_wait3A_117] : memref<125x80xi32, #tpu.memory_space<vmem>> -> memref<1x80xi32, #tpu.memory_space<vmem>>
          %dma_wait3A_119 = tpu.memref_squeeze %dma_wait3A_118 : memref<1x80xi32, #tpu.memory_space<vmem>> -> memref<80xi32, #tpu.memory_space<vmem>>
          %dma_wait3A_120 = arith.constant 0 : i32
          %dma_wait3A_121 = arith.constant 0 : i32
          %dma_wait3A_122 = tpu.memref_slice %arg15[%dma_wait3A_120, %dma_wait3A_121] : memref<10000x128xf32, #tpu.memory_space<vmem_shared>> -> memref<10000x128xf32, #tpu.memory_space<vmem_shared>>
          tpu.wait_indirect_dma semaphore(%run_scoped3A_110 : memref<!tpu.dma_semaphore, #tpu.memory_space<semaphore_mem>>) src(%arg13 : memref<80x128xf32, #tpu.memory_space<vmem>>) dst(%dma_wait3A_122 : memref<10000x128xf32, #tpu.memory_space<vmem_shared>>)
          tpu.yield
        }) : () -> ()
        %add3A_94 = arith.constant 2 : i32
        %add3A_95 = arith.addi %add3A_79, %add3A_94 : i32
        %mul3A_96 = arith.constant 80 : i32
        %mul3A_97 = arith.muli %add3A_95, %mul3A_96 : i32
        %multiple_of3A_98 = tpu.assume_multiple %mul3A_97, 8 : i32
        %dma_start3A_99 = tpu.memref_slice %arg11[%multiple_of3A_98] : memref<10000xi32, #tpu.memory_space<vmem>> -> memref<80xi32, #tpu.memory_space<vmem>>
        %dma_start3A_100 = arith.constant 0 : i32
        %dma_start3A_101 = arith.constant 0 : i32
        %dma_start3A_102 = tpu.memref_slice %arg2[%dma_start3A_100, %dma_start3A_101] : memref<10000x128xf32, #tpu.memory_space<hbm>> -> memref<10000x128xf32, #tpu.memory_space<hbm>>
        tpu.enqueue_indirect_dma source(%dma_start3A_102 : memref<10000x128xf32, #tpu.memory_space<hbm>>) target(%arg13 : memref<80x128xf32, #tpu.memory_space<vmem>>) offsets(%dma_start3A_99 : memref<80xi32, #tpu.memory_space<vmem>>) semaphore(%arg17 : memref<!tpu.dma_semaphore, #tpu.memory_space<semaphore_mem>>)
        %dma_wait3A_103 = arith.constant 0 : i32
        %dma_wait3A_104 = tpu.memref_slice %arg11[%dma_wait3A_103] : memref<10000xi32, #tpu.memory_space<vmem>> -> memref<80xi32, #tpu.memory_space<vmem>>
        %dma_wait3A_105 = arith.constant 0 : i32
        %dma_wait3A_106 = arith.constant 0 : i32
        %dma_wait3A_107 = tpu.memref_slice %arg2[%dma_wait3A_105, %dma_wait3A_106] : memref<10000x128xf32, #tpu.memory_space<hbm>> -> memref<10000x128xf32, #tpu.memory_space<hbm>>
        tpu.wait_indirect_dma semaphore(%arg18 : memref<!tpu.dma_semaphore, #tpu.memory_space<semaphore_mem>>) src(%dma_wait3A_107 : memref<10000x128xf32, #tpu.memory_space<hbm>>) dst(%arg14 : memref<80x128xf32, #tpu.memory_space<vmem>>)
        %add3A_108 = arith.constant 1 : i32
        %add3A_109 = arith.addi %add3A_79, %add3A_108 : i32
        "tpu.region"() ({
          %run_scoped3A_110 = tpu.sem_alloc : memref<!tpu.dma_semaphore, #tpu.memory_space<semaphore_mem>>
          %dma_start3A_111 = arith.constant 0 : i32
          %dma_start3A_112 = tpu.memref_slice %arg12[%add3A_109, %dma_start3A_111] : memref<125x80xi32, #tpu.memory_space<vmem>> -> memref<1x80xi32, #tpu.memory_space<vmem>>
          %dma_start3A_113 = tpu.memref_squeeze %dma_start3A_112 : memref<1x80xi32, #tpu.memory_space<vmem>> -> memref<80xi32, #tpu.memory_space<vmem>>
          %dma_start3A_114 = arith.constant 0 : i32
          %dma_start3A_115 = arith.constant 0 : i32
          %dma_start3A_116 = tpu.memref_slice %arg15[%dma_start3A_114, %dma_start3A_115] : memref<10000x128xf32, #tpu.memory_space<vmem_shared>> -> memref<10000x128xf32, #tpu.memory_space<vmem_shared>>
          tpu.enqueue_indirect_dma source(%arg14 : memref<80x128xf32, #tpu.memory_space<vmem>>) target(%dma_start3A_116 : memref<10000x128xf32, #tpu.memory_space<vmem_shared>>) offsets(%dma_start3A_113 : memref<80xi32, #tpu.memory_space<vmem>>) semaphore(%run_scoped3A_110 : memref<!tpu.dma_semaphore, #tpu.memory_space<semaphore_mem>>) {add = true}
          %dma_wait3A_117 = arith.constant 0 : i32
          %dma_wait3A_118 = tpu.memref_slice %arg12[%add3A_109, %dma_wait3A_117] : memref<125x80xi32, #tpu.memory_space<vmem>> -> memref<1x80xi32, #tpu.memory_space<vmem>>
          %dma_wait3A_119 = tpu.memref_squeeze %dma_wait3A_118 : memref<1x80xi32, #tpu.memory_space<vmem>> -> memref<80xi32, #tpu.memory_space<vmem>>
          %dma_wait3A_120 = arith.constant 0 : i32
          %dma_wait3A_121 = arith.constant 0 : i32
          %dma_wait3A_122 = tpu.memref_slice %arg15[%dma_wait3A_120, %dma_wait3A_121] : memref<10000x128xf32, #tpu.memory_space<vmem_shared>> -> memref<10000x128xf32, #tpu.memory_space<vmem_shared>>
          tpu.wait_indirect_dma semaphore(%run_scoped3A_110 : memref<!tpu.dma_semaphore, #tpu.memory_space<semaphore_mem>>) src(%arg14 : memref<80x128xf32, #tpu.memory_space<vmem>>) dst(%dma_wait3A_122 : memref<10000x128xf32, #tpu.memory_space<vmem_shared>>)
          tpu.yield
        }) : () -> ()
      }
      %scan3A_68 = arith.constant 62 : i32
      %dma_wait3A_69 = arith.constant 0 : i32
      %dma_wait3A_70 = tpu.memref_slice %arg11[%dma_wait3A_69] : memref<10000xi32, #tpu.memory_space<vmem>> -> memref<80xi32, #tpu.memory_space<vmem>>
      %dma_wait3A_71 = arith.constant 0 : i32
      %dma_wait3A_72 = arith.constant 0 : i32
      %dma_wait3A_73 = tpu.memref_slice %arg2[%dma_wait3A_71, %dma_wait3A_72] : memref<10000x128xf32, #tpu.memory_space<hbm>> -> memref<10000x128xf32, #tpu.memory_space<hbm>>
      tpu.wait_indirect_dma semaphore(%arg17 : memref<!tpu.dma_semaphore, #tpu.memory_space<semaphore_mem>>) src(%dma_wait3A_73 : memref<10000x128xf32, #tpu.memory_space<hbm>>) dst(%arg13 : memref<80x128xf32, #tpu.memory_space<vmem>>)
      %run_scoped3A_74 = arith.constant 124 : i32
      "tpu.region"() ({
        %run_scoped3A_75 = tpu.sem_alloc : memref<!tpu.dma_semaphore, #tpu.memory_space<semaphore_mem>>
        %dma_start3A_76 = arith.constant 0 : i32
        %dma_start3A_77 = tpu.memref_slice %arg12[%run_scoped3A_74, %dma_start3A_76] : memref<125x80xi32, #tpu.memory_space<vmem>> -> memref<1x80xi32, #tpu.memory_space<vmem>>
        %dma_start3A_78 = tpu.memref_squeeze %dma_start3A_77 : memref<1x80xi32, #tpu.memory_space<vmem>> -> memref<80xi32, #tpu.memory_space<vmem>>
        %dma_start3A_79 = arith.constant 0 : i32
        %dma_start3A_80 = arith.constant 0 : i32
        %dma_start3A_81 = tpu.memref_slice %arg15[%dma_start3A_79, %dma_start3A_80] : memref<10000x128xf32, #tpu.memory_space<vmem_shared>> -> memref<10000x128xf32, #tpu.memory_space<vmem_shared>>
        tpu.enqueue_indirect_dma source(%arg13 : memref<80x128xf32, #tpu.memory_space<vmem>>) target(%dma_start3A_81 : memref<10000x128xf32, #tpu.memory_space<vmem_shared>>) offsets(%dma_start3A_78 : memref<80xi32, #tpu.memory_space<vmem>>) semaphore(%run_scoped3A_75 : memref<!tpu.dma_semaphore, #tpu.memory_space<semaphore_mem>>) {add = true}
        %dma_wait3A_82 = arith.constant 0 : i32
        %dma_wait3A_83 = tpu.memref_slice %arg12[%run_scoped3A_74, %dma_wait3A_82] : memref<125x80xi32, #tpu.memory_space<vmem>> -> memref<1x80xi32, #tpu.memory_space<vmem>>
        %dma_wait3A_84 = tpu.memref_squeeze %dma_wait3A_83 : memref<1x80xi32, #tpu.memory_space<vmem>> -> memref<80xi32, #tpu.memory_space<vmem>>
        %dma_wait3A_85 = arith.constant 0 : i32
        %dma_wait3A_86 = arith.constant 0 : i32
        %dma_wait3A_87 = tpu.memref_slice %arg15[%dma_wait3A_85, %dma_wait3A_86] : memref<10000x128xf32, #tpu.memory_space<vmem_shared>> -> memref<10000x128xf32, #tpu.memory_space<vmem_shared>>
        tpu.wait_indirect_dma semaphore(%run_scoped3A_75 : memref<!tpu.dma_semaphore, #tpu.memory_space<semaphore_mem>>) src(%arg13 : memref<80x128xf32, #tpu.memory_space<vmem>>) dst(%dma_wait3A_87 : memref<10000x128xf32, #tpu.memory_space<vmem_shared>>)
        tpu.yield
      }) : () -> ()
    } else {
    }
    %eq3A_21 = arith.constant 1 : i32
    %eq3A_22 = arith.cmpi eq, %arg0, %eq3A_21 : i32
    %convert_element_type3A_23 = arith.extui %eq3A_22 : i1 to i32
    %cond3A_24 = arith.constant 0 : i32
    %cond3A_25 = arith.cmpi ne, %convert_element_type3A_23, %cond3A_24 : i32
    scf.if %cond3A_25 {
      %multiple_of3A = arith.constant 0 : i32
      %multiple_of3A_37 = tpu.assume_multiple %multiple_of3A, 8 : i32
      %dma_start3A = tpu.memref_slice %arg11[%multiple_of3A_37] : memref<10000xi32, #tpu.memory_space<vmem>> -> memref<80xi32, #tpu.memory_space<vmem>>
      %dma_start3A_38 = arith.constant 0 : i32
      %dma_start3A_39 = arith.constant 0 : i32
      %dma_start3A_40 = tpu.memref_slice %arg5[%dma_start3A_38, %dma_start3A_39] : memref<20000x128xf32, #tpu.memory_space<hbm>> -> memref<20000x128xf32, #tpu.memory_space<hbm>>
      tpu.enqueue_indirect_dma source(%dma_start3A_40 : memref<20000x128xf32, #tpu.memory_space<hbm>>) target(%arg13 : memref<80x128xf32, #tpu.memory_space<vmem>>) offsets(%dma_start3A : memref<80xi32, #tpu.memory_space<vmem>>) semaphore(%arg17 : memref<!tpu.dma_semaphore, #tpu.memory_space<semaphore_mem>>)
      %scan3A = arith.constant 0 : i32
      %scan3A_41 = arith.constant 62 : i32
      %scan3A_42 = arith.addi %scan3A, %scan3A_41 : i32
      %scan3A_43 = arith.constant 1 : i32
      scf.for %scan3A_80 = %scan3A to %scan3A_42 step %scan3A_43  : i32 {
        %mul3A_81 = arith.constant 2 : i32
        %mul3A_82 = arith.muli %scan3A_80, %mul3A_81 : i32
        %add3A_83 = arith.constant 0 : i32
        %add3A_84 = arith.addi %add3A_83, %mul3A_82 : i32
        %add3A_85 = arith.constant 1 : i32
        %add3A_86 = arith.addi %add3A_84, %add3A_85 : i32
        %mul3A_87 = arith.constant 80 : i32
        %mul3A_88 = arith.muli %add3A_86, %mul3A_87 : i32
        %multiple_of3A_89 = tpu.assume_multiple %mul3A_88, 8 : i32
        %dma_start3A_90 = tpu.memref_slice %arg11[%multiple_of3A_89] : memref<10000xi32, #tpu.memory_space<vmem>> -> memref<80xi32, #tpu.memory_space<vmem>>
        %dma_start3A_91 = arith.constant 0 : i32
        %dma_start3A_92 = arith.constant 0 : i32
        %dma_start3A_93 = tpu.memref_slice %arg5[%dma_start3A_91, %dma_start3A_92] : memref<20000x128xf32, #tpu.memory_space<hbm>> -> memref<20000x128xf32, #tpu.memory_space<hbm>>
        tpu.enqueue_indirect_dma source(%dma_start3A_93 : memref<20000x128xf32, #tpu.memory_space<hbm>>) target(%arg14 : memref<80x128xf32, #tpu.memory_space<vmem>>) offsets(%dma_start3A_90 : memref<80xi32, #tpu.memory_space<vmem>>) semaphore(%arg18 : memref<!tpu.dma_semaphore, #tpu.memory_space<semaphore_mem>>)
        %dma_wait3A_94 = arith.constant 0 : i32
        %dma_wait3A_95 = tpu.memref_slice %arg11[%dma_wait3A_94] : memref<10000xi32, #tpu.memory_space<vmem>> -> memref<80xi32, #tpu.memory_space<vmem>>
        %dma_wait3A_96 = arith.constant 0 : i32
        %dma_wait3A_97 = arith.constant 0 : i32
        %dma_wait3A_98 = tpu.memref_slice %arg5[%dma_wait3A_96, %dma_wait3A_97] : memref<20000x128xf32, #tpu.memory_space<hbm>> -> memref<20000x128xf32, #tpu.memory_space<hbm>>
        tpu.wait_indirect_dma semaphore(%arg17 : memref<!tpu.dma_semaphore, #tpu.memory_space<semaphore_mem>>) src(%dma_wait3A_98 : memref<20000x128xf32, #tpu.memory_space<hbm>>) dst(%arg13 : memref<80x128xf32, #tpu.memory_space<vmem>>)
        "tpu.region"() ({
          %run_scoped3A_115 = tpu.sem_alloc : memref<!tpu.dma_semaphore, #tpu.memory_space<semaphore_mem>>
          %dma_start3A_116 = arith.constant 0 : i32
          %dma_start3A_117 = tpu.memref_slice %arg12[%add3A_84, %dma_start3A_116] : memref<125x80xi32, #tpu.memory_space<vmem>> -> memref<1x80xi32, #tpu.memory_space<vmem>>
          %dma_start3A_118 = tpu.memref_squeeze %dma_start3A_117 : memref<1x80xi32, #tpu.memory_space<vmem>> -> memref<80xi32, #tpu.memory_space<vmem>>
          %dma_start3A_119 = arith.constant 0 : i32
          %dma_start3A_120 = arith.constant 0 : i32
          %dma_start3A_121 = tpu.memref_slice %arg15[%dma_start3A_119, %dma_start3A_120] : memref<10000x128xf32, #tpu.memory_space<vmem_shared>> -> memref<10000x128xf32, #tpu.memory_space<vmem_shared>>
          tpu.enqueue_indirect_dma source(%arg13 : memref<80x128xf32, #tpu.memory_space<vmem>>) target(%dma_start3A_121 : memref<10000x128xf32, #tpu.memory_space<vmem_shared>>) offsets(%dma_start3A_118 : memref<80xi32, #tpu.memory_space<vmem>>) semaphore(%run_scoped3A_115 : memref<!tpu.dma_semaphore, #tpu.memory_space<semaphore_mem>>) {add = true}
          %dma_wait3A_122 = arith.constant 0 : i32
          %dma_wait3A_123 = tpu.memref_slice %arg12[%add3A_84, %dma_wait3A_122] : memref<125x80xi32, #tpu.memory_space<vmem>> -> memref<1x80xi32, #tpu.memory_space<vmem>>
          %dma_wait3A_124 = tpu.memref_squeeze %dma_wait3A_123 : memref<1x80xi32, #tpu.memory_space<vmem>> -> memref<80xi32, #tpu.memory_space<vmem>>
          %dma_wait3A_125 = arith.constant 0 : i32
          %dma_wait3A_126 = arith.constant 0 : i32
          %dma_wait3A_127 = tpu.memref_slice %arg15[%dma_wait3A_125, %dma_wait3A_126] : memref<10000x128xf32, #tpu.memory_space<vmem_shared>> -> memref<10000x128xf32, #tpu.memory_space<vmem_shared>>
          tpu.wait_indirect_dma semaphore(%run_scoped3A_115 : memref<!tpu.dma_semaphore, #tpu.memory_space<semaphore_mem>>) src(%arg13 : memref<80x128xf32, #tpu.memory_space<vmem>>) dst(%dma_wait3A_127 : memref<10000x128xf32, #tpu.memory_space<vmem_shared>>)
          tpu.yield
        }) : () -> ()
        %add3A_99 = arith.constant 2 : i32
        %add3A_100 = arith.addi %add3A_84, %add3A_99 : i32
        %mul3A_101 = arith.constant 80 : i32
        %mul3A_102 = arith.muli %add3A_100, %mul3A_101 : i32
        %multiple_of3A_103 = tpu.assume_multiple %mul3A_102, 8 : i32
        %dma_start3A_104 = tpu.memref_slice %arg11[%multiple_of3A_103] : memref<10000xi32, #tpu.memory_space<vmem>> -> memref<80xi32, #tpu.memory_space<vmem>>
        %dma_start3A_105 = arith.constant 0 : i32
        %dma_start3A_106 = arith.constant 0 : i32
        %dma_start3A_107 = tpu.memref_slice %arg5[%dma_start3A_105, %dma_start3A_106] : memref<20000x128xf32, #tpu.memory_space<hbm>> -> memref<20000x128xf32, #tpu.memory_space<hbm>>
        tpu.enqueue_indirect_dma source(%dma_start3A_107 : memref<20000x128xf32, #tpu.memory_space<hbm>>) target(%arg13 : memref<80x128xf32, #tpu.memory_space<vmem>>) offsets(%dma_start3A_104 : memref<80xi32, #tpu.memory_space<vmem>>) semaphore(%arg17 : memref<!tpu.dma_semaphore, #tpu.memory_space<semaphore_mem>>)
        %dma_wait3A_108 = arith.constant 0 : i32
        %dma_wait3A_109 = tpu.memref_slice %arg11[%dma_wait3A_108] : memref<10000xi32, #tpu.memory_space<vmem>> -> memref<80xi32, #tpu.memory_space<vmem>>
        %dma_wait3A_110 = arith.constant 0 : i32
        %dma_wait3A_111 = arith.constant 0 : i32
        %dma_wait3A_112 = tpu.memref_slice %arg5[%dma_wait3A_110, %dma_wait3A_111] : memref<20000x128xf32, #tpu.memory_space<hbm>> -> memref<20000x128xf32, #tpu.memory_space<hbm>>
        tpu.wait_indirect_dma semaphore(%arg18 : memref<!tpu.dma_semaphore, #tpu.memory_space<semaphore_mem>>) src(%dma_wait3A_112 : memref<20000x128xf32, #tpu.memory_space<hbm>>) dst(%arg14 : memref<80x128xf32, #tpu.memory_space<vmem>>)
        %add3A_113 = arith.constant 1 : i32
        %add3A_114 = arith.addi %add3A_84, %add3A_113 : i32
        "tpu.region"() ({
          %run_scoped3A_115 = tpu.sem_alloc : memref<!tpu.dma_semaphore, #tpu.memory_space<semaphore_mem>>
          %dma_start3A_116 = arith.constant 0 : i32
          %dma_start3A_117 = tpu.memref_slice %arg12[%add3A_114, %dma_start3A_116] : memref<125x80xi32, #tpu.memory_space<vmem>> -> memref<1x80xi32, #tpu.memory_space<vmem>>
          %dma_start3A_118 = tpu.memref_squeeze %dma_start3A_117 : memref<1x80xi32, #tpu.memory_space<vmem>> -> memref<80xi32, #tpu.memory_space<vmem>>
          %dma_start3A_119 = arith.constant 0 : i32
          %dma_start3A_120 = arith.constant 0 : i32
          %dma_start3A_121 = tpu.memref_slice %arg15[%dma_start3A_119, %dma_start3A_120] : memref<10000x128xf32, #tpu.memory_space<vmem_shared>> -> memref<10000x128xf32, #tpu.memory_space<vmem_shared>>
          tpu.enqueue_indirect_dma source(%arg14 : memref<80x128xf32, #tpu.memory_space<vmem>>) target(%dma_start3A_121 : memref<10000x128xf32, #tpu.memory_space<vmem_shared>>) offsets(%dma_start3A_118 : memref<80xi32, #tpu.memory_space<vmem>>) semaphore(%run_scoped3A_115 : memref<!tpu.dma_semaphore, #tpu.memory_space<semaphore_mem>>) {add = true}
          %dma_wait3A_122 = arith.constant 0 : i32
          %dma_wait3A_123 = tpu.memref_slice %arg12[%add3A_114, %dma_wait3A_122] : memref<125x80xi32, #tpu.memory_space<vmem>> -> memref<1x80xi32, #tpu.memory_space<vmem>>
          %dma_wait3A_124 = tpu.memref_squeeze %dma_wait3A_123 : memref<1x80xi32, #tpu.memory_space<vmem>> -> memref<80xi32, #tpu.memory_space<vmem>>
          %dma_wait3A_125 = arith.constant 0 : i32
          %dma_wait3A_126 = arith.constant 0 : i32
          %dma_wait3A_127 = tpu.memref_slice %arg15[%dma_wait3A_125, %dma_wait3A_126] : memref<10000x128xf32, #tpu.memory_space<vmem_shared>> -> memref<10000x128xf32, #tpu.memory_space<vmem_shared>>
          tpu.wait_indirect_dma semaphore(%run_scoped3A_115 : memref<!tpu.dma_semaphore, #tpu.memory_space<semaphore_mem>>) src(%arg14 : memref<80x128xf32, #tpu.memory_space<vmem>>) dst(%dma_wait3A_127 : memref<10000x128xf32, #tpu.memory_space<vmem_shared>>)
          tpu.yield
        }) : () -> ()
      }
      %scan3A_44 = arith.constant 62 : i32
      %dma_wait3A = arith.constant 0 : i32
      %dma_wait3A_45 = tpu.memref_slice %arg11[%dma_wait3A] : memref<10000xi32, #tpu.memory_space<vmem>> -> memref<80xi32, #tpu.memory_space<vmem>>
      %dma_wait3A_46 = arith.constant 0 : i32
      %dma_wait3A_47 = arith.constant 0 : i32
      %dma_wait3A_48 = tpu.memref_slice %arg5[%dma_wait3A_46, %dma_wait3A_47] : memref<20000x128xf32, #tpu.memory_space<hbm>> -> memref<20000x128xf32, #tpu.memory_space<hbm>>
      tpu.wait_indirect_dma semaphore(%arg17 : memref<!tpu.dma_semaphore, #tpu.memory_space<semaphore_mem>>) src(%dma_wait3A_48 : memref<20000x128xf32, #tpu.memory_space<hbm>>) dst(%arg13 : memref<80x128xf32, #tpu.memory_space<vmem>>)
      %run_scoped3A = arith.constant 124 : i32
      "tpu.region"() ({
        %run_scoped3A_80 = tpu.sem_alloc : memref<!tpu.dma_semaphore, #tpu.memory_space<semaphore_mem>>
        %dma_start3A_81 = arith.constant 0 : i32
        %dma_start3A_82 = tpu.memref_slice %arg12[%run_scoped3A, %dma_start3A_81] : memref<125x80xi32, #tpu.memory_space<vmem>> -> memref<1x80xi32, #tpu.memory_space<vmem>>
        %dma_start3A_83 = tpu.memref_squeeze %dma_start3A_82 : memref<1x80xi32, #tpu.memory_space<vmem>> -> memref<80xi32, #tpu.memory_space<vmem>>
        %dma_start3A_84 = arith.constant 0 : i32
        %dma_start3A_85 = arith.constant 0 : i32
        %dma_start3A_86 = tpu.memref_slice %arg15[%dma_start3A_84, %dma_start3A_85] : memref<10000x128xf32, #tpu.memory_space<vmem_shared>> -> memref<10000x128xf32, #tpu.memory_space<vmem_shared>>
        tpu.enqueue_indirect_dma source(%arg13 : memref<80x128xf32, #tpu.memory_space<vmem>>) target(%dma_start3A_86 : memref<10000x128xf32, #tpu.memory_space<vmem_shared>>) offsets(%dma_start3A_83 : memref<80xi32, #tpu.memory_space<vmem>>) semaphore(%run_scoped3A_80 : memref<!tpu.dma_semaphore, #tpu.memory_space<semaphore_mem>>) {add = true}
        %dma_wait3A_87 = arith.constant 0 : i32
        %dma_wait3A_88 = tpu.memref_slice %arg12[%run_scoped3A, %dma_wait3A_87] : memref<125x80xi32, #tpu.memory_space<vmem>> -> memref<1x80xi32, #tpu.memory_space<vmem>>
        %dma_wait3A_89 = tpu.memref_squeeze %dma_wait3A_88 : memref<1x80xi32, #tpu.memory_space<vmem>> -> memref<80xi32, #tpu.memory_space<vmem>>
        %dma_wait3A_90 = arith.constant 0 : i32
        %dma_wait3A_91 = arith.constant 0 : i32
        %dma_wait3A_92 = tpu.memref_slice %arg15[%dma_wait3A_90, %dma_wait3A_91] : memref<10000x128xf32, #tpu.memory_space<vmem_shared>> -> memref<10000x128xf32, #tpu.memory_space<vmem_shared>>
        tpu.wait_indirect_dma semaphore(%run_scoped3A_80 : memref<!tpu.dma_semaphore, #tpu.memory_space<semaphore_mem>>) src(%arg13 : memref<80x128xf32, #tpu.memory_space<vmem>>) dst(%dma_wait3A_92 : memref<10000x128xf32, #tpu.memory_space<vmem_shared>>)
        tpu.yield
      }) : () -> ()
      %mul3A = arith.constant 2 : i32
      %mul3A_49 = arith.muli %arg1, %mul3A : i32
      %add3A = arith.constant 1 : i32
      %add3A_50 = arith.addi %mul3A_49, %add3A : i32
      %mul3A_51 = arith.constant 10000 : i32
      %mul3A_52 = arith.muli %add3A_50, %mul3A_51 : i32
      %multiple_of3A_53 = tpu.assume_multiple %mul3A_52, 8 : i32
      %dma_start3A_54 = tpu.memref_slice %arg6[%multiple_of3A_53] : memref<320000xi32, #tpu.memory_space<hbm>> -> memref<10000xi32, #tpu.memory_space<hbm>>
      %dma_start3A_55 = tpu.memref_slice %arg6[%multiple_of3A_53] : memref<320000xi32, #tpu.memory_space<hbm>> -> memref<10000xi32, #tpu.memory_space<hbm>>
      tpu.enqueue_dma source(%dma_start3A_55 : memref<10000xi32, #tpu.memory_space<hbm>>) target(%arg11 : memref<10000xi32, #tpu.memory_space<vmem>>) target_semaphore(%arg16 : memref<!tpu.dma_semaphore, #tpu.memory_space<semaphore_mem>>)
      %dma_wait3A_56 = tpu.memref_slice %arg6[%multiple_of3A_53] : memref<320000xi32, #tpu.memory_space<hbm>> -> memref<10000xi32, #tpu.memory_space<hbm>>
      %dma_wait3A_57 = tpu.memref_slice %arg6[%multiple_of3A_53] : memref<320000xi32, #tpu.memory_space<hbm>> -> memref<10000xi32, #tpu.memory_space<hbm>>
      tpu.wait_dma2 semaphore(%arg16 : memref<!tpu.dma_semaphore, #tpu.memory_space<semaphore_mem>>) src(%dma_wait3A_57 : memref<10000xi32, #tpu.memory_space<hbm>>) dst(%arg11 : memref<10000xi32, #tpu.memory_space<vmem>>)
      "tpu.region"() ({
        %run_scoped3A_80 = tpu.sem_alloc : memref<!tpu.dma_semaphore, #tpu.memory_space<semaphore_mem>>
        %dma_start3A_81 = arith.constant 0 : i32
        %dma_start3A_82 = arith.constant 0 : i32
        %dma_start3A_83 = tpu.memref_slice %arg7[%add3A_50, %dma_start3A_81, %dma_start3A_82] : memref<32x125x80xi32, #tpu.memory_space<hbm>> -> memref<1x125x80xi32, #tpu.memory_space<hbm>>
        %dma_start3A_84 = tpu.memref_squeeze %dma_start3A_83 : memref<1x125x80xi32, #tpu.memory_space<hbm>> -> memref<125x80xi32, #tpu.memory_space<hbm>>
        %dma_start3A_85 = arith.constant 0 : i32
        %dma_start3A_86 = arith.constant 0 : i32
        %dma_start3A_87 = tpu.memref_slice %arg7[%add3A_50, %dma_start3A_85, %dma_start3A_86] : memref<32x125x80xi32, #tpu.memory_space<hbm>> -> memref<1x125x80xi32, #tpu.memory_space<hbm>>
        %dma_start3A_88 = tpu.memref_squeeze %dma_start3A_87 : memref<1x125x80xi32, #tpu.memory_space<hbm>> -> memref<125x80xi32, #tpu.memory_space<hbm>>
        tpu.enqueue_dma source(%dma_start3A_88 : memref<125x80xi32, #tpu.memory_space<hbm>>) target(%arg12 : memref<125x80xi32, #tpu.memory_space<vmem>>) target_semaphore(%run_scoped3A_80 : memref<!tpu.dma_semaphore, #tpu.memory_space<semaphore_mem>>)
        %dma_wait3A_89 = arith.constant 0 : i32
        %dma_wait3A_90 = arith.constant 0 : i32
        %dma_wait3A_91 = tpu.memref_slice %arg7[%add3A_50, %dma_wait3A_89, %dma_wait3A_90] : memref<32x125x80xi32, #tpu.memory_space<hbm>> -> memref<1x125x80xi32, #tpu.memory_space<hbm>>
        %dma_wait3A_92 = tpu.memref_squeeze %dma_wait3A_91 : memref<1x125x80xi32, #tpu.memory_space<hbm>> -> memref<125x80xi32, #tpu.memory_space<hbm>>
        %dma_wait3A_93 = arith.constant 0 : i32
        %dma_wait3A_94 = arith.constant 0 : i32
        %dma_wait3A_95 = tpu.memref_slice %arg7[%add3A_50, %dma_wait3A_93, %dma_wait3A_94] : memref<32x125x80xi32, #tpu.memory_space<hbm>> -> memref<1x125x80xi32, #tpu.memory_space<hbm>>
        %dma_wait3A_96 = tpu.memref_squeeze %dma_wait3A_95 : memref<1x125x80xi32, #tpu.memory_space<hbm>> -> memref<125x80xi32, #tpu.memory_space<hbm>>
        tpu.wait_dma2 semaphore(%run_scoped3A_80 : memref<!tpu.dma_semaphore, #tpu.memory_space<semaphore_mem>>) src(%dma_wait3A_96 : memref<125x80xi32, #tpu.memory_space<hbm>>) dst(%arg12 : memref<125x80xi32, #tpu.memory_space<vmem>>)
        tpu.yield
      }) : () -> ()
      %scan3A_58 = arith.constant 0 : i32
      %scan3A_59 = arith.constant 125 : i32
      %scan3A_60 = arith.addi %scan3A_58, %scan3A_59 : i32
      %scan3A_61 = arith.constant 1 : i32
      scf.for %scan3A_80 = %scan3A_58 to %scan3A_60 step %scan3A_61  : i32 {
        %mul3A_81 = arith.constant 1 : i32
        %mul3A_82 = arith.muli %scan3A_80, %mul3A_81 : i32
        %add3A_83 = arith.constant 0 : i32
        %add3A_84 = arith.addi %add3A_83, %mul3A_82 : i32
        %mul3A_85 = arith.constant 80 : i32
        %mul3A_86 = arith.muli %add3A_84, %mul3A_85 : i32
        %add3A_87 = arith.constant 0 : i32
        %add3A_88 = arith.addi %mul3A_86, %add3A_87 : i32
        %multiple_of3A_89 = tpu.assume_multiple %add3A_88, 16 : i32
        %get3A = arith.index_cast %multiple_of3A_89 : i32 to index
        %get3A_90 = tpu.vector_load %arg11[%get3A] {strides = array<i32>} : memref<10000xi32, #tpu.memory_space<vmem>>, vector<16xi32>,
        %get3A_91 = vector.shape_cast %get3A_90 : vector<16xi32> to vector<16xi32>
        %get3A_92 = arith.index_cast %add3A_84 : i32 to index
        %get3A_93 = arith.constant 0 : index
        %get3A_94 = tpu.vector_load %arg12[%get3A_92, %get3A_93] {strides = array<i32>} : memref<125x80xi32, #tpu.memory_space<vmem>>, vector<1x16xi32>,
        %get3A_95 = vector.shape_cast %get3A_94 : vector<1x16xi32> to vector<16xi32>
        %mul3A_96 = arith.constant 10000 : i32
        %mul3A_97 = vector.broadcast %mul3A_96 : i32 to vector<16xi32>
        %mul3A_98 = arith.muli %get3A_95, %mul3A_97 : vector<16xi32>
        %add3A_99 = arith.addi %get3A_91, %mul3A_98 : vector<16xi32>
        %swap3A = arith.index_cast %multiple_of3A_89 : i32 to index
        %swap3A_100 = tpu.vector_load %arg11[%swap3A] {strides = array<i32>} : memref<10000xi32, #tpu.memory_space<vmem>>, vector<16xi32>,
        %swap3A_101 = vector.shape_cast %swap3A_100 : vector<16xi32> to vector<16xi32>
        %swap3A_102 = vector.shape_cast %add3A_99 : vector<16xi32> to vector<16xi32>
        tpu.vector_store %arg11[%swap3A], %swap3A_102 {strides = array<i32>} : memref<10000xi32, #tpu.memory_space<vmem>>, vector<16xi32>,
        %mul3A_103 = arith.constant 80 : i32
        %mul3A_104 = arith.muli %add3A_84, %mul3A_103 : i32
        %add3A_105 = arith.constant 16 : i32
        %add3A_106 = arith.addi %mul3A_104, %add3A_105 : i32
        %multiple_of3A_107 = tpu.assume_multiple %add3A_106, 16 : i32
        %get3A_108 = arith.index_cast %multiple_of3A_107 : i32 to index
        %get3A_109 = tpu.vector_load %arg11[%get3A_108] {strides = array<i32>} : memref<10000xi32, #tpu.memory_space<vmem>>, vector<16xi32>,
        %get3A_110 = vector.shape_cast %get3A_109 : vector<16xi32> to vector<16xi32>
        %get3A_111 = arith.index_cast %add3A_84 : i32 to index
        %get3A_112 = arith.constant 16 : index
        %get3A_113 = tpu.vector_load %arg12[%get3A_111, %get3A_112] {strides = array<i32>} : memref<125x80xi32, #tpu.memory_space<vmem>>, vector<1x16xi32>,
        %get3A_114 = vector.shape_cast %get3A_113 : vector<1x16xi32> to vector<16xi32>
        %mul3A_115 = arith.constant 10000 : i32
        %mul3A_116 = vector.broadcast %mul3A_115 : i32 to vector<16xi32>
        %mul3A_117 = arith.muli %get3A_114, %mul3A_116 : vector<16xi32>
        %add3A_118 = arith.addi %get3A_110, %mul3A_117 : vector<16xi32>
        %swap3A_119 = arith.index_cast %multiple_of3A_107 : i32 to index
        %swap3A_120 = tpu.vector_load %arg11[%swap3A_119] {strides = array<i32>} : memref<10000xi32, #tpu.memory_space<vmem>>, vector<16xi32>,
        %swap3A_121 = vector.shape_cast %swap3A_120 : vector<16xi32> to vector<16xi32>
        %swap3A_122 = vector.shape_cast %add3A_118 : vector<16xi32> to vector<16xi32>
        tpu.vector_store %arg11[%swap3A_119], %swap3A_122 {strides = array<i32>} : memref<10000xi32, #tpu.memory_space<vmem>>, vector<16xi32>,
        %mul3A_123 = arith.constant 80 : i32
        %mul3A_124 = arith.muli %add3A_84, %mul3A_123 : i32
        %add3A_125 = arith.constant 32 : i32
        %add3A_126 = arith.addi %mul3A_124, %add3A_125 : i32
        %multiple_of3A_127 = tpu.assume_multiple %add3A_126, 16 : i32
        %get3A_128 = arith.index_cast %multiple_of3A_127 : i32 to index
        %get3A_129 = tpu.vector_load %arg11[%get3A_128] {strides = array<i32>} : memref<10000xi32, #tpu.memory_space<vmem>>, vector<16xi32>,
        %get3A_130 = vector.shape_cast %get3A_129 : vector<16xi32> to vector<16xi32>
        %get3A_131 = arith.index_cast %add3A_84 : i32 to index
        %get3A_132 = arith.constant 32 : index
        %get3A_133 = tpu.vector_load %arg12[%get3A_131, %get3A_132] {strides = array<i32>} : memref<125x80xi32, #tpu.memory_space<vmem>>, vector<1x16xi32>,
        %get3A_134 = vector.shape_cast %get3A_133 : vector<1x16xi32> to vector<16xi32>
        %mul3A_135 = arith.constant 10000 : i32
        %mul3A_136 = vector.broadcast %mul3A_135 : i32 to vector<16xi32>
        %mul3A_137 = arith.muli %get3A_134, %mul3A_136 : vector<16xi32>
        %add3A_138 = arith.addi %get3A_130, %mul3A_137 : vector<16xi32>
        %swap3A_139 = arith.index_cast %multiple_of3A_127 : i32 to index
        %swap3A_140 = tpu.vector_load %arg11[%swap3A_139] {strides = array<i32>} : memref<10000xi32, #tpu.memory_space<vmem>>, vector<16xi32>,
        %swap3A_141 = vector.shape_cast %swap3A_140 : vector<16xi32> to vector<16xi32>
        %swap3A_142 = vector.shape_cast %add3A_138 : vector<16xi32> to vector<16xi32>
        tpu.vector_store %arg11[%swap3A_139], %swap3A_142 {strides = array<i32>} : memref<10000xi32, #tpu.memory_space<vmem>>, vector<16xi32>,
        %mul3A_143 = arith.constant 80 : i32
        %mul3A_144 = arith.muli %add3A_84, %mul3A_143 : i32
        %add3A_145 = arith.constant 48 : i32
        %add3A_146 = arith.addi %mul3A_144, %add3A_145 : i32
        %multiple_of3A_147 = tpu.assume_multiple %add3A_146, 16 : i32
        %get3A_148 = arith.index_cast %multiple_of3A_147 : i32 to index
        %get3A_149 = tpu.vector_load %arg11[%get3A_148] {strides = array<i32>} : memref<10000xi32, #tpu.memory_space<vmem>>, vector<16xi32>,
        %get3A_150 = vector.shape_cast %get3A_149 : vector<16xi32> to vector<16xi32>
        %get3A_151 = arith.index_cast %add3A_84 : i32 to index
        %get3A_152 = arith.constant 48 : index
        %get3A_153 = tpu.vector_load %arg12[%get3A_151, %get3A_152] {strides = array<i32>} : memref<125x80xi32, #tpu.memory_space<vmem>>, vector<1x16xi32>,
        %get3A_154 = vector.shape_cast %get3A_153 : vector<1x16xi32> to vector<16xi32>
        %mul3A_155 = arith.constant 10000 : i32
        %mul3A_156 = vector.broadcast %mul3A_155 : i32 to vector<16xi32>
        %mul3A_157 = arith.muli %get3A_154, %mul3A_156 : vector<16xi32>
        %add3A_158 = arith.addi %get3A_150, %mul3A_157 : vector<16xi32>
        %swap3A_159 = arith.index_cast %multiple_of3A_147 : i32 to index
        %swap3A_160 = tpu.vector_load %arg11[%swap3A_159] {strides = array<i32>} : memref<10000xi32, #tpu.memory_space<vmem>>, vector<16xi32>,
        %swap3A_161 = vector.shape_cast %swap3A_160 : vector<16xi32> to vector<16xi32>
        %swap3A_162 = vector.shape_cast %add3A_158 : vector<16xi32> to vector<16xi32>
        tpu.vector_store %arg11[%swap3A_159], %swap3A_162 {strides = array<i32>} : memref<10000xi32, #tpu.memory_space<vmem>>, vector<16xi32>,
        %mul3A_163 = arith.constant 80 : i32
        %mul3A_164 = arith.muli %add3A_84, %mul3A_163 : i32
        %add3A_165 = arith.constant 64 : i32
        %add3A_166 = arith.addi %mul3A_164, %add3A_165 : i32
        %multiple_of3A_167 = tpu.assume_multiple %add3A_166, 16 : i32
        %get3A_168 = arith.index_cast %multiple_of3A_167 : i32 to index
        %get3A_169 = tpu.vector_load %arg11[%get3A_168] {strides = array<i32>} : memref<10000xi32, #tpu.memory_space<vmem>>, vector<16xi32>,
        %get3A_170 = vector.shape_cast %get3A_169 : vector<16xi32> to vector<16xi32>
        %get3A_171 = arith.index_cast %add3A_84 : i32 to index
        %get3A_172 = arith.constant 64 : index
        %get3A_173 = tpu.vector_load %arg12[%get3A_171, %get3A_172] {strides = array<i32>} : memref<125x80xi32, #tpu.memory_space<vmem>>, vector<1x16xi32>,
        %get3A_174 = vector.shape_cast %get3A_173 : vector<1x16xi32> to vector<16xi32>
        %mul3A_175 = arith.constant 10000 : i32
        %mul3A_176 = vector.broadcast %mul3A_175 : i32 to vector<16xi32>
        %mul3A_177 = arith.muli %get3A_174, %mul3A_176 : vector<16xi32>
        %add3A_178 = arith.addi %get3A_170, %mul3A_177 : vector<16xi32>
        %swap3A_179 = arith.index_cast %multiple_of3A_167 : i32 to index
        %swap3A_180 = tpu.vector_load %arg11[%swap3A_179] {strides = array<i32>} : memref<10000xi32, #tpu.memory_space<vmem>>, vector<16xi32>,
        %swap3A_181 = vector.shape_cast %swap3A_180 : vector<16xi32> to vector<16xi32>
        %swap3A_182 = vector.shape_cast %add3A_178 : vector<16xi32> to vector<16xi32>
        tpu.vector_store %arg11[%swap3A_179], %swap3A_182 {strides = array<i32>} : memref<10000xi32, #tpu.memory_space<vmem>>, vector<16xi32>,
      }
      %scan3A_62 = arith.constant 125 : i32
      "tpu.region"() ({
        %run_scoped3A_80 = tpu.sem_alloc : memref<!tpu.dma_semaphore, #tpu.memory_space<semaphore_mem>>
        %dma_start3A_81 = arith.constant 0 : i32
        %dma_start3A_82 = arith.constant 0 : i32
        %dma_start3A_83 = tpu.memref_slice %arg8[%add3A_50, %dma_start3A_81, %dma_start3A_82] : memref<32x125x80xi32, #tpu.memory_space<hbm>> -> memref<1x125x80xi32, #tpu.memory_space<hbm>>
        %dma_start3A_84 = tpu.memref_squeeze %dma_start3A_83 : memref<1x125x80xi32, #tpu.memory_space<hbm>> -> memref<125x80xi32, #tpu.memory_space<hbm>>
        %dma_start3A_85 = arith.constant 0 : i32
        %dma_start3A_86 = arith.constant 0 : i32
        %dma_start3A_87 = tpu.memref_slice %arg8[%add3A_50, %dma_start3A_85, %dma_start3A_86] : memref<32x125x80xi32, #tpu.memory_space<hbm>> -> memref<1x125x80xi32, #tpu.memory_space<hbm>>
        %dma_start3A_88 = tpu.memref_squeeze %dma_start3A_87 : memref<1x125x80xi32, #tpu.memory_space<hbm>> -> memref<125x80xi32, #tpu.memory_space<hbm>>
        tpu.enqueue_dma source(%dma_start3A_88 : memref<125x80xi32, #tpu.memory_space<hbm>>) target(%arg12 : memref<125x80xi32, #tpu.memory_space<vmem>>) target_semaphore(%run_scoped3A_80 : memref<!tpu.dma_semaphore, #tpu.memory_space<semaphore_mem>>)
        %dma_wait3A_89 = arith.constant 0 : i32
        %dma_wait3A_90 = arith.constant 0 : i32
        %dma_wait3A_91 = tpu.memref_slice %arg8[%add3A_50, %dma_wait3A_89, %dma_wait3A_90] : memref<32x125x80xi32, #tpu.memory_space<hbm>> -> memref<1x125x80xi32, #tpu.memory_space<hbm>>
        %dma_wait3A_92 = tpu.memref_squeeze %dma_wait3A_91 : memref<1x125x80xi32, #tpu.memory_space<hbm>> -> memref<125x80xi32, #tpu.memory_space<hbm>>
        %dma_wait3A_93 = arith.constant 0 : i32
        %dma_wait3A_94 = arith.constant 0 : i32
        %dma_wait3A_95 = tpu.memref_slice %arg8[%add3A_50, %dma_wait3A_93, %dma_wait3A_94] : memref<32x125x80xi32, #tpu.memory_space<hbm>> -> memref<1x125x80xi32, #tpu.memory_space<hbm>>
        %dma_wait3A_96 = tpu.memref_squeeze %dma_wait3A_95 : memref<1x125x80xi32, #tpu.memory_space<hbm>> -> memref<125x80xi32, #tpu.memory_space<hbm>>
        tpu.wait_dma2 semaphore(%run_scoped3A_80 : memref<!tpu.dma_semaphore, #tpu.memory_space<semaphore_mem>>) src(%dma_wait3A_96 : memref<125x80xi32, #tpu.memory_space<hbm>>) dst(%arg12 : memref<125x80xi32, #tpu.memory_space<vmem>>)
        tpu.yield
      }) : () -> ()
      %multiple_of3A_63 = arith.constant 0 : i32
      %multiple_of3A_64 = tpu.assume_multiple %multiple_of3A_63, 8 : i32
      %dma_start3A_65 = tpu.memref_slice %arg11[%multiple_of3A_64] : memref<10000xi32, #tpu.memory_space<vmem>> -> memref<80xi32, #tpu.memory_space<vmem>>
      %dma_start3A_66 = arith.constant 0 : i32
      %dma_start3A_67 = arith.constant 0 : i32
      %dma_start3A_68 = tpu.memref_slice %arg5[%dma_start3A_66, %dma_start3A_67] : memref<20000x128xf32, #tpu.memory_space<hbm>> -> memref<20000x128xf32, #tpu.memory_space<hbm>>
      tpu.enqueue_indirect_dma source(%dma_start3A_68 : memref<20000x128xf32, #tpu.memory_space<hbm>>) target(%arg13 : memref<80x128xf32, #tpu.memory_space<vmem>>) offsets(%dma_start3A_65 : memref<80xi32, #tpu.memory_space<vmem>>) semaphore(%arg17 : memref<!tpu.dma_semaphore, #tpu.memory_space<semaphore_mem>>)
      %scan3A_69 = arith.constant 0 : i32
      %scan3A_70 = arith.constant 62 : i32
      %scan3A_71 = arith.addi %scan3A_69, %scan3A_70 : i32
      %scan3A_72 = arith.constant 1 : i32
      scf.for %scan3A_80 = %scan3A_69 to %scan3A_71 step %scan3A_72  : i32 {
        %mul3A_81 = arith.constant 2 : i32
        %mul3A_82 = arith.muli %scan3A_80, %mul3A_81 : i32
        %add3A_83 = arith.constant 0 : i32
        %add3A_84 = arith.addi %add3A_83, %mul3A_82 : i32
        %add3A_85 = arith.constant 1 : i32
        %add3A_86 = arith.addi %add3A_84, %add3A_85 : i32
        %mul3A_87 = arith.constant 80 : i32
        %mul3A_88 = arith.muli %add3A_86, %mul3A_87 : i32
        %multiple_of3A_89 = tpu.assume_multiple %mul3A_88, 8 : i32
        %dma_start3A_90 = tpu.memref_slice %arg11[%multiple_of3A_89] : memref<10000xi32, #tpu.memory_space<vmem>> -> memref<80xi32, #tpu.memory_space<vmem>>
        %dma_start3A_91 = arith.constant 0 : i32
        %dma_start3A_92 = arith.constant 0 : i32
        %dma_start3A_93 = tpu.memref_slice %arg5[%dma_start3A_91, %dma_start3A_92] : memref<20000x128xf32, #tpu.memory_space<hbm>> -> memref<20000x128xf32, #tpu.memory_space<hbm>>
        tpu.enqueue_indirect_dma source(%dma_start3A_93 : memref<20000x128xf32, #tpu.memory_space<hbm>>) target(%arg14 : memref<80x128xf32, #tpu.memory_space<vmem>>) offsets(%dma_start3A_90 : memref<80xi32, #tpu.memory_space<vmem>>) semaphore(%arg18 : memref<!tpu.dma_semaphore, #tpu.memory_space<semaphore_mem>>)
        %dma_wait3A_94 = arith.constant 0 : i32
        %dma_wait3A_95 = tpu.memref_slice %arg11[%dma_wait3A_94] : memref<10000xi32, #tpu.memory_space<vmem>> -> memref<80xi32, #tpu.memory_space<vmem>>
        %dma_wait3A_96 = arith.constant 0 : i32
        %dma_wait3A_97 = arith.constant 0 : i32
        %dma_wait3A_98 = tpu.memref_slice %arg5[%dma_wait3A_96, %dma_wait3A_97] : memref<20000x128xf32, #tpu.memory_space<hbm>> -> memref<20000x128xf32, #tpu.memory_space<hbm>>
        tpu.wait_indirect_dma semaphore(%arg17 : memref<!tpu.dma_semaphore, #tpu.memory_space<semaphore_mem>>) src(%dma_wait3A_98 : memref<20000x128xf32, #tpu.memory_space<hbm>>) dst(%arg13 : memref<80x128xf32, #tpu.memory_space<vmem>>)
        "tpu.region"() ({
          %run_scoped3A_115 = tpu.sem_alloc : memref<!tpu.dma_semaphore, #tpu.memory_space<semaphore_mem>>
          %dma_start3A_116 = arith.constant 0 : i32
          %dma_start3A_117 = tpu.memref_slice %arg12[%add3A_84, %dma_start3A_116] : memref<125x80xi32, #tpu.memory_space<vmem>> -> memref<1x80xi32, #tpu.memory_space<vmem>>
          %dma_start3A_118 = tpu.memref_squeeze %dma_start3A_117 : memref<1x80xi32, #tpu.memory_space<vmem>> -> memref<80xi32, #tpu.memory_space<vmem>>
          %dma_start3A_119 = arith.constant 0 : i32
          %dma_start3A_120 = arith.constant 0 : i32
          %dma_start3A_121 = tpu.memref_slice %arg15[%dma_start3A_119, %dma_start3A_120] : memref<10000x128xf32, #tpu.memory_space<vmem_shared>> -> memref<10000x128xf32, #tpu.memory_space<vmem_shared>>
          tpu.enqueue_indirect_dma source(%arg13 : memref<80x128xf32, #tpu.memory_space<vmem>>) target(%dma_start3A_121 : memref<10000x128xf32, #tpu.memory_space<vmem_shared>>) offsets(%dma_start3A_118 : memref<80xi32, #tpu.memory_space<vmem>>) semaphore(%run_scoped3A_115 : memref<!tpu.dma_semaphore, #tpu.memory_space<semaphore_mem>>) {add = true}
          %dma_wait3A_122 = arith.constant 0 : i32
          %dma_wait3A_123 = tpu.memref_slice %arg12[%add3A_84, %dma_wait3A_122] : memref<125x80xi32, #tpu.memory_space<vmem>> -> memref<1x80xi32, #tpu.memory_space<vmem>>
          %dma_wait3A_124 = tpu.memref_squeeze %dma_wait3A_123 : memref<1x80xi32, #tpu.memory_space<vmem>> -> memref<80xi32, #tpu.memory_space<vmem>>
          %dma_wait3A_125 = arith.constant 0 : i32
          %dma_wait3A_126 = arith.constant 0 : i32
          %dma_wait3A_127 = tpu.memref_slice %arg15[%dma_wait3A_125, %dma_wait3A_126] : memref<10000x128xf32, #tpu.memory_space<vmem_shared>> -> memref<10000x128xf32, #tpu.memory_space<vmem_shared>>
          tpu.wait_indirect_dma semaphore(%run_scoped3A_115 : memref<!tpu.dma_semaphore, #tpu.memory_space<semaphore_mem>>) src(%arg13 : memref<80x128xf32, #tpu.memory_space<vmem>>) dst(%dma_wait3A_127 : memref<10000x128xf32, #tpu.memory_space<vmem_shared>>)
          tpu.yield
        }) : () -> ()
        %add3A_99 = arith.constant 2 : i32
        %add3A_100 = arith.addi %add3A_84, %add3A_99 : i32
        %mul3A_101 = arith.constant 80 : i32
        %mul3A_102 = arith.muli %add3A_100, %mul3A_101 : i32
        %multiple_of3A_103 = tpu.assume_multiple %mul3A_102, 8 : i32
        %dma_start3A_104 = tpu.memref_slice %arg11[%multiple_of3A_103] : memref<10000xi32, #tpu.memory_space<vmem>> -> memref<80xi32, #tpu.memory_space<vmem>>
        %dma_start3A_105 = arith.constant 0 : i32
        %dma_start3A_106 = arith.constant 0 : i32
        %dma_start3A_107 = tpu.memref_slice %arg5[%dma_start3A_105, %dma_start3A_106] : memref<20000x128xf32, #tpu.memory_space<hbm>> -> memref<20000x128xf32, #tpu.memory_space<hbm>>
        tpu.enqueue_indirect_dma source(%dma_start3A_107 : memref<20000x128xf32, #tpu.memory_space<hbm>>) target(%arg13 : memref<80x128xf32, #tpu.memory_space<vmem>>) offsets(%dma_start3A_104 : memref<80xi32, #tpu.memory_space<vmem>>) semaphore(%arg17 : memref<!tpu.dma_semaphore, #tpu.memory_space<semaphore_mem>>)
        %dma_wait3A_108 = arith.constant 0 : i32
        %dma_wait3A_109 = tpu.memref_slice %arg11[%dma_wait3A_108] : memref<10000xi32, #tpu.memory_space<vmem>> -> memref<80xi32, #tpu.memory_space<vmem>>
        %dma_wait3A_110 = arith.constant 0 : i32
        %dma_wait3A_111 = arith.constant 0 : i32
        %dma_wait3A_112 = tpu.memref_slice %arg5[%dma_wait3A_110, %dma_wait3A_111] : memref<20000x128xf32, #tpu.memory_space<hbm>> -> memref<20000x128xf32, #tpu.memory_space<hbm>>
        tpu.wait_indirect_dma semaphore(%arg18 : memref<!tpu.dma_semaphore, #tpu.memory_space<semaphore_mem>>) src(%dma_wait3A_112 : memref<20000x128xf32, #tpu.memory_space<hbm>>) dst(%arg14 : memref<80x128xf32, #tpu.memory_space<vmem>>)
        %add3A_113 = arith.constant 1 : i32
        %add3A_114 = arith.addi %add3A_84, %add3A_113 : i32
        "tpu.region"() ({
          %run_scoped3A_115 = tpu.sem_alloc : memref<!tpu.dma_semaphore, #tpu.memory_space<semaphore_mem>>
          %dma_start3A_116 = arith.constant 0 : i32
          %dma_start3A_117 = tpu.memref_slice %arg12[%add3A_114, %dma_start3A_116] : memref<125x80xi32, #tpu.memory_space<vmem>> -> memref<1x80xi32, #tpu.memory_space<vmem>>
          %dma_start3A_118 = tpu.memref_squeeze %dma_start3A_117 : memref<1x80xi32, #tpu.memory_space<vmem>> -> memref<80xi32, #tpu.memory_space<vmem>>
          %dma_start3A_119 = arith.constant 0 : i32
          %dma_start3A_120 = arith.constant 0 : i32
          %dma_start3A_121 = tpu.memref_slice %arg15[%dma_start3A_119, %dma_start3A_120] : memref<10000x128xf32, #tpu.memory_space<vmem_shared>> -> memref<10000x128xf32, #tpu.memory_space<vmem_shared>>
          tpu.enqueue_indirect_dma source(%arg14 : memref<80x128xf32, #tpu.memory_space<vmem>>) target(%dma_start3A_121 : memref<10000x128xf32, #tpu.memory_space<vmem_shared>>) offsets(%dma_start3A_118 : memref<80xi32, #tpu.memory_space<vmem>>) semaphore(%run_scoped3A_115 : memref<!tpu.dma_semaphore, #tpu.memory_space<semaphore_mem>>) {add = true}
          %dma_wait3A_122 = arith.constant 0 : i32
          %dma_wait3A_123 = tpu.memref_slice %arg12[%add3A_114, %dma_wait3A_122] : memref<125x80xi32, #tpu.memory_space<vmem>> -> memref<1x80xi32, #tpu.memory_space<vmem>>
          %dma_wait3A_124 = tpu.memref_squeeze %dma_wait3A_123 : memref<1x80xi32, #tpu.memory_space<vmem>> -> memref<80xi32, #tpu.memory_space<vmem>>
          %dma_wait3A_125 = arith.constant 0 : i32
          %dma_wait3A_126 = arith.constant 0 : i32
          %dma_wait3A_127 = tpu.memref_slice %arg15[%dma_wait3A_125, %dma_wait3A_126] : memref<10000x128xf32, #tpu.memory_space<vmem_shared>> -> memref<10000x128xf32, #tpu.memory_space<vmem_shared>>
          tpu.wait_indirect_dma semaphore(%run_scoped3A_115 : memref<!tpu.dma_semaphore, #tpu.memory_space<semaphore_mem>>) src(%arg14 : memref<80x128xf32, #tpu.memory_space<vmem>>) dst(%dma_wait3A_127 : memref<10000x128xf32, #tpu.memory_space<vmem_shared>>)
          tpu.yield
        }) : () -> ()
      }
      %scan3A_73 = arith.constant 62 : i32
      %dma_wait3A_74 = arith.constant 0 : i32
      %dma_wait3A_75 = tpu.memref_slice %arg11[%dma_wait3A_74] : memref<10000xi32, #tpu.memory_space<vmem>> -> memref<80xi32, #tpu.memory_space<vmem>>
      %dma_wait3A_76 = arith.constant 0 : i32
      %dma_wait3A_77 = arith.constant 0 : i32
      %dma_wait3A_78 = tpu.memref_slice %arg5[%dma_wait3A_76, %dma_wait3A_77] : memref<20000x128xf32, #tpu.memory_space<hbm>> -> memref<20000x128xf32, #tpu.memory_space<hbm>>
      tpu.wait_indirect_dma semaphore(%arg17 : memref<!tpu.dma_semaphore, #tpu.memory_space<semaphore_mem>>) src(%dma_wait3A_78 : memref<20000x128xf32, #tpu.memory_space<hbm>>) dst(%arg13 : memref<80x128xf32, #tpu.memory_space<vmem>>)
      %run_scoped3A_79 = arith.constant 124 : i32
      "tpu.region"() ({
        %run_scoped3A_80 = tpu.sem_alloc : memref<!tpu.dma_semaphore, #tpu.memory_space<semaphore_mem>>
        %dma_start3A_81 = arith.constant 0 : i32
        %dma_start3A_82 = tpu.memref_slice %arg12[%run_scoped3A_79, %dma_start3A_81] : memref<125x80xi32, #tpu.memory_space<vmem>> -> memref<1x80xi32, #tpu.memory_space<vmem>>
        %dma_start3A_83 = tpu.memref_squeeze %dma_start3A_82 : memref<1x80xi32, #tpu.memory_space<vmem>> -> memref<80xi32, #tpu.memory_space<vmem>>
        %dma_start3A_84 = arith.constant 0 : i32
        %dma_start3A_85 = arith.constant 0 : i32
        %dma_start3A_86 = tpu.memref_slice %arg15[%dma_start3A_84, %dma_start3A_85] : memref<10000x128xf32, #tpu.memory_space<vmem_shared>> -> memref<10000x128xf32, #tpu.memory_space<vmem_shared>>
        tpu.enqueue_indirect_dma source(%arg13 : memref<80x128xf32, #tpu.memory_space<vmem>>) target(%dma_start3A_86 : memref<10000x128xf32, #tpu.memory_space<vmem_shared>>) offsets(%dma_start3A_83 : memref<80xi32, #tpu.memory_space<vmem>>) semaphore(%run_scoped3A_80 : memref<!tpu.dma_semaphore, #tpu.memory_space<semaphore_mem>>) {add = true}
        %dma_wait3A_87 = arith.constant 0 : i32
        %dma_wait3A_88 = tpu.memref_slice %arg12[%run_scoped3A_79, %dma_wait3A_87] : memref<125x80xi32, #tpu.memory_space<vmem>> -> memref<1x80xi32, #tpu.memory_space<vmem>>
        %dma_wait3A_89 = tpu.memref_squeeze %dma_wait3A_88 : memref<1x80xi32, #tpu.memory_space<vmem>> -> memref<80xi32, #tpu.memory_space<vmem>>
        %dma_wait3A_90 = arith.constant 0 : i32
        %dma_wait3A_91 = arith.constant 0 : i32
        %dma_wait3A_92 = tpu.memref_slice %arg15[%dma_wait3A_90, %dma_wait3A_91] : memref<10000x128xf32, #tpu.memory_space<vmem_shared>> -> memref<10000x128xf32, #tpu.memory_space<vmem_shared>>
        tpu.wait_indirect_dma semaphore(%run_scoped3A_80 : memref<!tpu.dma_semaphore, #tpu.memory_space<semaphore_mem>>) src(%arg13 : memref<80x128xf32, #tpu.memory_space<vmem>>) dst(%dma_wait3A_92 : memref<10000x128xf32, #tpu.memory_space<vmem_shared>>)
        tpu.yield
      }) : () -> ()
    } else {
    }
    %barrier3A_26 = arith.constant 0 : index
    tpu.barrier barrier_id(%barrier3A_26)
    %lt3A_27 = arith.constant 15 : i32
    %lt3A_28 = arith.cmpi slt, %arg1, %lt3A_27 : i32
    %convert_element_type3A_29 = arith.extui %lt3A_28 : i1 to i32
    %cond3A_30 = arith.constant 0 : i32
    %cond3A_31 = arith.cmpi ne, %convert_element_type3A_29, %cond3A_30 : i32
    scf.if %cond3A_31 {
      %mul3A = arith.constant 632 : i32
      %mul3A_37 = arith.muli %arg1, %mul3A : i32
      %multiple_of3A = tpu.assume_multiple %mul3A_37, 8 : i32
      "tpu.region"() ({
        %run_scoped3A = tpu.sem_alloc : memref<!tpu.dma_semaphore, #tpu.memory_space<semaphore_mem>>
        %dma_start3A = arith.constant 0 : i32
        %dma_start3A_38 = arith.constant 0 : i32
        %dma_start3A_39 = tpu.memref_slice %arg10[%arg0, %dma_start3A, %dma_start3A_38] : memref<2x10000x128xf32, #tpu.memory_space<hbm>> -> memref<1x10000x128xf32, #tpu.memory_space<hbm>>
        %dma_start3A_40 = tpu.memref_squeeze %dma_start3A_39 : memref<1x10000x128xf32, #tpu.memory_space<hbm>> -> memref<10000x128xf32, #tpu.memory_space<hbm>>
        %dma_start3A_41 = arith.constant 0 : i32
        %dma_start3A_42 = tpu.memref_slice %dma_start3A_40[%multiple_of3A, %dma_start3A_41] : memref<10000x128xf32, #tpu.memory_space<hbm>> -> memref<632x128xf32, #tpu.memory_space<hbm>>
        %dma_start3A_43 = arith.constant 0 : i32
        %dma_start3A_44 = tpu.memref_slice %arg15[%multiple_of3A, %dma_start3A_43] : memref<10000x128xf32, #tpu.memory_space<vmem_shared>> -> memref<632x128xf32, #tpu.memory_space<vmem_shared>>
        tpu.enqueue_dma source(%dma_start3A_44 : memref<632x128xf32, #tpu.memory_space<vmem_shared>>) target(%dma_start3A_42 : memref<632x128xf32, #tpu.memory_space<hbm>>) target_semaphore(%run_scoped3A : memref<!tpu.dma_semaphore, #tpu.memory_space<semaphore_mem>>)
        %dma_wait3A = arith.constant 0 : i32
        %dma_wait3A_45 = arith.constant 0 : i32
        %dma_wait3A_46 = tpu.memref_slice %arg10[%arg0, %dma_wait3A, %dma_wait3A_45] : memref<2x10000x128xf32, #tpu.memory_space<hbm>> -> memref<1x10000x128xf32, #tpu.memory_space<hbm>>
        %dma_wait3A_47 = tpu.memref_squeeze %dma_wait3A_46 : memref<1x10000x128xf32, #tpu.memory_space<hbm>> -> memref<10000x128xf32, #tpu.memory_space<hbm>>
        %dma_wait3A_48 = arith.constant 0 : i32
        %dma_wait3A_49 = tpu.memref_slice %dma_wait3A_47[%multiple_of3A, %dma_wait3A_48] : memref<10000x128xf32, #tpu.memory_space<hbm>> -> memref<632x128xf32, #tpu.memory_space<hbm>>
        %dma_wait3A_50 = arith.constant 0 : i32
        %dma_wait3A_51 = tpu.memref_slice %arg15[%multiple_of3A, %dma_wait3A_50] : memref<10000x128xf32, #tpu.memory_space<vmem_shared>> -> memref<632x128xf32, #tpu.memory_space<vmem_shared>>
        tpu.wait_dma2 semaphore(%run_scoped3A : memref<!tpu.dma_semaphore, #tpu.memory_space<semaphore_mem>>) src(%dma_wait3A_51 : memref<632x128xf32, #tpu.memory_space<vmem_shared>>) dst(%dma_wait3A_49 : memref<632x128xf32, #tpu.memory_space<hbm>>)
        tpu.yield
      }) : () -> ()
    } else {
    }
    %eq3A_32 = arith.constant 15 : i32
    %eq3A_33 = arith.cmpi eq, %arg1, %eq3A_32 : i32
    %convert_element_type3A_34 = arith.extui %eq3A_33 : i1 to i32
    %cond3A_35 = arith.constant 0 : i32
    %cond3A_36 = arith.cmpi ne, %convert_element_type3A_34, %cond3A_35 : i32
    scf.if %cond3A_36 {
      "tpu.region"() ({
        %run_scoped3A = tpu.sem_alloc : memref<!tpu.dma_semaphore, #tpu.memory_space<semaphore_mem>>
        %dma_start3A = arith.constant 0 : i32
        %dma_start3A_37 = arith.constant 0 : i32
        %dma_start3A_38 = tpu.memref_slice %arg10[%arg0, %dma_start3A, %dma_start3A_37] : memref<2x10000x128xf32, #tpu.memory_space<hbm>> -> memref<1x10000x128xf32, #tpu.memory_space<hbm>>
        %dma_start3A_39 = tpu.memref_squeeze %dma_start3A_38 : memref<1x10000x128xf32, #tpu.memory_space<hbm>> -> memref<10000x128xf32, #tpu.memory_space<hbm>>
        %dma_start3A_40 = arith.constant 9480 : i32
        %dma_start3A_41 = arith.constant 0 : i32
        %dma_start3A_42 = tpu.memref_slice %dma_start3A_39[%dma_start3A_40, %dma_start3A_41] : memref<10000x128xf32, #tpu.memory_space<hbm>> -> memref<520x128xf32, #tpu.memory_space<hbm>>
        %dma_start3A_43 = arith.constant 9480 : i32
        %dma_start3A_44 = arith.constant 0 : i32
        %dma_start3A_45 = tpu.memref_slice %arg15[%dma_start3A_43, %dma_start3A_44] : memref<10000x128xf32, #tpu.memory_space<vmem_shared>> -> memref<520x128xf32, #tpu.memory_space<vmem_shared>>
        tpu.enqueue_dma source(%dma_start3A_45 : memref<520x128xf32, #tpu.memory_space<vmem_shared>>) target(%dma_start3A_42 : memref<520x128xf32, #tpu.memory_space<hbm>>) target_semaphore(%run_scoped3A : memref<!tpu.dma_semaphore, #tpu.memory_space<semaphore_mem>>)
        %dma_wait3A = arith.constant 0 : i32
        %dma_wait3A_46 = arith.constant 0 : i32
        %dma_wait3A_47 = tpu.memref_slice %arg10[%arg0, %dma_wait3A, %dma_wait3A_46] : memref<2x10000x128xf32, #tpu.memory_space<hbm>> -> memref<1x10000x128xf32, #tpu.memory_space<hbm>>
        %dma_wait3A_48 = tpu.memref_squeeze %dma_wait3A_47 : memref<1x10000x128xf32, #tpu.memory_space<hbm>> -> memref<10000x128xf32, #tpu.memory_space<hbm>>
        %dma_wait3A_49 = arith.constant 9480 : i32
        %dma_wait3A_50 = arith.constant 0 : i32
        %dma_wait3A_51 = tpu.memref_slice %dma_wait3A_48[%dma_wait3A_49, %dma_wait3A_50] : memref<10000x128xf32, #tpu.memory_space<hbm>> -> memref<520x128xf32, #tpu.memory_space<hbm>>
        %dma_wait3A_52 = arith.constant 9480 : i32
        %dma_wait3A_53 = arith.constant 0 : i32
        %dma_wait3A_54 = tpu.memref_slice %arg15[%dma_wait3A_52, %dma_wait3A_53] : memref<10000x128xf32, #tpu.memory_space<vmem_shared>> -> memref<520x128xf32, #tpu.memory_space<vmem_shared>>
        tpu.wait_dma2 semaphore(%run_scoped3A : memref<!tpu.dma_semaphore, #tpu.memory_space<semaphore_mem>>) src(%dma_wait3A_54 : memref<520x128xf32, #tpu.memory_space<vmem_shared>>) dst(%dma_wait3A_51 : memref<520x128xf32, #tpu.memory_space<hbm>>)
        tpu.yield
      }) : () -> ()
    } else {
    }
    return
  }
}

module attributes {stable_mosaic.version = 14 : i64} {
  func.func @body(%arg0: i32, %arg1: memref<2000x128xf32, #tpu.memory_space<vmem>>, %arg2: memref<2x128x128xf32, #tpu.memory_space<vmem>>, %arg3: memref<128x128xf32, #tpu.memory_space<vmem>>, %arg4: memref<2x2000x128xf32, #tpu.memory_space<vmem>>, %arg5: memref<2000x128xf32, #tpu.memory_space<vmem>>) attributes {dimension_semantics = [#tpu.dimension_semantics<arbitrary>], iteration_bounds = array<i64: 5>, scalar_prefetch = 0 : i64, scratch_operands = 0 : i64, tpu.core_type = #tpu.core_type<tc>, window_params = [{transform_indices = @transform_0, window_bounds = array<i64: 2000, 128>}, {pipeline_mode = #tpu.pipeline_mode<synchronous>, transform_indices = @transform_1, window_bounds = array<i64: 2, 128, 128>}, {pipeline_mode = #tpu.pipeline_mode<synchronous>, transform_indices = @transform_2, window_bounds = array<i64: 128, 128>}, {transform_indices = @transform_3, window_bounds = array<i64: 2, 2000, 128>}, {transform_indices = @transform_4, window_bounds = array<i64: 2000, 128>}]} {
    %get3A = arith.constant 0 : index
    %get3A_0 = arith.constant 0 : index
    %get3A_1 = vector.load %arg1[%get3A, %get3A_0] : memref<2000x128xf32, #tpu.memory_space<vmem>>, vector<2000x128xf32>
    %get3A_2 = arith.constant 0 : index
    %get3A_3 = arith.constant 0 : index
    %get3A_4 = arith.constant 0 : index
    %get3A_5 = vector.load %arg2[%get3A_2, %get3A_3, %get3A_4] : memref<2x128x128xf32, #tpu.memory_space<vmem>>, vector<1x128x128xf32>
    %get3A_6 = vector.shape_cast %get3A_5 : vector<1x128x128xf32> to vector<128x128xf32>
    %dot_general3A = arith.constant dense<0.000000e+00> : vector<2000x128xf32>
    %dot_general3A_7 = tpu.matmul %get3A_1, %get3A_6, %dot_general3A {dimension_numbers = #tpu.dot_dimension_numbers<[1], [0], [0], [1], [0, 0, 1, 1], [], []>, transpose_lhs_hint = false} : vector<2000x128xf32>, vector<128x128xf32>, vector<2000x128xf32> -> vector<2000x128xf32>
    %swap3A = arith.constant 0 : index
    %swap3A_8 = arith.constant 0 : index
    %swap3A_9 = arith.constant 0 : index
    %swap3A_10 = vector.load %arg4[%swap3A, %swap3A_8, %swap3A_9] : memref<2x2000x128xf32, #tpu.memory_space<vmem>>, vector<1x2000x128xf32>
    %swap3A_11 = vector.shape_cast %swap3A_10 : vector<1x2000x128xf32> to vector<2000x128xf32>
    %swap3A_12 = vector.shape_cast %dot_general3A_7 : vector<2000x128xf32> to vector<1x2000x128xf32>
    tpu.vector_store %arg4[%swap3A, %swap3A_8, %swap3A_9], %swap3A_12 {strides = array<i32>} : memref<2x2000x128xf32, #tpu.memory_space<vmem>>, vector<1x2000x128xf32>,
    %get3A_13 = arith.constant 1 : index
    %get3A_14 = arith.constant 0 : index
    %get3A_15 = arith.constant 0 : index
    %get3A_16 = vector.load %arg2[%get3A_13, %get3A_14, %get3A_15] : memref<2x128x128xf32, #tpu.memory_space<vmem>>, vector<1x128x128xf32>
    %get3A_17 = vector.shape_cast %get3A_16 : vector<1x128x128xf32> to vector<128x128xf32>
    %dot_general3A_18 = arith.constant dense<0.000000e+00> : vector<2000x128xf32>
    %dot_general3A_19 = tpu.matmul %get3A_1, %get3A_17, %dot_general3A_18 {dimension_numbers = #tpu.dot_dimension_numbers<[1], [0], [0], [1], [0, 0, 1, 1], [], []>, transpose_lhs_hint = false} : vector<2000x128xf32>, vector<128x128xf32>, vector<2000x128xf32> -> vector<2000x128xf32>
    %swap3A_20 = arith.constant 1 : index
    %swap3A_21 = arith.constant 0 : index
    %swap3A_22 = arith.constant 0 : index
    %swap3A_23 = vector.load %arg4[%swap3A_20, %swap3A_21, %swap3A_22] : memref<2x2000x128xf32, #tpu.memory_space<vmem>>, vector<1x2000x128xf32>
    %swap3A_24 = vector.shape_cast %swap3A_23 : vector<1x2000x128xf32> to vector<2000x128xf32>
    %swap3A_25 = vector.shape_cast %dot_general3A_19 : vector<2000x128xf32> to vector<1x2000x128xf32>
    tpu.vector_store %arg4[%swap3A_20, %swap3A_21, %swap3A_22], %swap3A_25 {strides = array<i32>} : memref<2x2000x128xf32, #tpu.memory_space<vmem>>, vector<1x2000x128xf32>,
    %get3A_26 = arith.constant 0 : index
    %get3A_27 = arith.constant 0 : index
    %get3A_28 = vector.load %arg3[%get3A_26, %get3A_27] : memref<128x128xf32, #tpu.memory_space<vmem>>, vector<128x128xf32>
    %dot_general3A_29 = arith.constant dense<0.000000e+00> : vector<2000x128xf32>
    %dot_general3A_30 = tpu.matmul %get3A_1, %get3A_28, %dot_general3A_29 {dimension_numbers = #tpu.dot_dimension_numbers<[1], [0], [0], [1], [0, 0, 1, 1], [], []>, transpose_lhs_hint = false} : vector<2000x128xf32>, vector<128x128xf32>, vector<2000x128xf32> -> vector<2000x128xf32>
    %swap3A_31 = arith.constant 0 : index
    %swap3A_32 = arith.constant 0 : index
    %swap3A_33 = vector.load %arg5[%swap3A_31, %swap3A_32] : memref<2000x128xf32, #tpu.memory_space<vmem>>, vector<2000x128xf32>
    tpu.vector_store %arg5[%swap3A_31, %swap3A_32], %dot_general3A_30 {strides = array<i32>} : memref<2000x128xf32, #tpu.memory_space<vmem>>, vector<2000x128xf32>,
    return
  }
  func.func @transform_0(%arg0: i32) -> (i32, i32) {
    %c0_i32 = arith.constant 0 : i32
    %c0_i32_0 = arith.constant 0 : i32
    return %arg0, %c0_i32 : i32, i32
  }
  func.func @transform_1(%arg0: i32) -> (i32, i32, i32) {
    %c0_i32 = arith.constant 0 : i32
    %c0_i32_0 = arith.constant 0 : i32
    %c0_i32_1 = arith.constant 0 : i32
    %c0_i32_2 = arith.constant 0 : i32
    return %c0_i32, %c0_i32_0, %c0_i32_1 : i32, i32, i32
  }
  func.func @transform_2(%arg0: i32) -> (i32, i32) {
    %c0_i32 = arith.constant 0 : i32
    %c0_i32_0 = arith.constant 0 : i32
    %c0_i32_1 = arith.constant 0 : i32
    return %c0_i32, %c0_i32_0 : i32, i32
  }
  func.func @transform_3(%arg0: i32) -> (i32, i32, i32) {
    %c0_i32 = arith.constant 0 : i32
    %c0_i32_0 = arith.constant 0 : i32
    %c0_i32_1 = arith.constant 0 : i32
    return %c0_i32, %arg0, %c0_i32_0 : i32, i32, i32
  }
  func.func @transform_4(%arg0: i32) -> (i32, i32) {
    %c0_i32 = arith.constant 0 : i32
    %c0_i32_0 = arith.constant 0 : i32
    return %arg0, %c0_i32 : i32, i32
  }
}

module attributes {stable_mosaic.version = 14 : i64} {
  func.func @body(%arg0: i32, %arg1: memref<1x2000x128xf32, #tpu.memory_space<vmem>>, %arg2: memref<128x128xf32, #tpu.memory_space<vmem>>, %arg3: memref<1x128xf32, #tpu.memory_space<vmem>>, %arg4: memref<2000x128xf32, #tpu.memory_space<vmem>>) attributes {dimension_semantics = [#tpu.dimension_semantics<arbitrary>], iteration_bounds = array<i64: 5>, scalar_prefetch = 0 : i64, scratch_operands = 0 : i64, tpu.core_type = #tpu.core_type<tc>, window_params = [{transform_indices = @transform_0, window_bounds = array<i64: 1, 2000, 128>}, {pipeline_mode = #tpu.pipeline_mode<synchronous>, transform_indices = @transform_1, window_bounds = array<i64: 128, 128>}, {pipeline_mode = #tpu.pipeline_mode<synchronous>, transform_indices = @transform_2, window_bounds = array<i64: 1, 128>}, {transform_indices = @transform_3, window_bounds = array<i64: 2000, 128>}]} {
    %get3A = arith.constant 0 : index
    %get3A_0 = arith.constant 0 : index
    %get3A_1 = arith.constant 0 : index
    %get3A_2 = vector.load %arg1[%get3A, %get3A_0, %get3A_1] : memref<1x2000x128xf32, #tpu.memory_space<vmem>>, vector<1x2000x128xf32>
    %get3A_3 = vector.shape_cast %get3A_2 : vector<1x2000x128xf32> to vector<2000x128xf32>
    %get3A_4 = arith.constant 0 : index
    %get3A_5 = arith.constant 0 : index
    %get3A_6 = vector.load %arg2[%get3A_4, %get3A_5] : memref<128x128xf32, #tpu.memory_space<vmem>>, vector<128x128xf32>
    %dot_general3A = arith.constant dense<0.000000e+00> : vector<2000x128xf32>
    %dot_general3A_7 = tpu.matmul %get3A_3, %get3A_6, %dot_general3A {dimension_numbers = #tpu.dot_dimension_numbers<[1], [0], [0], [1], [0, 0, 1, 1], [], []>, transpose_lhs_hint = false} : vector<2000x128xf32>, vector<128x128xf32>, vector<2000x128xf32> -> vector<2000x128xf32>
    %get3A_8 = arith.constant 0 : index
    %get3A_9 = arith.constant 0 : index
    %get3A_10 = vector.load %arg3[%get3A_8, %get3A_9] : memref<1x128xf32, #tpu.memory_space<vmem>>, vector<1x128xf32>
    %add3A = vector.broadcast %get3A_10 : vector<1x128xf32> to vector<2000x128xf32>
    %add3A_11 = arith.addf %dot_general3A_7, %add3A : vector<2000x128xf32>
    %tanh3A = math.tanh %add3A_11 : vector<2000x128xf32>
    %swap3A = arith.constant 0 : index
    %swap3A_12 = arith.constant 0 : index
    %swap3A_13 = vector.load %arg4[%swap3A, %swap3A_12] : memref<2000x128xf32, #tpu.memory_space<vmem>>, vector<2000x128xf32>
    tpu.vector_store %arg4[%swap3A, %swap3A_12], %tanh3A {strides = array<i32>} : memref<2000x128xf32, #tpu.memory_space<vmem>>, vector<2000x128xf32>,
    return
  }
  func.func @transform_0(%arg0: i32) -> (i32, i32, i32) {
    %c0_i32 = arith.constant 0 : i32
    %c0_i32_0 = arith.constant 0 : i32
    %c0_i32_1 = arith.constant 0 : i32
    return %c0_i32, %arg0, %c0_i32_0 : i32, i32, i32
  }
  func.func @transform_1(%arg0: i32) -> (i32, i32) {
    %c0_i32 = arith.constant 0 : i32
    %c0_i32_0 = arith.constant 0 : i32
    %c0_i32_1 = arith.constant 0 : i32
    return %c0_i32, %c0_i32_0 : i32, i32
  }
  func.func @transform_2(%arg0: i32) -> (i32, i32) {
    %c0_i32 = arith.constant 0 : i32
    %c0_i32_0 = arith.constant 0 : i32
    %c0_i32_1 = arith.constant 0 : i32
    return %c0_i32, %c0_i32_0 : i32, i32
  }
  func.func @transform_3(%arg0: i32) -> (i32, i32) {
    %c0_i32 = arith.constant 0 : i32
    %c0_i32_0 = arith.constant 0 : i32
    return %arg0, %c0_i32 : i32, i32
  }
}

module attributes {stable_mosaic.version = 14 : i64} {
  func.func @body(%arg0: i32, %arg1: memref<1x2000x128xf32, #tpu.memory_space<vmem>>, %arg2: memref<128x128xf32, #tpu.memory_space<vmem>>, %arg3: memref<1x128xf32, #tpu.memory_space<vmem>>, %arg4: memref<2000x128xf32, #tpu.memory_space<vmem>>) attributes {dimension_semantics = [#tpu.dimension_semantics<arbitrary>], iteration_bounds = array<i64: 5>, scalar_prefetch = 0 : i64, scratch_operands = 0 : i64, tpu.core_type = #tpu.core_type<tc>, window_params = [{transform_indices = @transform_0, window_bounds = array<i64: 1, 2000, 128>}, {pipeline_mode = #tpu.pipeline_mode<synchronous>, transform_indices = @transform_1, window_bounds = array<i64: 128, 128>}, {pipeline_mode = #tpu.pipeline_mode<synchronous>, transform_indices = @transform_2, window_bounds = array<i64: 1, 128>}, {transform_indices = @transform_3, window_bounds = array<i64: 2000, 128>}]} {
    %get3A = arith.constant 0 : index
    %get3A_0 = arith.constant 0 : index
    %get3A_1 = arith.constant 0 : index
    %get3A_2 = vector.load %arg1[%get3A, %get3A_0, %get3A_1] : memref<1x2000x128xf32, #tpu.memory_space<vmem>>, vector<1x2000x128xf32>
    %get3A_3 = vector.shape_cast %get3A_2 : vector<1x2000x128xf32> to vector<2000x128xf32>
    %get3A_4 = arith.constant 0 : index
    %get3A_5 = arith.constant 0 : index
    %get3A_6 = vector.load %arg2[%get3A_4, %get3A_5] : memref<128x128xf32, #tpu.memory_space<vmem>>, vector<128x128xf32>
    %dot_general3A = arith.constant dense<0.000000e+00> : vector<2000x128xf32>
    %dot_general3A_7 = tpu.matmul %get3A_3, %get3A_6, %dot_general3A {dimension_numbers = #tpu.dot_dimension_numbers<[1], [0], [0], [1], [0, 0, 1, 1], [], []>, transpose_lhs_hint = false} : vector<2000x128xf32>, vector<128x128xf32>, vector<2000x128xf32> -> vector<2000x128xf32>
    %get3A_8 = arith.constant 0 : index
    %get3A_9 = arith.constant 0 : index
    %get3A_10 = vector.load %arg3[%get3A_8, %get3A_9] : memref<1x128xf32, #tpu.memory_space<vmem>>, vector<1x128xf32>
    %add3A = vector.broadcast %get3A_10 : vector<1x128xf32> to vector<2000x128xf32>
    %add3A_11 = arith.addf %dot_general3A_7, %add3A : vector<2000x128xf32>
    %tanh3A = math.tanh %add3A_11 : vector<2000x128xf32>
    %swap3A = arith.constant 0 : index
    %swap3A_12 = arith.constant 0 : index
    %swap3A_13 = vector.load %arg4[%swap3A, %swap3A_12] : memref<2000x128xf32, #tpu.memory_space<vmem>>, vector<2000x128xf32>
    tpu.vector_store %arg4[%swap3A, %swap3A_12], %tanh3A {strides = array<i32>} : memref<2000x128xf32, #tpu.memory_space<vmem>>, vector<2000x128xf32>,
    return
  }
  func.func @transform_0(%arg0: i32) -> (i32, i32, i32) {
    %c1_i32 = arith.constant 1 : i32
    %c0_i32 = arith.constant 0 : i32
    %c0_i32_0 = arith.constant 0 : i32
    return %c1_i32, %arg0, %c0_i32 : i32, i32, i32
  }
  func.func @transform_1(%arg0: i32) -> (i32, i32) {
    %c0_i32 = arith.constant 0 : i32
    %c0_i32_0 = arith.constant 0 : i32
    %c0_i32_1 = arith.constant 0 : i32
    return %c0_i32, %c0_i32_0 : i32, i32
  }
  func.func @transform_2(%arg0: i32) -> (i32, i32) {
    %c0_i32 = arith.constant 0 : i32
    %c0_i32_0 = arith.constant 0 : i32
    %c0_i32_1 = arith.constant 0 : i32
    return %c0_i32, %c0_i32_0 : i32, i32
  }
  func.func @transform_3(%arg0: i32) -> (i32, i32) {
    %c0_i32 = arith.constant 0 : i32
    %c0_i32_0 = arith.constant 0 : i32
    return %arg0, %c0_i32 : i32, i32
  }
}

module attributes {stable_mosaic.version = 14 : i64} {
  func.func @body(%arg0: i32, %arg1: memref<1x2000x128xf32, #tpu.memory_space<vmem>>, %arg2: memref<2000x128xf32, #tpu.memory_space<vmem>>, %arg3: memref<1x128xf32, #tpu.memory_space<vmem>>, %arg4: memref<2x128x128xf32, #tpu.memory_space<vmem>>, %arg5: memref<128x128xf32, #tpu.memory_space<vmem>>, %arg6: memref<2x2000x128xf32, #tpu.memory_space<vmem>>, %arg7: memref<2000x128xf32, #tpu.memory_space<vmem>>) attributes {dimension_semantics = [#tpu.dimension_semantics<arbitrary>], iteration_bounds = array<i64: 5>, scalar_prefetch = 0 : i64, scratch_operands = 0 : i64, tpu.core_type = #tpu.core_type<tc>, window_params = [{transform_indices = @transform_0, window_bounds = array<i64: 1, 2000, 128>}, {transform_indices = @transform_1, window_bounds = array<i64: 2000, 128>}, {pipeline_mode = #tpu.pipeline_mode<synchronous>, transform_indices = @transform_2, window_bounds = array<i64: 1, 128>}, {pipeline_mode = #tpu.pipeline_mode<synchronous>, transform_indices = @transform_3, window_bounds = array<i64: 2, 128, 128>}, {pipeline_mode = #tpu.pipeline_mode<synchronous>, transform_indices = @transform_4, window_bounds = array<i64: 128, 128>}, {transform_indices = @transform_5, window_bounds = array<i64: 2, 2000, 128>}, {transform_indices = @transform_6, window_bounds = array<i64: 2000, 128>}]} {
    %get3A = arith.constant 0 : index
    %get3A_0 = arith.constant 0 : index
    %get3A_1 = arith.constant 0 : index
    %get3A_2 = vector.load %arg1[%get3A, %get3A_0, %get3A_1] : memref<1x2000x128xf32, #tpu.memory_space<vmem>>, vector<1x2000x128xf32>
    %get3A_3 = vector.shape_cast %get3A_2 : vector<1x2000x128xf32> to vector<2000x128xf32>
    %get3A_4 = arith.constant 0 : index
    %get3A_5 = arith.constant 0 : index
    %get3A_6 = vector.load %arg2[%get3A_4, %get3A_5] : memref<2000x128xf32, #tpu.memory_space<vmem>>, vector<2000x128xf32>
    %add3A = arith.addf %get3A_3, %get3A_6 : vector<2000x128xf32>
    %get3A_7 = arith.constant 0 : index
    %get3A_8 = arith.constant 0 : index
    %get3A_9 = vector.load %arg3[%get3A_7, %get3A_8] : memref<1x128xf32, #tpu.memory_space<vmem>>, vector<1x128xf32>
    %add3A_10 = vector.broadcast %get3A_9 : vector<1x128xf32> to vector<2000x128xf32>
    %add3A_11 = arith.addf %add3A, %add3A_10 : vector<2000x128xf32>
    %tanh3A = math.tanh %add3A_11 : vector<2000x128xf32>
    %get3A_12 = arith.constant 0 : index
    %get3A_13 = arith.constant 0 : index
    %get3A_14 = arith.constant 0 : index
    %get3A_15 = vector.load %arg4[%get3A_12, %get3A_13, %get3A_14] : memref<2x128x128xf32, #tpu.memory_space<vmem>>, vector<1x128x128xf32>
    %get3A_16 = vector.shape_cast %get3A_15 : vector<1x128x128xf32> to vector<128x128xf32>
    %dot_general3A = arith.constant dense<0.000000e+00> : vector<2000x128xf32>
    %dot_general3A_17 = tpu.matmul %tanh3A, %get3A_16, %dot_general3A {dimension_numbers = #tpu.dot_dimension_numbers<[1], [0], [0], [1], [0, 0, 1, 1], [], []>, transpose_lhs_hint = false} : vector<2000x128xf32>, vector<128x128xf32>, vector<2000x128xf32> -> vector<2000x128xf32>
    %swap3A = arith.constant 0 : index
    %swap3A_18 = arith.constant 0 : index
    %swap3A_19 = arith.constant 0 : index
    %swap3A_20 = vector.load %arg6[%swap3A, %swap3A_18, %swap3A_19] : memref<2x2000x128xf32, #tpu.memory_space<vmem>>, vector<1x2000x128xf32>
    %swap3A_21 = vector.shape_cast %swap3A_20 : vector<1x2000x128xf32> to vector<2000x128xf32>
    %swap3A_22 = vector.shape_cast %dot_general3A_17 : vector<2000x128xf32> to vector<1x2000x128xf32>
    tpu.vector_store %arg6[%swap3A, %swap3A_18, %swap3A_19], %swap3A_22 {strides = array<i32>} : memref<2x2000x128xf32, #tpu.memory_space<vmem>>, vector<1x2000x128xf32>,
    %get3A_23 = arith.constant 1 : index
    %get3A_24 = arith.constant 0 : index
    %get3A_25 = arith.constant 0 : index
    %get3A_26 = vector.load %arg4[%get3A_23, %get3A_24, %get3A_25] : memref<2x128x128xf32, #tpu.memory_space<vmem>>, vector<1x128x128xf32>
    %get3A_27 = vector.shape_cast %get3A_26 : vector<1x128x128xf32> to vector<128x128xf32>
    %dot_general3A_28 = arith.constant dense<0.000000e+00> : vector<2000x128xf32>
    %dot_general3A_29 = tpu.matmul %tanh3A, %get3A_27, %dot_general3A_28 {dimension_numbers = #tpu.dot_dimension_numbers<[1], [0], [0], [1], [0, 0, 1, 1], [], []>, transpose_lhs_hint = false} : vector<2000x128xf32>, vector<128x128xf32>, vector<2000x128xf32> -> vector<2000x128xf32>
    %swap3A_30 = arith.constant 1 : index
    %swap3A_31 = arith.constant 0 : index
    %swap3A_32 = arith.constant 0 : index
    %swap3A_33 = vector.load %arg6[%swap3A_30, %swap3A_31, %swap3A_32] : memref<2x2000x128xf32, #tpu.memory_space<vmem>>, vector<1x2000x128xf32>
    %swap3A_34 = vector.shape_cast %swap3A_33 : vector<1x2000x128xf32> to vector<2000x128xf32>
    %swap3A_35 = vector.shape_cast %dot_general3A_29 : vector<2000x128xf32> to vector<1x2000x128xf32>
    tpu.vector_store %arg6[%swap3A_30, %swap3A_31, %swap3A_32], %swap3A_35 {strides = array<i32>} : memref<2x2000x128xf32, #tpu.memory_space<vmem>>, vector<1x2000x128xf32>,
    %get3A_36 = arith.constant 0 : index
    %get3A_37 = arith.constant 0 : index
    %get3A_38 = vector.load %arg5[%get3A_36, %get3A_37] : memref<128x128xf32, #tpu.memory_space<vmem>>, vector<128x128xf32>
    %dot_general3A_39 = arith.constant dense<0.000000e+00> : vector<2000x128xf32>
    %dot_general3A_40 = tpu.matmul %tanh3A, %get3A_38, %dot_general3A_39 {dimension_numbers = #tpu.dot_dimension_numbers<[1], [0], [0], [1], [0, 0, 1, 1], [], []>, transpose_lhs_hint = false} : vector<2000x128xf32>, vector<128x128xf32>, vector<2000x128xf32> -> vector<2000x128xf32>
    %swap3A_41 = arith.constant 0 : index
    %swap3A_42 = arith.constant 0 : index
    %swap3A_43 = vector.load %arg7[%swap3A_41, %swap3A_42] : memref<2000x128xf32, #tpu.memory_space<vmem>>, vector<2000x128xf32>
    tpu.vector_store %arg7[%swap3A_41, %swap3A_42], %dot_general3A_40 {strides = array<i32>} : memref<2000x128xf32, #tpu.memory_space<vmem>>, vector<2000x128xf32>,
    return
  }
  func.func @transform_0(%arg0: i32) -> (i32, i32, i32) {
    %c1_i32 = arith.constant 1 : i32
    %c0_i32 = arith.constant 0 : i32
    %c0_i32_0 = arith.constant 0 : i32
    return %c1_i32, %arg0, %c0_i32 : i32, i32, i32
  }
  func.func @transform_1(%arg0: i32) -> (i32, i32) {
    %c0_i32 = arith.constant 0 : i32
    %c0_i32_0 = arith.constant 0 : i32
    return %arg0, %c0_i32 : i32, i32
  }
  func.func @transform_2(%arg0: i32) -> (i32, i32) {
    %c0_i32 = arith.constant 0 : i32
    %c0_i32_0 = arith.constant 0 : i32
    %c0_i32_1 = arith.constant 0 : i32
    return %c0_i32, %c0_i32_0 : i32, i32
  }
  func.func @transform_3(%arg0: i32) -> (i32, i32, i32) {
    %c0_i32 = arith.constant 0 : i32
    %c0_i32_0 = arith.constant 0 : i32
    %c0_i32_1 = arith.constant 0 : i32
    %c0_i32_2 = arith.constant 0 : i32
    return %c0_i32, %c0_i32_0, %c0_i32_1 : i32, i32, i32
  }
  func.func @transform_4(%arg0: i32) -> (i32, i32) {
    %c0_i32 = arith.constant 0 : i32
    %c0_i32_0 = arith.constant 0 : i32
    %c0_i32_1 = arith.constant 0 : i32
    return %c0_i32, %c0_i32_0 : i32, i32
  }
  func.func @transform_5(%arg0: i32) -> (i32, i32, i32) {
    %c0_i32 = arith.constant 0 : i32
    %c0_i32_0 = arith.constant 0 : i32
    %c0_i32_1 = arith.constant 0 : i32
    return %c0_i32, %arg0, %c0_i32_0 : i32, i32, i32
  }
  func.func @transform_6(%arg0: i32) -> (i32, i32) {
    %c0_i32 = arith.constant 0 : i32
    %c0_i32_0 = arith.constant 0 : i32
    return %arg0, %c0_i32 : i32, i32
  }
}

module attributes {stable_mosaic.version = 14 : i64} {
  func.func @body(%arg0: i32, %arg1: memref<1x2000x128xf32, #tpu.memory_space<vmem>>, %arg2: memref<128x128xf32, #tpu.memory_space<vmem>>, %arg3: memref<1x128xf32, #tpu.memory_space<vmem>>, %arg4: memref<2000x128xf32, #tpu.memory_space<vmem>>) attributes {dimension_semantics = [#tpu.dimension_semantics<arbitrary>], iteration_bounds = array<i64: 5>, scalar_prefetch = 0 : i64, scratch_operands = 0 : i64, tpu.core_type = #tpu.core_type<tc>, window_params = [{transform_indices = @transform_0, window_bounds = array<i64: 1, 2000, 128>}, {pipeline_mode = #tpu.pipeline_mode<synchronous>, transform_indices = @transform_1, window_bounds = array<i64: 128, 128>}, {pipeline_mode = #tpu.pipeline_mode<synchronous>, transform_indices = @transform_2, window_bounds = array<i64: 1, 128>}, {transform_indices = @transform_3, window_bounds = array<i64: 2000, 128>}]} {
    %get3A = arith.constant 0 : index
    %get3A_0 = arith.constant 0 : index
    %get3A_1 = arith.constant 0 : index
    %get3A_2 = vector.load %arg1[%get3A, %get3A_0, %get3A_1] : memref<1x2000x128xf32, #tpu.memory_space<vmem>>, vector<1x2000x128xf32>
    %get3A_3 = vector.shape_cast %get3A_2 : vector<1x2000x128xf32> to vector<2000x128xf32>
    %get3A_4 = arith.constant 0 : index
    %get3A_5 = arith.constant 0 : index
    %get3A_6 = vector.load %arg2[%get3A_4, %get3A_5] : memref<128x128xf32, #tpu.memory_space<vmem>>, vector<128x128xf32>
    %dot_general3A = arith.constant dense<0.000000e+00> : vector<2000x128xf32>
    %dot_general3A_7 = tpu.matmul %get3A_3, %get3A_6, %dot_general3A {dimension_numbers = #tpu.dot_dimension_numbers<[1], [0], [0], [1], [0, 0, 1, 1], [], []>, transpose_lhs_hint = false} : vector<2000x128xf32>, vector<128x128xf32>, vector<2000x128xf32> -> vector<2000x128xf32>
    %get3A_8 = arith.constant 0 : index
    %get3A_9 = arith.constant 0 : index
    %get3A_10 = vector.load %arg3[%get3A_8, %get3A_9] : memref<1x128xf32, #tpu.memory_space<vmem>>, vector<1x128xf32>
    %add3A = vector.broadcast %get3A_10 : vector<1x128xf32> to vector<2000x128xf32>
    %add3A_11 = arith.addf %dot_general3A_7, %add3A : vector<2000x128xf32>
    %tanh3A = math.tanh %add3A_11 : vector<2000x128xf32>
    %swap3A = arith.constant 0 : index
    %swap3A_12 = arith.constant 0 : index
    %swap3A_13 = vector.load %arg4[%swap3A, %swap3A_12] : memref<2000x128xf32, #tpu.memory_space<vmem>>, vector<2000x128xf32>
    tpu.vector_store %arg4[%swap3A, %swap3A_12], %tanh3A {strides = array<i32>} : memref<2000x128xf32, #tpu.memory_space<vmem>>, vector<2000x128xf32>,
    return
  }
  func.func @transform_0(%arg0: i32) -> (i32, i32, i32) {
    %c0_i32 = arith.constant 0 : i32
    %c0_i32_0 = arith.constant 0 : i32
    %c0_i32_1 = arith.constant 0 : i32
    return %c0_i32, %arg0, %c0_i32_0 : i32, i32, i32
  }
  func.func @transform_1(%arg0: i32) -> (i32, i32) {
    %c0_i32 = arith.constant 0 : i32
    %c0_i32_0 = arith.constant 0 : i32
    %c0_i32_1 = arith.constant 0 : i32
    return %c0_i32, %c0_i32_0 : i32, i32
  }
  func.func @transform_2(%arg0: i32) -> (i32, i32) {
    %c0_i32 = arith.constant 0 : i32
    %c0_i32_0 = arith.constant 0 : i32
    %c0_i32_1 = arith.constant 0 : i32
    return %c0_i32, %c0_i32_0 : i32, i32
  }
  func.func @transform_3(%arg0: i32) -> (i32, i32) {
    %c0_i32 = arith.constant 0 : i32
    %c0_i32_0 = arith.constant 0 : i32
    return %arg0, %c0_i32 : i32, i32
  }
}

module attributes {stable_mosaic.version = 14 : i64} {
  func.func @body(%arg0: i32, %arg1: memref<1x2000x128xf32, #tpu.memory_space<vmem>>, %arg2: memref<2000x128xf32, #tpu.memory_space<vmem>>, %arg3: memref<1x128xf32, #tpu.memory_space<vmem>>, %arg4: memref<2000x128xf32, #tpu.memory_space<vmem>>) attributes {dimension_semantics = [#tpu.dimension_semantics<arbitrary>], iteration_bounds = array<i64: 5>, scalar_prefetch = 0 : i64, scratch_operands = 0 : i64, tpu.core_type = #tpu.core_type<tc>, window_params = [{transform_indices = @transform_0, window_bounds = array<i64: 1, 2000, 128>}, {transform_indices = @transform_1, window_bounds = array<i64: 2000, 128>}, {pipeline_mode = #tpu.pipeline_mode<synchronous>, transform_indices = @transform_2, window_bounds = array<i64: 1, 128>}, {transform_indices = @transform_3, window_bounds = array<i64: 2000, 128>}]} {
    %get3A = arith.constant 0 : index
    %get3A_0 = arith.constant 0 : index
    %get3A_1 = arith.constant 0 : index
    %get3A_2 = vector.load %arg1[%get3A, %get3A_0, %get3A_1] : memref<1x2000x128xf32, #tpu.memory_space<vmem>>, vector<1x2000x128xf32>
    %get3A_3 = vector.shape_cast %get3A_2 : vector<1x2000x128xf32> to vector<2000x128xf32>
    %get3A_4 = arith.constant 0 : index
    %get3A_5 = arith.constant 0 : index
    %get3A_6 = vector.load %arg2[%get3A_4, %get3A_5] : memref<2000x128xf32, #tpu.memory_space<vmem>>, vector<2000x128xf32>
    %add3A = arith.addf %get3A_3, %get3A_6 : vector<2000x128xf32>
    %get3A_7 = arith.constant 0 : index
    %get3A_8 = arith.constant 0 : index
    %get3A_9 = vector.load %arg3[%get3A_7, %get3A_8] : memref<1x128xf32, #tpu.memory_space<vmem>>, vector<1x128xf32>
    %add3A_10 = vector.broadcast %get3A_9 : vector<1x128xf32> to vector<2000x128xf32>
    %add3A_11 = arith.addf %add3A, %add3A_10 : vector<2000x128xf32>
    %tanh3A = math.tanh %add3A_11 : vector<2000x128xf32>
    %swap3A = arith.constant 0 : index
    %swap3A_12 = arith.constant 0 : index
    %swap3A_13 = vector.load %arg4[%swap3A, %swap3A_12] : memref<2000x128xf32, #tpu.memory_space<vmem>>, vector<2000x128xf32>
    tpu.vector_store %arg4[%swap3A, %swap3A_12], %tanh3A {strides = array<i32>} : memref<2000x128xf32, #tpu.memory_space<vmem>>, vector<2000x128xf32>,
    return
  }
  func.func @transform_0(%arg0: i32) -> (i32, i32, i32) {
    %c1_i32 = arith.constant 1 : i32
    %c0_i32 = arith.constant 0 : i32
    %c0_i32_0 = arith.constant 0 : i32
    return %c1_i32, %arg0, %c0_i32 : i32, i32, i32
  }
  func.func @transform_1(%arg0: i32) -> (i32, i32) {
    %c0_i32 = arith.constant 0 : i32
    %c0_i32_0 = arith.constant 0 : i32
    return %arg0, %c0_i32 : i32, i32
  }
  func.func @transform_2(%arg0: i32) -> (i32, i32) {
    %c0_i32 = arith.constant 0 : i32
    %c0_i32_0 = arith.constant 0 : i32
    %c0_i32_1 = arith.constant 0 : i32
    return %c0_i32, %c0_i32_0 : i32, i32
  }
  func.func @transform_3(%arg0: i32) -> (i32, i32) {
    %c0_i32 = arith.constant 0 : i32
    %c0_i32_0 = arith.constant 0 : i32
    return %arg0, %c0_i32 : i32, i32
  }
}

</mosaic_0001>

<sc_bundles>
// kernel: kernel.12.cloned.1.call-start
scs
__scs_entry_jumppad:
0x0: {  	(pc) =	sbr.rel $0x88, $3  }
0x1: {  	(tag) =	ssettag $0x0;
	lr =	simm.s32 $0x1  }
0x2: {  	[smem:$0x3F8E] =	sst lr;
	_ =	strace $0xD0000000  }
0x3: {  	_ = 	snop  }
0x4: {  	_ = 	snop  }
0x5: {  	_ = 	snop  }
0x6: {  	_ = 	snop  }
0x7: {  	_ = 	snop  }
__scs_overlays_trampoline_lowered:
0x8: {  	[smem:$0x3F9D] =	sst s0  }
0x9: {  	[smem:$0x3F9E] =	sst s1  }
0xa: {  	[smem:$0x3F9F] =	sst s2  }
0xb: {  	[smem:$0x3FA0] =	sst s3  }
0xc: {  	[smem:$0x3FA1] =	sst s4  }
0xd: {  	[smem:$0x3FA2] =	sst s5  }
0xe: {  	[smem:$0x3FA3] =	sst s6  }
0xf: {  	[smem:$0x3FA4] =	sst s7  }
0x10: {  	[smem:$0x3FA5] =	sst s8  }
0x11: {  	[smem:$0x3FA6] =	sst s9;
	s0 =	simm.s32 @!p0 $0x0  }
0x12: {  	s1 =	sld [smem:$0x3F8C];
	s0 =	simm.s32 @p0 $0x1  }
0x13: {  	[smem:$0x3FA7] =	sst s0;
	s0 =	simm.s32 @!p1 $0x0  }
0x14: {  	s2 =	sld [smem:$0x3F8B];
	s0 =	simm.s32 @p1 $0x1  }
0x15: {  	[smem:$0x3FA8] =	sst s0;
	s0 =	simm.s32 @!p2 $0x0  }
0x16: {  	s3 =	sld [smem:$0x3FDB];
	s0 =	simm.s32 @p2 $0x1  }
0x17: {  	s4 =	simm.s32 $0x1BF5;
	[smem:$0x3FAA] =	sst s0  }
0x18: {  	s0 =	sld [smem:$0x3F8D];
	_ =	swait.ge [sflag:s4], $0x0  }
0x19: {  	s7 =	sld [smem:$0x3F8E]  }
0x1a: {  	s8 =	sadd.s32 $0xFFFFE003, lr  }
0x1b: {  	s9 =	sadd.s32 $0xFFFFFEF7, lr;
	s5 =	simm.s32 $0xFFFFFFFF;
	p2 =	slt.u32 s8, $0xFFFFF086  }
0x1c: {  	p1 =	slt.u32 s9, $0xF7A;
	s5 =	simm.s32 @!p2 $0x0  }
0x1d: {  	s5 =	simm.s32 @p1 $0x1;
	p0 =	seq.s32 s7, s2  }
0x1e: {  	s7 =	smul.u32 @!p0 $0xF7A, s2;
	p2 =	seq.s32 @!p0 s5, $0x0  }
0x1f: {  	s9 =	smul.u32 $0xF7A, s1;
	s8 =	simm.s32 @!p0 $0x1BF5;
	p2 =	por !p2, p0  }
0x20: {  	[sflag:s8] =	ssyncset.s32 @!p0 $0xFFFFF086;
	s6 =	sadd.s32 @!p0 s3, s7;
	s7 =	simm.s32 @!p0 $0x108  }
0x21: {  	s3 =	sadd.s32 s3, s9;
	s6 =	sadd.s32 @!p0 $0x88, s6;
	s7 =	simm.s32 @p2 $0x1082  }
0x22: {  	[simem:s7], [sflag:s8] =	dma.local @!p0 [hbm:s6], $0xF7A  }
0x23: {  	s9 =	sor.u32 $0xD0000000, s2;
	s6 =	simm.s32 $0x108;
	_ =	swait.ge @!p0 [sflag:s8], $0x0  }
0x24: {  	s3 =	sadd.s32 $0x88, s3;
	s6 =	simm.s32 @!p1 $0x1082;
	[sflag:s4] =	ssyncset.s32 $0xFFFFF086  }
0x25: {  	[simem:s6], [sflag:s4] =	dma.local [hbm:s3], $0xF7A  }
0x26: {  	[smem:$0x3F8E] =	sst s1;
	(tag) =	ssettag s2;
	_ =	strace s9  }
0x27: {  	s1 =	sld [smem:$0x3F9E]  }
0x28: {  	s2 =	sld [smem:$0x3F9F]  }
0x29: {  	s4 =	sld [smem:$0x3FA1]  }
0x2a: {  	p0 =	seq.s32 s5, $0x0;
	s5 =	sld [smem:$0x3FA2]  }
0x2b: {  	s6 =	sld [smem:$0x3FA3]  }
0x2c: {  	s7 =	sld [smem:$0x3FA4]  }
0x2d: {  	s3 =	simm.s32 $0x108;
	s8 =	sld [smem:$0x3FA5]  }
0x2e: {  	s3 =	simm.s32 @!p0 $0x1082;
	s9 =	sld [smem:$0x3FA6]  }
0x2f: {  	lr =	sadd.s32 s0, s3;
	s0 =	sld [smem:$0x3F9D]  }
0x30: {  	s3 =	sld [smem:$0x3FA0]  }
0x31: {  	[smem:$0x3FA9] =	sst s10  }
0x32: {  	s10 =	sld [smem:$0x3FA7];
	_ =	sdelay $0x3  }
0x33: {  	p0 =	seq.s32 s10, $0x1;
	s10 =	sld [smem:$0x3FA9];
	_ =	sdelay $0x3  }
0x34: {  	[smem:$0x3FA9] =	sst s10  }
0x35: {  	s10 =	sld [smem:$0x3FA8];
	_ =	sdelay $0x3  }
0x36: {  	p1 =	seq.s32 s10, $0x1;
	s10 =	sld [smem:$0x3FA9];
	_ =	sdelay $0x3  }
0x37: {  	[smem:$0x3FA9] =	sst s10  }
0x38: {  	s10 =	sld [smem:$0x3FAA]  }
0x39: {  	_ = 	snop;
	(pc) =	sbr.ind lr, $3  }
0x3a: {  	_ = 	snop  }
0x3b: {  	_ = 	snop  }
0x3c: {  	p2 =	seq.s32 s10, $0x1;
	s10 =	sld [smem:$0x3FA9]  }
0x3d: {  	_ =	shalt  }
0x3e: {  	_ =	shalt  }
0x3f: {  	_ =	shalt  }
0x40: {  	_ =	shalt  }
0x41: {  	_ =	shalt  }
0x42: {  	_ =	shalt  }
0x43: {  	_ =	shalt  }
0x44: {  	_ =	shalt  }
0x45: {  	_ =	shalt  }
0x46: {  	_ =	shalt  }
0x47: {  	_ =	shalt  }
0x48: {  	_ =	shalt  }
0x49: {  	_ =	shalt  }
0x4a: {  	_ =	shalt  }
0x4b: {  	_ =	shalt  }
0x4c: {  	_ =	shalt  }
0x4d: {  	_ =	shalt  }
0x4e: {  	_ =	shalt  }
0x4f: {  	_ =	shalt  }
0x50: {  	_ =	shalt  }
0x51: {  	_ =	shalt  }
0x52: {  	_ =	shalt  }
0x53: {  	_ =	shalt  }
0x54: {  	_ =	shalt  }
0x55: {  	_ =	shalt  }
0x56: {  	_ =	shalt  }
0x57: {  	_ =	shalt  }
0x58: {  	_ =	shalt  }
0x59: {  	_ =	shalt  }
0x5a: {  	_ =	shalt  }
0x5b: {  	_ =	shalt  }
0x5c: {  	_ =	shalt  }
0x5d: {  	_ =	shalt  }
0x5e: {  	_ =	shalt  }
0x5f: {  	_ =	shalt  }
0x60: {  	_ =	shalt  }
0x61: {  	_ =	shalt  }
0x62: {  	_ =	shalt  }
0x63: {  	_ =	shalt  }
0x64: {  	_ =	shalt  }
0x65: {  	_ =	shalt  }
0x66: {  	_ =	shalt  }
0x67: {  	_ =	shalt  }
0x68: {  	_ =	shalt  }
0x69: {  	_ =	shalt  }
0x6a: {  	_ =	shalt  }
0x6b: {  	_ =	shalt  }
0x6c: {  	_ =	shalt  }
0x6d: {  	_ =	shalt  }
0x6e: {  	_ =	shalt  }
0x6f: {  	_ =	shalt  }
0x70: {  	_ =	shalt  }
0x71: {  	_ =	shalt  }
0x72: {  	_ =	shalt  }
0x73: {  	_ =	shalt  }
0x74: {  	_ =	shalt  }
0x75: {  	_ =	shalt  }
0x76: {  	_ =	shalt  }
0x77: {  	_ =	shalt  }
0x78: {  	_ =	shalt  }
0x79: {  	_ =	shalt  }
0x7a: {  	_ =	shalt  }
0x7b: {  	_ =	shalt  }
0x7c: {  	_ =	shalt  }
0x7d: {  	_ =	shalt  }
0x7e: {  	_ =	shalt  }
0x7f: {  	_ =	shalt  }
0x80: {  	_ =	shalt  }
0x81: {  	_ =	shalt  }
0x82: {  	_ =	shalt  }
0x83: {  	_ =	shalt  }
0x84: {  	_ =	shalt  }
0x85: {  	_ =	shalt  }
0x86: {  	_ =	shalt  }
0x87: {  	_ =	shalt  }
.Lfunc_end0:
.L_simem_size_0:
called_computation_lowered:
.L_overlay_start_0:
0x88: {  	s2 =	sld [smem:$0x3FD9]  }
0x89: {  	s3 =	sld [smem:$0x3FFE];
	_ =	sdelay $0x1  }
0x8a: {  	s1 =	srdreg.scid  }
0x8b: {  	s0 =	sand.u32 $0x1, s1  }
0x8c: {  	s14 =	sshll.u32 s0, $0xA;
	s2 =	sadd.s32 s3, s2  }
0x8d: {  	s2 =	sadd.s32 s2, s14  }
0x8e: {  	[smem:$0x3FB5] =	sst s2  }
0x8f: {  	_ = 	snop  }
0x90: {  	s2 =	sld [smem:$0x3FD0];
	_ =	sdelay $0x2  }
0x91: {  	s4 =	simm.s32 $0xA;
	s5 =	simm.s32 $0x10;
	s15 =	sld [smem:$0x3FC5]  }
0x92: {  	[smem:s5], [sflag:s4] =	dma.local [hbm:s2], $0x1  }
0x93: {  	_ =	swait.eq [sflag:s4], $0x1  }
0x94: {  	[sflag:s4] =	ssyncset.done $0x0  }
0x95: {  	s16 =	sld [smem:$0x10];
	[sflag:s4] =	ssyncadd.s32 $0xFFFFFFFF  }
0x96: {  	s17 =	sld [smem:$0x12];
	(tm) =	ssettm $0x1  }
0x97: {  	s18 =	sld [smem:$0x3FFB];
	_ =	sdelay $0x3  }
0x98: {  	_ =	strace s18  }
0x99: {  	s5 =	sld [smem:$0x3FFC];
	_ =	sdelay $0x3  }
0x9a: {  	_ =	strace s5  }
0x9b: {  	s5 =	sld [smem:$0x3FFD];
	_ =	sdelay $0x3  }
0x9c: {  	_ =	strace s5  }
0x9d: {  	_ =	strace $0x8FFFFFFF  }
0x9e: {  	s19 =	sld [smem:$0x3FDB];
	_ =	sdelay $0x1  }
0x9f: {  	s6 =	simm.s32 $_scs_section_size  }
0xa0: {  	s7 =	simm.s32 $_size__tile_overlayer_lowered;
	s8 =	simm.s32 $_tile_overlayer_lowered  }
0xa1: {  	s22 =	simm.s32 $0x1BFF;
	s21 =	sshll.u32 s8, $0x1;
	s5 =	sadd.s32 s6, s19  }
0xa2: {  	s9 =	simm.s32 $0x0;
	s20 =	sshll.u32 s7, $0x1;
	s7 =	sadd.s32 s21, s5  }
0xa3: {  	[timem:s9], [sflag:s22] =	dma.local [hbm:s7], s20  }
0xa4: {  	_ =	swait.ge [sflag:s22], s20  }
0xa5: {  	s6 =	ssub.s32 $0x0, s20;
	[sflag:s22] =	ssyncset.done $0x0  }
0xa6: {  	[sflag:s22] =	ssyncadd.s32 s6;
	_ =	sdelay $0x1  }
0xa7: {  	s23 =	simm.s32 $0x1B8B  }
0xa8: {  	_ =	swait.ge [sflag:s23], $0x1  }
0xa9: {  	[sflag:s23] =	ssyncset.done $0x0  }
0xaa: {  	s25 =	simm.s32 $0x1B8E;
	s24 =	sld [smem:$0x3FFE];
	[sflag:s23] =	ssyncadd.s32 $0xFFFFFFFF  }
0xab: {  	s26 =	simm.s32 $execute0_lowered;
	[smem:$0x3FD2] =	sst s25  }
0xac: {  	s7 =	sshll.u32 s26, $0x1;
	_ =	strace $0x80000046;
	[dreg:$0x1] =	wrdreg $0xFFFFFFFF  }
0xad: {  	s28 =	simm.s32 $_size_execute0_lowered;
	s5 =	sadd.s32 s5, s7;
	[dreg:$0x0] =	wrdreg $0x0  }
0xae: {  	s7 =	sshll.u32 s28, $0x1;
	[dreg:$0x2] =	wrdreg s5  }
0xaf: {  	[dreg:$0x3] =	wrdreg s7  }
0xb0: {  	[dreg:$0x4] =	wrdreg $0xC0  }
0xb1: {  	_ =	task [dreg:s9], $0x5FFFF  }
0xb2: {  	[dreg:$0x1] =	wrdreg $0xFFFFFFFF  }
0xb3: {  	[dreg:$0x0] =	wrdreg $0x60  }
0xb4: {  	[dreg:$0x2] =	wrdreg s15  }
0xb5: {  	[dreg:$0x3] =	wrdreg s24  }
0xb6: {  	[dreg:$0x4] =	wrdreg s16  }
0xb7: {  	[dreg:$0x5] =	wrdreg s17  }
0xb8: {  	[dreg:$0x6] =	wrdreg $0xB7800  }
0xb9: {  	[dreg:$0x7] =	wrdreg $0x9  }
0xba: {  	_ =	task.clear_ibuf [dreg:s9], $0x8FFFF;
	_ =	strace $0x90000046  }
0xbb: {  	s29 =	simm.s32 $0x9;
	_ =	strace $0x80000048  }
0xbc: {  	_ =	swait.ge [sflag:s29], $0x1  }
0xbd: {  	[sflag:s29] =	ssyncadd.s32 $0xFFFFFFFF  }
0xbe: {  	_ =	strace $0x90000048  }
0xbf: {  	_ =	sfence  }
0xc0: {  	s30 =	sld [smem:$0x0];
	_ =	sdelay $0x2  }
0xc1: {  	s31 =	sshll.u32 s1, $0xD;
	s1 =	sshrl.u32 s1, $0x2  }
0xc2: {  	s3 =	sand.u32 $0x4000, s31;
	s1 =	sadd.s32 s1, s30  }
0xc3: {  	s0 =	sor.u32 s3, s0;
	s1 =	sshll.u32 s1, $0x11  }
0xc4: {  	s0 =	sor.u32 s1, s0  }
0xc5: {  	s0 =	sadd.s32 $0x8F2B, s0  }
0xc6: {  	[sflag:s0] =	ssyncadd.remote.s32 $0x1  }
0xc7: {  	_ =	sfence.sel $0xFFFF  }
0xc8: {  	[dreg:$0x0] =	wrdreg $0xFFFFFFFF;
	(pc) =	sbr.abs _section_cstart, $3  }
0xc9: {  	[dreg:$0x1] =	wrdreg $0xFFFFFFFF  }
0xca: {  	_ =	task.clear_ibuf [dreg:s9], $0x2FFFF;
	_ =	strace $0x9FFFFFFF  }
0xcb: {  	(tm) =	ssettm $0x7FFFFFFF  }
tec
execute0_lowered:
.L_overlay_start_1:
0x0: {  	(tag) =	ssettag $0x1  }
0x1: {  	s1 =	rddreg [dreg:$0x0]  }
0x2: {  	s0 =	rddreg [dreg:$0x1]  }
0x3: {  	s10 =	rddreg [dreg:$0x2]  }
0x4: {  	s9 =	rddreg [dreg:$0x3]  }
0x5: {  	s2 =	rddreg [dreg:$0x4]  }
0x6: {  	s3 =	simm.s32 $0x0;
	s4 =	srdreg.scid;
	s20 =	simm.s32 $0x4  }
0x7: {  	s22 =	simm.s32 $0x6780;
	s23 =	simm.s32 $0x8F80;
	s24 =	simm.s32 $0x2  }
0x8: {  	s25 =	simm.s32 $0x3;
	s28 =	simm.s32 $0x0;
	[smem:$0x7FF] =	sst s3  }
0x9: {  	s11 =	sadd.s32 $0x3200, s0;
	s16 =	sadd.s32 $0xD000, s0;
	s21 =	sand.u32 $0x1, s4  }
0xa: {  	s4 =	stileid.u32;
	s8 =	sadd.s32 $0x128400, s2;
	s5 =	smul.u32 $0x27100, s21  }
0xb: {  	s17 =	sadd.s32 $0x16E00, s0;
	_ =	strace $0x80000047;
	s18 =	smul.u32 $0x9C4, s4  }
0xc: {  	s6 =	ssub.s32 $0x2, s21;
	s26 =	smul.u32 $0x4F000, s4;
	p0 =	seq.s32 s21, $0x0  }
0xd: {  	s12 =	sshllo.u32 s4, $0x1;
	s19 =	sshll.u32 s4, $0xC;
	p1 =	sne.s32 s21, $0x0  }
0xe: {  	s21 =	simm.s32 $0x50;
	s7 =	sshrl.u32 s6, $0x1;
	s13 =	smul.u32 $0x4E2, s12  }
0xf: {  	s29 =	sshll.u32 s12, $0xB;
	s0 =	sadd.s32 s5, s0;
	s15 =	ssub.s32 s6, s7  }
0x10: {  	s5 =	smul.u32 $0x2780, s4;
	s6 =	sshrl.u32 s26, $0x2;
	s12 =	sadd.s32 s17, s29  }
0x11: {  	s31 =	sadd.s32 s10, s29;
	s17 =	smov.u32 @p0 s10;
	s26 =	simm.s32 $0x6580  }
0x12: {  	s6 =	sadd.s32 s6, s2;
	s14 =	sadd.s32 s16, s13;
	[dreg:$0x7] =	wrdreg s12  }
.Ltmp0:
0x13: {  	s30 =	sadd.s32 s11, s13;
	[dreg:$0x9] =	wrdreg s31;
	(pc) =	sbr.rel .LBB2_1-.Ltmp0, $4  }
0x14: {  	s16 =	smov.u32 @p0 s11;
	s15 =	smax.u32 s15, $0x1;
	s17 =	sadd.s32 s17, s19  }
0x15: {  	p0 =	seq.s32 s4, $0xF;
	s19 =	simm.s32 $0x2780;
	[dreg:$0x6] =	wrdreg s14  }
0x16: {  	s7 =	sadd.s32 s9, s5;
	s9 =	sadd.s32 $0x25080, s9;
	[dreg:$0x8] =	wrdreg s30  }
0x17: {  	s14 =	sadd.s32 $0x26E00, s0;
	s16 =	sadd.s32 s16, s18;
	s18 =	simm.s32 $0x1  }
.LBB2_11:
0x18: {  	s11 =	sadd.s32 $0xFFFFFFB0, s0;
	[sflag:s20] =	ssyncadd.s32 $0xFFFFD800  }
0x19: {  	[tilespmem:s23], [sflag:$0x3] =	stream.indirect.gather [hbm4b:s1+s21], $0x80, s11, s21, $0xb8;
	[tilespmem:$0x1F000] =	vst v63  }
0x1a: {  	_ =	swait.ge [sflag:s24], $0x2800  }
0x1b: {  	s10 =	sshra.s32 s10, $0x2;
	[sflag:s24] =	ssyncset.done $0x0  }
0x1c: {  	s12 =	sadd.s32 $0x2780, s10;
	[sflag:s24] =	ssyncadd.s32 $0xFFFFD800  }
0x1d: {  	[spmem:s2] =	stream.indirect.scatter.add.f32 [tilespmem:s22], [sflag:$0x4], $0x80, s12, s21, $0xb8;
	[tilespmem:$0x1F000] =	vst v63  }
0x1e: {  	_ =	swait.ge [sflag:s20], $0x2800  }
0x1f: {  	[sflag:s20] =	ssyncset.done $0x0  }
0x20: {  	[sflag:s20] =	ssyncadd.s32 $0xFFFFD800  }
0x21: {  	[tilespmem:s22], [sflag:$0x2] =	stream.indirect.gather [hbm4b:s1+s21], $0x80, s0, s21, $0xb8;
	[tilespmem:$0x1F000] =	vst v63  }
0x22: {  	_ =	swait.ge [sflag:s25], $0x2800  }
0x23: {  	[sflag:s25] =	ssyncset.done $0x0  }
0x24: {  	s13 =	sadd.s32 $0x2800, s10;
	[sflag:s25] =	ssyncadd.s32 $0xFFFFD800  }
0x25: {  	[spmem:s2] =	stream.indirect.scatter.add.f32 [tilespmem:s23], [sflag:$0x4], $0x80, s13, s21, $0xb8;
	[tilespmem:$0x1F000] =	vst v63  }
0x26: {  	_ =	swait.ge [sflag:s20], $0x2800  }
0x27: {  	[sflag:s20] =	ssyncset.done $0x0  }
0x28: {  	[sflag:s20] =	ssyncadd.s32 $0xFFFFD800  }
.LBB2_12:
0x29: {  	_ =	swait.ge [sflag:s24], $0x2800  }
0x2a: {  	[sflag:s24] =	ssyncset.done $0x0  }
0x2b: {  	[sflag:s24] =	ssyncadd.s32 $0xFFFFD800  }
0x2c: {  	[spmem:s2] =	stream.indirect.scatter.add.f32 [tilespmem:s22], [sflag:$0x4], $0x80, s26, s21, $0xb8;
	[tilespmem:$0x1F000] =	vst v63  }
0x2d: {  	_ =	swait.ge [sflag:s20], $0x2800  }
0x2e: {  	[sflag:s20] =	ssyncset.done $0x0  }
0x2f: {  	[sflag:s20] =	ssyncadd.s32 $0xFFFFD800  }
0x30: {  	s0 =	sadd.s32 @p0 $0x25080, s14;
	s10 =	simm.s32 @p0 $0x1FC4;
	[bflag:$0x0] =	sbarrier.arrive $0xFFFF  }
0x31: {  	[hbm:s0], [sflag:s10] =	dma.local @p0 [spmem:s29], $0x2080  }
0x32: {  	s0 =	simm.s32 @p0 $0x4  }
0x33: {  	_ =	swait.ge @p0 [sflag:s0], $0x2080  }
0x34: {  	s28 =	sadd.s32 $0x1, s28;
	[sflag:s0] =	ssyncset.done @p0 $0x0  }
0x35: {  	p2 =	sne.s32 s28, s15;
	[sflag:s0] =	ssyncadd.s32 @p0 $0xFFFFDF80;
	s0 =	sadd.s32 @!p0 s5, s14  }
0x36: {  	[hbm:s0], [sflag:s30] =	dma.local @!p0 [spmem:s31], $0x2780  }
.Ltmp1:
0x37: {  	_ = 	snop;
	(pc) =	sbr.rel @!p2 .LBB2_13-.Ltmp1, $4  }
0x38: {  	s0 =	simm.s32 @!p0 $0x4  }
0x39: {  	_ =	swait.ge @!p0 [sflag:s0], $0x2780  }
0x3a: {  	[sflag:s0] =	ssyncset.done @!p0 $0x0  }
0x3b: {  	[sflag:s0] =	ssyncadd.s32 @!p0 $0xFFFFD880  }
.LBB2_1:
0x3c: {  	[tilespmem:s3], [sflag:$0x1] =	stream.linear.gather [hbm4b:s16+s3], $0x2710, $0x38;
	[tilespmem:$0x1F000] =	vst v63  }
0x3d: {  	_ =	swait.ge [sflag:s18], $0x2710  }
0x3e: {  	[sflag:s18] =	ssyncset.done $0x0  }
0x3f: {  	[sflag:s18] =	ssyncadd.s32 $0xFFFFD8F0  }
0x40: {  	[tilespmem:s19], [sflag:$0x4] =	stream.linear.gather [hbm4b:s17+s3], $0x3E80, $0x38;
	[tilespmem:$0x1F000] =	vst v63  }
0x41: {  	_ =	swait.ge [sflag:s20], $0x3E80  }
0x42: {  	[sflag:s20] =	ssyncset.done $0x0  }
0x43: {  	s29 =	sshrl.u32 @p0 s8, $0x3;
	s0 =	simm.s32 @p0 $0x1FC4;
	[sflag:s20] =	ssyncadd.s32 $0xFFFFC180  }
0x44: {  	[spmem:s29], [sflag:s0] =	dma.local @p0 [hbm:s9], $0x2080  }
0x45: {  	s0 =	simm.s32 @p0 $0x4  }
0x46: {  	_ =	swait.ge @p0 [sflag:s0], $0x2080  }
0x47: {  	s10 =	sshll.u32 @!p0 s4, $0x6;
	s31 =	sshrl.u32 @!p0 s6, $0x3;
	[sflag:s0] =	ssyncset.done @p0 $0x0  }
0x48: {  	s30 =	sor.u32 @!p0 $0x1C04, s10;
	[sflag:s0] =	ssyncadd.s32 @p0 $0xFFFFDF80;
	s0 =	simm.s32 @!p0 $0x4  }
0x49: {  	[spmem:s31], [sflag:s30] =	dma.local @!p0 [hbm:s7], $0x2780  }
.Ltmp2:
0x4a: {  	_ =	swait.ge @!p0 [sflag:s0], $0x2780;
	(pc) =	sbr.rel @p1 .LBB2_7-.Ltmp2, $4  }
0x4b: {  	[sflag:s0] =	ssyncset.done @!p0 $0x0  }
0x4c: {  	[sflag:s0] =	ssyncadd.s32 @!p0 $0xFFFFD880  }
0x4d: {  	s10 =	simm.s32 $0x50;
	s0 =	simm.s32 $0xA0;
	[bflag:$0x0] =	sbarrier.arrive $0xFFFF  }
0x4e: {  	[tilespmem:s22], [sflag:$0x2] =	stream.indirect.gather [hbm4b:s1+s21], $0x80, s3, s21, $0xb8;
	[tilespmem:$0x1F000] =	vst v63  }
0x4f: {  	[tilespmem:s23], [sflag:$0x3] =	stream.indirect.gather [hbm4b:s1+s21], $0x80, s10, s21, $0xb8;
	[tilespmem:$0x1F000] =	vst v63  }
0x50: {  	_ =	swait.ge [sflag:s24], $0x2800  }
0x51: {  	[sflag:s24] =	ssyncset.done $0x0  }
0x52: {  	s12 =	simm.s32 $0x2780;
	[sflag:s24] =	ssyncadd.s32 $0xFFFFD800  }
0x53: {  	[spmem:s2] =	stream.indirect.scatter.add.f32 [tilespmem:s22], [sflag:$0x4], $0x80, s12, s21, $0xb8;
	[tilespmem:$0x1F000] =	vst v63  }
0x54: {  	_ =	swait.ge [sflag:s20], $0x2800  }
0x55: {  	[sflag:s20] =	ssyncset.done $0x0  }
0x56: {  	[sflag:s20] =	ssyncadd.s32 $0xFFFFD800  }
0x57: {  	[tilespmem:s22], [sflag:$0x2] =	stream.indirect.gather [hbm4b:s1+s21], $0x80, s0, s21, $0xb8;
	[tilespmem:$0x1F000] =	vst v63  }
0x58: {  	_ =	swait.ge [sflag:s25], $0x2800  }
0x59: {  	[sflag:s25] =	ssyncset.done $0x0  }
0x5a: {  	s13 =	simm.s32 $0x2800;
	[sflag:s25] =	ssyncadd.s32 $0xFFFFD800  }
0x5b: {  	[spmem:s2] =	stream.indirect.scatter.add.f32 [tilespmem:s23], [sflag:$0x4], $0x80, s13, s21, $0xb8;
	[tilespmem:$0x1F000] =	vst v63  }
0x5c: {  	s10 =	simm.s32 $0x400;
	_ =	swait.ge [sflag:s20], $0x2800  }
0x5d: {  	s11 =	simm.s32 $0x800;
	s0 =	simm.s32 $0x140;
	[sflag:s20] =	ssyncset.done $0x0  }
.LBB2_3:
0x5e: {  	p2 =	sne.s32 s11, $0xF400;
	s12 =	sadd.s32 $0xFFFFFFB0, s0;
	[sflag:s20] =	ssyncadd.s32 $0xFFFFD800  }
0x5f: {  	[tilespmem:s23], [sflag:$0x3] =	stream.indirect.gather [hbm4b:s1+s21], $0x80, s12, s21, $0xb8;
	[tilespmem:$0x1F000] =	vst v63  }
0x60: {  	s12 =	smov.u32 s11;
	s11 =	sadd.s32 $0x400, s11;
	_ =	swait.ge [sflag:s24], $0x2800  }
0x61: {  	s13 =	sshra.s32 s10, $0x2;
	s10 =	smov.u32 s12;
	[sflag:s24] =	ssyncset.done $0x0  }
0x62: {  	s12 =	sadd.s32 $0x2780, s13;
	[sflag:s24] =	ssyncadd.s32 $0xFFFFD800  }
0x63: {  	[spmem:s2] =	stream.indirect.scatter.add.f32 [tilespmem:s22], [sflag:$0x4], $0x80, s12, s21, $0xb8;
	[tilespmem:$0x1F000] =	vst v63  }
0x64: {  	_ =	swait.ge [sflag:s20], $0x2800  }
0x65: {  	[sflag:s20] =	ssyncset.done $0x0  }
0x66: {  	[sflag:s20] =	ssyncadd.s32 $0xFFFFD800  }
0x67: {  	[tilespmem:s22], [sflag:$0x2] =	stream.indirect.gather [hbm4b:s1+s21], $0x80, s0, s21, $0xb8;
	[tilespmem:$0x1F000] =	vst v63  }
0x68: {  	_ =	swait.ge [sflag:s25], $0x2800  }
.Ltmp3:
0x69: {  	[sflag:s25] =	ssyncset.done $0x0;
	(pc) =	sbr.rel @p2 .LBB2_3-.Ltmp3, $4  }
0x6a: {  	s12 =	sadd.s32 $0x2800, s13;
	[sflag:s25] =	ssyncadd.s32 $0xFFFFD800  }
0x6b: {  	[spmem:s2] =	stream.indirect.scatter.add.f32 [tilespmem:s23], [sflag:$0x4], $0x80, s12, s21, $0xb8;
	[tilespmem:$0x1F000] =	vst v63  }
0x6c: {  	_ =	swait.ge [sflag:s20], $0x2800  }
0x6d: {  	s0 =	sadd.s32 $0xA0, s0;
	[sflag:s20] =	ssyncset.done $0x0  }
0x6e: {  	s11 =	sadd.s32 $0xFFFFFFB0, s0;
	[sflag:s20] =	ssyncadd.s32 $0xFFFFD800  }
0x6f: {  	[tilespmem:s23], [sflag:$0x3] =	stream.indirect.gather [hbm4b:s1+s21], $0x80, s11, s21, $0xb8;
	[tilespmem:$0x1F000] =	vst v63  }
0x70: {  	_ =	swait.ge [sflag:s24], $0x2800  }
0x71: {  	s10 =	sshra.s32 s10, $0x2;
	[sflag:s24] =	ssyncset.done $0x0  }
0x72: {  	s13 =	sadd.s32 $0x2780, s10;
	[sflag:s24] =	ssyncadd.s32 $0xFFFFD800  }
0x73: {  	[spmem:s2] =	stream.indirect.scatter.add.f32 [tilespmem:s22], [sflag:$0x4], $0x80, s13, s21, $0xb8;
	[tilespmem:$0x1F000] =	vst v63  }
0x74: {  	_ =	swait.ge [sflag:s20], $0x2800  }
0x75: {  	[sflag:s20] =	ssyncset.done $0x0  }
0x76: {  	[sflag:s20] =	ssyncadd.s32 $0xFFFFD800  }
0x77: {  	[tilespmem:s22], [sflag:$0x2] =	stream.indirect.gather [hbm4b:s1+s21], $0x80, s0, s21, $0xb8;
	[tilespmem:$0x1F000] =	vst v63  }
0x78: {  	_ =	swait.ge [sflag:s25], $0x2800  }
0x79: {  	[sflag:s25] =	ssyncset.done $0x0  }
0x7a: {  	s10 =	sadd.s32 $0x2800, s10;
	[sflag:s25] =	ssyncadd.s32 $0xFFFFD800  }
0x7b: {  	[spmem:s2] =	stream.indirect.scatter.add.f32 [tilespmem:s23], [sflag:$0x4], $0x80, s10, s21, $0xb8;
	[tilespmem:$0x1F000] =	vst v63  }
0x7c: {  	_ =	swait.ge [sflag:s20], $0x2800  }
0x7d: {  	[sflag:s20] =	ssyncset.done $0x0  }
0x7e: {  	[sflag:s20] =	ssyncadd.s32 $0xFFFFD800  }
0x7f: {  	_ =	swait.ge [sflag:s24], $0x2800  }
0x80: {  	[sflag:s24] =	ssyncset.done $0x0  }
0x81: {  	[sflag:s24] =	ssyncadd.s32 $0xFFFFD800  }
0x82: {  	[spmem:s2] =	stream.indirect.scatter.add.f32 [tilespmem:s22], [sflag:$0x4], $0x80, s26, s21, $0xb8;
	[tilespmem:$0x1F000] =	vst v63  }
0x83: {  	_ =	swait.ge [sflag:s20], $0x2800  }
0x84: {  	[sflag:s20] =	ssyncset.done $0x0  }
0x85: {  	s11 =	simm.s32 $0x0;
	s12 =	rddreg [dreg:$0x8];
	[sflag:s20] =	ssyncadd.s32 $0xFFFFD800  }
0x86: {  	[tilespmem:s11], [sflag:$0x1] =	stream.linear.gather [hbm4b:s12+s11], $0x2710, $0x38;
	[tilespmem:$0x1F000] =	vst v63  }
0x87: {  	_ =	swait.ge [sflag:s18], $0x2710  }
0x88: {  	[sflag:s18] =	ssyncset.done $0x0  }
0x89: {  	s13 =	rddreg [dreg:$0x9];
	[sflag:s18] =	ssyncadd.s32 $0xFFFFD8F0  }
0x8a: {  	[tilespmem:s19], [sflag:$0x4] =	stream.linear.gather [hbm4b:s13+s11], $0x3E80, $0x38;
	[tilespmem:$0x1F000] =	vst v63  }
0x8b: {  	_ =	swait.ge [sflag:s20], $0x3E80  }
0x8c: {  	[sflag:s20] =	ssyncset.done $0x0  }
0x8d: {  	[sflag:s20] =	ssyncadd.s32 $0xFFFFC180  }
0x8e: {  	[tilespmem:s22], [sflag:$0x2] =	stream.indirect.gather [hbm4b:s1+s21], $0x80, s11, s21, $0xb8;
	[tilespmem:$0x1F000] =	vst v63  }
0x8f: {  	s10 =	simm.s32 $0x50  }
0x90: {  	[tilespmem:s23], [sflag:$0x3] =	stream.indirect.gather [hbm4b:s1+s21], $0x80, s10, s21, $0xb8;
	[tilespmem:$0x1F000] =	vst v63  }
0x91: {  	_ =	swait.ge [sflag:s24], $0x2800  }
0x92: {  	[sflag:s24] =	ssyncset.done $0x0  }
0x93: {  	s11 =	simm.s32 $0x2780;
	[sflag:s24] =	ssyncadd.s32 $0xFFFFD800  }
0x94: {  	[spmem:s2] =	stream.indirect.scatter.add.f32 [tilespmem:s22], [sflag:$0x4], $0x80, s11, s21, $0xb8;
	[tilespmem:$0x1F000] =	vst v63  }
0x95: {  	_ =	swait.ge [sflag:s20], $0x2800  }
0x96: {  	[sflag:s20] =	ssyncset.done $0x0  }
0x97: {  	s12 =	simm.s32 $0xA0;
	[sflag:s20] =	ssyncadd.s32 $0xFFFFD800  }
0x98: {  	[tilespmem:s22], [sflag:$0x2] =	stream.indirect.gather [hbm4b:s1+s21], $0x80, s12, s21, $0xb8;
	[tilespmem:$0x1F000] =	vst v63  }
0x99: {  	_ =	swait.ge [sflag:s25], $0x2800  }
0x9a: {  	[sflag:s25] =	ssyncset.done $0x0  }
0x9b: {  	s13 =	simm.s32 $0x2800;
	[sflag:s25] =	ssyncadd.s32 $0xFFFFD800  }
0x9c: {  	[spmem:s2] =	stream.indirect.scatter.add.f32 [tilespmem:s23], [sflag:$0x4], $0x80, s13, s21, $0xb8;
	[tilespmem:$0x1F000] =	vst v63  }
0x9d: {  	s0 =	simm.s32 $0x140;
	_ =	swait.ge [sflag:s20], $0x2800  }
0x9e: {  	s10 =	simm.s32 $0x400;
	s11 =	simm.s32 $0x800;
	[sflag:s20] =	ssyncset.done $0x0  }
.LBB2_5:
0x9f: {  	p2 =	seq.s32 s11, $0xF400;
	s12 =	sadd.s32 $0xFFFFFFB0, s0;
	[sflag:s20] =	ssyncadd.s32 $0xFFFFD800  }
0xa0: {  	[tilespmem:s23], [sflag:$0x3] =	stream.indirect.gather [hbm4b:s1+s21], $0x80, s12, s21, $0xb8;
	[tilespmem:$0x1F000] =	vst v63  }
0xa1: {  	s12 =	smov.u32 s11;
	s11 =	sadd.s32 $0x400, s11;
	_ =	swait.ge [sflag:s24], $0x2800  }
0xa2: {  	s13 =	sshra.s32 s10, $0x2;
	s10 =	smov.u32 s12;
	[sflag:s24] =	ssyncset.done $0x0  }
0xa3: {  	s12 =	sadd.s32 $0x2780, s13;
	[sflag:s24] =	ssyncadd.s32 $0xFFFFD800  }
0xa4: {  	[spmem:s2] =	stream.indirect.scatter.add.f32 [tilespmem:s22], [sflag:$0x4], $0x80, s12, s21, $0xb8;
	[tilespmem:$0x1F000] =	vst v63  }
0xa5: {  	_ =	swait.ge [sflag:s20], $0x2800  }
0xa6: {  	[sflag:s20] =	ssyncset.done $0x0  }
0xa7: {  	[sflag:s20] =	ssyncadd.s32 $0xFFFFD800  }
0xa8: {  	[tilespmem:s22], [sflag:$0x2] =	stream.indirect.gather [hbm4b:s1+s21], $0x80, s0, s21, $0xb8;
	[tilespmem:$0x1F000] =	vst v63  }
0xa9: {  	_ =	swait.ge [sflag:s25], $0x2800  }
.Ltmp4:
0xaa: {  	[sflag:s25] =	ssyncset.done $0x0;
	(pc) =	sbr.rel @!p2 .LBB2_5-.Ltmp4, $4  }
0xab: {  	s12 =	sadd.s32 $0x2800, s13;
	[sflag:s25] =	ssyncadd.s32 $0xFFFFD800  }
0xac: {  	[spmem:s2] =	stream.indirect.scatter.add.f32 [tilespmem:s23], [sflag:$0x4], $0x80, s12, s21, $0xb8;
	[tilespmem:$0x1F000] =	vst v63  }
0xad: {  	_ =	swait.ge [sflag:s20], $0x2800  }
0xae: {  	s0 =	sadd.s32 $0xA0, s0;
	[sflag:s20] =	ssyncset.done $0x0  }
0xaf: {  	s11 =	sadd.s32 $0xFFFFFFB0, s0;
	[sflag:s20] =	ssyncadd.s32 $0xFFFFD800  }
0xb0: {  	[tilespmem:s23], [sflag:$0x3] =	stream.indirect.gather [hbm4b:s1+s21], $0x80, s11, s21, $0xb8;
	[tilespmem:$0x1F000] =	vst v63  }
0xb1: {  	_ =	swait.ge [sflag:s24], $0x2800  }
0xb2: {  	s10 =	sshra.s32 s10, $0x2;
	[sflag:s24] =	ssyncset.done $0x0  }
0xb3: {  	s12 =	sadd.s32 $0x2780, s10;
	[sflag:s24] =	ssyncadd.s32 $0xFFFFD800  }
0xb4: {  	[spmem:s2] =	stream.indirect.scatter.add.f32 [tilespmem:s22], [sflag:$0x4], $0x80, s12, s21, $0xb8;
	[tilespmem:$0x1F000] =	vst v63  }
0xb5: {  	_ =	swait.ge [sflag:s20], $0x2800  }
0xb6: {  	[sflag:s20] =	ssyncset.done $0x0  }
0xb7: {  	[sflag:s20] =	ssyncadd.s32 $0xFFFFD800  }
0xb8: {  	[tilespmem:s22], [sflag:$0x2] =	stream.indirect.gather [hbm4b:s1+s21], $0x80, s0, s21, $0xb8;
	[tilespmem:$0x1F000] =	vst v63  }
0xb9: {  	_ =	swait.ge [sflag:s25], $0x2800  }
0xba: {  	[sflag:s25] =	ssyncset.done $0x0  }
.Ltmp5:
0xbb: {  	s13 =	sadd.s32 $0x2800, s10;
	[sflag:s25] =	ssyncadd.s32 $0xFFFFD800;
	(pc) =	sbr.rel .LBB2_12-.Ltmp5, $4  }
0xbc: {  	[spmem:s2] =	stream.indirect.scatter.add.f32 [tilespmem:s23], [sflag:$0x4], $0x80, s13, s21, $0xb8;
	[tilespmem:$0x1F000] =	vst v63  }
0xbd: {  	_ =	swait.ge [sflag:s20], $0x2800  }
0xbe: {  	[sflag:s20] =	ssyncset.done $0x0  }
0xbf: {  	[sflag:s20] =	ssyncadd.s32 $0xFFFFD800  }
.LBB2_7:
0xc0: {  	[tilespmem:s23], [sflag:$0x3] =	stream.indirect.gather [hbm4b:s1+s21], $0x80, s10, s21, $0xb8;
	[tilespmem:$0x1F000] =	vst v63  }
0xc1: {  	_ =	swait.ge [sflag:s24], $0x2800  }
0xc2: {  	[sflag:s24] =	ssyncset.done $0x0  }
0xc3: {  	s12 =	simm.s32 $0x2780;
	[sflag:s24] =	ssyncadd.s32 $0xFFFFD800  }
0xc4: {  	[spmem:s2] =	stream.indirect.scatter.add.f32 [tilespmem:s22], [sflag:$0x4], $0x80, s12, s21, $0xb8;
	[tilespmem:$0x1F000] =	vst v63  }
0xc5: {  	_ =	swait.ge [sflag:s20], $0x2800  }
0xc6: {  	[sflag:s20] =	ssyncset.done $0x0  }
0xc7: {  	[sflag:s20] =	ssyncadd.s32 $0xFFFFD800  }
0xc8: {  	[tilespmem:s22], [sflag:$0x2] =	stream.indirect.gather [hbm4b:s1+s21], $0x80, s0, s21, $0xb8;
	[tilespmem:$0x1F000] =	vst v63  }
0xc9: {  	_ =	swait.ge [sflag:s25], $0x2800  }
0xca: {  	[sflag:s25] =	ssyncset.done $0x0  }
0xcb: {  	s13 =	simm.s32 $0x2800;
	[sflag:s25] =	ssyncadd.s32 $0xFFFFD800  }
0xcc: {  	[spmem:s2] =	stream.indirect.scatter.add.f32 [tilespmem:s23], [sflag:$0x4], $0x80, s13, s21, $0xb8;
	[tilespmem:$0x1F000] =	vst v63  }
0xcd: {  	s10 =	simm.s32 $0x400;
	_ =	swait.ge [sflag:s20], $0x2800  }
0xce: {  	s11 =	simm.s32 $0x800;
	s0 =	simm.s32 $0x140;
	[sflag:s20] =	ssyncset.done $0x0  }
.LBB2_8:
0xcf: {  	p2 =	sne.s32 s11, $0xF400;
	s12 =	sadd.s32 $0xFFFFFFB0, s0;
	[sflag:s20] =	ssyncadd.s32 $0xFFFFD800  }
0xd0: {  	[tilespmem:s23], [sflag:$0x3] =	stream.indirect.gather [hbm4b:s1+s21], $0x80, s12, s21, $0xb8;
	[tilespmem:$0x1F000] =	vst v63  }
0xd1: {  	s12 =	smov.u32 s11;
	s11 =	sadd.s32 $0x400, s11;
	_ =	swait.ge [sflag:s24], $0x2800  }
0xd2: {  	s13 =	sshra.s32 s10, $0x2;
	s10 =	smov.u32 s12;
	[sflag:s24] =	ssyncset.done $0x0  }
0xd3: {  	s12 =	sadd.s32 $0x2780, s13;
	[sflag:s24] =	ssyncadd.s32 $0xFFFFD800  }
0xd4: {  	[spmem:s2] =	stream.indirect.scatter.add.f32 [tilespmem:s22], [sflag:$0x4], $0x80, s12, s21, $0xb8;
	[tilespmem:$0x1F000] =	vst v63  }
0xd5: {  	_ =	swait.ge [sflag:s20], $0x2800  }
0xd6: {  	[sflag:s20] =	ssyncset.done $0x0  }
0xd7: {  	[sflag:s20] =	ssyncadd.s32 $0xFFFFD800  }
0xd8: {  	[tilespmem:s22], [sflag:$0x2] =	stream.indirect.gather [hbm4b:s1+s21], $0x80, s0, s21, $0xb8;
	[tilespmem:$0x1F000] =	vst v63  }
0xd9: {  	_ =	swait.ge [sflag:s25], $0x2800  }
.Ltmp6:
0xda: {  	[sflag:s25] =	ssyncset.done $0x0;
	(pc) =	sbr.rel @p2 .LBB2_8-.Ltmp6, $4  }
0xdb: {  	s12 =	sadd.s32 $0x2800, s13;
	[sflag:s25] =	ssyncadd.s32 $0xFFFFD800  }
0xdc: {  	[spmem:s2] =	stream.indirect.scatter.add.f32 [tilespmem:s23], [sflag:$0x4], $0x80, s12, s21, $0xb8;
	[tilespmem:$0x1F000] =	vst v63  }
0xdd: {  	_ =	swait.ge [sflag:s20], $0x2800  }
0xde: {  	s0 =	sadd.s32 $0xA0, s0;
	[sflag:s20] =	ssyncset.done $0x0  }
0xdf: {  	s11 =	sadd.s32 $0xFFFFFFB0, s0;
	[sflag:s20] =	ssyncadd.s32 $0xFFFFD800  }
0xe0: {  	[tilespmem:s23], [sflag:$0x3] =	stream.indirect.gather [hbm4b:s1+s21], $0x80, s11, s21, $0xb8;
	[tilespmem:$0x1F000] =	vst v63  }
0xe1: {  	_ =	swait.ge [sflag:s24], $0x2800  }
0xe2: {  	s10 =	sshra.s32 s10, $0x2;
	[sflag:s24] =	ssyncset.done $0x0  }
0xe3: {  	s13 =	sadd.s32 $0x2780, s10;
	[sflag:s24] =	ssyncadd.s32 $0xFFFFD800  }
0xe4: {  	[spmem:s2] =	stream.indirect.scatter.add.f32 [tilespmem:s22], [sflag:$0x4], $0x80, s13, s21, $0xb8;
	[tilespmem:$0x1F000] =	vst v63  }
0xe5: {  	_ =	swait.ge [sflag:s20], $0x2800  }
0xe6: {  	[sflag:s20] =	ssyncset.done $0x0  }
0xe7: {  	[sflag:s20] =	ssyncadd.s32 $0xFFFFD800  }
0xe8: {  	[tilespmem:s22], [sflag:$0x2] =	stream.indirect.gather [hbm4b:s1+s21], $0x80, s0, s21, $0xb8;
	[tilespmem:$0x1F000] =	vst v63  }
0xe9: {  	_ =	swait.ge [sflag:s25], $0x2800  }
0xea: {  	[sflag:s25] =	ssyncset.done $0x0  }
0xeb: {  	s10 =	sadd.s32 $0x2800, s10;
	[sflag:s25] =	ssyncadd.s32 $0xFFFFD800  }
0xec: {  	[spmem:s2] =	stream.indirect.scatter.add.f32 [tilespmem:s23], [sflag:$0x4], $0x80, s10, s21, $0xb8;
	[tilespmem:$0x1F000] =	vst v63  }
0xed: {  	_ =	swait.ge [sflag:s20], $0x2800  }
0xee: {  	[sflag:s20] =	ssyncset.done $0x0  }
0xef: {  	[sflag:s20] =	ssyncadd.s32 $0xFFFFD800  }
0xf0: {  	_ =	swait.ge [sflag:s24], $0x2800  }
0xf1: {  	[sflag:s24] =	ssyncset.done $0x0  }
0xf2: {  	[sflag:s24] =	ssyncadd.s32 $0xFFFFD800  }
0xf3: {  	[spmem:s2] =	stream.indirect.scatter.add.f32 [tilespmem:s22], [sflag:$0x4], $0x80, s26, s21, $0xb8;
	[tilespmem:$0x1F000] =	vst v63  }
0xf4: {  	_ =	swait.ge [sflag:s20], $0x2800  }
0xf5: {  	[sflag:s20] =	ssyncset.done $0x0  }
0xf6: {  	s11 =	simm.s32 $0x0;
	s12 =	rddreg [dreg:$0x6];
	[sflag:s20] =	ssyncadd.s32 $0xFFFFD800  }
0xf7: {  	[tilespmem:s11], [sflag:$0x1] =	stream.linear.gather [hbm4b:s12+s11], $0x2710, $0x38;
	[tilespmem:$0x1F000] =	vst v63  }
0xf8: {  	_ =	swait.ge [sflag:s18], $0x2710  }
0xf9: {  	[sflag:s18] =	ssyncset.done $0x0  }
0xfa: {  	s13 =	rddreg [dreg:$0x7];
	[sflag:s18] =	ssyncadd.s32 $0xFFFFD8F0  }
0xfb: {  	[tilespmem:s19], [sflag:$0x4] =	stream.linear.gather [hbm4b:s13+s11], $0x3E80, $0x38;
	[tilespmem:$0x1F000] =	vst v63  }
0xfc: {  	_ =	swait.ge [sflag:s20], $0x3E80  }
0xfd: {  	[sflag:s20] =	ssyncset.done $0x0  }
0xfe: {  	[sflag:s20] =	ssyncadd.s32 $0xFFFFC180  }
0xff: {  	[tilespmem:s22], [sflag:$0x2] =	stream.indirect.gather [hbm4b:s1+s21], $0x80, s11, s21, $0xb8;
	[tilespmem:$0x1F000] =	vst v63  }
0x100: {  	s10 =	simm.s32 $0x50  }
0x101: {  	[tilespmem:s23], [sflag:$0x3] =	stream.indirect.gather [hbm4b:s1+s21], $0x80, s10, s21, $0xb8;
	[tilespmem:$0x1F000] =	vst v63  }
0x102: {  	_ =	swait.ge [sflag:s24], $0x2800  }
0x103: {  	[sflag:s24] =	ssyncset.done $0x0  }
0x104: {  	s11 =	simm.s32 $0x2780;
	[sflag:s24] =	ssyncadd.s32 $0xFFFFD800  }
0x105: {  	[spmem:s2] =	stream.indirect.scatter.add.f32 [tilespmem:s22], [sflag:$0x4], $0x80, s11, s21, $0xb8;
	[tilespmem:$0x1F000] =	vst v63  }
0x106: {  	_ =	swait.ge [sflag:s20], $0x2800  }
0x107: {  	[sflag:s20] =	ssyncset.done $0x0  }
0x108: {  	s12 =	simm.s32 $0xA0;
	[sflag:s20] =	ssyncadd.s32 $0xFFFFD800  }
0x109: {  	[tilespmem:s22], [sflag:$0x2] =	stream.indirect.gather [hbm4b:s1+s21], $0x80, s12, s21, $0xb8;
	[tilespmem:$0x1F000] =	vst v63  }
0x10a: {  	_ =	swait.ge [sflag:s25], $0x2800  }
0x10b: {  	[sflag:s25] =	ssyncset.done $0x0  }
0x10c: {  	s13 =	simm.s32 $0x2800;
	[sflag:s25] =	ssyncadd.s32 $0xFFFFD800  }
0x10d: {  	[spmem:s2] =	stream.indirect.scatter.add.f32 [tilespmem:s23], [sflag:$0x4], $0x80, s13, s21, $0xb8;
	[tilespmem:$0x1F000] =	vst v63  }
0x10e: {  	s0 =	simm.s32 $0x140;
	_ =	swait.ge [sflag:s20], $0x2800  }
0x10f: {  	s10 =	simm.s32 $0x400;
	s11 =	simm.s32 $0x800;
	[sflag:s20] =	ssyncset.done $0x0  }
.LBB2_10:
0x110: {  	p2 =	sne.s32 s11, $0xF400;
	s12 =	sadd.s32 $0xFFFFFFB0, s0;
	[sflag:s20] =	ssyncadd.s32 $0xFFFFD800  }
0x111: {  	[tilespmem:s23], [sflag:$0x3] =	stream.indirect.gather [hbm4b:s1+s21], $0x80, s12, s21, $0xb8;
	[tilespmem:$0x1F000] =	vst v63  }
0x112: {  	s12 =	smov.u32 s11;
	s11 =	sadd.s32 $0x400, s11;
	_ =	swait.ge [sflag:s24], $0x2800  }
0x113: {  	s13 =	sshra.s32 s10, $0x2;
	s10 =	smov.u32 s12;
	[sflag:s24] =	ssyncset.done $0x0  }
0x114: {  	s12 =	sadd.s32 $0x2780, s13;
	[sflag:s24] =	ssyncadd.s32 $0xFFFFD800  }
0x115: {  	[spmem:s2] =	stream.indirect.scatter.add.f32 [tilespmem:s22], [sflag:$0x4], $0x80, s12, s21, $0xb8;
	[tilespmem:$0x1F000] =	vst v63  }
0x116: {  	_ =	swait.ge [sflag:s20], $0x2800  }
0x117: {  	[sflag:s20] =	ssyncset.done $0x0  }
0x118: {  	[sflag:s20] =	ssyncadd.s32 $0xFFFFD800  }
0x119: {  	[tilespmem:s22], [sflag:$0x2] =	stream.indirect.gather [hbm4b:s1+s21], $0x80, s0, s21, $0xb8;
	[tilespmem:$0x1F000] =	vst v63  }
0x11a: {  	_ =	swait.ge [sflag:s25], $0x2800  }
.Ltmp7:
0x11b: {  	[sflag:s25] =	ssyncset.done $0x0;
	(pc) =	sbr.rel @p2 .LBB2_10-.Ltmp7, $4  }
0x11c: {  	s12 =	sadd.s32 $0x2800, s13;
	[sflag:s25] =	ssyncadd.s32 $0xFFFFD800  }
0x11d: {  	[spmem:s2] =	stream.indirect.scatter.add.f32 [tilespmem:s23], [sflag:$0x4], $0x80, s12, s21, $0xb8;
	[tilespmem:$0x1F000] =	vst v63  }
0x11e: {  	_ =	swait.ge [sflag:s20], $0x2800  }
0x11f: {  	s0 =	sadd.s32 $0xA0, s0;
	[sflag:s20] =	ssyncset.done $0x0  }
.Ltmp8:
0x120: {  	_ = 	snop;
	(pc) =	sbr.rel .LBB2_11-.Ltmp8, $1  }
0x121: {  	_ =	sdelay $0x3  }
.LBB2_13:
0x122: {  	_ =	sfence.sel $0x180000  }
0x123: {  	[bflag:$0x0] =	sbarrier.arrive $0xFFFF  }
0x124: {  	_ =	strace $0x90000047  }
0x125: {  	[bflag:$0x2] =	sbarrier.arrive $0xFFFF  }
0x126: {  	p0 =	sne.s32 s4, $0x0;
	s0 =	rddreg [dreg:$0x5]  }
0x127: {  	s0 =	sadd.s32 @!p0 $0x100000, s0  }
0x128: {  	[sflag:s0] =	ssyncadd.tile.s32 @!p0 $0x1;
	_ =	shalt  }
.Lfunc_end2:
_tile_overlayer_lowered:
.L_overlay_start_2:
0x129: {  	(tag) =	ssettag $0x2  }
0x12a: {  	s0 =	rddreg [dreg:$0x0];
	s2 =	stileid.u32  }
0x12b: {  	s1 =	rddreg [dreg:$0x1];
	p0 =	sne.s32 s2, $0x0  }
0x12c: {  	s3 =	rddreg [dreg:$0x2];
	[bflag:$0x3] =	sbarrier.arrive $0xFFFF;
	s2 =	simm.s32 @!p0 $0x1C04  }
0x12d: {  	[timem:s3], [sflag:s2] =	dma.local @!p0 [hbm:s0], s1  }
0x12e: {  	s0 =	simm.s32 @!p0 $0x4  }
0x12f: {  	_ =	swait.ge @!p0 [sflag:s0], s1  }
0x130: {  	s1 =	ssub.s32 @!p0 $0x0, s1;
	[sflag:s0] =	ssyncset.done @!p0 $0x0  }
0x131: {  	[sflag:s0] =	ssyncadd.s32 @!p0 s1  }
0x132: {  	[bflag:$0x3] =	sbarrier.arrive $0xFFFF  }
0x133: {  	_ =	shalt  }

// kernel: kernel.15.cloned.1.call-start
scs
__scs_entry_jumppad:
0x0: {  	(pc) =	sbr.rel $0x88, $3  }
0x1: {  	(tag) =	ssettag $0x0;
	lr =	simm.s32 $0x1  }
0x2: {  	[smem:$0x3F8E] =	sst lr;
	_ =	strace $0xD0000000  }
0x3: {  	_ = 	snop  }
0x4: {  	_ = 	snop  }
0x5: {  	_ = 	snop  }
0x6: {  	_ = 	snop  }
0x7: {  	_ = 	snop  }
__scs_overlays_trampoline_lowered:
0x8: {  	[smem:$0x3F9D] =	sst s0  }
0x9: {  	[smem:$0x3F9E] =	sst s1  }
0xa: {  	[smem:$0x3F9F] =	sst s2  }
0xb: {  	[smem:$0x3FA0] =	sst s3  }
0xc: {  	[smem:$0x3FA1] =	sst s4  }
0xd: {  	[smem:$0x3FA2] =	sst s5  }
0xe: {  	[smem:$0x3FA3] =	sst s6  }
0xf: {  	[smem:$0x3FA4] =	sst s7  }
0x10: {  	[smem:$0x3FA5] =	sst s8  }
0x11: {  	[smem:$0x3FA6] =	sst s9;
	s0 =	simm.s32 @!p0 $0x0  }
0x12: {  	s1 =	sld [smem:$0x3F8C];
	s0 =	simm.s32 @p0 $0x1  }
0x13: {  	[smem:$0x3FA7] =	sst s0;
	s0 =	simm.s32 @!p1 $0x0  }
0x14: {  	s2 =	sld [smem:$0x3F8B];
	s0 =	simm.s32 @p1 $0x1  }
0x15: {  	[smem:$0x3FA8] =	sst s0;
	s0 =	simm.s32 @!p2 $0x0  }
0x16: {  	s3 =	sld [smem:$0x3FDB];
	s0 =	simm.s32 @p2 $0x1  }
0x17: {  	s4 =	simm.s32 $0x1BF5;
	[smem:$0x3FAA] =	sst s0  }
0x18: {  	s0 =	sld [smem:$0x3F8D];
	_ =	swait.ge [sflag:s4], $0x0  }
0x19: {  	s7 =	sld [smem:$0x3F8E]  }
0x1a: {  	s8 =	sadd.s32 $0xFFFFE003, lr  }
0x1b: {  	s9 =	sadd.s32 $0xFFFFFEF7, lr;
	s5 =	simm.s32 $0xFFFFFFFF;
	p2 =	slt.u32 s8, $0xFFFFF086  }
0x1c: {  	p1 =	slt.u32 s9, $0xF7A;
	s5 =	simm.s32 @!p2 $0x0  }
0x1d: {  	s5 =	simm.s32 @p1 $0x1;
	p0 =	seq.s32 s7, s2  }
0x1e: {  	s7 =	smul.u32 @!p0 $0xF7A, s2;
	p2 =	seq.s32 @!p0 s5, $0x0  }
0x1f: {  	s9 =	smul.u32 $0xF7A, s1;
	s8 =	simm.s32 @!p0 $0x1BF5;
	p2 =	por !p2, p0  }
0x20: {  	[sflag:s8] =	ssyncset.s32 @!p0 $0xFFFFF086;
	s6 =	sadd.s32 @!p0 s3, s7;
	s7 =	simm.s32 @!p0 $0x108  }
0x21: {  	s3 =	sadd.s32 s3, s9;
	s6 =	sadd.s32 @!p0 $0x88, s6;
	s7 =	simm.s32 @p2 $0x1082  }
0x22: {  	[simem:s7], [sflag:s8] =	dma.local @!p0 [hbm:s6], $0xF7A  }
0x23: {  	s9 =	sor.u32 $0xD0000000, s2;
	s6 =	simm.s32 $0x108;
	_ =	swait.ge @!p0 [sflag:s8], $0x0  }
0x24: {  	s3 =	sadd.s32 $0x88, s3;
	s6 =	simm.s32 @!p1 $0x1082;
	[sflag:s4] =	ssyncset.s32 $0xFFFFF086  }
0x25: {  	[simem:s6], [sflag:s4] =	dma.local [hbm:s3], $0xF7A  }
0x26: {  	[smem:$0x3F8E] =	sst s1;
	(tag) =	ssettag s2;
	_ =	strace s9  }
0x27: {  	s1 =	sld [smem:$0x3F9E]  }
0x28: {  	s2 =	sld [smem:$0x3F9F]  }
0x29: {  	s4 =	sld [smem:$0x3FA1]  }
0x2a: {  	p0 =	seq.s32 s5, $0x0;
	s5 =	sld [smem:$0x3FA2]  }
0x2b: {  	s6 =	sld [smem:$0x3FA3]  }
0x2c: {  	s7 =	sld [smem:$0x3FA4]  }
0x2d: {  	s3 =	simm.s32 $0x108;
	s8 =	sld [smem:$0x3FA5]  }
0x2e: {  	s3 =	simm.s32 @!p0 $0x1082;
	s9 =	sld [smem:$0x3FA6]  }
0x2f: {  	lr =	sadd.s32 s0, s3;
	s0 =	sld [smem:$0x3F9D]  }
0x30: {  	s3 =	sld [smem:$0x3FA0]  }
0x31: {  	[smem:$0x3FA9] =	sst s10  }
0x32: {  	s10 =	sld [smem:$0x3FA7];
	_ =	sdelay $0x3  }
0x33: {  	p0 =	seq.s32 s10, $0x1;
	s10 =	sld [smem:$0x3FA9];
	_ =	sdelay $0x3  }
0x34: {  	[smem:$0x3FA9] =	sst s10  }
0x35: {  	s10 =	sld [smem:$0x3FA8];
	_ =	sdelay $0x3  }
0x36: {  	p1 =	seq.s32 s10, $0x1;
	s10 =	sld [smem:$0x3FA9];
	_ =	sdelay $0x3  }
0x37: {  	[smem:$0x3FA9] =	sst s10  }
0x38: {  	s10 =	sld [smem:$0x3FAA]  }
0x39: {  	_ = 	snop;
	(pc) =	sbr.ind lr, $3  }
0x3a: {  	_ = 	snop  }
0x3b: {  	_ = 	snop  }
0x3c: {  	p2 =	seq.s32 s10, $0x1;
	s10 =	sld [smem:$0x3FA9]  }
0x3d: {  	_ =	shalt  }
0x3e: {  	_ =	shalt  }
0x3f: {  	_ =	shalt  }
0x40: {  	_ =	shalt  }
0x41: {  	_ =	shalt  }
0x42: {  	_ =	shalt  }
0x43: {  	_ =	shalt  }
0x44: {  	_ =	shalt  }
0x45: {  	_ =	shalt  }
0x46: {  	_ =	shalt  }
0x47: {  	_ =	shalt  }
0x48: {  	_ =	shalt  }
0x49: {  	_ =	shalt  }
0x4a: {  	_ =	shalt  }
0x4b: {  	_ =	shalt  }
0x4c: {  	_ =	shalt  }
0x4d: {  	_ =	shalt  }
0x4e: {  	_ =	shalt  }
0x4f: {  	_ =	shalt  }
0x50: {  	_ =	shalt  }
0x51: {  	_ =	shalt  }
0x52: {  	_ =	shalt  }
0x53: {  	_ =	shalt  }
0x54: {  	_ =	shalt  }
0x55: {  	_ =	shalt  }
0x56: {  	_ =	shalt  }
0x57: {  	_ =	shalt  }
0x58: {  	_ =	shalt  }
0x59: {  	_ =	shalt  }
0x5a: {  	_ =	shalt  }
0x5b: {  	_ =	shalt  }
0x5c: {  	_ =	shalt  }
0x5d: {  	_ =	shalt  }
0x5e: {  	_ =	shalt  }
0x5f: {  	_ =	shalt  }
0x60: {  	_ =	shalt  }
0x61: {  	_ =	shalt  }
0x62: {  	_ =	shalt  }
0x63: {  	_ =	shalt  }
0x64: {  	_ =	shalt  }
0x65: {  	_ =	shalt  }
0x66: {  	_ =	shalt  }
0x67: {  	_ =	shalt  }
0x68: {  	_ =	shalt  }
0x69: {  	_ =	shalt  }
0x6a: {  	_ =	shalt  }
0x6b: {  	_ =	shalt  }
0x6c: {  	_ =	shalt  }
0x6d: {  	_ =	shalt  }
0x6e: {  	_ =	shalt  }
0x6f: {  	_ =	shalt  }
0x70: {  	_ =	shalt  }
0x71: {  	_ =	shalt  }
0x72: {  	_ =	shalt  }
0x73: {  	_ =	shalt  }
0x74: {  	_ =	shalt  }
0x75: {  	_ =	shalt  }
0x76: {  	_ =	shalt  }
0x77: {  	_ =	shalt  }
0x78: {  	_ =	shalt  }
0x79: {  	_ =	shalt  }
0x7a: {  	_ =	shalt  }
0x7b: {  	_ =	shalt  }
0x7c: {  	_ =	shalt  }
0x7d: {  	_ =	shalt  }
0x7e: {  	_ =	shalt  }
0x7f: {  	_ =	shalt  }
0x80: {  	_ =	shalt  }
0x81: {  	_ =	shalt  }
0x82: {  	_ =	shalt  }
0x83: {  	_ =	shalt  }
0x84: {  	_ =	shalt  }
0x85: {  	_ =	shalt  }
0x86: {  	_ =	shalt  }
0x87: {  	_ =	shalt  }
.Lfunc_end0:
.L_simem_size_0:
called_computation.1_lowered:
.L_overlay_start_0:
0x88: {  	s2 =	sld [smem:$0x3FD9]  }
0x89: {  	s3 =	sld [smem:$0x3FFE];
	_ =	sdelay $0x1  }
0x8a: {  	s1 =	srdreg.scid  }
0x8b: {  	s0 =	sand.u32 $0x1, s1  }
0x8c: {  	s14 =	sshll.u32 s0, $0xA;
	s2 =	sadd.s32 s3, s2  }
0x8d: {  	s2 =	sadd.s32 s2, s14  }
0x8e: {  	[smem:$0x3FB5] =	sst s2  }
0x8f: {  	_ = 	snop  }
0x90: {  	s2 =	sld [smem:$0x3FD0];
	_ =	sdelay $0x2  }
0x91: {  	s15 =	simm.s32 $0xA;
	s4 =	simm.s32 $0x10  }
0x92: {  	[smem:s4], [sflag:s15] =	dma.local [hbm:s2], $0x1  }
0x93: {  	_ =	swait.eq [sflag:s15], $0x1  }
0x94: {  	s16 =	sld [smem:$0x10];
	[sflag:s15] =	ssyncset.done $0x0  }
0x95: {  	s17 =	sld [smem:$0x11];
	[sflag:s15] =	ssyncadd.s32 $0xFFFFFFFF  }
0x96: {  	s18 =	sld [smem:$0x12];
	(tm) =	ssettm $0x1  }
0x97: {  	s5 =	sld [smem:$0x3FFB];
	_ =	sdelay $0x3  }
0x98: {  	_ =	strace s5  }
0x99: {  	s5 =	sld [smem:$0x3FFC];
	_ =	sdelay $0x3  }
0x9a: {  	_ =	strace s5  }
0x9b: {  	s5 =	sld [smem:$0x3FFD];
	_ =	sdelay $0x3  }
0x9c: {  	_ =	strace s5  }
0x9d: {  	_ =	strace $0x8FFFFFFF  }
0x9e: {  	s19 =	sld [smem:$0x3FDB];
	_ =	sdelay $0x1  }
0x9f: {  	s6 =	simm.s32 $_scs_section_size  }
0xa0: {  	s7 =	simm.s32 $_size__tile_overlayer_lowered;
	s8 =	simm.s32 $_tile_overlayer_lowered  }
0xa1: {  	s22 =	simm.s32 $0x1BFF;
	s21 =	sshll.u32 s8, $0x1;
	s5 =	sadd.s32 s6, s19  }
0xa2: {  	s9 =	simm.s32 $0x0;
	s20 =	sshll.u32 s7, $0x1;
	s7 =	sadd.s32 s21, s5  }
0xa3: {  	[timem:s9], [sflag:s22] =	dma.local [hbm:s7], s20  }
0xa4: {  	_ =	swait.ge [sflag:s22], s20  }
0xa5: {  	s6 =	ssub.s32 $0x0, s20;
	[sflag:s22] =	ssyncset.done $0x0  }
0xa6: {  	[sflag:s22] =	ssyncadd.s32 s6;
	_ =	sdelay $0x1  }
0xa7: {  	s23 =	simm.s32 $0x1B8B  }
0xa8: {  	_ =	swait.ge [sflag:s23], $0x1  }
0xa9: {  	[sflag:s23] =	ssyncset.done $0x0  }
0xaa: {  	s25 =	simm.s32 $0x1B8E;
	s24 =	sld [smem:$0x3FFE];
	[sflag:s23] =	ssyncadd.s32 $0xFFFFFFFF  }
0xab: {  	s26 =	simm.s32 $execute0_lowered;
	[smem:$0x3FD2] =	sst s25  }
0xac: {  	s7 =	sshll.u32 s26, $0x1;
	_ =	strace $0x80000049;
	[dreg:$0x1] =	wrdreg $0xFFFFFFFF  }
0xad: {  	s28 =	simm.s32 $_size_execute0_lowered;
	s5 =	sadd.s32 s5, s7;
	[dreg:$0x0] =	wrdreg $0x0  }
0xae: {  	s7 =	sshll.u32 s28, $0x1;
	[dreg:$0x2] =	wrdreg s5  }
0xaf: {  	[dreg:$0x3] =	wrdreg s7  }
0xb0: {  	[dreg:$0x4] =	wrdreg $0xC0  }
0xb1: {  	_ =	task [dreg:s9], $0x5FFFF  }
0xb2: {  	[dreg:$0x1] =	wrdreg $0xFFFFFFFF  }
0xb3: {  	[dreg:$0x0] =	wrdreg $0x60  }
0xb4: {  	[dreg:$0x2] =	wrdreg s17  }
0xb5: {  	[dreg:$0x3] =	wrdreg s24  }
0xb6: {  	[dreg:$0x4] =	wrdreg s16  }
0xb7: {  	[dreg:$0x5] =	wrdreg s18  }
0xb8: {  	[dreg:$0x6] =	wrdreg $0xB7800  }
0xb9: {  	[dreg:$0x7] =	wrdreg $0x9  }
0xba: {  	_ =	task.clear_ibuf [dreg:s9], $0x8FFFF;
	_ =	strace $0x90000049  }
0xbb: {  	s29 =	simm.s32 $0x9;
	_ =	strace $0x8000004B  }
0xbc: {  	_ =	swait.ge [sflag:s29], $0x1  }
0xbd: {  	[sflag:s29] =	ssyncadd.s32 $0xFFFFFFFF  }
0xbe: {  	_ =	strace $0x9000004B  }
0xbf: {  	_ =	sfence  }
0xc0: {  	s30 =	sld [smem:$0x0];
	_ =	sdelay $0x2  }
0xc1: {  	s31 =	sshll.u32 s1, $0xD;
	s1 =	sshrl.u32 s1, $0x2  }
0xc2: {  	s3 =	sand.u32 $0x4000, s31;
	s1 =	sadd.s32 s1, s30  }
0xc3: {  	s0 =	sor.u32 s3, s0;
	s1 =	sshll.u32 s1, $0x11  }
0xc4: {  	s0 =	sor.u32 s1, s0  }
0xc5: {  	s0 =	sadd.s32 $0x8F2B, s0  }
0xc6: {  	[sflag:s0] =	ssyncadd.remote.s32 $0x1  }
0xc7: {  	_ =	sfence.sel $0xFFFF  }
0xc8: {  	[dreg:$0x0] =	wrdreg $0xFFFFFFFF;
	(pc) =	sbr.abs _section_cstart, $3  }
0xc9: {  	[dreg:$0x1] =	wrdreg $0xFFFFFFFF  }
0xca: {  	_ =	task.clear_ibuf [dreg:s9], $0x2FFFF;
	_ =	strace $0x9FFFFFFF  }
0xcb: {  	(tm) =	ssettm $0x7FFFFFFF  }
tec
execute0_lowered:
.L_overlay_start_1:
0x0: {  	(tag) =	ssettag $0x1  }
0x1: {  	s1 =	rddreg [dreg:$0x0]  }
0x2: {  	s0 =	rddreg [dreg:$0x1]  }
0x3: {  	s7 =	rddreg [dreg:$0x2]  }
0x4: {  	s2 =	rddreg [dreg:$0x3]  }
0x5: {  	s3 =	rddreg [dreg:$0x4]  }
0x6: {  	s4 =	simm.s32 $0x0;
	s5 =	srdreg.scid;
	s28 =	simm.s32 $0x50  }
0x7: {  	s29 =	simm.s32 $0x6780;
	s30 =	simm.s32 $0x8F80;
	s31 =	simm.s32 $0x2  }
0x8: {  	[smem:$0x7FF] =	sst s4;
	s8 =	sadd.s32 $0x3200, s0;
	s6 =	sadd.s32 $0x9EE00, s0  }
0x9: {  	s10 =	sadd.s32 $0x85000, s0;
	s12 =	sand.u32 $0x1, s5;
	s5 =	stileid.u32  }
0xa: {  	s17 =	sadd.s32 $0x75000, s0;
	s21 =	sadd.s32 $0x8EE00, s0;
	s9 =	smul.u32 $0x27100, s12  }
0xb: {  	s15 =	sadd.s32 $0x128400, s3;
	s16 =	sadd.s32 $0x25080, s2;
	s14 =	smul.u32 $0x9C4, s5  }
0xc: {  	_ =	strace $0x8000004A;
	s11 =	ssub.s32 $0x2, s12;
	s20 =	smul.u32 $0x4F000, s5  }
0xd: {  	[dreg:$0x6] =	wrdreg s21;
	p0 =	sne.s32 s12, $0x0;
	s13 =	sshrl.u32 s11, $0x1  }
0xe: {  	p1 =	seq.s32 s5, $0xF;
	s0 =	sadd.s32 s9, s0;
	s18 =	ssub.s32 s11, s13  }
0xf: {  	s19 =	sadd.s32 s10, s14;
	s9 =	sshll.u32 s5, $0xC;
	s11 =	smul.u32 $0x2780, s5  }
0x10: {  	s14 =	sadd.s32 s8, s14;
	s13 =	sshrl.u32 s20, $0x2;
	[dreg:$0x7] =	wrdreg s19  }
0x11: {  	s22 =	sadd.s32 s17, s9;
	s19 =	sshllo.u32 s5, $0x1;
	[dreg:$0x9] =	wrdreg s14  }
0x12: {  	s13 =	sadd.s32 s13, s3;
	[dreg:$0x8] =	wrdreg s22;
	s20 =	smul.u32 $0x4E2, s19  }
0x13: {  	s14 =	sadd.s32 s2, s11;
	s24 =	sshll.u32 s19, $0xB;
	s22 =	sadd.s32 $0x26E00, s0  }
0x14: {  	s0 =	simm.s32 $0x3;
	s25 =	sadd.s32 s17, s24;
	s26 =	sadd.s32 s21, s24  }
.Ltmp0:
0x15: {  	s2 =	sadd.s32 s7, s24;
	[dreg:$0xb] =	wrdreg s25;
	(pc) =	sbr.rel .LBB2_1-.Ltmp0, $4  }
0x16: {  	s24 =	simm.s32 $0x1;
	s23 =	sadd.s32 s10, s20;
	[dreg:$0xc] =	wrdreg s26  }
0x17: {  	s8 =	sadd.s32 s8, s20;
	[dreg:$0xe] =	wrdreg s2;
	s25 =	simm.s32 $0x2780  }
0x18: {  	s26 =	simm.s32 $0x4;
	s2 =	simm.s32 $0x6580;
	[dreg:$0xa] =	wrdreg s23  }
0x19: {  	[dreg:$0xd] =	wrdreg s8;
	s23 =	smax.u32 s18, $0x1;
	s8 =	simm.s32 $0x0  }
.LBB2_18:
0x1a: {  	s7 =	sadd.s32 $0xFFFFFFB0, s18;
	[sflag:s26] =	ssyncadd.s32 $0xFFFFD800  }
0x1b: {  	[tilespmem:s30], [sflag:$0x3] =	stream.indirect.gather [hbm4b:s6+s28], $0x80, s7, s28, $0xb8;
	[tilespmem:$0x1F000] =	vst v63  }
0x1c: {  	_ =	swait.ge [sflag:s31], $0x2800  }
0x1d: {  	s21 =	sshra.s32 s19, $0x2;
	[sflag:s31] =	ssyncset.done $0x0  }
0x1e: {  	s19 =	sadd.s32 $0x2780, s21;
	[sflag:s31] =	ssyncadd.s32 $0xFFFFD800  }
0x1f: {  	[spmem:s3] =	stream.indirect.scatter.add.f32 [tilespmem:s29], [sflag:$0x4], $0x80, s19, s28, $0xb8;
	[tilespmem:$0x1F000] =	vst v63  }
0x20: {  	_ =	swait.ge [sflag:s26], $0x2800  }
0x21: {  	[sflag:s26] =	ssyncset.done $0x0  }
0x22: {  	[sflag:s26] =	ssyncadd.s32 $0xFFFFD800  }
0x23: {  	[tilespmem:s29], [sflag:$0x2] =	stream.indirect.gather [hbm4b:s6+s28], $0x80, s18, s28, $0xb8;
	[tilespmem:$0x1F000] =	vst v63  }
0x24: {  	_ =	swait.ge [sflag:s0], $0x2800  }
0x25: {  	[sflag:s0] =	ssyncset.done $0x0  }
0x26: {  	s7 =	sadd.s32 $0x2800, s21;
	[sflag:s0] =	ssyncadd.s32 $0xFFFFD800  }
0x27: {  	[spmem:s3] =	stream.indirect.scatter.add.f32 [tilespmem:s30], [sflag:$0x4], $0x80, s7, s28, $0xb8;
	[tilespmem:$0x1F000] =	vst v63  }
0x28: {  	_ =	swait.ge [sflag:s26], $0x2800  }
0x29: {  	[sflag:s26] =	ssyncset.done $0x0  }
0x2a: {  	[sflag:s26] =	ssyncadd.s32 $0xFFFFD800  }
.LBB2_19:
0x2b: {  	_ =	swait.ge [sflag:s31], $0x2800  }
0x2c: {  	[sflag:s31] =	ssyncset.done $0x0  }
0x2d: {  	[sflag:s31] =	ssyncadd.s32 $0xFFFFD800  }
0x2e: {  	[spmem:s3] =	stream.indirect.scatter.add.f32 [tilespmem:s29], [sflag:$0x4], $0x80, s2, s28, $0xb8;
	[tilespmem:$0x1F000] =	vst v63  }
0x2f: {  	_ =	swait.ge [sflag:s26], $0x2800  }
0x30: {  	[sflag:s26] =	ssyncset.done $0x0  }
0x31: {  	[sflag:s26] =	ssyncadd.s32 $0xFFFFD800  }
0x32: {  	s7 =	sadd.s32 @p1 $0x25080, s22;
	s18 =	simm.s32 @p1 $0x1FC4;
	[bflag:$0x0] =	sbarrier.arrive $0xFFFF  }
0x33: {  	[hbm:s7], [sflag:s18] =	dma.local @p1 [spmem:s10], $0x2080  }
0x34: {  	s7 =	simm.s32 @p1 $0x4  }
0x35: {  	_ =	swait.ge @p1 [sflag:s7], $0x2080  }
0x36: {  	s8 =	sadd.s32 $0x1, s8;
	[sflag:s7] =	ssyncset.done @p1 $0x0  }
0x37: {  	p2 =	sne.s32 s8, s23;
	[sflag:s7] =	ssyncadd.s32 @p1 $0xFFFFDF80;
	s7 =	sadd.s32 @!p1 s11, s22  }
0x38: {  	[hbm:s7], [sflag:s12] =	dma.local @!p1 [spmem:s17], $0x2780  }
.Ltmp1:
0x39: {  	_ = 	snop;
	(pc) =	sbr.rel @!p2 .LBB2_20-.Ltmp1, $4  }
0x3a: {  	s7 =	simm.s32 @!p1 $0x4  }
0x3b: {  	_ =	swait.ge @!p1 [sflag:s7], $0x2780  }
0x3c: {  	[sflag:s7] =	ssyncset.done @!p1 $0x0  }
0x3d: {  	[sflag:s7] =	ssyncadd.s32 @!p1 $0xFFFFD880  }
.LBB2_1:
.Ltmp2:
0x3e: {  	(pc) =	sbr.rel @p0 .LBB2_3-.Ltmp2, $1  }
0x3f: {  	_ =	sdelay $0x3  }
0x40: {  	s7 =	rddreg [dreg:$0x9]  }
0x41: {  	[tilespmem:s4], [sflag:$0x1] =	stream.linear.gather [hbm4b:s7+s4], $0x2710, $0x38;
	[tilespmem:$0x1F000] =	vst v63  }
.Ltmp3:
0x42: {  	_ = 	snop;
	(pc) =	sbr.rel .LBB2_6-.Ltmp3, $4  }
0x43: {  	_ =	swait.ge [sflag:s24], $0x2710  }
0x44: {  	[sflag:s24] =	ssyncset.done $0x0  }
0x45: {  	[sflag:s24] =	ssyncadd.s32 $0xFFFFD8F0  }
0x46: {  	s10 =	rddreg [dreg:$0x2]  }
.LBB2_3:
0x47: {  	s10 =	simm.s32 $0x0;
	s7 =	rddreg [dreg:$0x7]  }
0x48: {  	[tilespmem:s10], [sflag:$0x1] =	stream.linear.gather [hbm4b:s7+s10], $0x2710, $0x38;
	[tilespmem:$0x1F000] =	vst v63  }
0x49: {  	_ =	swait.ge [sflag:s24], $0x2710  }
0x4a: {  	[sflag:s24] =	ssyncset.done $0x0  }
0x4b: {  	s21 =	rddreg [dreg:$0x8];
	[sflag:s24] =	ssyncadd.s32 $0xFFFFD8F0  }
0x4c: {  	[tilespmem:s25], [sflag:$0x4] =	stream.linear.gather [hbm4b:s21+s10], $0x3E80, $0x38;
	[tilespmem:$0x1F000] =	vst v63  }
0x4d: {  	_ =	swait.ge [sflag:s26], $0x3E80  }
0x4e: {  	[sflag:s26] =	ssyncset.done $0x0  }
0x4f: {  	s12 =	simm.s32 $0x0;
	[sflag:s26] =	ssyncadd.s32 $0xFFFFC180  }
0x50: {  	v0 =	vld [tilespmem:s12+$0x2780]  }
0x51: {  	s10 =	simm.s32 $0x20  }
0x52: {  	v1 =	vld [tilespmem:s10+$0xFFFFFFE0];
	_ =	sdelay $0x2  }
0x53: {  	v0 =	vmul.u32 $0x2710, v0;
	_ =	sdelay $0x1  }
0x54: {  	v0 =	vadd.s32 v1, v0  }
0x55: {  	[tilespmem:s10+$0xFFFFFFE0] =	vst v0  }
0x56: {  	v0 =	vld [tilespmem:s12+$0x2790];
	_ =	sdelay $0x1  }
0x57: {  	v60 =	vld [tilespmem:s10+$0xFFFFFFF0];
	_ =	sdelay $0x2  }
0x58: {  	v0 =	vmul.u32 $0x2710, v0;
	_ =	sdelay $0x1  }
0x59: {  	v0 =	vadd.s32 v60, v0  }
0x5a: {  	[tilespmem:s10+$0xFFFFFFF0] =	vst v0  }
0x5b: {  	v0 =	vld [tilespmem:s12+$0x27A0];
	_ =	sdelay $0x1  }
0x5c: {  	v61 =	vld [tilespmem:s10+$0x0];
	_ =	sdelay $0x2  }
0x5d: {  	v0 =	vmul.u32 $0x2710, v0;
	_ =	sdelay $0x1  }
0x5e: {  	v0 =	vadd.s32 v61, v0  }
0x5f: {  	[tilespmem:s10+$0x0] =	vst v0  }
0x60: {  	v0 =	vld [tilespmem:s12+$0x27B0];
	_ =	sdelay $0x1  }
0x61: {  	v62 =	vld [tilespmem:s10+$0x10];
	_ =	sdelay $0x2  }
0x62: {  	v0 =	vmul.u32 $0x2710, v0;
	_ =	sdelay $0x1  }
0x63: {  	v0 =	vadd.s32 v62, v0  }
0x64: {  	[tilespmem:s10+$0x10] =	vst v0  }
0x65: {  	v0 =	vld [tilespmem:s12+$0x27C0];
	_ =	sdelay $0x1  }
0x66: {  	v63 =	vld [tilespmem:s10+$0x20];
	_ =	sdelay $0x2  }
0x67: {  	v0 =	vmul.u32 $0x2710, v0;
	_ =	sdelay $0x1  }
0x68: {  	v0 =	vadd.s32 v63, v0  }
0x69: {  	s17 =	simm.s32 $0x400;
	s12 =	simm.s32 $0x80;
	[tilespmem:s10+$0x20] =	vst v0  }
.LBB2_4:
0x6a: {  	p2 =	sne.s32 s17, $0xF800;
	v0 =	vld [tilespmem:s12+$0x2780]  }
0x6b: {  	s10 =	sadd.s32 $0x50, s10  }
0x6c: {  	v1 =	vld [tilespmem:s10+$0xFFFFFFE0];
	_ =	sdelay $0x2  }
0x6d: {  	v0 =	vmul.u32 $0x2710, v0;
	_ =	sdelay $0x1  }
0x6e: {  	v0 =	vadd.s32 v1, v0  }
0x6f: {  	[tilespmem:s10+$0xFFFFFFE0] =	vst v0  }
0x70: {  	v0 =	vld [tilespmem:s12+$0x2790];
	_ =	sdelay $0x1  }
0x71: {  	v1 =	vld [tilespmem:s10+$0xFFFFFFF0];
	_ =	sdelay $0x2  }
0x72: {  	v0 =	vmul.u32 $0x2710, v0;
	_ =	sdelay $0x1  }
0x73: {  	v0 =	vadd.s32 v1, v0  }
0x74: {  	[tilespmem:s10+$0xFFFFFFF0] =	vst v0  }
0x75: {  	v0 =	vld [tilespmem:s12+$0x27A0];
	_ =	sdelay $0x1  }
0x76: {  	v1 =	vld [tilespmem:s10+$0x0];
	_ =	sdelay $0x2  }
0x77: {  	v0 =	vmul.u32 $0x2710, v0;
	_ =	sdelay $0x1  }
0x78: {  	v0 =	vadd.s32 v1, v0  }
0x79: {  	[tilespmem:s10+$0x0] =	vst v0  }
0x7a: {  	v0 =	vld [tilespmem:s12+$0x27B0];
	_ =	sdelay $0x1  }
0x7b: {  	v1 =	vld [tilespmem:s10+$0x10];
	_ =	sdelay $0x2  }
0x7c: {  	v0 =	vmul.u32 $0x2710, v0;
	_ =	sdelay $0x1  }
0x7d: {  	v0 =	vadd.s32 v1, v0  }
0x7e: {  	[tilespmem:s10+$0x10] =	vst v0  }
0x7f: {  	v0 =	vld [tilespmem:s12+$0x27C0];
	_ =	sdelay $0x1  }
0x80: {  	v1 =	vld [tilespmem:s10+$0x20];
	_ =	sdelay $0x1  }
.Ltmp4:
0x81: {  	(pc) =	sbr.rel @p2 .LBB2_4-.Ltmp4, $3  }
0x82: {  	v0 =	vmul.u32 $0x2710, v0;
	_ =	sdelay $0x1  }
0x83: {  	v0 =	vadd.s32 v1, v0  }
0x84: {  	s12 =	sshra.s32 s17, $0x2;
	s17 =	sadd.s32 $0x200, s17;
	[tilespmem:s10+$0x20] =	vst v0  }
0x85: {  	v0 =	vld [tilespmem:s12+$0x2780]  }
0x86: {  	s10 =	sadd.s32 $0x50, s10  }
0x87: {  	v1 =	vld [tilespmem:s10+$0xFFFFFFE0];
	_ =	sdelay $0x2  }
0x88: {  	v0 =	vmul.u32 $0x2710, v0;
	_ =	sdelay $0x1  }
0x89: {  	v0 =	vadd.s32 v1, v0  }
0x8a: {  	[tilespmem:s10+$0xFFFFFFE0] =	vst v0  }
0x8b: {  	v0 =	vld [tilespmem:s12+$0x2790];
	_ =	sdelay $0x1  }
0x8c: {  	v60 =	vld [tilespmem:s10+$0xFFFFFFF0];
	_ =	sdelay $0x2  }
0x8d: {  	v0 =	vmul.u32 $0x2710, v0;
	_ =	sdelay $0x1  }
0x8e: {  	v0 =	vadd.s32 v60, v0  }
0x8f: {  	[tilespmem:s10+$0xFFFFFFF0] =	vst v0  }
0x90: {  	v0 =	vld [tilespmem:s12+$0x27A0];
	_ =	sdelay $0x1  }
0x91: {  	v61 =	vld [tilespmem:s10+$0x0];
	_ =	sdelay $0x2  }
0x92: {  	v0 =	vmul.u32 $0x2710, v0;
	_ =	sdelay $0x1  }
0x93: {  	v0 =	vadd.s32 v61, v0  }
0x94: {  	[tilespmem:s10+$0x0] =	vst v0  }
0x95: {  	v0 =	vld [tilespmem:s12+$0x27B0];
	_ =	sdelay $0x1  }
0x96: {  	v62 =	vld [tilespmem:s10+$0x10];
	_ =	sdelay $0x2  }
0x97: {  	v0 =	vmul.u32 $0x2710, v0;
	_ =	sdelay $0x1  }
0x98: {  	v0 =	vadd.s32 v62, v0  }
0x99: {  	[tilespmem:s10+$0x10] =	vst v0  }
0x9a: {  	v0 =	vld [tilespmem:s12+$0x27C0];
	_ =	sdelay $0x1  }
0x9b: {  	v63 =	vld [tilespmem:s10+$0x20];
	_ =	sdelay $0x2  }
0x9c: {  	v0 =	vmul.u32 $0x2710, v0;
	_ =	sdelay $0x1  }
0x9d: {  	v0 =	vadd.s32 v63, v0  }
0x9e: {  	[tilespmem:s10+$0x20] =	vst v0;
	s10 =	rddreg [dreg:$0x6]  }
.LBB2_6:
0x9f: {  	s10 =	sadd.s32 s10, s9  }
0xa0: {  	[tilespmem:s25], [sflag:$0x4] =	stream.linear.gather [hbm4b:s10+s4], $0x3E80, $0x38;
	[tilespmem:$0x1F000] =	vst v63  }
0xa1: {  	_ =	swait.ge [sflag:s26], $0x3E80  }
0xa2: {  	[sflag:s26] =	ssyncset.done $0x0  }
0xa3: {  	s12 =	simm.s32 @p1 $0x1FC4;
	s10 =	sshrl.u32 @p1 s15, $0x3;
	[sflag:s26] =	ssyncadd.s32 $0xFFFFC180  }
0xa4: {  	[spmem:s10], [sflag:s12] =	dma.local @p1 [hbm:s16], $0x2080  }
0xa5: {  	s12 =	simm.s32 @p1 $0x4  }
0xa6: {  	_ =	swait.ge @p1 [sflag:s12], $0x2080  }
0xa7: {  	s17 =	sshll.u32 @!p1 s5, $0x6;
	s18 =	simm.s32 @!p1 $0x4;
	[sflag:s12] =	ssyncset.done @p1 $0x0  }
0xa8: {  	[sflag:s12] =	ssyncadd.s32 @p1 $0xFFFFDF80;
	s12 =	sor.u32 @!p1 $0x1C04, s17;
	s17 =	sshrl.u32 @!p1 s13, $0x3  }
0xa9: {  	[spmem:s17], [sflag:s12] =	dma.local @!p1 [hbm:s14], $0x2780  }
.Ltmp5:
0xaa: {  	_ =	swait.ge @!p1 [sflag:s18], $0x2780;
	(pc) =	sbr.rel @p0 .LBB2_12-.Ltmp5, $3  }
0xab: {  	[sflag:s18] =	ssyncset.done @!p1 $0x0  }
0xac: {  	[sflag:s18] =	ssyncadd.s32 @!p1 $0xFFFFD880  }
0xad: {  	[bflag:$0x0] =	sbarrier.arrive $0xFFFF;
	_ =	sdelay $0x1  }
0xae: {  	s18 =	simm.s32 $0x0  }
0xaf: {  	[tilespmem:s29], [sflag:$0x2] =	stream.indirect.gather [hbm4b:s1+s28], $0x80, s18, s28, $0xb8;
	[tilespmem:$0x1F000] =	vst v63  }
0xb0: {  	s7 =	simm.s32 $0x50  }
0xb1: {  	[tilespmem:s30], [sflag:$0x3] =	stream.indirect.gather [hbm4b:s1+s28], $0x80, s7, s28, $0xb8;
	[tilespmem:$0x1F000] =	vst v63  }
0xb2: {  	_ =	swait.ge [sflag:s31], $0x2800  }
0xb3: {  	[sflag:s31] =	ssyncset.done $0x0  }
0xb4: {  	s19 =	simm.s32 $0x2780;
	[sflag:s31] =	ssyncadd.s32 $0xFFFFD800  }
0xb5: {  	[spmem:s3] =	stream.indirect.scatter.add.f32 [tilespmem:s29], [sflag:$0x4], $0x80, s19, s28, $0xb8;
	[tilespmem:$0x1F000] =	vst v63  }
0xb6: {  	_ =	swait.ge [sflag:s26], $0x2800  }
0xb7: {  	[sflag:s26] =	ssyncset.done $0x0  }
0xb8: {  	s20 =	simm.s32 $0xA0;
	[sflag:s26] =	ssyncadd.s32 $0xFFFFD800  }
0xb9: {  	[tilespmem:s29], [sflag:$0x2] =	stream.indirect.gather [hbm4b:s1+s28], $0x80, s20, s28, $0xb8;
	[tilespmem:$0x1F000] =	vst v63  }
0xba: {  	_ =	swait.ge [sflag:s0], $0x2800  }
0xbb: {  	[sflag:s0] =	ssyncset.done $0x0  }
0xbc: {  	s21 =	simm.s32 $0x2800;
	[sflag:s0] =	ssyncadd.s32 $0xFFFFD800  }
0xbd: {  	[spmem:s3] =	stream.indirect.scatter.add.f32 [tilespmem:s30], [sflag:$0x4], $0x80, s21, s28, $0xb8;
	[tilespmem:$0x1F000] =	vst v63  }
0xbe: {  	s18 =	simm.s32 $0x140;
	_ =	swait.ge [sflag:s26], $0x2800  }
0xbf: {  	s19 =	simm.s32 $0x400;
	s20 =	simm.s32 $0x800;
	[sflag:s26] =	ssyncset.done $0x0  }
.LBB2_8:
0xc0: {  	p2 =	sne.s32 s20, $0xF400;
	s21 =	sadd.s32 $0xFFFFFFB0, s18;
	[sflag:s26] =	ssyncadd.s32 $0xFFFFD800  }
0xc1: {  	[tilespmem:s30], [sflag:$0x3] =	stream.indirect.gather [hbm4b:s1+s28], $0x80, s21, s28, $0xb8;
	[tilespmem:$0x1F000] =	vst v63  }
0xc2: {  	s21 =	smov.u32 s20;
	s20 =	sadd.s32 $0x400, s20;
	_ =	swait.ge [sflag:s31], $0x2800  }
0xc3: {  	s7 =	sshra.s32 s19, $0x2;
	s19 =	smov.u32 s21;
	[sflag:s31] =	ssyncset.done $0x0  }
0xc4: {  	s21 =	sadd.s32 $0x2780, s7;
	[sflag:s31] =	ssyncadd.s32 $0xFFFFD800  }
0xc5: {  	[spmem:s3] =	stream.indirect.scatter.add.f32 [tilespmem:s29], [sflag:$0x4], $0x80, s21, s28, $0xb8;
	[tilespmem:$0x1F000] =	vst v63  }
0xc6: {  	_ =	swait.ge [sflag:s26], $0x2800  }
0xc7: {  	[sflag:s26] =	ssyncset.done $0x0  }
0xc8: {  	[sflag:s26] =	ssyncadd.s32 $0xFFFFD800  }
0xc9: {  	[tilespmem:s29], [sflag:$0x2] =	stream.indirect.gather [hbm4b:s1+s28], $0x80, s18, s28, $0xb8;
	[tilespmem:$0x1F000] =	vst v63  }
0xca: {  	_ =	swait.ge [sflag:s0], $0x2800  }
.Ltmp6:
0xcb: {  	[sflag:s0] =	ssyncset.done $0x0;
	(pc) =	sbr.rel @p2 .LBB2_8-.Ltmp6, $4  }
0xcc: {  	s7 =	sadd.s32 $0x2800, s7;
	[sflag:s0] =	ssyncadd.s32 $0xFFFFD800  }
0xcd: {  	[spmem:s3] =	stream.indirect.scatter.add.f32 [tilespmem:s30], [sflag:$0x4], $0x80, s7, s28, $0xb8;
	[tilespmem:$0x1F000] =	vst v63  }
0xce: {  	_ =	swait.ge [sflag:s26], $0x2800  }
0xcf: {  	s18 =	sadd.s32 $0xA0, s18;
	[sflag:s26] =	ssyncset.done $0x0  }
0xd0: {  	s7 =	sadd.s32 $0xFFFFFFB0, s18;
	[sflag:s26] =	ssyncadd.s32 $0xFFFFD800  }
0xd1: {  	[tilespmem:s30], [sflag:$0x3] =	stream.indirect.gather [hbm4b:s1+s28], $0x80, s7, s28, $0xb8;
	[tilespmem:$0x1F000] =	vst v63  }
0xd2: {  	_ =	swait.ge [sflag:s31], $0x2800  }
0xd3: {  	s21 =	sshra.s32 s19, $0x2;
	[sflag:s31] =	ssyncset.done $0x0  }
0xd4: {  	s19 =	sadd.s32 $0x2780, s21;
	[sflag:s31] =	ssyncadd.s32 $0xFFFFD800  }
0xd5: {  	[spmem:s3] =	stream.indirect.scatter.add.f32 [tilespmem:s29], [sflag:$0x4], $0x80, s19, s28, $0xb8;
	[tilespmem:$0x1F000] =	vst v63  }
0xd6: {  	_ =	swait.ge [sflag:s26], $0x2800  }
0xd7: {  	[sflag:s26] =	ssyncset.done $0x0  }
0xd8: {  	[sflag:s26] =	ssyncadd.s32 $0xFFFFD800  }
0xd9: {  	[tilespmem:s29], [sflag:$0x2] =	stream.indirect.gather [hbm4b:s1+s28], $0x80, s18, s28, $0xb8;
	[tilespmem:$0x1F000] =	vst v63  }
0xda: {  	_ =	swait.ge [sflag:s0], $0x2800  }
0xdb: {  	[sflag:s0] =	ssyncset.done $0x0  }
0xdc: {  	s7 =	sadd.s32 $0x2800, s21;
	[sflag:s0] =	ssyncadd.s32 $0xFFFFD800  }
0xdd: {  	[spmem:s3] =	stream.indirect.scatter.add.f32 [tilespmem:s30], [sflag:$0x4], $0x80, s7, s28, $0xb8;
	[tilespmem:$0x1F000] =	vst v63  }
0xde: {  	_ =	swait.ge [sflag:s26], $0x2800  }
0xdf: {  	[sflag:s26] =	ssyncset.done $0x0  }
0xe0: {  	[sflag:s26] =	ssyncadd.s32 $0xFFFFD800  }
0xe1: {  	_ =	swait.ge [sflag:s31], $0x2800  }
0xe2: {  	[sflag:s31] =	ssyncset.done $0x0  }
0xe3: {  	[sflag:s31] =	ssyncadd.s32 $0xFFFFD800  }
0xe4: {  	[spmem:s3] =	stream.indirect.scatter.add.f32 [tilespmem:s29], [sflag:$0x4], $0x80, s2, s28, $0xb8;
	[tilespmem:$0x1F000] =	vst v63  }
0xe5: {  	_ =	swait.ge [sflag:s26], $0x2800  }
0xe6: {  	[sflag:s26] =	ssyncset.done $0x0  }
0xe7: {  	s19 =	simm.s32 $0x0;
	s20 =	rddreg [dreg:$0xd];
	[sflag:s26] =	ssyncadd.s32 $0xFFFFD800  }
0xe8: {  	[tilespmem:s19], [sflag:$0x1] =	stream.linear.gather [hbm4b:s20+s19], $0x2710, $0x38;
	[tilespmem:$0x1F000] =	vst v63  }
0xe9: {  	_ =	swait.ge [sflag:s24], $0x2710  }
0xea: {  	[sflag:s24] =	ssyncset.done $0x0  }
0xeb: {  	s21 =	rddreg [dreg:$0xe];
	[sflag:s24] =	ssyncadd.s32 $0xFFFFD8F0  }
0xec: {  	[tilespmem:s25], [sflag:$0x4] =	stream.linear.gather [hbm4b:s21+s19], $0x3E80, $0x38;
	[tilespmem:$0x1F000] =	vst v63  }
0xed: {  	_ =	swait.ge [sflag:s26], $0x3E80  }
0xee: {  	[sflag:s26] =	ssyncset.done $0x0  }
0xef: {  	[sflag:s26] =	ssyncadd.s32 $0xFFFFC180  }
0xf0: {  	[tilespmem:s29], [sflag:$0x2] =	stream.indirect.gather [hbm4b:s1+s28], $0x80, s19, s28, $0xb8;
	[tilespmem:$0x1F000] =	vst v63  }
0xf1: {  	s18 =	simm.s32 $0x50  }
0xf2: {  	[tilespmem:s30], [sflag:$0x3] =	stream.indirect.gather [hbm4b:s1+s28], $0x80, s18, s28, $0xb8;
	[tilespmem:$0x1F000] =	vst v63  }
0xf3: {  	_ =	swait.ge [sflag:s31], $0x2800  }
0xf4: {  	[sflag:s31] =	ssyncset.done $0x0  }
0xf5: {  	s19 =	simm.s32 $0x2780;
	[sflag:s31] =	ssyncadd.s32 $0xFFFFD800  }
0xf6: {  	[spmem:s3] =	stream.indirect.scatter.add.f32 [tilespmem:s29], [sflag:$0x4], $0x80, s19, s28, $0xb8;
	[tilespmem:$0x1F000] =	vst v63  }
0xf7: {  	_ =	swait.ge [sflag:s26], $0x2800  }
0xf8: {  	[sflag:s26] =	ssyncset.done $0x0  }
0xf9: {  	s20 =	simm.s32 $0xA0;
	[sflag:s26] =	ssyncadd.s32 $0xFFFFD800  }
0xfa: {  	[tilespmem:s29], [sflag:$0x2] =	stream.indirect.gather [hbm4b:s1+s28], $0x80, s20, s28, $0xb8;
	[tilespmem:$0x1F000] =	vst v63  }
0xfb: {  	_ =	swait.ge [sflag:s0], $0x2800  }
0xfc: {  	[sflag:s0] =	ssyncset.done $0x0  }
0xfd: {  	s21 =	simm.s32 $0x2800;
	[sflag:s0] =	ssyncadd.s32 $0xFFFFD800  }
0xfe: {  	[spmem:s3] =	stream.indirect.scatter.add.f32 [tilespmem:s30], [sflag:$0x4], $0x80, s21, s28, $0xb8;
	[tilespmem:$0x1F000] =	vst v63  }
0xff: {  	s18 =	simm.s32 $0x140;
	_ =	swait.ge [sflag:s26], $0x2800  }
0x100: {  	s19 =	simm.s32 $0x400;
	s20 =	simm.s32 $0x800;
	[sflag:s26] =	ssyncset.done $0x0  }
.LBB2_10:
0x101: {  	p2 =	seq.s32 s20, $0xF400;
	s7 =	sadd.s32 $0xFFFFFFB0, s18;
	[sflag:s26] =	ssyncadd.s32 $0xFFFFD800  }
0x102: {  	[tilespmem:s30], [sflag:$0x3] =	stream.indirect.gather [hbm4b:s1+s28], $0x80, s7, s28, $0xb8;
	[tilespmem:$0x1F000] =	vst v63  }
0x103: {  	s7 =	smov.u32 s20;
	s20 =	sadd.s32 $0x400, s20;
	_ =	swait.ge [sflag:s31], $0x2800  }
0x104: {  	s21 =	sshra.s32 s19, $0x2;
	s19 =	smov.u32 s7;
	[sflag:s31] =	ssyncset.done $0x0  }
0x105: {  	s7 =	sadd.s32 $0x2780, s21;
	[sflag:s31] =	ssyncadd.s32 $0xFFFFD800  }
0x106: {  	[spmem:s3] =	stream.indirect.scatter.add.f32 [tilespmem:s29], [sflag:$0x4], $0x80, s7, s28, $0xb8;
	[tilespmem:$0x1F000] =	vst v63  }
0x107: {  	_ =	swait.ge [sflag:s26], $0x2800  }
0x108: {  	[sflag:s26] =	ssyncset.done $0x0  }
0x109: {  	[sflag:s26] =	ssyncadd.s32 $0xFFFFD800  }
0x10a: {  	[tilespmem:s29], [sflag:$0x2] =	stream.indirect.gather [hbm4b:s1+s28], $0x80, s18, s28, $0xb8;
	[tilespmem:$0x1F000] =	vst v63  }
0x10b: {  	_ =	swait.ge [sflag:s0], $0x2800  }
.Ltmp7:
0x10c: {  	[sflag:s0] =	ssyncset.done $0x0;
	(pc) =	sbr.rel @!p2 .LBB2_10-.Ltmp7, $4  }
0x10d: {  	s7 =	sadd.s32 $0x2800, s21;
	[sflag:s0] =	ssyncadd.s32 $0xFFFFD800  }
0x10e: {  	[spmem:s3] =	stream.indirect.scatter.add.f32 [tilespmem:s30], [sflag:$0x4], $0x80, s7, s28, $0xb8;
	[tilespmem:$0x1F000] =	vst v63  }
0x10f: {  	_ =	swait.ge [sflag:s26], $0x2800  }
0x110: {  	s18 =	sadd.s32 $0xA0, s18;
	[sflag:s26] =	ssyncset.done $0x0  }
0x111: {  	s7 =	sadd.s32 $0xFFFFFFB0, s18;
	[sflag:s26] =	ssyncadd.s32 $0xFFFFD800  }
0x112: {  	[tilespmem:s30], [sflag:$0x3] =	stream.indirect.gather [hbm4b:s1+s28], $0x80, s7, s28, $0xb8;
	[tilespmem:$0x1F000] =	vst v63  }
0x113: {  	_ =	swait.ge [sflag:s31], $0x2800  }
0x114: {  	s21 =	sshra.s32 s19, $0x2;
	[sflag:s31] =	ssyncset.done $0x0  }
0x115: {  	s19 =	sadd.s32 $0x2780, s21;
	[sflag:s31] =	ssyncadd.s32 $0xFFFFD800  }
0x116: {  	[spmem:s3] =	stream.indirect.scatter.add.f32 [tilespmem:s29], [sflag:$0x4], $0x80, s19, s28, $0xb8;
	[tilespmem:$0x1F000] =	vst v63  }
0x117: {  	_ =	swait.ge [sflag:s26], $0x2800  }
0x118: {  	[sflag:s26] =	ssyncset.done $0x0  }
0x119: {  	[sflag:s26] =	ssyncadd.s32 $0xFFFFD800  }
0x11a: {  	[tilespmem:s29], [sflag:$0x2] =	stream.indirect.gather [hbm4b:s1+s28], $0x80, s18, s28, $0xb8;
	[tilespmem:$0x1F000] =	vst v63  }
0x11b: {  	_ =	swait.ge [sflag:s0], $0x2800  }
0x11c: {  	[sflag:s0] =	ssyncset.done $0x0  }
.Ltmp8:
0x11d: {  	s7 =	sadd.s32 $0x2800, s21;
	[sflag:s0] =	ssyncadd.s32 $0xFFFFD800;
	(pc) =	sbr.rel .LBB2_19-.Ltmp8, $4  }
0x11e: {  	[spmem:s3] =	stream.indirect.scatter.add.f32 [tilespmem:s30], [sflag:$0x4], $0x80, s7, s28, $0xb8;
	[tilespmem:$0x1F000] =	vst v63  }
0x11f: {  	_ =	swait.ge [sflag:s26], $0x2800  }
0x120: {  	[sflag:s26] =	ssyncset.done $0x0  }
0x121: {  	[sflag:s26] =	ssyncadd.s32 $0xFFFFD800  }
.LBB2_12:
0x122: {  	s7 =	simm.s32 $0x0  }
0x123: {  	[tilespmem:s29], [sflag:$0x2] =	stream.indirect.gather [hbm4b:s6+s28], $0x80, s7, s28, $0xb8;
	[tilespmem:$0x1F000] =	vst v63  }
0x124: {  	s18 =	simm.s32 $0x50  }
0x125: {  	[tilespmem:s30], [sflag:$0x3] =	stream.indirect.gather [hbm4b:s6+s28], $0x80, s18, s28, $0xb8;
	[tilespmem:$0x1F000] =	vst v63  }
0x126: {  	_ =	swait.ge [sflag:s31], $0x2800  }
0x127: {  	[sflag:s31] =	ssyncset.done $0x0  }
0x128: {  	s19 =	simm.s32 $0x2780;
	[sflag:s31] =	ssyncadd.s32 $0xFFFFD800  }
0x129: {  	[spmem:s3] =	stream.indirect.scatter.add.f32 [tilespmem:s29], [sflag:$0x4], $0x80, s19, s28, $0xb8;
	[tilespmem:$0x1F000] =	vst v63  }
0x12a: {  	_ =	swait.ge [sflag:s26], $0x2800  }
0x12b: {  	[sflag:s26] =	ssyncset.done $0x0  }
0x12c: {  	s20 =	simm.s32 $0xA0;
	[sflag:s26] =	ssyncadd.s32 $0xFFFFD800  }
0x12d: {  	[tilespmem:s29], [sflag:$0x2] =	stream.indirect.gather [hbm4b:s6+s28], $0x80, s20, s28, $0xb8;
	[tilespmem:$0x1F000] =	vst v63  }
0x12e: {  	_ =	swait.ge [sflag:s0], $0x2800  }
0x12f: {  	[sflag:s0] =	ssyncset.done $0x0  }
0x130: {  	s21 =	simm.s32 $0x2800;
	[sflag:s0] =	ssyncadd.s32 $0xFFFFD800  }
0x131: {  	[spmem:s3] =	stream.indirect.scatter.add.f32 [tilespmem:s30], [sflag:$0x4], $0x80, s21, s28, $0xb8;
	[tilespmem:$0x1F000] =	vst v63  }
0x132: {  	s18 =	simm.s32 $0x140;
	_ =	swait.ge [sflag:s26], $0x2800  }
0x133: {  	s19 =	simm.s32 $0x400;
	s20 =	simm.s32 $0x800;
	[sflag:s26] =	ssyncset.done $0x0  }
.LBB2_13:
0x134: {  	p2 =	sne.s32 s20, $0xF400;
	s7 =	sadd.s32 $0xFFFFFFB0, s18;
	[sflag:s26] =	ssyncadd.s32 $0xFFFFD800  }
0x135: {  	[tilespmem:s30], [sflag:$0x3] =	stream.indirect.gather [hbm4b:s6+s28], $0x80, s7, s28, $0xb8;
	[tilespmem:$0x1F000] =	vst v63  }
0x136: {  	s7 =	smov.u32 s20;
	s20 =	sadd.s32 $0x400, s20;
	_ =	swait.ge [sflag:s31], $0x2800  }
0x137: {  	s21 =	sshra.s32 s19, $0x2;
	s19 =	smov.u32 s7;
	[sflag:s31] =	ssyncset.done $0x0  }
0x138: {  	s7 =	sadd.s32 $0x2780, s21;
	[sflag:s31] =	ssyncadd.s32 $0xFFFFD800  }
0x139: {  	[spmem:s3] =	stream.indirect.scatter.add.f32 [tilespmem:s29], [sflag:$0x4], $0x80, s7, s28, $0xb8;
	[tilespmem:$0x1F000] =	vst v63  }
0x13a: {  	_ =	swait.ge [sflag:s26], $0x2800  }
0x13b: {  	[sflag:s26] =	ssyncset.done $0x0  }
0x13c: {  	[sflag:s26] =	ssyncadd.s32 $0xFFFFD800  }
0x13d: {  	[tilespmem:s29], [sflag:$0x2] =	stream.indirect.gather [hbm4b:s6+s28], $0x80, s18, s28, $0xb8;
	[tilespmem:$0x1F000] =	vst v63  }
0x13e: {  	_ =	swait.ge [sflag:s0], $0x2800  }
.Ltmp9:
0x13f: {  	[sflag:s0] =	ssyncset.done $0x0;
	(pc) =	sbr.rel @p2 .LBB2_13-.Ltmp9, $4  }
0x140: {  	s7 =	sadd.s32 $0x2800, s21;
	[sflag:s0] =	ssyncadd.s32 $0xFFFFD800  }
0x141: {  	[spmem:s3] =	stream.indirect.scatter.add.f32 [tilespmem:s30], [sflag:$0x4], $0x80, s7, s28, $0xb8;
	[tilespmem:$0x1F000] =	vst v63  }
0x142: {  	_ =	swait.ge [sflag:s26], $0x2800  }
0x143: {  	s18 =	sadd.s32 $0xA0, s18;
	[sflag:s26] =	ssyncset.done $0x0  }
0x144: {  	s7 =	sadd.s32 $0xFFFFFFB0, s18;
	[sflag:s26] =	ssyncadd.s32 $0xFFFFD800  }
0x145: {  	[tilespmem:s30], [sflag:$0x3] =	stream.indirect.gather [hbm4b:s6+s28], $0x80, s7, s28, $0xb8;
	[tilespmem:$0x1F000] =	vst v63  }
0x146: {  	_ =	swait.ge [sflag:s31], $0x2800  }
0x147: {  	s20 =	sshra.s32 s19, $0x2;
	[sflag:s31] =	ssyncset.done $0x0  }
0x148: {  	s19 =	sadd.s32 $0x2780, s20;
	[sflag:s31] =	ssyncadd.s32 $0xFFFFD800  }
0x149: {  	[spmem:s3] =	stream.indirect.scatter.add.f32 [tilespmem:s29], [sflag:$0x4], $0x80, s19, s28, $0xb8;
	[tilespmem:$0x1F000] =	vst v63  }
0x14a: {  	_ =	swait.ge [sflag:s26], $0x2800  }
0x14b: {  	[sflag:s26] =	ssyncset.done $0x0  }
0x14c: {  	[sflag:s26] =	ssyncadd.s32 $0xFFFFD800  }
0x14d: {  	[tilespmem:s29], [sflag:$0x2] =	stream.indirect.gather [hbm4b:s6+s28], $0x80, s18, s28, $0xb8;
	[tilespmem:$0x1F000] =	vst v63  }
0x14e: {  	_ =	swait.ge [sflag:s0], $0x2800  }
0x14f: {  	[sflag:s0] =	ssyncset.done $0x0  }
0x150: {  	s7 =	sadd.s32 $0x2800, s20;
	[sflag:s0] =	ssyncadd.s32 $0xFFFFD800  }
0x151: {  	[spmem:s3] =	stream.indirect.scatter.add.f32 [tilespmem:s30], [sflag:$0x4], $0x80, s7, s28, $0xb8;
	[tilespmem:$0x1F000] =	vst v63  }
0x152: {  	_ =	swait.ge [sflag:s26], $0x2800  }
0x153: {  	[sflag:s26] =	ssyncset.done $0x0  }
0x154: {  	[sflag:s26] =	ssyncadd.s32 $0xFFFFD800  }
0x155: {  	_ =	swait.ge [sflag:s31], $0x2800  }
0x156: {  	[sflag:s31] =	ssyncset.done $0x0  }
0x157: {  	[sflag:s31] =	ssyncadd.s32 $0xFFFFD800  }
0x158: {  	[spmem:s3] =	stream.indirect.scatter.add.f32 [tilespmem:s29], [sflag:$0x4], $0x80, s2, s28, $0xb8;
	[tilespmem:$0x1F000] =	vst v63  }
0x159: {  	_ =	swait.ge [sflag:s26], $0x2800  }
0x15a: {  	[sflag:s26] =	ssyncset.done $0x0  }
0x15b: {  	s21 =	simm.s32 $0x0;
	s19 =	rddreg [dreg:$0xa];
	[sflag:s26] =	ssyncadd.s32 $0xFFFFD800  }
0x15c: {  	[tilespmem:s21], [sflag:$0x1] =	stream.linear.gather [hbm4b:s19+s21], $0x2710, $0x38;
	[tilespmem:$0x1F000] =	vst v63  }
0x15d: {  	_ =	swait.ge [sflag:s24], $0x2710  }
0x15e: {  	[sflag:s24] =	ssyncset.done $0x0  }
0x15f: {  	s20 =	rddreg [dreg:$0xb];
	[sflag:s24] =	ssyncadd.s32 $0xFFFFD8F0  }
0x160: {  	[tilespmem:s25], [sflag:$0x4] =	stream.linear.gather [hbm4b:s20+s21], $0x3E80, $0x38;
	[tilespmem:$0x1F000] =	vst v63  }
0x161: {  	_ =	swait.ge [sflag:s26], $0x3E80  }
0x162: {  	[sflag:s26] =	ssyncset.done $0x0  }
0x163: {  	s21 =	simm.s32 $0x0;
	[sflag:s26] =	ssyncadd.s32 $0xFFFFC180  }
0x164: {  	v0 =	vld [tilespmem:s21+$0x2780]  }
0x165: {  	s18 =	simm.s32 $0x20  }
0x166: {  	v1 =	vld [tilespmem:s18+$0xFFFFFFE0];
	_ =	sdelay $0x2  }
0x167: {  	v0 =	vmul.u32 $0x2710, v0;
	_ =	sdelay $0x1  }
0x168: {  	v0 =	vadd.s32 v1, v0  }
0x169: {  	[tilespmem:s18+$0xFFFFFFE0] =	vst v0  }
0x16a: {  	v0 =	vld [tilespmem:s21+$0x2790];
	_ =	sdelay $0x1  }
0x16b: {  	v60 =	vld [tilespmem:s18+$0xFFFFFFF0];
	_ =	sdelay $0x2  }
0x16c: {  	v0 =	vmul.u32 $0x2710, v0;
	_ =	sdelay $0x1  }
0x16d: {  	v0 =	vadd.s32 v60, v0  }
0x16e: {  	[tilespmem:s18+$0xFFFFFFF0] =	vst v0  }
0x16f: {  	v0 =	vld [tilespmem:s21+$0x27A0];
	_ =	sdelay $0x1  }
0x170: {  	v61 =	vld [tilespmem:s18+$0x0];
	_ =	sdelay $0x2  }
0x171: {  	v0 =	vmul.u32 $0x2710, v0;
	_ =	sdelay $0x1  }
0x172: {  	v0 =	vadd.s32 v61, v0  }
0x173: {  	[tilespmem:s18+$0x0] =	vst v0  }
0x174: {  	v0 =	vld [tilespmem:s21+$0x27B0];
	_ =	sdelay $0x1  }
0x175: {  	v62 =	vld [tilespmem:s18+$0x10];
	_ =	sdelay $0x2  }
0x176: {  	v0 =	vmul.u32 $0x2710, v0;
	_ =	sdelay $0x1  }
0x177: {  	v0 =	vadd.s32 v62, v0  }
0x178: {  	[tilespmem:s18+$0x10] =	vst v0  }
0x179: {  	v0 =	vld [tilespmem:s21+$0x27C0];
	_ =	sdelay $0x1  }
0x17a: {  	v63 =	vld [tilespmem:s18+$0x20];
	_ =	sdelay $0x2  }
0x17b: {  	v0 =	vmul.u32 $0x2710, v0;
	_ =	sdelay $0x1  }
0x17c: {  	v0 =	vadd.s32 v63, v0  }
0x17d: {  	s19 =	simm.s32 $0x80;
	s20 =	simm.s32 $0x400;
	[tilespmem:s18+$0x20] =	vst v0  }
.LBB2_15:
0x17e: {  	p2 =	sne.s32 s20, $0xF800;
	v0 =	vld [tilespmem:s19+$0x2780]  }
0x17f: {  	s18 =	sadd.s32 $0x50, s18  }
0x180: {  	v1 =	vld [tilespmem:s18+$0xFFFFFFE0];
	_ =	sdelay $0x2  }
0x181: {  	v0 =	vmul.u32 $0x2710, v0;
	_ =	sdelay $0x1  }
0x182: {  	v0 =	vadd.s32 v1, v0  }
0x183: {  	[tilespmem:s18+$0xFFFFFFE0] =	vst v0  }
0x184: {  	v0 =	vld [tilespmem:s19+$0x2790];
	_ =	sdelay $0x1  }
0x185: {  	v1 =	vld [tilespmem:s18+$0xFFFFFFF0];
	_ =	sdelay $0x2  }
0x186: {  	v0 =	vmul.u32 $0x2710, v0;
	_ =	sdelay $0x1  }
0x187: {  	v0 =	vadd.s32 v1, v0  }
0x188: {  	[tilespmem:s18+$0xFFFFFFF0] =	vst v0  }
0x189: {  	v0 =	vld [tilespmem:s19+$0x27A0];
	_ =	sdelay $0x1  }
0x18a: {  	v1 =	vld [tilespmem:s18+$0x0];
	_ =	sdelay $0x2  }
0x18b: {  	v0 =	vmul.u32 $0x2710, v0;
	_ =	sdelay $0x1  }
0x18c: {  	v0 =	vadd.s32 v1, v0  }
0x18d: {  	[tilespmem:s18+$0x0] =	vst v0  }
0x18e: {  	v0 =	vld [tilespmem:s19+$0x27B0];
	_ =	sdelay $0x1  }
0x18f: {  	v1 =	vld [tilespmem:s18+$0x10];
	_ =	sdelay $0x2  }
0x190: {  	v0 =	vmul.u32 $0x2710, v0;
	_ =	sdelay $0x1  }
0x191: {  	v0 =	vadd.s32 v1, v0  }
0x192: {  	[tilespmem:s18+$0x10] =	vst v0  }
0x193: {  	v0 =	vld [tilespmem:s19+$0x27C0];
	_ =	sdelay $0x1  }
0x194: {  	v1 =	vld [tilespmem:s18+$0x20];
	_ =	sdelay $0x1  }
.Ltmp10:
0x195: {  	(pc) =	sbr.rel @p2 .LBB2_15-.Ltmp10, $3  }
0x196: {  	v0 =	vmul.u32 $0x2710, v0;
	_ =	sdelay $0x1  }
0x197: {  	v0 =	vadd.s32 v1, v0  }
0x198: {  	s19 =	sshra.s32 s20, $0x2;
	s20 =	sadd.s32 $0x200, s20;
	[tilespmem:s18+$0x20] =	vst v0  }
0x199: {  	v0 =	vld [tilespmem:s19+$0x2780]  }
0x19a: {  	s7 =	sadd.s32 $0x50, s18  }
0x19b: {  	v1 =	vld [tilespmem:s7+$0xFFFFFFE0];
	_ =	sdelay $0x2  }
0x19c: {  	v0 =	vmul.u32 $0x2710, v0;
	_ =	sdelay $0x1  }
0x19d: {  	v0 =	vadd.s32 v1, v0  }
0x19e: {  	[tilespmem:s7+$0xFFFFFFE0] =	vst v0  }
0x19f: {  	v0 =	vld [tilespmem:s19+$0x2790];
	_ =	sdelay $0x1  }
0x1a0: {  	v60 =	vld [tilespmem:s7+$0xFFFFFFF0];
	_ =	sdelay $0x2  }
0x1a1: {  	v0 =	vmul.u32 $0x2710, v0;
	_ =	sdelay $0x1  }
0x1a2: {  	v0 =	vadd.s32 v60, v0  }
0x1a3: {  	[tilespmem:s7+$0xFFFFFFF0] =	vst v0  }
0x1a4: {  	v0 =	vld [tilespmem:s19+$0x27A0];
	_ =	sdelay $0x1  }
0x1a5: {  	v61 =	vld [tilespmem:s7+$0x0];
	_ =	sdelay $0x2  }
0x1a6: {  	v0 =	vmul.u32 $0x2710, v0;
	_ =	sdelay $0x1  }
0x1a7: {  	v0 =	vadd.s32 v61, v0  }
0x1a8: {  	[tilespmem:s7+$0x0] =	vst v0  }
0x1a9: {  	v0 =	vld [tilespmem:s19+$0x27B0];
	_ =	sdelay $0x1  }
0x1aa: {  	v62 =	vld [tilespmem:s7+$0x10];
	_ =	sdelay $0x2  }
0x1ab: {  	v0 =	vmul.u32 $0x2710, v0;
	_ =	sdelay $0x1  }
0x1ac: {  	v0 =	vadd.s32 v62, v0  }
0x1ad: {  	[tilespmem:s7+$0x10] =	vst v0  }
0x1ae: {  	v0 =	vld [tilespmem:s19+$0x27C0];
	_ =	sdelay $0x1  }
0x1af: {  	v63 =	vld [tilespmem:s7+$0x20];
	_ =	sdelay $0x2  }
0x1b0: {  	v0 =	vmul.u32 $0x2710, v0;
	_ =	sdelay $0x1  }
0x1b1: {  	v0 =	vadd.s32 v63, v0  }
0x1b2: {  	s20 =	simm.s32 $0x0;
	s21 =	rddreg [dreg:$0xc];
	[tilespmem:s7+$0x20] =	vst v0  }
0x1b3: {  	[tilespmem:s25], [sflag:$0x4] =	stream.linear.gather [hbm4b:s21+s20], $0x3E80, $0x38;
	[tilespmem:$0x1F000] =	vst v63  }
0x1b4: {  	_ =	swait.ge [sflag:s26], $0x3E80  }
0x1b5: {  	[sflag:s26] =	ssyncset.done $0x0  }
0x1b6: {  	[sflag:s26] =	ssyncadd.s32 $0xFFFFC180  }
0x1b7: {  	[tilespmem:s29], [sflag:$0x2] =	stream.indirect.gather [hbm4b:s6+s28], $0x80, s20, s28, $0xb8;
	[tilespmem:$0x1F000] =	vst v63  }
0x1b8: {  	s18 =	simm.s32 $0x50  }
0x1b9: {  	[tilespmem:s30], [sflag:$0x3] =	stream.indirect.gather [hbm4b:s6+s28], $0x80, s18, s28, $0xb8;
	[tilespmem:$0x1F000] =	vst v63  }
0x1ba: {  	_ =	swait.ge [sflag:s31], $0x2800  }
0x1bb: {  	[sflag:s31] =	ssyncset.done $0x0  }
0x1bc: {  	s19 =	simm.s32 $0x2780;
	[sflag:s31] =	ssyncadd.s32 $0xFFFFD800  }
0x1bd: {  	[spmem:s3] =	stream.indirect.scatter.add.f32 [tilespmem:s29], [sflag:$0x4], $0x80, s19, s28, $0xb8;
	[tilespmem:$0x1F000] =	vst v63  }
0x1be: {  	_ =	swait.ge [sflag:s26], $0x2800  }
0x1bf: {  	[sflag:s26] =	ssyncset.done $0x0  }
0x1c0: {  	s20 =	simm.s32 $0xA0;
	[sflag:s26] =	ssyncadd.s32 $0xFFFFD800  }
0x1c1: {  	[tilespmem:s29], [sflag:$0x2] =	stream.indirect.gather [hbm4b:s6+s28], $0x80, s20, s28, $0xb8;
	[tilespmem:$0x1F000] =	vst v63  }
0x1c2: {  	_ =	swait.ge [sflag:s0], $0x2800  }
0x1c3: {  	[sflag:s0] =	ssyncset.done $0x0  }
0x1c4: {  	s21 =	simm.s32 $0x2800;
	[sflag:s0] =	ssyncadd.s32 $0xFFFFD800  }
0x1c5: {  	[spmem:s3] =	stream.indirect.scatter.add.f32 [tilespmem:s30], [sflag:$0x4], $0x80, s21, s28, $0xb8;
	[tilespmem:$0x1F000] =	vst v63  }
0x1c6: {  	s18 =	simm.s32 $0x140;
	_ =	swait.ge [sflag:s26], $0x2800  }
0x1c7: {  	s19 =	simm.s32 $0x400;
	s20 =	simm.s32 $0x800;
	[sflag:s26] =	ssyncset.done $0x0  }
.LBB2_17:
0x1c8: {  	p2 =	sne.s32 s20, $0xF400;
	s7 =	sadd.s32 $0xFFFFFFB0, s18;
	[sflag:s26] =	ssyncadd.s32 $0xFFFFD800  }
0x1c9: {  	[tilespmem:s30], [sflag:$0x3] =	stream.indirect.gather [hbm4b:s6+s28], $0x80, s7, s28, $0xb8;
	[tilespmem:$0x1F000] =	vst v63  }
0x1ca: {  	s7 =	smov.u32 s20;
	s20 =	sadd.s32 $0x400, s20;
	_ =	swait.ge [sflag:s31], $0x2800  }
0x1cb: {  	s21 =	sshra.s32 s19, $0x2;
	s19 =	smov.u32 s7;
	[sflag:s31] =	ssyncset.done $0x0  }
0x1cc: {  	s7 =	sadd.s32 $0x2780, s21;
	[sflag:s31] =	ssyncadd.s32 $0xFFFFD800  }
0x1cd: {  	[spmem:s3] =	stream.indirect.scatter.add.f32 [tilespmem:s29], [sflag:$0x4], $0x80, s7, s28, $0xb8;
	[tilespmem:$0x1F000] =	vst v63  }
0x1ce: {  	_ =	swait.ge [sflag:s26], $0x2800  }
0x1cf: {  	[sflag:s26] =	ssyncset.done $0x0  }
0x1d0: {  	[sflag:s26] =	ssyncadd.s32 $0xFFFFD800  }
0x1d1: {  	[tilespmem:s29], [sflag:$0x2] =	stream.indirect.gather [hbm4b:s6+s28], $0x80, s18, s28, $0xb8;
	[tilespmem:$0x1F000] =	vst v63  }
0x1d2: {  	_ =	swait.ge [sflag:s0], $0x2800  }
.Ltmp11:
0x1d3: {  	[sflag:s0] =	ssyncset.done $0x0;
	(pc) =	sbr.rel @p2 .LBB2_17-.Ltmp11, $4  }
0x1d4: {  	s7 =	sadd.s32 $0x2800, s21;
	[sflag:s0] =	ssyncadd.s32 $0xFFFFD800  }
0x1d5: {  	[spmem:s3] =	stream.indirect.scatter.add.f32 [tilespmem:s30], [sflag:$0x4], $0x80, s7, s28, $0xb8;
	[tilespmem:$0x1F000] =	vst v63  }
0x1d6: {  	_ =	swait.ge [sflag:s26], $0x2800  }
0x1d7: {  	s18 =	sadd.s32 $0xA0, s18;
	[sflag:s26] =	ssyncset.done $0x0  }
.Ltmp12:
0x1d8: {  	_ = 	snop;
	(pc) =	sbr.rel .LBB2_18-.Ltmp12, $1  }
0x1d9: {  	_ =	sdelay $0x3  }
.LBB2_20:
0x1da: {  	_ =	sfence.sel $0x180000  }
0x1db: {  	[bflag:$0x0] =	sbarrier.arrive $0xFFFF  }
0x1dc: {  	_ =	strace $0x9000004A  }
0x1dd: {  	[bflag:$0x2] =	sbarrier.arrive $0xFFFF  }
0x1de: {  	p0 =	sne.s32 s5, $0x0;
	s0 =	rddreg [dreg:$0x5]  }
0x1df: {  	s0 =	sadd.s32 @!p0 $0x100000, s0  }
0x1e0: {  	[sflag:s0] =	ssyncadd.tile.s32 @!p0 $0x1;
	_ =	shalt  }
.Lfunc_end2:
_tile_overlayer_lowered:
.L_overlay_start_2:
0x1e1: {  	(tag) =	ssettag $0x2  }
0x1e2: {  	s0 =	rddreg [dreg:$0x0];
	s2 =	stileid.u32  }
0x1e3: {  	s1 =	rddreg [dreg:$0x1];
	p0 =	sne.s32 s2, $0x0  }
0x1e4: {  	s3 =	rddreg [dreg:$0x2];
	[bflag:$0x3] =	sbarrier.arrive $0xFFFF;
	s2 =	simm.s32 @!p0 $0x1C04  }
0x1e5: {  	[timem:s3], [sflag:s2] =	dma.local @!p0 [hbm:s0], s1  }
0x1e6: {  	s0 =	simm.s32 @!p0 $0x4  }
0x1e7: {  	_ =	swait.ge @!p0 [sflag:s0], s1  }
0x1e8: {  	s1 =	ssub.s32 @!p0 $0x0, s1;
	[sflag:s0] =	ssyncset.done @!p0 $0x0  }
0x1e9: {  	[sflag:s0] =	ssyncadd.s32 @!p0 s1  }
0x1ea: {  	[bflag:$0x3] =	sbarrier.arrive $0xFFFF  }
0x1eb: {  	_ =	shalt  }

// kernel: kernel.18.cloned.1.call-start
scs
__scs_entry_jumppad:
0x0: {  	(pc) =	sbr.rel $0x88, $3  }
0x1: {  	(tag) =	ssettag $0x0;
	lr =	simm.s32 $0x1  }
0x2: {  	[smem:$0x3F8E] =	sst lr;
	_ =	strace $0xD0000000  }
0x3: {  	_ = 	snop  }
0x4: {  	_ = 	snop  }
0x5: {  	_ = 	snop  }
0x6: {  	_ = 	snop  }
0x7: {  	_ = 	snop  }
__scs_overlays_trampoline_lowered:
0x8: {  	[smem:$0x3F9D] =	sst s0  }
0x9: {  	[smem:$0x3F9E] =	sst s1  }
0xa: {  	[smem:$0x3F9F] =	sst s2  }
0xb: {  	[smem:$0x3FA0] =	sst s3  }
0xc: {  	[smem:$0x3FA1] =	sst s4  }
0xd: {  	[smem:$0x3FA2] =	sst s5  }
0xe: {  	[smem:$0x3FA3] =	sst s6  }
0xf: {  	[smem:$0x3FA4] =	sst s7  }
0x10: {  	[smem:$0x3FA5] =	sst s8  }
0x11: {  	[smem:$0x3FA6] =	sst s9;
	s0 =	simm.s32 @!p0 $0x0  }
0x12: {  	s1 =	sld [smem:$0x3F8C];
	s0 =	simm.s32 @p0 $0x1  }
0x13: {  	[smem:$0x3FA7] =	sst s0;
	s0 =	simm.s32 @!p1 $0x0  }
0x14: {  	s2 =	sld [smem:$0x3F8B];
	s0 =	simm.s32 @p1 $0x1  }
0x15: {  	[smem:$0x3FA8] =	sst s0;
	s0 =	simm.s32 @!p2 $0x0  }
0x16: {  	s3 =	sld [smem:$0x3FDB];
	s0 =	simm.s32 @p2 $0x1  }
0x17: {  	s4 =	simm.s32 $0x1BF5;
	[smem:$0x3FAA] =	sst s0  }
0x18: {  	s0 =	sld [smem:$0x3F8D];
	_ =	swait.ge [sflag:s4], $0x0  }
0x19: {  	s7 =	sld [smem:$0x3F8E]  }
0x1a: {  	s8 =	sadd.s32 $0xFFFFE003, lr  }
0x1b: {  	s9 =	sadd.s32 $0xFFFFFEF7, lr;
	s5 =	simm.s32 $0xFFFFFFFF;
	p2 =	slt.u32 s8, $0xFFFFF086  }
0x1c: {  	p1 =	slt.u32 s9, $0xF7A;
	s5 =	simm.s32 @!p2 $0x0  }
0x1d: {  	s5 =	simm.s32 @p1 $0x1;
	p0 =	seq.s32 s7, s2  }
0x1e: {  	s7 =	smul.u32 @!p0 $0xF7A, s2;
	p2 =	seq.s32 @!p0 s5, $0x0  }
0x1f: {  	s9 =	smul.u32 $0xF7A, s1;
	s8 =	simm.s32 @!p0 $0x1BF5;
	p2 =	por !p2, p0  }
0x20: {  	[sflag:s8] =	ssyncset.s32 @!p0 $0xFFFFF086;
	s6 =	sadd.s32 @!p0 s3, s7;
	s7 =	simm.s32 @!p0 $0x108  }
0x21: {  	s3 =	sadd.s32 s3, s9;
	s6 =	sadd.s32 @!p0 $0x88, s6;
	s7 =	simm.s32 @p2 $0x1082  }
0x22: {  	[simem:s7], [sflag:s8] =	dma.local @!p0 [hbm:s6], $0xF7A  }
0x23: {  	s9 =	sor.u32 $0xD0000000, s2;
	s6 =	simm.s32 $0x108;
	_ =	swait.ge @!p0 [sflag:s8], $0x0  }
0x24: {  	s3 =	sadd.s32 $0x88, s3;
	s6 =	simm.s32 @!p1 $0x1082;
	[sflag:s4] =	ssyncset.s32 $0xFFFFF086  }
0x25: {  	[simem:s6], [sflag:s4] =	dma.local [hbm:s3], $0xF7A  }
0x26: {  	[smem:$0x3F8E] =	sst s1;
	(tag) =	ssettag s2;
	_ =	strace s9  }
0x27: {  	s1 =	sld [smem:$0x3F9E]  }
0x28: {  	s2 =	sld [smem:$0x3F9F]  }
0x29: {  	s4 =	sld [smem:$0x3FA1]  }
0x2a: {  	p0 =	seq.s32 s5, $0x0;
	s5 =	sld [smem:$0x3FA2]  }
0x2b: {  	s6 =	sld [smem:$0x3FA3]  }
0x2c: {  	s7 =	sld [smem:$0x3FA4]  }
0x2d: {  	s3 =	simm.s32 $0x108;
	s8 =	sld [smem:$0x3FA5]  }
0x2e: {  	s3 =	simm.s32 @!p0 $0x1082;
	s9 =	sld [smem:$0x3FA6]  }
0x2f: {  	lr =	sadd.s32 s0, s3;
	s0 =	sld [smem:$0x3F9D]  }
0x30: {  	s3 =	sld [smem:$0x3FA0]  }
0x31: {  	[smem:$0x3FA9] =	sst s10  }
0x32: {  	s10 =	sld [smem:$0x3FA7];
	_ =	sdelay $0x3  }
0x33: {  	p0 =	seq.s32 s10, $0x1;
	s10 =	sld [smem:$0x3FA9];
	_ =	sdelay $0x3  }
0x34: {  	[smem:$0x3FA9] =	sst s10  }
0x35: {  	s10 =	sld [smem:$0x3FA8];
	_ =	sdelay $0x3  }
0x36: {  	p1 =	seq.s32 s10, $0x1;
	s10 =	sld [smem:$0x3FA9];
	_ =	sdelay $0x3  }
0x37: {  	[smem:$0x3FA9] =	sst s10  }
0x38: {  	s10 =	sld [smem:$0x3FAA]  }
0x39: {  	_ = 	snop;
	(pc) =	sbr.ind lr, $3  }
0x3a: {  	_ = 	snop  }
0x3b: {  	_ = 	snop  }
0x3c: {  	p2 =	seq.s32 s10, $0x1;
	s10 =	sld [smem:$0x3FA9]  }
0x3d: {  	_ =	shalt  }
0x3e: {  	_ =	shalt  }
0x3f: {  	_ =	shalt  }
0x40: {  	_ =	shalt  }
0x41: {  	_ =	shalt  }
0x42: {  	_ =	shalt  }
0x43: {  	_ =	shalt  }
0x44: {  	_ =	shalt  }
0x45: {  	_ =	shalt  }
0x46: {  	_ =	shalt  }
0x47: {  	_ =	shalt  }
0x48: {  	_ =	shalt  }
0x49: {  	_ =	shalt  }
0x4a: {  	_ =	shalt  }
0x4b: {  	_ =	shalt  }
0x4c: {  	_ =	shalt  }
0x4d: {  	_ =	shalt  }
0x4e: {  	_ =	shalt  }
0x4f: {  	_ =	shalt  }
0x50: {  	_ =	shalt  }
0x51: {  	_ =	shalt  }
0x52: {  	_ =	shalt  }
0x53: {  	_ =	shalt  }
0x54: {  	_ =	shalt  }
0x55: {  	_ =	shalt  }
0x56: {  	_ =	shalt  }
0x57: {  	_ =	shalt  }
0x58: {  	_ =	shalt  }
0x59: {  	_ =	shalt  }
0x5a: {  	_ =	shalt  }
0x5b: {  	_ =	shalt  }
0x5c: {  	_ =	shalt  }
0x5d: {  	_ =	shalt  }
0x5e: {  	_ =	shalt  }
0x5f: {  	_ =	shalt  }
0x60: {  	_ =	shalt  }
0x61: {  	_ =	shalt  }
0x62: {  	_ =	shalt  }
0x63: {  	_ =	shalt  }
0x64: {  	_ =	shalt  }
0x65: {  	_ =	shalt  }
0x66: {  	_ =	shalt  }
0x67: {  	_ =	shalt  }
0x68: {  	_ =	shalt  }
0x69: {  	_ =	shalt  }
0x6a: {  	_ =	shalt  }
0x6b: {  	_ =	shalt  }
0x6c: {  	_ =	shalt  }
0x6d: {  	_ =	shalt  }
0x6e: {  	_ =	shalt  }
0x6f: {  	_ =	shalt  }
0x70: {  	_ =	shalt  }
0x71: {  	_ =	shalt  }
0x72: {  	_ =	shalt  }
0x73: {  	_ =	shalt  }
0x74: {  	_ =	shalt  }
0x75: {  	_ =	shalt  }
0x76: {  	_ =	shalt  }
0x77: {  	_ =	shalt  }
0x78: {  	_ =	shalt  }
0x79: {  	_ =	shalt  }
0x7a: {  	_ =	shalt  }
0x7b: {  	_ =	shalt  }
0x7c: {  	_ =	shalt  }
0x7d: {  	_ =	shalt  }
0x7e: {  	_ =	shalt  }
0x7f: {  	_ =	shalt  }
0x80: {  	_ =	shalt  }
0x81: {  	_ =	shalt  }
0x82: {  	_ =	shalt  }
0x83: {  	_ =	shalt  }
0x84: {  	_ =	shalt  }
0x85: {  	_ =	shalt  }
0x86: {  	_ =	shalt  }
0x87: {  	_ =	shalt  }
.Lfunc_end0:
.L_simem_size_0:
called_computation.2_lowered:
.L_overlay_start_0:
0x88: {  	s2 =	sld [smem:$0x3FD9]  }
0x89: {  	s3 =	sld [smem:$0x3FFE];
	_ =	sdelay $0x1  }
0x8a: {  	s1 =	srdreg.scid  }
0x8b: {  	s0 =	sand.u32 $0x1, s1  }
0x8c: {  	s14 =	sshll.u32 s0, $0xA;
	s2 =	sadd.s32 s3, s2  }
0x8d: {  	s2 =	sadd.s32 s2, s14  }
0x8e: {  	[smem:$0x3FB5] =	sst s2  }
0x8f: {  	_ = 	snop  }
0x90: {  	s2 =	sld [smem:$0x3FD0];
	_ =	sdelay $0x2  }
0x91: {  	s15 =	simm.s32 $0xA;
	s4 =	simm.s32 $0x10  }
0x92: {  	[smem:s4], [sflag:s15] =	dma.local [hbm:s2], $0x1  }
0x93: {  	_ =	swait.eq [sflag:s15], $0x1  }
0x94: {  	[sflag:s15] =	ssyncset.done $0x0  }
0x95: {  	[sflag:s15] =	ssyncadd.s32 $0xFFFFFFFF  }
0x96: {  	s16 =	sld [smem:$0x12];
	(tm) =	ssettm $0x1  }
0x97: {  	s17 =	sld [smem:$0x3FFB];
	_ =	sdelay $0x3  }
0x98: {  	_ =	strace s17  }
0x99: {  	s3 =	sld [smem:$0x3FFC];
	_ =	sdelay $0x3  }
0x9a: {  	_ =	strace s3  }
0x9b: {  	s3 =	sld [smem:$0x3FFD];
	_ =	sdelay $0x3  }
0x9c: {  	_ =	strace s3  }
0x9d: {  	_ =	strace $0x8FFFFFFF  }
0x9e: {  	s18 =	sld [smem:$0x3FDB];
	_ =	sdelay $0x1  }
0x9f: {  	s19 =	simm.s32 $_scs_section_size  }
0xa0: {  	s5 =	simm.s32 $_size__tile_overlayer_lowered;
	s6 =	simm.s32 $_tile_overlayer_lowered  }
0xa1: {  	s22 =	simm.s32 $0x1BFF;
	s21 =	sshll.u32 s6, $0x1;
	s3 =	sadd.s32 s19, s18  }
0xa2: {  	s7 =	simm.s32 $0x0;
	s20 =	sshll.u32 s5, $0x1;
	s5 =	sadd.s32 s21, s3  }
0xa3: {  	[timem:s7], [sflag:s22] =	dma.local [hbm:s5], s20  }
0xa4: {  	_ =	swait.ge [sflag:s22], s20  }
0xa5: {  	s4 =	ssub.s32 $0x0, s20;
	[sflag:s22] =	ssyncset.done $0x0  }
0xa6: {  	[sflag:s22] =	ssyncadd.s32 s4;
	_ =	sdelay $0x1  }
0xa7: {  	s23 =	simm.s32 $0x1B8B  }
0xa8: {  	_ =	swait.ge [sflag:s23], $0x1  }
0xa9: {  	[sflag:s23] =	ssyncset.done $0x0  }
0xaa: {  	s25 =	simm.s32 $0x1B8E;
	s24 =	sld [smem:$0x3FFE];
	[sflag:s23] =	ssyncadd.s32 $0xFFFFFFFF  }
0xab: {  	s26 =	simm.s32 $execute0_lowered;
	[smem:$0x3FD2] =	sst s25  }
0xac: {  	s5 =	sshll.u32 s26, $0x1;
	_ =	strace $0x8000004C;
	[dreg:$0x1] =	wrdreg $0xFFFFFFFF  }
0xad: {  	s28 =	simm.s32 $_size_execute0_lowered;
	s3 =	sadd.s32 s3, s5;
	[dreg:$0x0] =	wrdreg $0x0  }
0xae: {  	s5 =	sshll.u32 s28, $0x1;
	[dreg:$0x2] =	wrdreg s3  }
0xaf: {  	[dreg:$0x3] =	wrdreg s5  }
0xb0: {  	[dreg:$0x4] =	wrdreg $0xC0  }
0xb1: {  	_ =	task [dreg:s7], $0x5FFFF  }
0xb2: {  	[dreg:$0x1] =	wrdreg $0xFFFFFFFF  }
0xb3: {  	[dreg:$0x0] =	wrdreg $0x60  }
0xb4: {  	[dreg:$0x2] =	wrdreg s24  }
0xb5: {  	[dreg:$0x3] =	wrdreg s16  }
0xb6: {  	[dreg:$0x4] =	wrdreg $0xB7800  }
0xb7: {  	[dreg:$0x5] =	wrdreg $0x9  }
0xb8: {  	_ =	task.clear_ibuf [dreg:s7], $0x6FFFF;
	_ =	strace $0x9000004C  }
0xb9: {  	s29 =	simm.s32 $0x9;
	_ =	strace $0x8000004E  }
0xba: {  	_ =	swait.ge [sflag:s29], $0x1  }
0xbb: {  	[sflag:s29] =	ssyncadd.s32 $0xFFFFFFFF  }
0xbc: {  	_ =	strace $0x9000004E  }
0xbd: {  	_ =	sfence  }
0xbe: {  	s30 =	sld [smem:$0x0];
	_ =	sdelay $0x2  }
0xbf: {  	s31 =	sshll.u32 s1, $0xD;
	s1 =	sshrl.u32 s1, $0x2  }
0xc0: {  	s3 =	sand.u32 $0x4000, s31;
	s1 =	sadd.s32 s1, s30  }
0xc1: {  	s0 =	sor.u32 s3, s0;
	s1 =	sshll.u32 s1, $0x11  }
0xc2: {  	s0 =	sor.u32 s1, s0  }
0xc3: {  	s0 =	sadd.s32 $0x8F2B, s0  }
0xc4: {  	[sflag:s0] =	ssyncadd.remote.s32 $0x1  }
0xc5: {  	_ =	sfence.sel $0xFFFF  }
0xc6: {  	[dreg:$0x0] =	wrdreg $0xFFFFFFFF;
	(pc) =	sbr.abs _section_cstart, $3  }
0xc7: {  	[dreg:$0x1] =	wrdreg $0xFFFFFFFF  }
0xc8: {  	_ =	task.clear_ibuf [dreg:s7], $0x2FFFF;
	_ =	strace $0x9FFFFFFF  }
0xc9: {  	(tm) =	ssettm $0x7FFFFFFF  }
tec
execute0_lowered:
.L_overlay_start_1:
0x0: {  	(tag) =	ssettag $0x1  }
0x1: {  	s0 =	rddreg [dreg:$0x0]  }
0x2: {  	s8 =	rddreg [dreg:$0x1]  }
0x3: {  	s1 =	rddreg [dreg:$0x2]  }
0x4: {  	s2 =	simm.s32 $0x0;
	s5 =	srdreg.scid;
	s28 =	simm.s32 $0x50  }
0x5: {  	s29 =	simm.s32 $0x6780;
	s30 =	simm.s32 $0x8F80;
	s31 =	simm.s32 $0x2  }
0x6: {  	[smem:$0x7FF] =	sst s2;
	s3 =	sadd.s32 $0xED000, s0;
	s10 =	sadd.s32 $0xD000, s0  }
0x7: {  	s4 =	sadd.s32 $0x16E00, s0;
	s6 =	sadd.s32 $0x9EE00, s0;
	s12 =	sadd.s32 $0x85000, s0  }
0x8: {  	s17 =	sand.u32 $0x1, s5;
	s5 =	stileid.u32;
	s18 =	sadd.s32 $0x75000, s0  }
0x9: {  	s7 =	sadd.s32 $0x8EE00, s0;
	s15 =	sadd.s32 $0x128400, s1;
	s9 =	smul.u32 $0x27100, s17  }
0xa: {  	s16 =	sadd.s32 $0x25080, s8;
	_ =	strace $0x8000004D;
	s14 =	smul.u32 $0x9C4, s5  }
0xb: {  	s11 =	ssub.s32 $0x2, s17;
	s21 =	smul.u32 $0x4F000, s5;
	[dreg:$0x5] =	wrdreg s7  }
0xc: {  	[dreg:$0x4] =	wrdreg s4;
	p0 =	sne.s32 s17, $0x0;
	s13 =	sshrl.u32 s11, $0x1  }
0xd: {  	p1 =	seq.s32 s5, $0xF;
	s0 =	sadd.s32 s9, s0;
	s19 =	ssub.s32 s11, s13  }
0xe: {  	s20 =	sadd.s32 s12, s14;
	s9 =	sshll.u32 s5, $0xC;
	s11 =	smul.u32 $0x2780, s5  }
0xf: {  	s14 =	sadd.s32 s10, s14;
	s13 =	sshrl.u32 s21, $0x2;
	[dreg:$0x6] =	wrdreg s20  }
0x10: {  	s22 =	sadd.s32 s18, s9;
	s20 =	sshllo.u32 s5, $0x1;
	[dreg:$0x8] =	wrdreg s14  }
0x11: {  	s13 =	sadd.s32 s13, s1;
	[dreg:$0x7] =	wrdreg s22;
	s21 =	smul.u32 $0x4E2, s20  }
0x12: {  	s14 =	sadd.s32 s8, s11;
	s24 =	sshll.u32 s20, $0xB;
	s22 =	sadd.s32 $0x114200, s0  }
0x13: {  	s0 =	simm.s32 $0x3;
	s8 =	simm.s32 $0x6580;
	s25 =	sadd.s32 s18, s24  }
.Ltmp0:
0x14: {  	s7 =	sadd.s32 s7, s24;
	[dreg:$0xa] =	wrdreg s25;
	(pc) =	sbr.rel .LBB2_1-.Ltmp0, $4  }
0x15: {  	s4 =	sadd.s32 s4, s24;
	s24 =	simm.s32 $0x1;
	[dreg:$0xb] =	wrdreg s7  }
0x16: {  	s23 =	sadd.s32 s12, s21;
	s26 =	sadd.s32 s10, s21;
	[dreg:$0xd] =	wrdreg s4  }
0x17: {  	s25 =	simm.s32 $0x2780;
	s10 =	simm.s32 $0x0;
	[dreg:$0x9] =	wrdreg s23  }
0x18: {  	[dreg:$0xc] =	wrdreg s26;
	s23 =	smax.u32 s19, $0x1;
	s26 =	simm.s32 $0x4  }
.LBB2_18:
0x19: {  	s4 =	sadd.s32 $0xFFFFFFB0, s19;
	[sflag:s26] =	ssyncadd.s32 $0xFFFFD800  }
0x1a: {  	[tilespmem:s30], [sflag:$0x3] =	stream.indirect.gather [hbm4b:s6+s28], $0x80, s4, s28, $0xb8;
	[tilespmem:$0x1F000] =	vst v63  }
0x1b: {  	_ =	swait.ge [sflag:s31], $0x2800  }
0x1c: {  	s21 =	sshra.s32 s20, $0x2;
	[sflag:s31] =	ssyncset.done $0x0  }
0x1d: {  	s7 =	sadd.s32 $0x2780, s21;
	[sflag:s31] =	ssyncadd.s32 $0xFFFFD800  }
0x1e: {  	[spmem:s1] =	stream.indirect.scatter.add.f32 [tilespmem:s29], [sflag:$0x4], $0x80, s7, s28, $0xb8;
	[tilespmem:$0x1F000] =	vst v63  }
0x1f: {  	_ =	swait.ge [sflag:s26], $0x2800  }
0x20: {  	[sflag:s26] =	ssyncset.done $0x0  }
0x21: {  	[sflag:s26] =	ssyncadd.s32 $0xFFFFD800  }
0x22: {  	[tilespmem:s29], [sflag:$0x2] =	stream.indirect.gather [hbm4b:s6+s28], $0x80, s19, s28, $0xb8;
	[tilespmem:$0x1F000] =	vst v63  }
0x23: {  	_ =	swait.ge [sflag:s0], $0x2800  }
0x24: {  	[sflag:s0] =	ssyncset.done $0x0  }
0x25: {  	s4 =	sadd.s32 $0x2800, s21;
	[sflag:s0] =	ssyncadd.s32 $0xFFFFD800  }
0x26: {  	[spmem:s1] =	stream.indirect.scatter.add.f32 [tilespmem:s30], [sflag:$0x4], $0x80, s4, s28, $0xb8;
	[tilespmem:$0x1F000] =	vst v63  }
0x27: {  	_ =	swait.ge [sflag:s26], $0x2800  }
0x28: {  	[sflag:s26] =	ssyncset.done $0x0  }
0x29: {  	[sflag:s26] =	ssyncadd.s32 $0xFFFFD800  }
.LBB2_19:
0x2a: {  	_ =	swait.ge [sflag:s31], $0x2800  }
0x2b: {  	[sflag:s31] =	ssyncset.done $0x0  }
0x2c: {  	[sflag:s31] =	ssyncadd.s32 $0xFFFFD800  }
0x2d: {  	[spmem:s1] =	stream.indirect.scatter.add.f32 [tilespmem:s29], [sflag:$0x4], $0x80, s8, s28, $0xb8;
	[tilespmem:$0x1F000] =	vst v63  }
0x2e: {  	_ =	swait.ge [sflag:s26], $0x2800  }
0x2f: {  	[sflag:s26] =	ssyncset.done $0x0  }
0x30: {  	[sflag:s26] =	ssyncadd.s32 $0xFFFFD800  }
0x31: {  	s4 =	sadd.s32 @p1 $0x25080, s22;
	s7 =	simm.s32 @p1 $0x1FC4;
	[bflag:$0x0] =	sbarrier.arrive $0xFFFF  }
0x32: {  	[hbm:s4], [sflag:s7] =	dma.local @p1 [spmem:s12], $0x2080  }
0x33: {  	s4 =	simm.s32 @p1 $0x4  }
0x34: {  	_ =	swait.ge @p1 [sflag:s4], $0x2080  }
0x35: {  	s10 =	sadd.s32 $0x1, s10;
	[sflag:s4] =	ssyncset.done @p1 $0x0  }
0x36: {  	p2 =	sne.s32 s10, s23;
	[sflag:s4] =	ssyncadd.s32 @p1 $0xFFFFDF80;
	s4 =	sadd.s32 @!p1 s11, s22  }
0x37: {  	[hbm:s4], [sflag:s17] =	dma.local @!p1 [spmem:s18], $0x2780  }
.Ltmp1:
0x38: {  	_ = 	snop;
	(pc) =	sbr.rel @!p2 .LBB2_20-.Ltmp1, $4  }
0x39: {  	s4 =	simm.s32 @!p1 $0x4  }
0x3a: {  	_ =	swait.ge @!p1 [sflag:s4], $0x2780  }
0x3b: {  	[sflag:s4] =	ssyncset.done @!p1 $0x0  }
0x3c: {  	[sflag:s4] =	ssyncadd.s32 @!p1 $0xFFFFD880  }
.LBB2_1:
.Ltmp2:
0x3d: {  	(pc) =	sbr.rel @p0 .LBB2_3-.Ltmp2, $1  }
0x3e: {  	_ =	sdelay $0x3  }
.Ltmp3:
0x3f: {  	s4 =	rddreg [dreg:$0x8];
	(pc) =	sbr.rel .LBB2_6-.Ltmp3, $4  }
0x40: {  	[tilespmem:s2], [sflag:$0x1] =	stream.linear.gather [hbm4b:s4+s2], $0x2710, $0x38;
	[tilespmem:$0x1F000] =	vst v63  }
0x41: {  	_ =	swait.ge [sflag:s24], $0x2710  }
0x42: {  	[sflag:s24] =	ssyncset.done $0x0  }
0x43: {  	s12 =	rddreg [dreg:$0x4];
	[sflag:s24] =	ssyncadd.s32 $0xFFFFD8F0  }
.LBB2_3:
0x44: {  	s12 =	simm.s32 $0x0;
	s4 =	rddreg [dreg:$0x6]  }
0x45: {  	[tilespmem:s12], [sflag:$0x1] =	stream.linear.gather [hbm4b:s4+s12], $0x2710, $0x38;
	[tilespmem:$0x1F000] =	vst v63  }
0x46: {  	_ =	swait.ge [sflag:s24], $0x2710  }
0x47: {  	[sflag:s24] =	ssyncset.done $0x0  }
0x48: {  	s21 =	rddreg [dreg:$0x7];
	[sflag:s24] =	ssyncadd.s32 $0xFFFFD8F0  }
0x49: {  	[tilespmem:s25], [sflag:$0x4] =	stream.linear.gather [hbm4b:s21+s12], $0x3E80, $0x38;
	[tilespmem:$0x1F000] =	vst v63  }
0x4a: {  	_ =	swait.ge [sflag:s26], $0x3E80  }
0x4b: {  	[sflag:s26] =	ssyncset.done $0x0  }
0x4c: {  	s17 =	simm.s32 $0x0;
	[sflag:s26] =	ssyncadd.s32 $0xFFFFC180  }
0x4d: {  	v0 =	vld [tilespmem:s17+$0x2780]  }
0x4e: {  	s12 =	simm.s32 $0x20  }
0x4f: {  	v1 =	vld [tilespmem:s12+$0xFFFFFFE0];
	_ =	sdelay $0x2  }
0x50: {  	v0 =	vmul.u32 $0x2710, v0;
	_ =	sdelay $0x1  }
0x51: {  	v0 =	vadd.s32 v1, v0  }
0x52: {  	[tilespmem:s12+$0xFFFFFFE0] =	vst v0  }
0x53: {  	v0 =	vld [tilespmem:s17+$0x2790];
	_ =	sdelay $0x1  }
0x54: {  	v60 =	vld [tilespmem:s12+$0xFFFFFFF0];
	_ =	sdelay $0x2  }
0x55: {  	v0 =	vmul.u32 $0x2710, v0;
	_ =	sdelay $0x1  }
0x56: {  	v0 =	vadd.s32 v60, v0  }
0x57: {  	[tilespmem:s12+$0xFFFFFFF0] =	vst v0  }
0x58: {  	v0 =	vld [tilespmem:s17+$0x27A0];
	_ =	sdelay $0x1  }
0x59: {  	v61 =	vld [tilespmem:s12+$0x0];
	_ =	sdelay $0x2  }
0x5a: {  	v0 =	vmul.u32 $0x2710, v0;
	_ =	sdelay $0x1  }
0x5b: {  	v0 =	vadd.s32 v61, v0  }
0x5c: {  	[tilespmem:s12+$0x0] =	vst v0  }
0x5d: {  	v0 =	vld [tilespmem:s17+$0x27B0];
	_ =	sdelay $0x1  }
0x5e: {  	v62 =	vld [tilespmem:s12+$0x10];
	_ =	sdelay $0x2  }
0x5f: {  	v0 =	vmul.u32 $0x2710, v0;
	_ =	sdelay $0x1  }
0x60: {  	v0 =	vadd.s32 v62, v0  }
0x61: {  	[tilespmem:s12+$0x10] =	vst v0  }
0x62: {  	v0 =	vld [tilespmem:s17+$0x27C0];
	_ =	sdelay $0x1  }
0x63: {  	v63 =	vld [tilespmem:s12+$0x20];
	_ =	sdelay $0x2  }
0x64: {  	v0 =	vmul.u32 $0x2710, v0;
	_ =	sdelay $0x1  }
0x65: {  	v0 =	vadd.s32 v63, v0  }
0x66: {  	s18 =	simm.s32 $0x400;
	s17 =	simm.s32 $0x80;
	[tilespmem:s12+$0x20] =	vst v0  }
.LBB2_4:
0x67: {  	p2 =	sne.s32 s18, $0xF800;
	v0 =	vld [tilespmem:s17+$0x2780]  }
0x68: {  	s12 =	sadd.s32 $0x50, s12  }
0x69: {  	v1 =	vld [tilespmem:s12+$0xFFFFFFE0];
	_ =	sdelay $0x2  }
0x6a: {  	v0 =	vmul.u32 $0x2710, v0;
	_ =	sdelay $0x1  }
0x6b: {  	v0 =	vadd.s32 v1, v0  }
0x6c: {  	[tilespmem:s12+$0xFFFFFFE0] =	vst v0  }
0x6d: {  	v0 =	vld [tilespmem:s17+$0x2790];
	_ =	sdelay $0x1  }
0x6e: {  	v1 =	vld [tilespmem:s12+$0xFFFFFFF0];
	_ =	sdelay $0x2  }
0x6f: {  	v0 =	vmul.u32 $0x2710, v0;
	_ =	sdelay $0x1  }
0x70: {  	v0 =	vadd.s32 v1, v0  }
0x71: {  	[tilespmem:s12+$0xFFFFFFF0] =	vst v0  }
0x72: {  	v0 =	vld [tilespmem:s17+$0x27A0];
	_ =	sdelay $0x1  }
0x73: {  	v1 =	vld [tilespmem:s12+$0x0];
	_ =	sdelay $0x2  }
0x74: {  	v0 =	vmul.u32 $0x2710, v0;
	_ =	sdelay $0x1  }
0x75: {  	v0 =	vadd.s32 v1, v0  }
0x76: {  	[tilespmem:s12+$0x0] =	vst v0  }
0x77: {  	v0 =	vld [tilespmem:s17+$0x27B0];
	_ =	sdelay $0x1  }
0x78: {  	v1 =	vld [tilespmem:s12+$0x10];
	_ =	sdelay $0x2  }
0x79: {  	v0 =	vmul.u32 $0x2710, v0;
	_ =	sdelay $0x1  }
0x7a: {  	v0 =	vadd.s32 v1, v0  }
0x7b: {  	[tilespmem:s12+$0x10] =	vst v0  }
0x7c: {  	v0 =	vld [tilespmem:s17+$0x27C0];
	_ =	sdelay $0x1  }
0x7d: {  	v1 =	vld [tilespmem:s12+$0x20];
	_ =	sdelay $0x1  }
.Ltmp4:
0x7e: {  	(pc) =	sbr.rel @p2 .LBB2_4-.Ltmp4, $3  }
0x7f: {  	v0 =	vmul.u32 $0x2710, v0;
	_ =	sdelay $0x1  }
0x80: {  	v0 =	vadd.s32 v1, v0  }
0x81: {  	s17 =	sshra.s32 s18, $0x2;
	s18 =	sadd.s32 $0x200, s18;
	[tilespmem:s12+$0x20] =	vst v0  }
0x82: {  	v0 =	vld [tilespmem:s17+$0x2780]  }
0x83: {  	s12 =	sadd.s32 $0x50, s12  }
0x84: {  	v1 =	vld [tilespmem:s12+$0xFFFFFFE0];
	_ =	sdelay $0x2  }
0x85: {  	v0 =	vmul.u32 $0x2710, v0;
	_ =	sdelay $0x1  }
0x86: {  	v0 =	vadd.s32 v1, v0  }
0x87: {  	[tilespmem:s12+$0xFFFFFFE0] =	vst v0  }
0x88: {  	v0 =	vld [tilespmem:s17+$0x2790];
	_ =	sdelay $0x1  }
0x89: {  	v60 =	vld [tilespmem:s12+$0xFFFFFFF0];
	_ =	sdelay $0x2  }
0x8a: {  	v0 =	vmul.u32 $0x2710, v0;
	_ =	sdelay $0x1  }
0x8b: {  	v0 =	vadd.s32 v60, v0  }
0x8c: {  	[tilespmem:s12+$0xFFFFFFF0] =	vst v0  }
0x8d: {  	v0 =	vld [tilespmem:s17+$0x27A0];
	_ =	sdelay $0x1  }
0x8e: {  	v61 =	vld [tilespmem:s12+$0x0];
	_ =	sdelay $0x2  }
0x8f: {  	v0 =	vmul.u32 $0x2710, v0;
	_ =	sdelay $0x1  }
0x90: {  	v0 =	vadd.s32 v61, v0  }
0x91: {  	[tilespmem:s12+$0x0] =	vst v0  }
0x92: {  	v0 =	vld [tilespmem:s17+$0x27B0];
	_ =	sdelay $0x1  }
0x93: {  	v62 =	vld [tilespmem:s12+$0x10];
	_ =	sdelay $0x2  }
0x94: {  	v0 =	vmul.u32 $0x2710, v0;
	_ =	sdelay $0x1  }
0x95: {  	v0 =	vadd.s32 v62, v0  }
0x96: {  	[tilespmem:s12+$0x10] =	vst v0  }
0x97: {  	v0 =	vld [tilespmem:s17+$0x27C0];
	_ =	sdelay $0x1  }
0x98: {  	v63 =	vld [tilespmem:s12+$0x20];
	_ =	sdelay $0x2  }
0x99: {  	v0 =	vmul.u32 $0x2710, v0;
	_ =	sdelay $0x1  }
0x9a: {  	v0 =	vadd.s32 v63, v0  }
0x9b: {  	[tilespmem:s12+$0x20] =	vst v0;
	s12 =	rddreg [dreg:$0x5]  }
.LBB2_6:
0x9c: {  	s12 =	sadd.s32 s12, s9  }
0x9d: {  	[tilespmem:s25], [sflag:$0x4] =	stream.linear.gather [hbm4b:s12+s2], $0x3E80, $0x38;
	[tilespmem:$0x1F000] =	vst v63  }
0x9e: {  	_ =	swait.ge [sflag:s26], $0x3E80  }
0x9f: {  	[sflag:s26] =	ssyncset.done $0x0  }
0xa0: {  	s17 =	simm.s32 @p1 $0x1FC4;
	s12 =	sshrl.u32 @p1 s15, $0x3;
	[sflag:s26] =	ssyncadd.s32 $0xFFFFC180  }
0xa1: {  	[spmem:s12], [sflag:s17] =	dma.local @p1 [hbm:s16], $0x2080  }
0xa2: {  	s17 =	simm.s32 @p1 $0x4  }
0xa3: {  	_ =	swait.ge @p1 [sflag:s17], $0x2080  }
0xa4: {  	s18 =	sshll.u32 @!p1 s5, $0x6;
	s19 =	simm.s32 @!p1 $0x4;
	[sflag:s17] =	ssyncset.done @p1 $0x0  }
0xa5: {  	[sflag:s17] =	ssyncadd.s32 @p1 $0xFFFFDF80;
	s17 =	sor.u32 @!p1 $0x1C04, s18;
	s18 =	sshrl.u32 @!p1 s13, $0x3  }
0xa6: {  	[spmem:s18], [sflag:s17] =	dma.local @!p1 [hbm:s14], $0x2780  }
.Ltmp5:
0xa7: {  	_ =	swait.ge @!p1 [sflag:s19], $0x2780;
	(pc) =	sbr.rel @p0 .LBB2_12-.Ltmp5, $3  }
0xa8: {  	[sflag:s19] =	ssyncset.done @!p1 $0x0  }
0xa9: {  	[sflag:s19] =	ssyncadd.s32 @!p1 $0xFFFFD880  }
0xaa: {  	[bflag:$0x0] =	sbarrier.arrive $0xFFFF;
	_ =	sdelay $0x1  }
0xab: {  	s19 =	simm.s32 $0x0  }
0xac: {  	[tilespmem:s29], [sflag:$0x2] =	stream.indirect.gather [hbm4b:s3+s28], $0x80, s19, s28, $0xb8;
	[tilespmem:$0x1F000] =	vst v63  }
0xad: {  	s4 =	simm.s32 $0x50  }
0xae: {  	[tilespmem:s30], [sflag:$0x3] =	stream.indirect.gather [hbm4b:s3+s28], $0x80, s4, s28, $0xb8;
	[tilespmem:$0x1F000] =	vst v63  }
0xaf: {  	_ =	swait.ge [sflag:s31], $0x2800  }
0xb0: {  	[sflag:s31] =	ssyncset.done $0x0  }
0xb1: {  	s7 =	simm.s32 $0x2780;
	[sflag:s31] =	ssyncadd.s32 $0xFFFFD800  }
0xb2: {  	[spmem:s1] =	stream.indirect.scatter.add.f32 [tilespmem:s29], [sflag:$0x4], $0x80, s7, s28, $0xb8;
	[tilespmem:$0x1F000] =	vst v63  }
0xb3: {  	_ =	swait.ge [sflag:s26], $0x2800  }
0xb4: {  	[sflag:s26] =	ssyncset.done $0x0  }
0xb5: {  	s20 =	simm.s32 $0xA0;
	[sflag:s26] =	ssyncadd.s32 $0xFFFFD800  }
0xb6: {  	[tilespmem:s29], [sflag:$0x2] =	stream.indirect.gather [hbm4b:s3+s28], $0x80, s20, s28, $0xb8;
	[tilespmem:$0x1F000] =	vst v63  }
0xb7: {  	_ =	swait.ge [sflag:s0], $0x2800  }
0xb8: {  	[sflag:s0] =	ssyncset.done $0x0  }
0xb9: {  	s21 =	simm.s32 $0x2800;
	[sflag:s0] =	ssyncadd.s32 $0xFFFFD800  }
0xba: {  	[spmem:s1] =	stream.indirect.scatter.add.f32 [tilespmem:s30], [sflag:$0x4], $0x80, s21, s28, $0xb8;
	[tilespmem:$0x1F000] =	vst v63  }
0xbb: {  	s19 =	simm.s32 $0x140;
	_ =	swait.ge [sflag:s26], $0x2800  }
0xbc: {  	s20 =	simm.s32 $0x400;
	s21 =	simm.s32 $0x800;
	[sflag:s26] =	ssyncset.done $0x0  }
.LBB2_8:
0xbd: {  	p2 =	sne.s32 s21, $0xF400;
	s4 =	sadd.s32 $0xFFFFFFB0, s19;
	[sflag:s26] =	ssyncadd.s32 $0xFFFFD800  }
0xbe: {  	[tilespmem:s30], [sflag:$0x3] =	stream.indirect.gather [hbm4b:s3+s28], $0x80, s4, s28, $0xb8;
	[tilespmem:$0x1F000] =	vst v63  }
0xbf: {  	s4 =	smov.u32 s21;
	s21 =	sadd.s32 $0x400, s21;
	_ =	swait.ge [sflag:s31], $0x2800  }
0xc0: {  	s7 =	sshra.s32 s20, $0x2;
	s20 =	smov.u32 s4;
	[sflag:s31] =	ssyncset.done $0x0  }
0xc1: {  	s4 =	sadd.s32 $0x2780, s7;
	[sflag:s31] =	ssyncadd.s32 $0xFFFFD800  }
0xc2: {  	[spmem:s1] =	stream.indirect.scatter.add.f32 [tilespmem:s29], [sflag:$0x4], $0x80, s4, s28, $0xb8;
	[tilespmem:$0x1F000] =	vst v63  }
0xc3: {  	_ =	swait.ge [sflag:s26], $0x2800  }
0xc4: {  	[sflag:s26] =	ssyncset.done $0x0  }
0xc5: {  	[sflag:s26] =	ssyncadd.s32 $0xFFFFD800  }
0xc6: {  	[tilespmem:s29], [sflag:$0x2] =	stream.indirect.gather [hbm4b:s3+s28], $0x80, s19, s28, $0xb8;
	[tilespmem:$0x1F000] =	vst v63  }
0xc7: {  	_ =	swait.ge [sflag:s0], $0x2800  }
.Ltmp6:
0xc8: {  	[sflag:s0] =	ssyncset.done $0x0;
	(pc) =	sbr.rel @p2 .LBB2_8-.Ltmp6, $4  }
0xc9: {  	s4 =	sadd.s32 $0x2800, s7;
	[sflag:s0] =	ssyncadd.s32 $0xFFFFD800  }
0xca: {  	[spmem:s1] =	stream.indirect.scatter.add.f32 [tilespmem:s30], [sflag:$0x4], $0x80, s4, s28, $0xb8;
	[tilespmem:$0x1F000] =	vst v63  }
0xcb: {  	_ =	swait.ge [sflag:s26], $0x2800  }
0xcc: {  	s19 =	sadd.s32 $0xA0, s19;
	[sflag:s26] =	ssyncset.done $0x0  }
0xcd: {  	s4 =	sadd.s32 $0xFFFFFFB0, s19;
	[sflag:s26] =	ssyncadd.s32 $0xFFFFD800  }
0xce: {  	[tilespmem:s30], [sflag:$0x3] =	stream.indirect.gather [hbm4b:s3+s28], $0x80, s4, s28, $0xb8;
	[tilespmem:$0x1F000] =	vst v63  }
0xcf: {  	_ =	swait.ge [sflag:s31], $0x2800  }
0xd0: {  	s21 =	sshra.s32 s20, $0x2;
	[sflag:s31] =	ssyncset.done $0x0  }
0xd1: {  	s7 =	sadd.s32 $0x2780, s21;
	[sflag:s31] =	ssyncadd.s32 $0xFFFFD800  }
0xd2: {  	[spmem:s1] =	stream.indirect.scatter.add.f32 [tilespmem:s29], [sflag:$0x4], $0x80, s7, s28, $0xb8;
	[tilespmem:$0x1F000] =	vst v63  }
0xd3: {  	_ =	swait.ge [sflag:s26], $0x2800  }
0xd4: {  	[sflag:s26] =	ssyncset.done $0x0  }
0xd5: {  	[sflag:s26] =	ssyncadd.s32 $0xFFFFD800  }
0xd6: {  	[tilespmem:s29], [sflag:$0x2] =	stream.indirect.gather [hbm4b:s3+s28], $0x80, s19, s28, $0xb8;
	[tilespmem:$0x1F000] =	vst v63  }
0xd7: {  	_ =	swait.ge [sflag:s0], $0x2800  }
0xd8: {  	[sflag:s0] =	ssyncset.done $0x0  }
0xd9: {  	s4 =	sadd.s32 $0x2800, s21;
	[sflag:s0] =	ssyncadd.s32 $0xFFFFD800  }
0xda: {  	[spmem:s1] =	stream.indirect.scatter.add.f32 [tilespmem:s30], [sflag:$0x4], $0x80, s4, s28, $0xb8;
	[tilespmem:$0x1F000] =	vst v63  }
0xdb: {  	_ =	swait.ge [sflag:s26], $0x2800  }
0xdc: {  	[sflag:s26] =	ssyncset.done $0x0  }
0xdd: {  	[sflag:s26] =	ssyncadd.s32 $0xFFFFD800  }
0xde: {  	_ =	swait.ge [sflag:s31], $0x2800  }
0xdf: {  	[sflag:s31] =	ssyncset.done $0x0  }
0xe0: {  	[sflag:s31] =	ssyncadd.s32 $0xFFFFD800  }
0xe1: {  	[spmem:s1] =	stream.indirect.scatter.add.f32 [tilespmem:s29], [sflag:$0x4], $0x80, s8, s28, $0xb8;
	[tilespmem:$0x1F000] =	vst v63  }
0xe2: {  	_ =	swait.ge [sflag:s26], $0x2800  }
0xe3: {  	[sflag:s26] =	ssyncset.done $0x0  }
0xe4: {  	s19 =	simm.s32 $0x0;
	s20 =	rddreg [dreg:$0xc];
	[sflag:s26] =	ssyncadd.s32 $0xFFFFD800  }
0xe5: {  	[tilespmem:s19], [sflag:$0x1] =	stream.linear.gather [hbm4b:s20+s19], $0x2710, $0x38;
	[tilespmem:$0x1F000] =	vst v63  }
0xe6: {  	_ =	swait.ge [sflag:s24], $0x2710  }
0xe7: {  	[sflag:s24] =	ssyncset.done $0x0  }
0xe8: {  	s21 =	rddreg [dreg:$0xd];
	[sflag:s24] =	ssyncadd.s32 $0xFFFFD8F0  }
0xe9: {  	[tilespmem:s25], [sflag:$0x4] =	stream.linear.gather [hbm4b:s21+s19], $0x3E80, $0x38;
	[tilespmem:$0x1F000] =	vst v63  }
0xea: {  	_ =	swait.ge [sflag:s26], $0x3E80  }
0xeb: {  	[sflag:s26] =	ssyncset.done $0x0  }
0xec: {  	[sflag:s26] =	ssyncadd.s32 $0xFFFFC180  }
0xed: {  	[tilespmem:s29], [sflag:$0x2] =	stream.indirect.gather [hbm4b:s3+s28], $0x80, s19, s28, $0xb8;
	[tilespmem:$0x1F000] =	vst v63  }
0xee: {  	s7 =	simm.s32 $0x50  }
0xef: {  	[tilespmem:s30], [sflag:$0x3] =	stream.indirect.gather [hbm4b:s3+s28], $0x80, s7, s28, $0xb8;
	[tilespmem:$0x1F000] =	vst v63  }
0xf0: {  	_ =	swait.ge [sflag:s31], $0x2800  }
0xf1: {  	[sflag:s31] =	ssyncset.done $0x0  }
0xf2: {  	s19 =	simm.s32 $0x2780;
	[sflag:s31] =	ssyncadd.s32 $0xFFFFD800  }
0xf3: {  	[spmem:s1] =	stream.indirect.scatter.add.f32 [tilespmem:s29], [sflag:$0x4], $0x80, s19, s28, $0xb8;
	[tilespmem:$0x1F000] =	vst v63  }
0xf4: {  	_ =	swait.ge [sflag:s26], $0x2800  }
0xf5: {  	[sflag:s26] =	ssyncset.done $0x0  }
0xf6: {  	s20 =	simm.s32 $0xA0;
	[sflag:s26] =	ssyncadd.s32 $0xFFFFD800  }
0xf7: {  	[tilespmem:s29], [sflag:$0x2] =	stream.indirect.gather [hbm4b:s3+s28], $0x80, s20, s28, $0xb8;
	[tilespmem:$0x1F000] =	vst v63  }
0xf8: {  	_ =	swait.ge [sflag:s0], $0x2800  }
0xf9: {  	[sflag:s0] =	ssyncset.done $0x0  }
0xfa: {  	s21 =	simm.s32 $0x2800;
	[sflag:s0] =	ssyncadd.s32 $0xFFFFD800  }
0xfb: {  	[spmem:s1] =	stream.indirect.scatter.add.f32 [tilespmem:s30], [sflag:$0x4], $0x80, s21, s28, $0xb8;
	[tilespmem:$0x1F000] =	vst v63  }
0xfc: {  	s19 =	simm.s32 $0x140;
	_ =	swait.ge [sflag:s26], $0x2800  }
0xfd: {  	s20 =	simm.s32 $0x400;
	s21 =	simm.s32 $0x800;
	[sflag:s26] =	ssyncset.done $0x0  }
.LBB2_10:
0xfe: {  	p2 =	seq.s32 s21, $0xF400;
	s4 =	sadd.s32 $0xFFFFFFB0, s19;
	[sflag:s26] =	ssyncadd.s32 $0xFFFFD800  }
0xff: {  	[tilespmem:s30], [sflag:$0x3] =	stream.indirect.gather [hbm4b:s3+s28], $0x80, s4, s28, $0xb8;
	[tilespmem:$0x1F000] =	vst v63  }
0x100: {  	s4 =	smov.u32 s21;
	s21 =	sadd.s32 $0x400, s21;
	_ =	swait.ge [sflag:s31], $0x2800  }
0x101: {  	s7 =	sshra.s32 s20, $0x2;
	s20 =	smov.u32 s4;
	[sflag:s31] =	ssyncset.done $0x0  }
0x102: {  	s4 =	sadd.s32 $0x2780, s7;
	[sflag:s31] =	ssyncadd.s32 $0xFFFFD800  }
0x103: {  	[spmem:s1] =	stream.indirect.scatter.add.f32 [tilespmem:s29], [sflag:$0x4], $0x80, s4, s28, $0xb8;
	[tilespmem:$0x1F000] =	vst v63  }
0x104: {  	_ =	swait.ge [sflag:s26], $0x2800  }
0x105: {  	[sflag:s26] =	ssyncset.done $0x0  }
0x106: {  	[sflag:s26] =	ssyncadd.s32 $0xFFFFD800  }
0x107: {  	[tilespmem:s29], [sflag:$0x2] =	stream.indirect.gather [hbm4b:s3+s28], $0x80, s19, s28, $0xb8;
	[tilespmem:$0x1F000] =	vst v63  }
0x108: {  	_ =	swait.ge [sflag:s0], $0x2800  }
.Ltmp7:
0x109: {  	[sflag:s0] =	ssyncset.done $0x0;
	(pc) =	sbr.rel @!p2 .LBB2_10-.Ltmp7, $4  }
0x10a: {  	s4 =	sadd.s32 $0x2800, s7;
	[sflag:s0] =	ssyncadd.s32 $0xFFFFD800  }
0x10b: {  	[spmem:s1] =	stream.indirect.scatter.add.f32 [tilespmem:s30], [sflag:$0x4], $0x80, s4, s28, $0xb8;
	[tilespmem:$0x1F000] =	vst v63  }
0x10c: {  	_ =	swait.ge [sflag:s26], $0x2800  }
0x10d: {  	s19 =	sadd.s32 $0xA0, s19;
	[sflag:s26] =	ssyncset.done $0x0  }
0x10e: {  	s4 =	sadd.s32 $0xFFFFFFB0, s19;
	[sflag:s26] =	ssyncadd.s32 $0xFFFFD800  }
0x10f: {  	[tilespmem:s30], [sflag:$0x3] =	stream.indirect.gather [hbm4b:s3+s28], $0x80, s4, s28, $0xb8;
	[tilespmem:$0x1F000] =	vst v63  }
0x110: {  	_ =	swait.ge [sflag:s31], $0x2800  }
0x111: {  	s21 =	sshra.s32 s20, $0x2;
	[sflag:s31] =	ssyncset.done $0x0  }
0x112: {  	s7 =	sadd.s32 $0x2780, s21;
	[sflag:s31] =	ssyncadd.s32 $0xFFFFD800  }
0x113: {  	[spmem:s1] =	stream.indirect.scatter.add.f32 [tilespmem:s29], [sflag:$0x4], $0x80, s7, s28, $0xb8;
	[tilespmem:$0x1F000] =	vst v63  }
0x114: {  	_ =	swait.ge [sflag:s26], $0x2800  }
0x115: {  	[sflag:s26] =	ssyncset.done $0x0  }
0x116: {  	[sflag:s26] =	ssyncadd.s32 $0xFFFFD800  }
0x117: {  	[tilespmem:s29], [sflag:$0x2] =	stream.indirect.gather [hbm4b:s3+s28], $0x80, s19, s28, $0xb8;
	[tilespmem:$0x1F000] =	vst v63  }
0x118: {  	_ =	swait.ge [sflag:s0], $0x2800  }
0x119: {  	[sflag:s0] =	ssyncset.done $0x0  }
.Ltmp8:
0x11a: {  	s4 =	sadd.s32 $0x2800, s21;
	[sflag:s0] =	ssyncadd.s32 $0xFFFFD800;
	(pc) =	sbr.rel .LBB2_19-.Ltmp8, $4  }
0x11b: {  	[spmem:s1] =	stream.indirect.scatter.add.f32 [tilespmem:s30], [sflag:$0x4], $0x80, s4, s28, $0xb8;
	[tilespmem:$0x1F000] =	vst v63  }
0x11c: {  	_ =	swait.ge [sflag:s26], $0x2800  }
0x11d: {  	[sflag:s26] =	ssyncset.done $0x0  }
0x11e: {  	[sflag:s26] =	ssyncadd.s32 $0xFFFFD800  }
.LBB2_12:
0x11f: {  	s4 =	simm.s32 $0x0  }
0x120: {  	[tilespmem:s29], [sflag:$0x2] =	stream.indirect.gather [hbm4b:s6+s28], $0x80, s4, s28, $0xb8;
	[tilespmem:$0x1F000] =	vst v63  }
0x121: {  	s7 =	simm.s32 $0x50  }
0x122: {  	[tilespmem:s30], [sflag:$0x3] =	stream.indirect.gather [hbm4b:s6+s28], $0x80, s7, s28, $0xb8;
	[tilespmem:$0x1F000] =	vst v63  }
0x123: {  	_ =	swait.ge [sflag:s31], $0x2800  }
0x124: {  	[sflag:s31] =	ssyncset.done $0x0  }
0x125: {  	s19 =	simm.s32 $0x2780;
	[sflag:s31] =	ssyncadd.s32 $0xFFFFD800  }
0x126: {  	[spmem:s1] =	stream.indirect.scatter.add.f32 [tilespmem:s29], [sflag:$0x4], $0x80, s19, s28, $0xb8;
	[tilespmem:$0x1F000] =	vst v63  }
0x127: {  	_ =	swait.ge [sflag:s26], $0x2800  }
0x128: {  	[sflag:s26] =	ssyncset.done $0x0  }
0x129: {  	s20 =	simm.s32 $0xA0;
	[sflag:s26] =	ssyncadd.s32 $0xFFFFD800  }
0x12a: {  	[tilespmem:s29], [sflag:$0x2] =	stream.indirect.gather [hbm4b:s6+s28], $0x80, s20, s28, $0xb8;
	[tilespmem:$0x1F000] =	vst v63  }
0x12b: {  	_ =	swait.ge [sflag:s0], $0x2800  }
0x12c: {  	[sflag:s0] =	ssyncset.done $0x0  }
0x12d: {  	s21 =	simm.s32 $0x2800;
	[sflag:s0] =	ssyncadd.s32 $0xFFFFD800  }
0x12e: {  	[spmem:s1] =	stream.indirect.scatter.add.f32 [tilespmem:s30], [sflag:$0x4], $0x80, s21, s28, $0xb8;
	[tilespmem:$0x1F000] =	vst v63  }
0x12f: {  	s19 =	simm.s32 $0x140;
	_ =	swait.ge [sflag:s26], $0x2800  }
0x130: {  	s20 =	simm.s32 $0x400;
	s21 =	simm.s32 $0x800;
	[sflag:s26] =	ssyncset.done $0x0  }
.LBB2_13:
0x131: {  	p2 =	sne.s32 s21, $0xF400;
	s4 =	sadd.s32 $0xFFFFFFB0, s19;
	[sflag:s26] =	ssyncadd.s32 $0xFFFFD800  }
0x132: {  	[tilespmem:s30], [sflag:$0x3] =	stream.indirect.gather [hbm4b:s6+s28], $0x80, s4, s28, $0xb8;
	[tilespmem:$0x1F000] =	vst v63  }
0x133: {  	s4 =	smov.u32 s21;
	s21 =	sadd.s32 $0x400, s21;
	_ =	swait.ge [sflag:s31], $0x2800  }
0x134: {  	s7 =	sshra.s32 s20, $0x2;
	s20 =	smov.u32 s4;
	[sflag:s31] =	ssyncset.done $0x0  }
0x135: {  	s4 =	sadd.s32 $0x2780, s7;
	[sflag:s31] =	ssyncadd.s32 $0xFFFFD800  }
0x136: {  	[spmem:s1] =	stream.indirect.scatter.add.f32 [tilespmem:s29], [sflag:$0x4], $0x80, s4, s28, $0xb8;
	[tilespmem:$0x1F000] =	vst v63  }
0x137: {  	_ =	swait.ge [sflag:s26], $0x2800  }
0x138: {  	[sflag:s26] =	ssyncset.done $0x0  }
0x139: {  	[sflag:s26] =	ssyncadd.s32 $0xFFFFD800  }
0x13a: {  	[tilespmem:s29], [sflag:$0x2] =	stream.indirect.gather [hbm4b:s6+s28], $0x80, s19, s28, $0xb8;
	[tilespmem:$0x1F000] =	vst v63  }
0x13b: {  	_ =	swait.ge [sflag:s0], $0x2800  }
.Ltmp9:
0x13c: {  	[sflag:s0] =	ssyncset.done $0x0;
	(pc) =	sbr.rel @p2 .LBB2_13-.Ltmp9, $4  }
0x13d: {  	s4 =	sadd.s32 $0x2800, s7;
	[sflag:s0] =	ssyncadd.s32 $0xFFFFD800  }
0x13e: {  	[spmem:s1] =	stream.indirect.scatter.add.f32 [tilespmem:s30], [sflag:$0x4], $0x80, s4, s28, $0xb8;
	[tilespmem:$0x1F000] =	vst v63  }
0x13f: {  	_ =	swait.ge [sflag:s26], $0x2800  }
0x140: {  	s19 =	sadd.s32 $0xA0, s19;
	[sflag:s26] =	ssyncset.done $0x0  }
0x141: {  	s4 =	sadd.s32 $0xFFFFFFB0, s19;
	[sflag:s26] =	ssyncadd.s32 $0xFFFFD800  }
0x142: {  	[tilespmem:s30], [sflag:$0x3] =	stream.indirect.gather [hbm4b:s6+s28], $0x80, s4, s28, $0xb8;
	[tilespmem:$0x1F000] =	vst v63  }
0x143: {  	_ =	swait.ge [sflag:s31], $0x2800  }
0x144: {  	s20 =	sshra.s32 s20, $0x2;
	[sflag:s31] =	ssyncset.done $0x0  }
0x145: {  	s7 =	sadd.s32 $0x2780, s20;
	[sflag:s31] =	ssyncadd.s32 $0xFFFFD800  }
0x146: {  	[spmem:s1] =	stream.indirect.scatter.add.f32 [tilespmem:s29], [sflag:$0x4], $0x80, s7, s28, $0xb8;
	[tilespmem:$0x1F000] =	vst v63  }
0x147: {  	_ =	swait.ge [sflag:s26], $0x2800  }
0x148: {  	[sflag:s26] =	ssyncset.done $0x0  }
0x149: {  	[sflag:s26] =	ssyncadd.s32 $0xFFFFD800  }
0x14a: {  	[tilespmem:s29], [sflag:$0x2] =	stream.indirect.gather [hbm4b:s6+s28], $0x80, s19, s28, $0xb8;
	[tilespmem:$0x1F000] =	vst v63  }
0x14b: {  	_ =	swait.ge [sflag:s0], $0x2800  }
0x14c: {  	[sflag:s0] =	ssyncset.done $0x0  }
0x14d: {  	s4 =	sadd.s32 $0x2800, s20;
	[sflag:s0] =	ssyncadd.s32 $0xFFFFD800  }
0x14e: {  	[spmem:s1] =	stream.indirect.scatter.add.f32 [tilespmem:s30], [sflag:$0x4], $0x80, s4, s28, $0xb8;
	[tilespmem:$0x1F000] =	vst v63  }
0x14f: {  	_ =	swait.ge [sflag:s26], $0x2800  }
0x150: {  	[sflag:s26] =	ssyncset.done $0x0  }
0x151: {  	[sflag:s26] =	ssyncadd.s32 $0xFFFFD800  }
0x152: {  	_ =	swait.ge [sflag:s31], $0x2800  }
0x153: {  	[sflag:s31] =	ssyncset.done $0x0  }
0x154: {  	[sflag:s31] =	ssyncadd.s32 $0xFFFFD800  }
0x155: {  	[spmem:s1] =	stream.indirect.scatter.add.f32 [tilespmem:s29], [sflag:$0x4], $0x80, s8, s28, $0xb8;
	[tilespmem:$0x1F000] =	vst v63  }
0x156: {  	_ =	swait.ge [sflag:s26], $0x2800  }
0x157: {  	[sflag:s26] =	ssyncset.done $0x0  }
0x158: {  	s21 =	simm.s32 $0x0;
	s19 =	rddreg [dreg:$0x9];
	[sflag:s26] =	ssyncadd.s32 $0xFFFFD800  }
0x159: {  	[tilespmem:s21], [sflag:$0x1] =	stream.linear.gather [hbm4b:s19+s21], $0x2710, $0x38;
	[tilespmem:$0x1F000] =	vst v63  }
0x15a: {  	_ =	swait.ge [sflag:s24], $0x2710  }
0x15b: {  	[sflag:s24] =	ssyncset.done $0x0  }
0x15c: {  	s20 =	rddreg [dreg:$0xa];
	[sflag:s24] =	ssyncadd.s32 $0xFFFFD8F0  }
0x15d: {  	[tilespmem:s25], [sflag:$0x4] =	stream.linear.gather [hbm4b:s20+s21], $0x3E80, $0x38;
	[tilespmem:$0x1F000] =	vst v63  }
0x15e: {  	_ =	swait.ge [sflag:s26], $0x3E80  }
0x15f: {  	[sflag:s26] =	ssyncset.done $0x0  }
0x160: {  	s21 =	simm.s32 $0x0;
	[sflag:s26] =	ssyncadd.s32 $0xFFFFC180  }
0x161: {  	v0 =	vld [tilespmem:s21+$0x2780]  }
0x162: {  	s19 =	simm.s32 $0x20  }
0x163: {  	v1 =	vld [tilespmem:s19+$0xFFFFFFE0];
	_ =	sdelay $0x2  }
0x164: {  	v0 =	vmul.u32 $0x2710, v0;
	_ =	sdelay $0x1  }
0x165: {  	v0 =	vadd.s32 v1, v0  }
0x166: {  	[tilespmem:s19+$0xFFFFFFE0] =	vst v0  }
0x167: {  	v0 =	vld [tilespmem:s21+$0x2790];
	_ =	sdelay $0x1  }
0x168: {  	v60 =	vld [tilespmem:s19+$0xFFFFFFF0];
	_ =	sdelay $0x2  }
0x169: {  	v0 =	vmul.u32 $0x2710, v0;
	_ =	sdelay $0x1  }
0x16a: {  	v0 =	vadd.s32 v60, v0  }
0x16b: {  	[tilespmem:s19+$0xFFFFFFF0] =	vst v0  }
0x16c: {  	v0 =	vld [tilespmem:s21+$0x27A0];
	_ =	sdelay $0x1  }
0x16d: {  	v61 =	vld [tilespmem:s19+$0x0];
	_ =	sdelay $0x2  }
0x16e: {  	v0 =	vmul.u32 $0x2710, v0;
	_ =	sdelay $0x1  }
0x16f: {  	v0 =	vadd.s32 v61, v0  }
0x170: {  	[tilespmem:s19+$0x0] =	vst v0  }
0x171: {  	v0 =	vld [tilespmem:s21+$0x27B0];
	_ =	sdelay $0x1  }
0x172: {  	v62 =	vld [tilespmem:s19+$0x10];
	_ =	sdelay $0x2  }
0x173: {  	v0 =	vmul.u32 $0x2710, v0;
	_ =	sdelay $0x1  }
0x174: {  	v0 =	vadd.s32 v62, v0  }
0x175: {  	[tilespmem:s19+$0x10] =	vst v0  }
0x176: {  	v0 =	vld [tilespmem:s21+$0x27C0];
	_ =	sdelay $0x1  }
0x177: {  	v63 =	vld [tilespmem:s19+$0x20];
	_ =	sdelay $0x2  }
0x178: {  	v0 =	vmul.u32 $0x2710, v0;
	_ =	sdelay $0x1  }
0x179: {  	v0 =	vadd.s32 v63, v0  }
0x17a: {  	s20 =	simm.s32 $0x80;
	s21 =	simm.s32 $0x400;
	[tilespmem:s19+$0x20] =	vst v0  }
.LBB2_15:
0x17b: {  	p2 =	sne.s32 s21, $0xF800;
	v0 =	vld [tilespmem:s20+$0x2780]  }
0x17c: {  	s19 =	sadd.s32 $0x50, s19  }
0x17d: {  	v1 =	vld [tilespmem:s19+$0xFFFFFFE0];
	_ =	sdelay $0x2  }
0x17e: {  	v0 =	vmul.u32 $0x2710, v0;
	_ =	sdelay $0x1  }
0x17f: {  	v0 =	vadd.s32 v1, v0  }
0x180: {  	[tilespmem:s19+$0xFFFFFFE0] =	vst v0  }
0x181: {  	v0 =	vld [tilespmem:s20+$0x2790];
	_ =	sdelay $0x1  }
0x182: {  	v1 =	vld [tilespmem:s19+$0xFFFFFFF0];
	_ =	sdelay $0x2  }
0x183: {  	v0 =	vmul.u32 $0x2710, v0;
	_ =	sdelay $0x1  }
0x184: {  	v0 =	vadd.s32 v1, v0  }
0x185: {  	[tilespmem:s19+$0xFFFFFFF0] =	vst v0  }
0x186: {  	v0 =	vld [tilespmem:s20+$0x27A0];
	_ =	sdelay $0x1  }
0x187: {  	v1 =	vld [tilespmem:s19+$0x0];
	_ =	sdelay $0x2  }
0x188: {  	v0 =	vmul.u32 $0x2710, v0;
	_ =	sdelay $0x1  }
0x189: {  	v0 =	vadd.s32 v1, v0  }
0x18a: {  	[tilespmem:s19+$0x0] =	vst v0  }
0x18b: {  	v0 =	vld [tilespmem:s20+$0x27B0];
	_ =	sdelay $0x1  }
0x18c: {  	v1 =	vld [tilespmem:s19+$0x10];
	_ =	sdelay $0x2  }
0x18d: {  	v0 =	vmul.u32 $0x2710, v0;
	_ =	sdelay $0x1  }
0x18e: {  	v0 =	vadd.s32 v1, v0  }
0x18f: {  	[tilespmem:s19+$0x10] =	vst v0  }
0x190: {  	v0 =	vld [tilespmem:s20+$0x27C0];
	_ =	sdelay $0x1  }
0x191: {  	v1 =	vld [tilespmem:s19+$0x20];
	_ =	sdelay $0x1  }
.Ltmp10:
0x192: {  	(pc) =	sbr.rel @p2 .LBB2_15-.Ltmp10, $3  }
0x193: {  	v0 =	vmul.u32 $0x2710, v0;
	_ =	sdelay $0x1  }
0x194: {  	v0 =	vadd.s32 v1, v0  }
0x195: {  	s20 =	sshra.s32 s21, $0x2;
	s21 =	sadd.s32 $0x200, s21;
	[tilespmem:s19+$0x20] =	vst v0  }
0x196: {  	v0 =	vld [tilespmem:s20+$0x2780]  }
0x197: {  	s4 =	sadd.s32 $0x50, s19  }
0x198: {  	v1 =	vld [tilespmem:s4+$0xFFFFFFE0];
	_ =	sdelay $0x2  }
0x199: {  	v0 =	vmul.u32 $0x2710, v0;
	_ =	sdelay $0x1  }
0x19a: {  	v0 =	vadd.s32 v1, v0  }
0x19b: {  	[tilespmem:s4+$0xFFFFFFE0] =	vst v0  }
0x19c: {  	v0 =	vld [tilespmem:s20+$0x2790];
	_ =	sdelay $0x1  }
0x19d: {  	v60 =	vld [tilespmem:s4+$0xFFFFFFF0];
	_ =	sdelay $0x2  }
0x19e: {  	v0 =	vmul.u32 $0x2710, v0;
	_ =	sdelay $0x1  }
0x19f: {  	v0 =	vadd.s32 v60, v0  }
0x1a0: {  	[tilespmem:s4+$0xFFFFFFF0] =	vst v0  }
0x1a1: {  	v0 =	vld [tilespmem:s20+$0x27A0];
	_ =	sdelay $0x1  }
0x1a2: {  	v61 =	vld [tilespmem:s4+$0x0];
	_ =	sdelay $0x2  }
0x1a3: {  	v0 =	vmul.u32 $0x2710, v0;
	_ =	sdelay $0x1  }
0x1a4: {  	v0 =	vadd.s32 v61, v0  }
0x1a5: {  	[tilespmem:s4+$0x0] =	vst v0  }
0x1a6: {  	v0 =	vld [tilespmem:s20+$0x27B0];
	_ =	sdelay $0x1  }
0x1a7: {  	v62 =	vld [tilespmem:s4+$0x10];
	_ =	sdelay $0x2  }
0x1a8: {  	v0 =	vmul.u32 $0x2710, v0;
	_ =	sdelay $0x1  }
0x1a9: {  	v0 =	vadd.s32 v62, v0  }
0x1aa: {  	[tilespmem:s4+$0x10] =	vst v0  }
0x1ab: {  	v0 =	vld [tilespmem:s20+$0x27C0];
	_ =	sdelay $0x1  }
0x1ac: {  	v63 =	vld [tilespmem:s4+$0x20];
	_ =	sdelay $0x2  }
0x1ad: {  	v0 =	vmul.u32 $0x2710, v0;
	_ =	sdelay $0x1  }
0x1ae: {  	v0 =	vadd.s32 v63, v0  }
0x1af: {  	s21 =	simm.s32 $0x0;
	s7 =	rddreg [dreg:$0xb];
	[tilespmem:s4+$0x20] =	vst v0  }
0x1b0: {  	[tilespmem:s25], [sflag:$0x4] =	stream.linear.gather [hbm4b:s7+s21], $0x3E80, $0x38;
	[tilespmem:$0x1F000] =	vst v63  }
0x1b1: {  	_ =	swait.ge [sflag:s26], $0x3E80  }
0x1b2: {  	[sflag:s26] =	ssyncset.done $0x0  }
0x1b3: {  	[sflag:s26] =	ssyncadd.s32 $0xFFFFC180  }
0x1b4: {  	[tilespmem:s29], [sflag:$0x2] =	stream.indirect.gather [hbm4b:s6+s28], $0x80, s21, s28, $0xb8;
	[tilespmem:$0x1F000] =	vst v63  }
0x1b5: {  	s7 =	simm.s32 $0x50  }
0x1b6: {  	[tilespmem:s30], [sflag:$0x3] =	stream.indirect.gather [hbm4b:s6+s28], $0x80, s7, s28, $0xb8;
	[tilespmem:$0x1F000] =	vst v63  }
0x1b7: {  	_ =	swait.ge [sflag:s31], $0x2800  }
0x1b8: {  	[sflag:s31] =	ssyncset.done $0x0  }
0x1b9: {  	s19 =	simm.s32 $0x2780;
	[sflag:s31] =	ssyncadd.s32 $0xFFFFD800  }
0x1ba: {  	[spmem:s1] =	stream.indirect.scatter.add.f32 [tilespmem:s29], [sflag:$0x4], $0x80, s19, s28, $0xb8;
	[tilespmem:$0x1F000] =	vst v63  }
0x1bb: {  	_ =	swait.ge [sflag:s26], $0x2800  }
0x1bc: {  	[sflag:s26] =	ssyncset.done $0x0  }
0x1bd: {  	s20 =	simm.s32 $0xA0;
	[sflag:s26] =	ssyncadd.s32 $0xFFFFD800  }
0x1be: {  	[tilespmem:s29], [sflag:$0x2] =	stream.indirect.gather [hbm4b:s6+s28], $0x80, s20, s28, $0xb8;
	[tilespmem:$0x1F000] =	vst v63  }
0x1bf: {  	_ =	swait.ge [sflag:s0], $0x2800  }
0x1c0: {  	[sflag:s0] =	ssyncset.done $0x0  }
0x1c1: {  	s21 =	simm.s32 $0x2800;
	[sflag:s0] =	ssyncadd.s32 $0xFFFFD800  }
0x1c2: {  	[spmem:s1] =	stream.indirect.scatter.add.f32 [tilespmem:s30], [sflag:$0x4], $0x80, s21, s28, $0xb8;
	[tilespmem:$0x1F000] =	vst v63  }
0x1c3: {  	s19 =	simm.s32 $0x140;
	_ =	swait.ge [sflag:s26], $0x2800  }
0x1c4: {  	s20 =	simm.s32 $0x400;
	s21 =	simm.s32 $0x800;
	[sflag:s26] =	ssyncset.done $0x0  }
.LBB2_17:
0x1c5: {  	p2 =	sne.s32 s21, $0xF400;
	s4 =	sadd.s32 $0xFFFFFFB0, s19;
	[sflag:s26] =	ssyncadd.s32 $0xFFFFD800  }
0x1c6: {  	[tilespmem:s30], [sflag:$0x3] =	stream.indirect.gather [hbm4b:s6+s28], $0x80, s4, s28, $0xb8;
	[tilespmem:$0x1F000] =	vst v63  }
0x1c7: {  	s4 =	smov.u32 s21;
	s21 =	sadd.s32 $0x400, s21;
	_ =	swait.ge [sflag:s31], $0x2800  }
0x1c8: {  	s7 =	sshra.s32 s20, $0x2;
	s20 =	smov.u32 s4;
	[sflag:s31] =	ssyncset.done $0x0  }
0x1c9: {  	s4 =	sadd.s32 $0x2780, s7;
	[sflag:s31] =	ssyncadd.s32 $0xFFFFD800  }
0x1ca: {  	[spmem:s1] =	stream.indirect.scatter.add.f32 [tilespmem:s29], [sflag:$0x4], $0x80, s4, s28, $0xb8;
	[tilespmem:$0x1F000] =	vst v63  }
0x1cb: {  	_ =	swait.ge [sflag:s26], $0x2800  }
0x1cc: {  	[sflag:s26] =	ssyncset.done $0x0  }
0x1cd: {  	[sflag:s26] =	ssyncadd.s32 $0xFFFFD800  }
0x1ce: {  	[tilespmem:s29], [sflag:$0x2] =	stream.indirect.gather [hbm4b:s6+s28], $0x80, s19, s28, $0xb8;
	[tilespmem:$0x1F000] =	vst v63  }
0x1cf: {  	_ =	swait.ge [sflag:s0], $0x2800  }
.Ltmp11:
0x1d0: {  	[sflag:s0] =	ssyncset.done $0x0;
	(pc) =	sbr.rel @p2 .LBB2_17-.Ltmp11, $4  }
0x1d1: {  	s4 =	sadd.s32 $0x2800, s7;
	[sflag:s0] =	ssyncadd.s32 $0xFFFFD800  }
0x1d2: {  	[spmem:s1] =	stream.indirect.scatter.add.f32 [tilespmem:s30], [sflag:$0x4], $0x80, s4, s28, $0xb8;
	[tilespmem:$0x1F000] =	vst v63  }
0x1d3: {  	_ =	swait.ge [sflag:s26], $0x2800  }
0x1d4: {  	s19 =	sadd.s32 $0xA0, s19;
	[sflag:s26] =	ssyncset.done $0x0  }
.Ltmp12:
0x1d5: {  	_ = 	snop;
	(pc) =	sbr.rel .LBB2_18-.Ltmp12, $1  }
0x1d6: {  	_ =	sdelay $0x3  }
.LBB2_20:
0x1d7: {  	_ =	sfence.sel $0x180000  }
0x1d8: {  	[bflag:$0x0] =	sbarrier.arrive $0xFFFF  }
0x1d9: {  	_ =	strace $0x9000004D  }
0x1da: {  	[bflag:$0x2] =	sbarrier.arrive $0xFFFF  }
0x1db: {  	p0 =	sne.s32 s5, $0x0;
	s0 =	rddreg [dreg:$0x3]  }
0x1dc: {  	s0 =	sadd.s32 @!p0 $0x100000, s0  }
0x1dd: {  	[sflag:s0] =	ssyncadd.tile.s32 @!p0 $0x1;
	_ =	shalt  }
.Lfunc_end2:
_tile_overlayer_lowered:
.L_overlay_start_2:
0x1de: {  	(tag) =	ssettag $0x2  }
0x1df: {  	s0 =	rddreg [dreg:$0x0];
	s2 =	stileid.u32  }
0x1e0: {  	s1 =	rddreg [dreg:$0x1];
	p0 =	sne.s32 s2, $0x0  }
0x1e1: {  	s3 =	rddreg [dreg:$0x2];
	[bflag:$0x3] =	sbarrier.arrive $0xFFFF;
	s2 =	simm.s32 @!p0 $0x1C04  }
0x1e2: {  	[timem:s3], [sflag:s2] =	dma.local @!p0 [hbm:s0], s1  }
0x1e3: {  	s0 =	simm.s32 @!p0 $0x4  }
0x1e4: {  	_ =	swait.ge @!p0 [sflag:s0], s1  }
0x1e5: {  	s1 =	ssub.s32 @!p0 $0x0, s1;
	[sflag:s0] =	ssyncset.done @!p0 $0x0  }
0x1e6: {  	[sflag:s0] =	ssyncadd.s32 @!p0 s1  }
0x1e7: {  	[bflag:$0x3] =	sbarrier.arrive $0xFFFF  }
0x1e8: {  	_ =	shalt  }

</sc_bundles>
